<compile_context>
chip_gen: v7x
topology: tpu7x:2x2x1
jax: 0.10.2.dev20260603
libtpu: 0.0.44.dev20260713+nightly
codegen_flags: <defaults>
</compile_context>

<pallas_src>
import functools

import jax
import jax.numpy as jnp
from jax import lax
from jax.experimental import pallas as pl
from jax.experimental.pallas import tpu as pltpu
from jax.experimental.pallas import tpu_sc as plsc

N = 10000
D = 128
H = 128
E = 320000

NC = 2
NS = 16
CHUNK = 128
N0_CH = 111
N1_CH = 46
NTOT = E // CHUNK
NP = 10016
ROWS_PER_TILE = NP // NS
CW = 8

BLK = 400
GRID = N // BLK


def _ln(h, g, b):
    m = jnp.mean(h, axis=-1, keepdims=True)
    v = jnp.mean((h - m) * (h - m), axis=-1, keepdims=True)
    return (h - m) / jnp.sqrt(v + 1e-5) * g + b


def _proj_body(x_ref, nt_ref, pg, pbta, pwt, pbi, fg, fb, fwt, fbi,
               sg, sb, swt, sbi, emb_ref, out_ref):
    x = jnp.clip(x_ref[...], -10.0, 10.0)
    p = jnp.dot(_ln(x, pg[...], pbta[...]), pwt[...],
                preferred_element_type=jnp.float32) + pbi[...]
    f = jnp.dot(_ln(x, fg[...], fb[...]), fwt[...],
                preferred_element_type=jnp.float32) + fbi[...]
    s = jnp.dot(_ln(x, sg[...], sb[...]), swt[...],
                preferred_element_type=jnp.float32) + sbi[...]
    nt = nt_ref[...]
    sel = jnp.where(nt == 0, p, jnp.where(nt == 1, f,
                    jnp.where(nt == 2, s, 0.0)))
    te = jnp.where(nt == 0, emb_ref[0:1, :], jnp.where(
        nt == 1, emb_ref[1:2, :], emb_ref[2:3, :]))
    out_ref[...] = sel + te


def _proj(x, nt2, pg, pbta, pwt, pbi, fg, fb, fwt, fbi, sg, sb, swt, sbi, emb):
    row = lambda i: (i, 0)
    full = lambda i: (0, 0)
    vec = pl.BlockSpec((1, H), full)
    return pl.pallas_call(
        _proj_body,
        grid=(GRID,),
        in_specs=[
            pl.BlockSpec((BLK, D), row),
            pl.BlockSpec((BLK, 1), row),
            vec, vec, pl.BlockSpec((D, H), full), vec,
            vec, vec, pl.BlockSpec((D, H), full), vec,
            vec, vec, pl.BlockSpec((D, H), full), vec,
            pl.BlockSpec((8, H), full),
        ],
        out_specs=pl.BlockSpec((BLK, H), row),
        out_shape=jax.ShapeDtypeStruct((N, H), jnp.float32),
    )(x, nt2, pg, pbta, pwt, pbi, fg, fb, fwt, fbi, sg, sb, swt, sbi, emb)


def _agg_body(h_hbm, src_hbm, dst_hbm, zero_hbm, ones_hbm, out_hbm, cnt_hbm,
              srcs, dsts, bufs, ones_v, acc_sh, cnt_sh,
              isems, gsems, semc, *, with_cnt):
    c = lax.axis_index("c")
    s = lax.axis_index("s")
    nch = jnp.where(c == 0, N0_CH, N1_CH)
    cbase = c * NS * N0_CH + s * nch

    base = s * ROWS_PER_TILE
    pltpu.sync_copy(zero_hbm.at[pl.ds(0, ROWS_PER_TILE)],
                    acc_sh.at[pl.ds(base, ROWS_PER_TILE)])
    if with_cnt:
        pltpu.sync_copy(zero_hbm.at[pl.ds(0, ROWS_PER_TILE), pl.ds(0, CW)],
                        cnt_sh.at[pl.ds(base, ROWS_PER_TILE)])
        pltpu.sync_copy(ones_hbm, ones_v)
    plsc.subcore_barrier()

    def start_idx(i, q):
        pltpu.async_copy(src_hbm.at[cbase + i], srcs[q], isems[q])
        pltpu.async_copy(dst_hbm.at[cbase + i], dsts[q], isems[q])

    def wait_idx(i, q):
        pltpu.make_async_copy(src_hbm.at[cbase + i], srcs[q], isems[q]).wait()
        pltpu.make_async_copy(dst_hbm.at[cbase + i], dsts[q], isems[q]).wait()

    def start_gather(q, b):
        pltpu.async_copy(h_hbm.at[srcs[q]], bufs[b], gsems[b])

    def wait_gather(q, b):
        pltpu.make_async_copy(h_hbm.at[srcs[q]], bufs[b], gsems[b]).wait()

    pltpu.sync_copy(src_hbm.at[cbase + 0], srcs[0])
    pltpu.sync_copy(dst_hbm.at[cbase + 0], dsts[0])
    pltpu.sync_copy(src_hbm.at[cbase + 1], srcs[1])
    pltpu.sync_copy(dst_hbm.at[cbase + 1], dsts[1])
    start_idx(2, 2)
    start_idx(3, 3)
    start_gather(0, 0)
    start_gather(1, 1)

    def body(k, _):
        for j in range(4):
            i = 4 * k + j
            q = j
            b = j % 2
            @pl.when(i < nch)
            def _():
                wait_gather(q, b)
                @pl.when(cbase + i < NTOT)
                def _():
                    if with_cnt:
                        pltpu.async_copy(ones_v, cnt_sh.at[dsts[q]], semc,
                                         add=True)
                    pltpu.sync_copy(bufs[b], acc_sh.at[dsts[q]], add=True)
                    if with_cnt:
                        pltpu.make_async_copy(ones_v, cnt_sh.at[dsts[q]],
                                              semc).wait()
                @pl.when((i + 4 < nch) & (cbase + i + 4 < NTOT))
                def _():
                    start_idx(i + 4, q)
                @pl.when(i + 2 < nch)
                def _():
                    q2 = (j + 2) % 4
                    @pl.when(cbase + i + 2 < NTOT)
                    def _():
                        wait_idx(i + 2, q2)
                    start_gather(q2, b)
        return 0
    lax.fori_loop(0, (nch + 3) // 4, body, 0)

    plsc.subcore_barrier()
    pltpu.sync_copy(acc_sh.at[pl.ds(base, ROWS_PER_TILE)],
                    out_hbm.at[c, pl.ds(base, ROWS_PER_TILE)])
    if with_cnt:
        pltpu.sync_copy(cnt_sh.at[pl.ds(base, ROWS_PER_TILE)],
                        cnt_hbm.at[c, pl.ds(base, ROWS_PER_TILE),
                                   pl.ds(0, CW)])


def _aggregate(h, src2, dst2, zrows, ones_arr, with_cnt):
    mesh = plsc.VectorSubcoreMesh(core_axis_name="c", subcore_axis_name="s",
                                  num_cores=NC, num_subcores=NS)
    out_type = (jax.ShapeDtypeStruct((NC, NP, H), jnp.float32),
                jax.ShapeDtypeStruct((NC, NP, H), jnp.float32))
    idx_t = pltpu.VMEM((CHUNK,), jnp.int32)
    buf_t = pltpu.VMEM((CHUNK, H), jnp.float32)
    sem = pltpu.SemaphoreType.DMA
    return pl.kernel(
        functools.partial(_agg_body, with_cnt=with_cnt),
        out_type=out_type,
        mesh=mesh,
        compiler_params=pltpu.CompilerParams(use_tc_tiling_on_sc=False),
        scratch_types=[
            (idx_t,) * 4,
            (idx_t,) * 4,
            (buf_t,) * 2,
            pltpu.VMEM((CHUNK, CW), jnp.float32),
            pltpu.VMEM_SHARED((NP, H), jnp.float32),
            pltpu.VMEM_SHARED((NP, CW), jnp.float32),
            (sem,) * 4,
            (sem,) * 2,
            sem,
        ],
    )(h, src2, dst2, zrows, ones_arr)


def _layer_body(parts_ref, cnt_ref, h_ref, wlt, bl, wrt, g, b, out_ref):
    sums = parts_ref[0] + parts_ref[1]
    cnt = cnt_ref[0][:, 0:1] + cnt_ref[1][:, 0:1]
    agg = sums / jnp.maximum(cnt, 1.0)
    h = h_ref[...]
    t = (jnp.dot(agg, wlt[...], preferred_element_type=jnp.float32)
         + jnp.dot(h, wrt[...], preferred_element_type=jnp.float32)
         + bl[...] + h)
    out_ref[...] = jax.nn.relu(_ln(t, g[...], b[...]))


def _layer(parts, cnt, h, wlt, bl, wrt, g, b):
    row = lambda i: (i, 0)
    full = lambda i: (0, 0)
    vec = pl.BlockSpec((1, H), full)
    return pl.pallas_call(
        _layer_body,
        grid=(GRID,),
        in_specs=[
            pl.BlockSpec((NC, BLK, H), lambda i: (0, i, 0)),
            pl.BlockSpec((NC, BLK, H), lambda i: (0, i, 0)),
            pl.BlockSpec((BLK, H), row),
            pl.BlockSpec((H, H), full), vec,
            pl.BlockSpec((H, H), full), vec, vec,
        ],
        out_specs=pl.BlockSpec((BLK, H), row),
        out_shape=jax.ShapeDtypeStruct((N, H), jnp.float32),
    )(parts, cnt, h, wlt, bl, wrt, g, b)


def kernel(x, edge_index, node_type,
           proc_ln_g, proc_ln_b, proc_w, proc_b,
           file_ln_g, file_ln_b, file_w, file_b,
           sock_ln_g, sock_ln_b, sock_w, sock_b,
           type_emb,
           w_l0, b_l0, w_r0, ln_g0, ln_b0,
           w_l1, b_l1, w_r1, ln_g1, ln_b1):
    f32 = jnp.float32
    nt2 = node_type.reshape(N, 1).astype(jnp.int32)
    emb = jnp.zeros((8, H), f32).at[0:3].set(type_emb)
    r1 = lambda v: v.reshape(1, -1).astype(f32)

    h0 = _proj(x, nt2,
               r1(proc_ln_g), r1(proc_ln_b), proc_w.T, r1(proc_b),
               r1(file_ln_g), r1(file_ln_b), file_w.T, r1(file_b),
               r1(sock_ln_g), r1(sock_ln_b), sock_w.T, r1(sock_b),
               emb)

    src2 = edge_index[0].astype(jnp.int32).reshape(NTOT, CHUNK)
    dst2 = edge_index[1].astype(jnp.int32).reshape(NTOT, CHUNK)
    zrows = jnp.zeros((ROWS_PER_TILE, H), f32)
    ones_arr = jnp.zeros((CHUNK, CW), f32).at[:, 0].set(1.0)

    parts0, cnt0 = _aggregate(h0, src2, dst2, zrows, ones_arr, with_cnt=True)
    h1 = _layer(parts0, cnt0, h0, w_l0.T, r1(b_l0), w_r0.T,
                r1(ln_g0), r1(ln_b0))
    parts1, _ = _aggregate(h1, src2, dst2, zrows, ones_arr, with_cnt=False)
    h2 = _layer(parts1, cnt0, h1, w_l1.T, r1(b_l1), w_r1.T,
                r1(ln_g1), r1(ln_b1))
    return h2

# --- scband reference (transcript-rebuilt; emitter-appended) ---
"""Pipeline reference for scband-multi-modal-encoder-7687991460537 (READ-ONLY COPY).

The authoritative reference and input builder live on the scoring server;
editing this copy changes nothing except your own understanding.
"""

import jax, jax.numpy as jnp
import numpy as np

N = 10000
E = 320000
D = 128
H = 128


def _ln(h, g, b):
    m = h.mean(-1, keepdims=True)
    v = h.var(-1, keepdims=True)
    return (h - m) / jnp.sqrt(v + 1e-5) * g + b


def setup_inputs(seed: int = 0) -> dict:
    key = jax.random.key(seed)
    ks = jax.random.split(key, 32)
    inp = {}
    inp['x'] = jax.random.normal(ks[0], (N, D), dtype=jnp.float32)
    inp['edge_index'] = jax.random.randint(ks[1], (2, E), 0, N)
    inp['node_type'] = jax.random.randint(ks[2], (N,), 0, 3)
    # per-type projection params (LayerNorm + Linear)
    for i, t in enumerate(['proc', 'file', 'sock']):
        inp[t + '_ln_g'] = jnp.ones((D,), dtype=jnp.float32)
        inp[t + '_ln_b'] = jnp.zeros((D,), dtype=jnp.float32)
        inp[t + '_w'] = jax.random.normal(ks[3 + i], (H, D), dtype=jnp.float32) * 0.01
        inp[t + '_b'] = jnp.zeros((H,), dtype=jnp.float32)
    inp['type_emb'] = jax.random.normal(ks[6], (3, H), dtype=jnp.float32) * 0.01
    # 2 SAGEConv layers: lin_l (with bias) on aggregated neighbors, lin_r (no bias) on self; plus LayerNorm
    for l in range(2):
        inp['w_l%d' % l] = jax.random.normal(ks[7 + 3 * l], (H, H), dtype=jnp.float32) * 0.01
        inp['b_l%d' % l] = jnp.zeros((H,), dtype=jnp.float32)
        inp['w_r%d' % l] = jax.random.normal(ks[8 + 3 * l], (H, H), dtype=jnp.float32) * 0.01
        inp['ln_g%d' % l] = jnp.ones((H,), dtype=jnp.float32)
        inp['ln_b%d' % l] = jnp.zeros((H,), dtype=jnp.float32)
    return inp


def reference(x, edge_index, node_type,
              proc_ln_g, proc_ln_b, proc_w, proc_b,
              file_ln_g, file_ln_b, file_w, file_b,
              sock_ln_g, sock_ln_b, sock_w, sock_b,
              type_emb,
              w_l0, b_l0, w_r0, ln_g0, ln_b0,
              w_l1, b_l1, w_r1, ln_g1, ln_b1):
    x = jnp.clip(x, -10.0, 10.0)
    # per-type feature projection (masked assignment done with where)
    p = _ln(x, proc_ln_g, proc_ln_b) @ proc_w.T + proc_b
    f = _ln(x, file_ln_g, file_ln_b) @ file_w.T + file_b
    s = _ln(x, sock_ln_g, sock_ln_b) @ sock_w.T + sock_b
    xp = jnp.where((node_type == 0)[:, None], p,
                   jnp.where((node_type == 1)[:, None], f,
                             jnp.where((node_type == 2)[:, None], s, 0.0)))
    h = xp + type_emb[node_type]
    src = edge_index[0]
    dst = edge_index[1]
    convs = [(w_l0, b_l0, w_r0, ln_g0, ln_b0), (w_l1, b_l1, w_r1, ln_g1, ln_b1)]
    for (w_l, b_l, w_r, g, b) in convs:
        res = h
        sums = jax.ops.segment_sum(h[src], dst, num_segments=N)
        cnt = jax.ops.segment_sum(jnp.ones((E,), dtype=h.dtype), dst, num_segments=N)
        agg = sums / jnp.maximum(cnt, 1.0)[:, None]
        h = agg @ w_l.T + b_l + h @ w_r.T
        h = _ln(h + res, g, b)
        h = jax.nn.relu(h)
    # dropout is identity in eval mode
    return h

if __name__ == "__main__":
    import jax
    _d = setup_inputs()
    print(jax.jit(kernel)(*tuple(_d.values())))

</pallas_src>

<mosaic_0001>
#map = affine_map<(d0, d1) -> (0, 0)>
#map1 = affine_map<(d0, d1) -> (0, 0, 0)>
module attributes {stable_mosaic.version = 14 : i64} {
  func.func @_agg_body(%arg0: i32, %arg1: i32, %arg2: memref<10000x128xf32, #tpu.memory_space<hbm>>, %arg3: memref<2500x128xi32, #tpu.memory_space<hbm>>, %arg4: memref<2500x128xi32, #tpu.memory_space<hbm>>, %arg5: memref<626x128xf32, #tpu.memory_space<hbm>>, %arg6: memref<128x8xf32, #tpu.memory_space<hbm>>, %arg7: memref<2x10016x128xf32, #tpu.memory_space<hbm>>, %arg8: memref<2x10016x128xf32, #tpu.memory_space<hbm>>, %arg9: memref<128xi32, #tpu.memory_space<vmem>>, %arg10: memref<128xi32, #tpu.memory_space<vmem>>, %arg11: memref<128xi32, #tpu.memory_space<vmem>>, %arg12: memref<128xi32, #tpu.memory_space<vmem>>, %arg13: memref<128xi32, #tpu.memory_space<vmem>>, %arg14: memref<128xi32, #tpu.memory_space<vmem>>, %arg15: memref<128xi32, #tpu.memory_space<vmem>>, %arg16: memref<128xi32, #tpu.memory_space<vmem>>, %arg17: memref<128x128xf32, #tpu.memory_space<vmem>>, %arg18: memref<128x128xf32, #tpu.memory_space<vmem>>, %arg19: memref<128x8xf32, #tpu.memory_space<vmem>>, %arg20: memref<10016x128xf32, #tpu.memory_space<vmem_shared>>, %arg21: memref<10016x8xf32, #tpu.memory_space<vmem_shared>>, %arg22: memref<!tpu.dma_semaphore, #tpu.memory_space<semaphore_mem>>, %arg23: memref<!tpu.dma_semaphore, #tpu.memory_space<semaphore_mem>>, %arg24: memref<!tpu.dma_semaphore, #tpu.memory_space<semaphore_mem>>, %arg25: memref<!tpu.dma_semaphore, #tpu.memory_space<semaphore_mem>>, %arg26: memref<!tpu.dma_semaphore, #tpu.memory_space<semaphore_mem>>, %arg27: memref<!tpu.dma_semaphore, #tpu.memory_space<semaphore_mem>>, %arg28: memref<!tpu.dma_semaphore, #tpu.memory_space<semaphore_mem>>) attributes {dimension_semantics = [#tpu.dimension_semantics<core_parallel>, #tpu.dimension_semantics<subcore_parallel>], iteration_bounds = array<i64: 2, 16>, scalar_prefetch = 0 : i64, scratch_operands = 20 : i64, tpu.core_type = #tpu.core_type<sc_vector_subcore>, window_params = [{transform_indices = #map}, {transform_indices = #map}, {transform_indices = #map}, {transform_indices = #map}, {transform_indices = #map}, {transform_indices = #map1}, {transform_indices = #map1}]} {
    %eq3A = arith.constant 0 : i32
    %eq3A_0 = arith.cmpi eq, %arg0, %eq3A : i32
    %jit3A = arith.constant 111 : i32
    %jit3A_1 = arith.constant 46 : i32
    %select_n3A = arith.select %eq3A_0, %jit3A, %jit3A_1 : i32
    %mul3A = arith.constant 16 : i32
    %mul3A_2 = arith.muli %arg0, %mul3A : i32
    %mul3A_3 = arith.constant 111 : i32
    %mul3A_4 = arith.muli %mul3A_2, %mul3A_3 : i32
    %mul3A_5 = arith.muli %arg1, %select_n3A : i32
    %add3A = arith.addi %mul3A_4, %mul3A_5 : i32
    %mul3A_6 = arith.constant 626 : i32
    %mul3A_7 = arith.muli %arg1, %mul3A_6 : i32
    "tpu.region"() ({
      %run_scoped3A = tpu.sem_alloc : memref<!tpu.dma_semaphore, #tpu.memory_space<semaphore_mem>>
      %dma_start3A_85 = arith.constant 0 : i32
      %dma_start3A_86 = tpu.memref_slice %arg20[%mul3A_7, %dma_start3A_85] : memref<10016x128xf32, #tpu.memory_space<vmem_shared>> -> memref<626x128xf32, #tpu.memory_space<vmem_shared>>
      %dma_start3A_87 = arith.constant 0 : i32
      %dma_start3A_88 = arith.constant 0 : i32
      %dma_start3A_89 = tpu.memref_slice %arg5[%dma_start3A_87, %dma_start3A_88] : memref<626x128xf32, #tpu.memory_space<hbm>> -> memref<626x128xf32, #tpu.memory_space<hbm>>
      tpu.enqueue_dma source(%dma_start3A_89 : memref<626x128xf32, #tpu.memory_space<hbm>>) target(%dma_start3A_86 : memref<626x128xf32, #tpu.memory_space<vmem_shared>>) target_semaphore(%run_scoped3A : memref<!tpu.dma_semaphore, #tpu.memory_space<semaphore_mem>>)
      %dma_wait3A = arith.constant 0 : i32
      %dma_wait3A_90 = tpu.memref_slice %arg20[%mul3A_7, %dma_wait3A] : memref<10016x128xf32, #tpu.memory_space<vmem_shared>> -> memref<626x128xf32, #tpu.memory_space<vmem_shared>>
      %dma_wait3A_91 = arith.constant 0 : i32
      %dma_wait3A_92 = arith.constant 0 : i32
      %dma_wait3A_93 = tpu.memref_slice %arg5[%dma_wait3A_91, %dma_wait3A_92] : memref<626x128xf32, #tpu.memory_space<hbm>> -> memref<626x128xf32, #tpu.memory_space<hbm>>
      tpu.wait_dma2 semaphore(%run_scoped3A : memref<!tpu.dma_semaphore, #tpu.memory_space<semaphore_mem>>) src(%dma_wait3A_93 : memref<626x128xf32, #tpu.memory_space<hbm>>) dst(%dma_wait3A_90 : memref<626x128xf32, #tpu.memory_space<vmem_shared>>)
      tpu.yield
    }) : () -> ()
    %barrier3A = arith.constant 0 : index
    tpu.barrier barrier_id(%barrier3A)
    %add3A_8 = arith.constant 0 : i32
    %add3A_9 = arith.addi %add3A, %add3A_8 : i32
    "tpu.region"() ({
      %run_scoped3A = tpu.sem_alloc : memref<!tpu.dma_semaphore, #tpu.memory_space<semaphore_mem>>
      %dma_start3A_85 = arith.constant 0 : i32
      %dma_start3A_86 = tpu.memref_slice %arg3[%add3A_9, %dma_start3A_85] : memref<2500x128xi32, #tpu.memory_space<hbm>> -> memref<1x128xi32, #tpu.memory_space<hbm>>
      %dma_start3A_87 = tpu.memref_squeeze %dma_start3A_86 : memref<1x128xi32, #tpu.memory_space<hbm>> -> memref<128xi32, #tpu.memory_space<hbm>>
      %dma_start3A_88 = arith.constant 0 : i32
      %dma_start3A_89 = tpu.memref_slice %arg3[%add3A_9, %dma_start3A_88] : memref<2500x128xi32, #tpu.memory_space<hbm>> -> memref<1x128xi32, #tpu.memory_space<hbm>>
      %dma_start3A_90 = tpu.memref_squeeze %dma_start3A_89 : memref<1x128xi32, #tpu.memory_space<hbm>> -> memref<128xi32, #tpu.memory_space<hbm>>
      tpu.enqueue_dma source(%dma_start3A_90 : memref<128xi32, #tpu.memory_space<hbm>>) target(%arg9 : memref<128xi32, #tpu.memory_space<vmem>>) target_semaphore(%run_scoped3A : memref<!tpu.dma_semaphore, #tpu.memory_space<semaphore_mem>>)
      %dma_wait3A = arith.constant 0 : i32
      %dma_wait3A_91 = tpu.memref_slice %arg3[%add3A_9, %dma_wait3A] : memref<2500x128xi32, #tpu.memory_space<hbm>> -> memref<1x128xi32, #tpu.memory_space<hbm>>
      %dma_wait3A_92 = tpu.memref_squeeze %dma_wait3A_91 : memref<1x128xi32, #tpu.memory_space<hbm>> -> memref<128xi32, #tpu.memory_space<hbm>>
      %dma_wait3A_93 = arith.constant 0 : i32
      %dma_wait3A_94 = tpu.memref_slice %arg3[%add3A_9, %dma_wait3A_93] : memref<2500x128xi32, #tpu.memory_space<hbm>> -> memref<1x128xi32, #tpu.memory_space<hbm>>
      %dma_wait3A_95 = tpu.memref_squeeze %dma_wait3A_94 : memref<1x128xi32, #tpu.memory_space<hbm>> -> memref<128xi32, #tpu.memory_space<hbm>>
      tpu.wait_dma2 semaphore(%run_scoped3A : memref<!tpu.dma_semaphore, #tpu.memory_space<semaphore_mem>>) src(%dma_wait3A_95 : memref<128xi32, #tpu.memory_space<hbm>>) dst(%arg9 : memref<128xi32, #tpu.memory_space<vmem>>)
      tpu.yield
    }) : () -> ()
    %add3A_10 = arith.constant 0 : i32
    %add3A_11 = arith.addi %add3A, %add3A_10 : i32
    "tpu.region"() ({
      %run_scoped3A = tpu.sem_alloc : memref<!tpu.dma_semaphore, #tpu.memory_space<semaphore_mem>>
      %dma_start3A_85 = arith.constant 0 : i32
      %dma_start3A_86 = tpu.memref_slice %arg4[%add3A_11, %dma_start3A_85] : memref<2500x128xi32, #tpu.memory_space<hbm>> -> memref<1x128xi32, #tpu.memory_space<hbm>>
      %dma_start3A_87 = tpu.memref_squeeze %dma_start3A_86 : memref<1x128xi32, #tpu.memory_space<hbm>> -> memref<128xi32, #tpu.memory_space<hbm>>
      %dma_start3A_88 = arith.constant 0 : i32
      %dma_start3A_89 = tpu.memref_slice %arg4[%add3A_11, %dma_start3A_88] : memref<2500x128xi32, #tpu.memory_space<hbm>> -> memref<1x128xi32, #tpu.memory_space<hbm>>
      %dma_start3A_90 = tpu.memref_squeeze %dma_start3A_89 : memref<1x128xi32, #tpu.memory_space<hbm>> -> memref<128xi32, #tpu.memory_space<hbm>>
      tpu.enqueue_dma source(%dma_start3A_90 : memref<128xi32, #tpu.memory_space<hbm>>) target(%arg13 : memref<128xi32, #tpu.memory_space<vmem>>) target_semaphore(%run_scoped3A : memref<!tpu.dma_semaphore, #tpu.memory_space<semaphore_mem>>)
      %dma_wait3A = arith.constant 0 : i32
      %dma_wait3A_91 = tpu.memref_slice %arg4[%add3A_11, %dma_wait3A] : memref<2500x128xi32, #tpu.memory_space<hbm>> -> memref<1x128xi32, #tpu.memory_space<hbm>>
      %dma_wait3A_92 = tpu.memref_squeeze %dma_wait3A_91 : memref<1x128xi32, #tpu.memory_space<hbm>> -> memref<128xi32, #tpu.memory_space<hbm>>
      %dma_wait3A_93 = arith.constant 0 : i32
      %dma_wait3A_94 = tpu.memref_slice %arg4[%add3A_11, %dma_wait3A_93] : memref<2500x128xi32, #tpu.memory_space<hbm>> -> memref<1x128xi32, #tpu.memory_space<hbm>>
      %dma_wait3A_95 = tpu.memref_squeeze %dma_wait3A_94 : memref<1x128xi32, #tpu.memory_space<hbm>> -> memref<128xi32, #tpu.memory_space<hbm>>
      tpu.wait_dma2 semaphore(%run_scoped3A : memref<!tpu.dma_semaphore, #tpu.memory_space<semaphore_mem>>) src(%dma_wait3A_95 : memref<128xi32, #tpu.memory_space<hbm>>) dst(%arg13 : memref<128xi32, #tpu.memory_space<vmem>>)
      tpu.yield
    }) : () -> ()
    %add3A_12 = arith.constant 1 : i32
    %add3A_13 = arith.addi %add3A, %add3A_12 : i32
    "tpu.region"() ({
      %run_scoped3A = tpu.sem_alloc : memref<!tpu.dma_semaphore, #tpu.memory_space<semaphore_mem>>
      %dma_start3A_85 = arith.constant 0 : i32
      %dma_start3A_86 = tpu.memref_slice %arg3[%add3A_13, %dma_start3A_85] : memref<2500x128xi32, #tpu.memory_space<hbm>> -> memref<1x128xi32, #tpu.memory_space<hbm>>
      %dma_start3A_87 = tpu.memref_squeeze %dma_start3A_86 : memref<1x128xi32, #tpu.memory_space<hbm>> -> memref<128xi32, #tpu.memory_space<hbm>>
      %dma_start3A_88 = arith.constant 0 : i32
      %dma_start3A_89 = tpu.memref_slice %arg3[%add3A_13, %dma_start3A_88] : memref<2500x128xi32, #tpu.memory_space<hbm>> -> memref<1x128xi32, #tpu.memory_space<hbm>>
      %dma_start3A_90 = tpu.memref_squeeze %dma_start3A_89 : memref<1x128xi32, #tpu.memory_space<hbm>> -> memref<128xi32, #tpu.memory_space<hbm>>
      tpu.enqueue_dma source(%dma_start3A_90 : memref<128xi32, #tpu.memory_space<hbm>>) target(%arg10 : memref<128xi32, #tpu.memory_space<vmem>>) target_semaphore(%run_scoped3A : memref<!tpu.dma_semaphore, #tpu.memory_space<semaphore_mem>>)
      %dma_wait3A = arith.constant 0 : i32
      %dma_wait3A_91 = tpu.memref_slice %arg3[%add3A_13, %dma_wait3A] : memref<2500x128xi32, #tpu.memory_space<hbm>> -> memref<1x128xi32, #tpu.memory_space<hbm>>
      %dma_wait3A_92 = tpu.memref_squeeze %dma_wait3A_91 : memref<1x128xi32, #tpu.memory_space<hbm>> -> memref<128xi32, #tpu.memory_space<hbm>>
      %dma_wait3A_93 = arith.constant 0 : i32
      %dma_wait3A_94 = tpu.memref_slice %arg3[%add3A_13, %dma_wait3A_93] : memref<2500x128xi32, #tpu.memory_space<hbm>> -> memref<1x128xi32, #tpu.memory_space<hbm>>
      %dma_wait3A_95 = tpu.memref_squeeze %dma_wait3A_94 : memref<1x128xi32, #tpu.memory_space<hbm>> -> memref<128xi32, #tpu.memory_space<hbm>>
      tpu.wait_dma2 semaphore(%run_scoped3A : memref<!tpu.dma_semaphore, #tpu.memory_space<semaphore_mem>>) src(%dma_wait3A_95 : memref<128xi32, #tpu.memory_space<hbm>>) dst(%arg10 : memref<128xi32, #tpu.memory_space<vmem>>)
      tpu.yield
    }) : () -> ()
    %add3A_14 = arith.constant 1 : i32
    %add3A_15 = arith.addi %add3A, %add3A_14 : i32
    "tpu.region"() ({
      %run_scoped3A = tpu.sem_alloc : memref<!tpu.dma_semaphore, #tpu.memory_space<semaphore_mem>>
      %dma_start3A_85 = arith.constant 0 : i32
      %dma_start3A_86 = tpu.memref_slice %arg4[%add3A_15, %dma_start3A_85] : memref<2500x128xi32, #tpu.memory_space<hbm>> -> memref<1x128xi32, #tpu.memory_space<hbm>>
      %dma_start3A_87 = tpu.memref_squeeze %dma_start3A_86 : memref<1x128xi32, #tpu.memory_space<hbm>> -> memref<128xi32, #tpu.memory_space<hbm>>
      %dma_start3A_88 = arith.constant 0 : i32
      %dma_start3A_89 = tpu.memref_slice %arg4[%add3A_15, %dma_start3A_88] : memref<2500x128xi32, #tpu.memory_space<hbm>> -> memref<1x128xi32, #tpu.memory_space<hbm>>
      %dma_start3A_90 = tpu.memref_squeeze %dma_start3A_89 : memref<1x128xi32, #tpu.memory_space<hbm>> -> memref<128xi32, #tpu.memory_space<hbm>>
      tpu.enqueue_dma source(%dma_start3A_90 : memref<128xi32, #tpu.memory_space<hbm>>) target(%arg14 : memref<128xi32, #tpu.memory_space<vmem>>) target_semaphore(%run_scoped3A : memref<!tpu.dma_semaphore, #tpu.memory_space<semaphore_mem>>)
      %dma_wait3A = arith.constant 0 : i32
      %dma_wait3A_91 = tpu.memref_slice %arg4[%add3A_15, %dma_wait3A] : memref<2500x128xi32, #tpu.memory_space<hbm>> -> memref<1x128xi32, #tpu.memory_space<hbm>>
      %dma_wait3A_92 = tpu.memref_squeeze %dma_wait3A_91 : memref<1x128xi32, #tpu.memory_space<hbm>> -> memref<128xi32, #tpu.memory_space<hbm>>
      %dma_wait3A_93 = arith.constant 0 : i32
      %dma_wait3A_94 = tpu.memref_slice %arg4[%add3A_15, %dma_wait3A_93] : memref<2500x128xi32, #tpu.memory_space<hbm>> -> memref<1x128xi32, #tpu.memory_space<hbm>>
      %dma_wait3A_95 = tpu.memref_squeeze %dma_wait3A_94 : memref<1x128xi32, #tpu.memory_space<hbm>> -> memref<128xi32, #tpu.memory_space<hbm>>
      tpu.wait_dma2 semaphore(%run_scoped3A : memref<!tpu.dma_semaphore, #tpu.memory_space<semaphore_mem>>) src(%dma_wait3A_95 : memref<128xi32, #tpu.memory_space<hbm>>) dst(%arg14 : memref<128xi32, #tpu.memory_space<vmem>>)
      tpu.yield
    }) : () -> ()
    %add3A_16 = arith.constant 2 : i32
    %add3A_17 = arith.addi %add3A, %add3A_16 : i32
    %dma_start3A = arith.constant 0 : i32
    %dma_start3A_18 = tpu.memref_slice %arg3[%add3A_17, %dma_start3A] : memref<2500x128xi32, #tpu.memory_space<hbm>> -> memref<1x128xi32, #tpu.memory_space<hbm>>
    %dma_start3A_19 = tpu.memref_squeeze %dma_start3A_18 : memref<1x128xi32, #tpu.memory_space<hbm>> -> memref<128xi32, #tpu.memory_space<hbm>>
    %dma_start3A_20 = arith.constant 0 : i32
    %dma_start3A_21 = tpu.memref_slice %arg3[%add3A_17, %dma_start3A_20] : memref<2500x128xi32, #tpu.memory_space<hbm>> -> memref<1x128xi32, #tpu.memory_space<hbm>>
    %dma_start3A_22 = tpu.memref_squeeze %dma_start3A_21 : memref<1x128xi32, #tpu.memory_space<hbm>> -> memref<128xi32, #tpu.memory_space<hbm>>
    tpu.enqueue_dma source(%dma_start3A_22 : memref<128xi32, #tpu.memory_space<hbm>>) target(%arg11 : memref<128xi32, #tpu.memory_space<vmem>>) target_semaphore(%arg24 : memref<!tpu.dma_semaphore, #tpu.memory_space<semaphore_mem>>)
    %add3A_23 = arith.constant 2 : i32
    %add3A_24 = arith.addi %add3A, %add3A_23 : i32
    %dma_start3A_25 = arith.constant 0 : i32
    %dma_start3A_26 = tpu.memref_slice %arg4[%add3A_24, %dma_start3A_25] : memref<2500x128xi32, #tpu.memory_space<hbm>> -> memref<1x128xi32, #tpu.memory_space<hbm>>
    %dma_start3A_27 = tpu.memref_squeeze %dma_start3A_26 : memref<1x128xi32, #tpu.memory_space<hbm>> -> memref<128xi32, #tpu.memory_space<hbm>>
    %dma_start3A_28 = arith.constant 0 : i32
    %dma_start3A_29 = tpu.memref_slice %arg4[%add3A_24, %dma_start3A_28] : memref<2500x128xi32, #tpu.memory_space<hbm>> -> memref<1x128xi32, #tpu.memory_space<hbm>>
    %dma_start3A_30 = tpu.memref_squeeze %dma_start3A_29 : memref<1x128xi32, #tpu.memory_space<hbm>> -> memref<128xi32, #tpu.memory_space<hbm>>
    tpu.enqueue_dma source(%dma_start3A_30 : memref<128xi32, #tpu.memory_space<hbm>>) target(%arg15 : memref<128xi32, #tpu.memory_space<vmem>>) target_semaphore(%arg24 : memref<!tpu.dma_semaphore, #tpu.memory_space<semaphore_mem>>)
    %add3A_31 = arith.constant 3 : i32
    %add3A_32 = arith.addi %add3A, %add3A_31 : i32
    %dma_start3A_33 = arith.constant 0 : i32
    %dma_start3A_34 = tpu.memref_slice %arg3[%add3A_32, %dma_start3A_33] : memref<2500x128xi32, #tpu.memory_space<hbm>> -> memref<1x128xi32, #tpu.memory_space<hbm>>
    %dma_start3A_35 = tpu.memref_squeeze %dma_start3A_34 : memref<1x128xi32, #tpu.memory_space<hbm>> -> memref<128xi32, #tpu.memory_space<hbm>>
    %dma_start3A_36 = arith.constant 0 : i32
    %dma_start3A_37 = tpu.memref_slice %arg3[%add3A_32, %dma_start3A_36] : memref<2500x128xi32, #tpu.memory_space<hbm>> -> memref<1x128xi32, #tpu.memory_space<hbm>>
    %dma_start3A_38 = tpu.memref_squeeze %dma_start3A_37 : memref<1x128xi32, #tpu.memory_space<hbm>> -> memref<128xi32, #tpu.memory_space<hbm>>
    tpu.enqueue_dma source(%dma_start3A_38 : memref<128xi32, #tpu.memory_space<hbm>>) target(%arg12 : memref<128xi32, #tpu.memory_space<vmem>>) target_semaphore(%arg25 : memref<!tpu.dma_semaphore, #tpu.memory_space<semaphore_mem>>)
    %add3A_39 = arith.constant 3 : i32
    %add3A_40 = arith.addi %add3A, %add3A_39 : i32
    %dma_start3A_41 = arith.constant 0 : i32
    %dma_start3A_42 = tpu.memref_slice %arg4[%add3A_40, %dma_start3A_41] : memref<2500x128xi32, #tpu.memory_space<hbm>> -> memref<1x128xi32, #tpu.memory_space<hbm>>
    %dma_start3A_43 = tpu.memref_squeeze %dma_start3A_42 : memref<1x128xi32, #tpu.memory_space<hbm>> -> memref<128xi32, #tpu.memory_space<hbm>>
    %dma_start3A_44 = arith.constant 0 : i32
    %dma_start3A_45 = tpu.memref_slice %arg4[%add3A_40, %dma_start3A_44] : memref<2500x128xi32, #tpu.memory_space<hbm>> -> memref<1x128xi32, #tpu.memory_space<hbm>>
    %dma_start3A_46 = tpu.memref_squeeze %dma_start3A_45 : memref<1x128xi32, #tpu.memory_space<hbm>> -> memref<128xi32, #tpu.memory_space<hbm>>
    tpu.enqueue_dma source(%dma_start3A_46 : memref<128xi32, #tpu.memory_space<hbm>>) target(%arg16 : memref<128xi32, #tpu.memory_space<vmem>>) target_semaphore(%arg25 : memref<!tpu.dma_semaphore, #tpu.memory_space<semaphore_mem>>)
    %dma_start3A_47 = arith.constant 0 : i32
    %dma_start3A_48 = arith.constant 0 : i32
    %dma_start3A_49 = tpu.memref_slice %arg2[%dma_start3A_47, %dma_start3A_48] : memref<10000x128xf32, #tpu.memory_space<hbm>> -> memref<10000x128xf32, #tpu.memory_space<hbm>>
    tpu.enqueue_indirect_dma source(%dma_start3A_49 : memref<10000x128xf32, #tpu.memory_space<hbm>>) target(%arg17 : memref<128x128xf32, #tpu.memory_space<vmem>>) offsets(%arg9 : memref<128xi32, #tpu.memory_space<vmem>>) semaphore(%arg26 : memref<!tpu.dma_semaphore, #tpu.memory_space<semaphore_mem>>)
    %dma_start3A_50 = arith.constant 0 : i32
    %dma_start3A_51 = arith.constant 0 : i32
    %dma_start3A_52 = tpu.memref_slice %arg2[%dma_start3A_50, %dma_start3A_51] : memref<10000x128xf32, #tpu.memory_space<hbm>> -> memref<10000x128xf32, #tpu.memory_space<hbm>>
    tpu.enqueue_indirect_dma source(%dma_start3A_52 : memref<10000x128xf32, #tpu.memory_space<hbm>>) target(%arg18 : memref<128x128xf32, #tpu.memory_space<vmem>>) offsets(%arg10 : memref<128xi32, #tpu.memory_space<vmem>>) semaphore(%arg27 : memref<!tpu.dma_semaphore, #tpu.memory_space<semaphore_mem>>)
    %add3A_53 = arith.constant 3 : i32
    %add3A_54 = arith.addi %select_n3A, %add3A_53 : i32
    %jit3A_55 = arith.constant 4 : i32
    %div3A = arith.divsi %add3A_54, %jit3A_55 : i32
    %sign3A = arith.constant 0 : i32
    %sign3A_56 = arith.cmpi sgt, %add3A_54, %sign3A : i32
    %sign3A_57 = arith.extui %sign3A_56 : i1 to i32
    %sign3A_58 = arith.constant 0 : i32
    %sign3A_59 = arith.cmpi slt, %add3A_54, %sign3A_58 : i32
    %sign3A_60 = arith.extui %sign3A_59 : i1 to i32
    %sign3A_61 = arith.subi %sign3A_57, %sign3A_60 : i32
    %sign3A_62 = arith.constant 0 : i32
    %sign3A_63 = arith.cmpi sgt, %jit3A_55, %sign3A_62 : i32
    %sign3A_64 = arith.extui %sign3A_63 : i1 to i32
    %sign3A_65 = arith.constant 0 : i32
    %sign3A_66 = arith.cmpi slt, %jit3A_55, %sign3A_65 : i32
    %sign3A_67 = arith.extui %sign3A_66 : i1 to i32
    %sign3A_68 = arith.subi %sign3A_64, %sign3A_67 : i32
    %ne3A = arith.cmpi ne, %sign3A_61, %sign3A_68 : i32
    %rem3A = arith.remsi %add3A_54, %jit3A_55 : i32
    %ne3A_69 = arith.constant 0 : i32
    %ne3A_70 = arith.cmpi ne, %rem3A, %ne3A_69 : i32
    %and3A = arith.andi %ne3A, %ne3A_70 : i1
    %sub3A = arith.constant 1 : i32
    %sub3A_71 = arith.subi %div3A, %sub3A : i32
    %select_n3A_72 = arith.select %and3A, %sub3A_71, %div3A : i32
    %while3A = arith.constant 0 : i32
    %while3A_73 = arith.constant 0 : i32
    %while3A_74 = arith.subi %select_n3A_72, %while3A : i32
    %while3A_75 = arith.addi %while3A, %while3A_74 : i32
    %while3A_76 = arith.constant 1 : i32
    %while3A_77 = arith.divsi %while3A_74, %while3A_76 : i32
    %while3A_78 = arith.muli %while3A_77, %while3A_76 : i32
    %while3A_79 = arith.addi %while3A, %while3A_78 : i32
    %while3A_80 = arith.constant 1 : i32
    %while3A_81 = scf.for %while3A_85 = %while3A to %while3A_79 step %while3A_80 iter_args(%while3A_86 = %while3A_73) -> (i32)  : i32 {
      %mul3A_87 = arith.constant 4 : i32
      %mul3A_88 = arith.muli %mul3A_87, %while3A_85 : i32
      %add3A_89 = arith.constant 0 : i32
      %add3A_90 = arith.addi %mul3A_88, %add3A_89 : i32
      %lt3A = arith.cmpi slt, %add3A_90, %select_n3A : i32
      %convert_element_type3A = arith.extui %lt3A : i1 to i32
      %cond3A = arith.constant 0 : i32
      %cond3A_91 = arith.cmpi ne, %convert_element_type3A, %cond3A : i32
      scf.if %cond3A_91 {
        %dma_wait3A = arith.constant 0 : i32
        %dma_wait3A_117 = arith.constant 0 : i32
        %dma_wait3A_118 = tpu.memref_slice %arg2[%dma_wait3A, %dma_wait3A_117] : memref<10000x128xf32, #tpu.memory_space<hbm>> -> memref<10000x128xf32, #tpu.memory_space<hbm>>
        tpu.wait_indirect_dma semaphore(%arg26 : memref<!tpu.dma_semaphore, #tpu.memory_space<semaphore_mem>>) src(%dma_wait3A_118 : memref<10000x128xf32, #tpu.memory_space<hbm>>) dst(%arg17 : memref<128x128xf32, #tpu.memory_space<vmem>>)
        %add3A_119 = arith.addi %add3A, %add3A_90 : i32
        %lt3A_120 = arith.constant 2500 : i32
        %lt3A_121 = arith.cmpi slt, %add3A_119, %lt3A_120 : i32
        %convert_element_type3A_122 = arith.extui %lt3A_121 : i1 to i32
        %cond3A_123 = arith.constant 0 : i32
        %cond3A_124 = arith.cmpi ne, %convert_element_type3A_122, %cond3A_123 : i32
        scf.if %cond3A_124 {
          "tpu.region"() ({
            %run_scoped3A = tpu.sem_alloc : memref<!tpu.dma_semaphore, #tpu.memory_space<semaphore_mem>>
            %dma_start3A_143 = arith.constant 0 : i32
            %dma_start3A_144 = arith.constant 0 : i32
            %dma_start3A_145 = tpu.memref_slice %arg20[%dma_start3A_143, %dma_start3A_144] : memref<10016x128xf32, #tpu.memory_space<vmem_shared>> -> memref<10016x128xf32, #tpu.memory_space<vmem_shared>>
            tpu.enqueue_indirect_dma source(%arg17 : memref<128x128xf32, #tpu.memory_space<vmem>>) target(%dma_start3A_145 : memref<10016x128xf32, #tpu.memory_space<vmem_shared>>) offsets(%arg13 : memref<128xi32, #tpu.memory_space<vmem>>) semaphore(%run_scoped3A : memref<!tpu.dma_semaphore, #tpu.memory_space<semaphore_mem>>) {add = true}
            %dma_wait3A_146 = arith.constant 0 : i32
            %dma_wait3A_147 = arith.constant 0 : i32
            %dma_wait3A_148 = tpu.memref_slice %arg20[%dma_wait3A_146, %dma_wait3A_147] : memref<10016x128xf32, #tpu.memory_space<vmem_shared>> -> memref<10016x128xf32, #tpu.memory_space<vmem_shared>>
            tpu.wait_indirect_dma semaphore(%run_scoped3A : memref<!tpu.dma_semaphore, #tpu.memory_space<semaphore_mem>>) src(%arg17 : memref<128x128xf32, #tpu.memory_space<vmem>>) dst(%dma_wait3A_148 : memref<10016x128xf32, #tpu.memory_space<vmem_shared>>)
            tpu.yield
          }) : () -> ()
        } else {
        }
        %add3A_125 = arith.constant 4 : i32
        %add3A_126 = arith.addi %add3A_90, %add3A_125 : i32
        %lt3A_127 = arith.cmpi slt, %add3A_126, %select_n3A : i32
        %add3A_128 = arith.addi %add3A, %add3A_90 : i32
        %add3A_129 = arith.constant 4 : i32
        %add3A_130 = arith.addi %add3A_128, %add3A_129 : i32
        %lt3A_131 = arith.constant 2500 : i32
        %lt3A_132 = arith.cmpi slt, %add3A_130, %lt3A_131 : i32
        %and3A_133 = arith.andi %lt3A_127, %lt3A_132 : i1
        %convert_element_type3A_134 = arith.extui %and3A_133 : i1 to i32
        %cond3A_135 = arith.constant 0 : i32
        %cond3A_136 = arith.cmpi ne, %convert_element_type3A_134, %cond3A_135 : i32
        scf.if %cond3A_136 {
          %add3A_143 = arith.constant 4 : i32
          %add3A_144 = arith.addi %add3A_90, %add3A_143 : i32
          %add3A_145 = arith.addi %add3A, %add3A_144 : i32
          %dma_start3A_146 = arith.constant 0 : i32
          %dma_start3A_147 = tpu.memref_slice %arg3[%add3A_145, %dma_start3A_146] : memref<2500x128xi32, #tpu.memory_space<hbm>> -> memref<1x128xi32, #tpu.memory_space<hbm>>
          %dma_start3A_148 = tpu.memref_squeeze %dma_start3A_147 : memref<1x128xi32, #tpu.memory_space<hbm>> -> memref<128xi32, #tpu.memory_space<hbm>>
          %dma_start3A_149 = arith.constant 0 : i32
          %dma_start3A_150 = tpu.memref_slice %arg3[%add3A_145, %dma_start3A_149] : memref<2500x128xi32, #tpu.memory_space<hbm>> -> memref<1x128xi32, #tpu.memory_space<hbm>>
          %dma_start3A_151 = tpu.memref_squeeze %dma_start3A_150 : memref<1x128xi32, #tpu.memory_space<hbm>> -> memref<128xi32, #tpu.memory_space<hbm>>
          tpu.enqueue_dma source(%dma_start3A_151 : memref<128xi32, #tpu.memory_space<hbm>>) target(%arg9 : memref<128xi32, #tpu.memory_space<vmem>>) target_semaphore(%arg22 : memref<!tpu.dma_semaphore, #tpu.memory_space<semaphore_mem>>)
          %add3A_152 = arith.addi %add3A, %add3A_144 : i32
          %dma_start3A_153 = arith.constant 0 : i32
          %dma_start3A_154 = tpu.memref_slice %arg4[%add3A_152, %dma_start3A_153] : memref<2500x128xi32, #tpu.memory_space<hbm>> -> memref<1x128xi32, #tpu.memory_space<hbm>>
          %dma_start3A_155 = tpu.memref_squeeze %dma_start3A_154 : memref<1x128xi32, #tpu.memory_space<hbm>> -> memref<128xi32, #tpu.memory_space<hbm>>
          %dma_start3A_156 = arith.constant 0 : i32
          %dma_start3A_157 = tpu.memref_slice %arg4[%add3A_152, %dma_start3A_156] : memref<2500x128xi32, #tpu.memory_space<hbm>> -> memref<1x128xi32, #tpu.memory_space<hbm>>
          %dma_start3A_158 = tpu.memref_squeeze %dma_start3A_157 : memref<1x128xi32, #tpu.memory_space<hbm>> -> memref<128xi32, #tpu.memory_space<hbm>>
          tpu.enqueue_dma source(%dma_start3A_158 : memref<128xi32, #tpu.memory_space<hbm>>) target(%arg13 : memref<128xi32, #tpu.memory_space<vmem>>) target_semaphore(%arg22 : memref<!tpu.dma_semaphore, #tpu.memory_space<semaphore_mem>>)
        } else {
        }
        %add3A_137 = arith.constant 2 : i32
        %add3A_138 = arith.addi %add3A_90, %add3A_137 : i32
        %lt3A_139 = arith.cmpi slt, %add3A_138, %select_n3A : i32
        %convert_element_type3A_140 = arith.extui %lt3A_139 : i1 to i32
        %cond3A_141 = arith.constant 0 : i32
        %cond3A_142 = arith.cmpi ne, %convert_element_type3A_140, %cond3A_141 : i32
        scf.if %cond3A_142 {
          %add3A_143 = arith.addi %add3A, %add3A_90 : i32
          %add3A_144 = arith.constant 2 : i32
          %add3A_145 = arith.addi %add3A_143, %add3A_144 : i32
          %lt3A_146 = arith.constant 2500 : i32
          %lt3A_147 = arith.cmpi slt, %add3A_145, %lt3A_146 : i32
          %convert_element_type3A_148 = arith.extui %lt3A_147 : i1 to i32
          %cond3A_149 = arith.constant 0 : i32
          %cond3A_150 = arith.cmpi ne, %convert_element_type3A_148, %cond3A_149 : i32
          scf.if %cond3A_150 {
            %add3A_154 = arith.constant 2 : i32
            %add3A_155 = arith.addi %add3A_90, %add3A_154 : i32
            %add3A_156 = arith.addi %add3A, %add3A_155 : i32
            %dma_wait3A_157 = arith.constant 0 : i32
            %dma_wait3A_158 = tpu.memref_slice %arg3[%add3A_156, %dma_wait3A_157] : memref<2500x128xi32, #tpu.memory_space<hbm>> -> memref<1x128xi32, #tpu.memory_space<hbm>>
            %dma_wait3A_159 = tpu.memref_squeeze %dma_wait3A_158 : memref<1x128xi32, #tpu.memory_space<hbm>> -> memref<128xi32, #tpu.memory_space<hbm>>
            %dma_wait3A_160 = arith.constant 0 : i32
            %dma_wait3A_161 = tpu.memref_slice %arg3[%add3A_156, %dma_wait3A_160] : memref<2500x128xi32, #tpu.memory_space<hbm>> -> memref<1x128xi32, #tpu.memory_space<hbm>>
            %dma_wait3A_162 = tpu.memref_squeeze %dma_wait3A_161 : memref<1x128xi32, #tpu.memory_space<hbm>> -> memref<128xi32, #tpu.memory_space<hbm>>
            tpu.wait_dma2 semaphore(%arg24 : memref<!tpu.dma_semaphore, #tpu.memory_space<semaphore_mem>>) src(%dma_wait3A_162 : memref<128xi32, #tpu.memory_space<hbm>>) dst(%arg11 : memref<128xi32, #tpu.memory_space<vmem>>)
            %add3A_163 = arith.addi %add3A, %add3A_155 : i32
            %dma_wait3A_164 = arith.constant 0 : i32
            %dma_wait3A_165 = tpu.memref_slice %arg4[%add3A_163, %dma_wait3A_164] : memref<2500x128xi32, #tpu.memory_space<hbm>> -> memref<1x128xi32, #tpu.memory_space<hbm>>
            %dma_wait3A_166 = tpu.memref_squeeze %dma_wait3A_165 : memref<1x128xi32, #tpu.memory_space<hbm>> -> memref<128xi32, #tpu.memory_space<hbm>>
            %dma_wait3A_167 = arith.constant 0 : i32
            %dma_wait3A_168 = tpu.memref_slice %arg4[%add3A_163, %dma_wait3A_167] : memref<2500x128xi32, #tpu.memory_space<hbm>> -> memref<1x128xi32, #tpu.memory_space<hbm>>
            %dma_wait3A_169 = tpu.memref_squeeze %dma_wait3A_168 : memref<1x128xi32, #tpu.memory_space<hbm>> -> memref<128xi32, #tpu.memory_space<hbm>>
            tpu.wait_dma2 semaphore(%arg24 : memref<!tpu.dma_semaphore, #tpu.memory_space<semaphore_mem>>) src(%dma_wait3A_169 : memref<128xi32, #tpu.memory_space<hbm>>) dst(%arg15 : memref<128xi32, #tpu.memory_space<vmem>>)
          } else {
          }
          %dma_start3A_151 = arith.constant 0 : i32
          %dma_start3A_152 = arith.constant 0 : i32
          %dma_start3A_153 = tpu.memref_slice %arg2[%dma_start3A_151, %dma_start3A_152] : memref<10000x128xf32, #tpu.memory_space<hbm>> -> memref<10000x128xf32, #tpu.memory_space<hbm>>
          tpu.enqueue_indirect_dma source(%dma_start3A_153 : memref<10000x128xf32, #tpu.memory_space<hbm>>) target(%arg17 : memref<128x128xf32, #tpu.memory_space<vmem>>) offsets(%arg11 : memref<128xi32, #tpu.memory_space<vmem>>) semaphore(%arg26 : memref<!tpu.dma_semaphore, #tpu.memory_space<semaphore_mem>>)
        } else {
        }
      } else {
      }
      %mul3A_92 = arith.constant 4 : i32
      %mul3A_93 = arith.muli %mul3A_92, %while3A_85 : i32
      %add3A_94 = arith.constant 1 : i32
      %add3A_95 = arith.addi %mul3A_93, %add3A_94 : i32
      %lt3A_96 = arith.cmpi slt, %add3A_95, %select_n3A : i32
      %convert_element_type3A_97 = arith.extui %lt3A_96 : i1 to i32
      %cond3A_98 = arith.constant 0 : i32
      %cond3A_99 = arith.cmpi ne, %convert_element_type3A_97, %cond3A_98 : i32
      scf.if %cond3A_99 {
        %dma_wait3A = arith.constant 0 : i32
        %dma_wait3A_117 = arith.constant 0 : i32
        %dma_wait3A_118 = tpu.memref_slice %arg2[%dma_wait3A, %dma_wait3A_117] : memref<10000x128xf32, #tpu.memory_space<hbm>> -> memref<10000x128xf32, #tpu.memory_space<hbm>>
        tpu.wait_indirect_dma semaphore(%arg27 : memref<!tpu.dma_semaphore, #tpu.memory_space<semaphore_mem>>) src(%dma_wait3A_118 : memref<10000x128xf32, #tpu.memory_space<hbm>>) dst(%arg18 : memref<128x128xf32, #tpu.memory_space<vmem>>)
        %add3A_119 = arith.addi %add3A, %add3A_95 : i32
        %lt3A_120 = arith.constant 2500 : i32
        %lt3A_121 = arith.cmpi slt, %add3A_119, %lt3A_120 : i32
        %convert_element_type3A_122 = arith.extui %lt3A_121 : i1 to i32
        %cond3A_123 = arith.constant 0 : i32
        %cond3A_124 = arith.cmpi ne, %convert_element_type3A_122, %cond3A_123 : i32
        scf.if %cond3A_124 {
          "tpu.region"() ({
            %run_scoped3A = tpu.sem_alloc : memref<!tpu.dma_semaphore, #tpu.memory_space<semaphore_mem>>
            %dma_start3A_143 = arith.constant 0 : i32
            %dma_start3A_144 = arith.constant 0 : i32
            %dma_start3A_145 = tpu.memref_slice %arg20[%dma_start3A_143, %dma_start3A_144] : memref<10016x128xf32, #tpu.memory_space<vmem_shared>> -> memref<10016x128xf32, #tpu.memory_space<vmem_shared>>
            tpu.enqueue_indirect_dma source(%arg18 : memref<128x128xf32, #tpu.memory_space<vmem>>) target(%dma_start3A_145 : memref<10016x128xf32, #tpu.memory_space<vmem_shared>>) offsets(%arg14 : memref<128xi32, #tpu.memory_space<vmem>>) semaphore(%run_scoped3A : memref<!tpu.dma_semaphore, #tpu.memory_space<semaphore_mem>>) {add = true}
            %dma_wait3A_146 = arith.constant 0 : i32
            %dma_wait3A_147 = arith.constant 0 : i32
            %dma_wait3A_148 = tpu.memref_slice %arg20[%dma_wait3A_146, %dma_wait3A_147] : memref<10016x128xf32, #tpu.memory_space<vmem_shared>> -> memref<10016x128xf32, #tpu.memory_space<vmem_shared>>
            tpu.wait_indirect_dma semaphore(%run_scoped3A : memref<!tpu.dma_semaphore, #tpu.memory_space<semaphore_mem>>) src(%arg18 : memref<128x128xf32, #tpu.memory_space<vmem>>) dst(%dma_wait3A_148 : memref<10016x128xf32, #tpu.memory_space<vmem_shared>>)
            tpu.yield
          }) : () -> ()
        } else {
        }
        %add3A_125 = arith.constant 4 : i32
        %add3A_126 = arith.addi %add3A_95, %add3A_125 : i32
        %lt3A_127 = arith.cmpi slt, %add3A_126, %select_n3A : i32
        %add3A_128 = arith.addi %add3A, %add3A_95 : i32
        %add3A_129 = arith.constant 4 : i32
        %add3A_130 = arith.addi %add3A_128, %add3A_129 : i32
        %lt3A_131 = arith.constant 2500 : i32
        %lt3A_132 = arith.cmpi slt, %add3A_130, %lt3A_131 : i32
        %and3A_133 = arith.andi %lt3A_127, %lt3A_132 : i1
        %convert_element_type3A_134 = arith.extui %and3A_133 : i1 to i32
        %cond3A_135 = arith.constant 0 : i32
        %cond3A_136 = arith.cmpi ne, %convert_element_type3A_134, %cond3A_135 : i32
        scf.if %cond3A_136 {
          %add3A_143 = arith.constant 4 : i32
          %add3A_144 = arith.addi %add3A_95, %add3A_143 : i32
          %add3A_145 = arith.addi %add3A, %add3A_144 : i32
          %dma_start3A_146 = arith.constant 0 : i32
          %dma_start3A_147 = tpu.memref_slice %arg3[%add3A_145, %dma_start3A_146] : memref<2500x128xi32, #tpu.memory_space<hbm>> -> memref<1x128xi32, #tpu.memory_space<hbm>>
          %dma_start3A_148 = tpu.memref_squeeze %dma_start3A_147 : memref<1x128xi32, #tpu.memory_space<hbm>> -> memref<128xi32, #tpu.memory_space<hbm>>
          %dma_start3A_149 = arith.constant 0 : i32
          %dma_start3A_150 = tpu.memref_slice %arg3[%add3A_145, %dma_start3A_149] : memref<2500x128xi32, #tpu.memory_space<hbm>> -> memref<1x128xi32, #tpu.memory_space<hbm>>
          %dma_start3A_151 = tpu.memref_squeeze %dma_start3A_150 : memref<1x128xi32, #tpu.memory_space<hbm>> -> memref<128xi32, #tpu.memory_space<hbm>>
          tpu.enqueue_dma source(%dma_start3A_151 : memref<128xi32, #tpu.memory_space<hbm>>) target(%arg10 : memref<128xi32, #tpu.memory_space<vmem>>) target_semaphore(%arg23 : memref<!tpu.dma_semaphore, #tpu.memory_space<semaphore_mem>>)
          %add3A_152 = arith.addi %add3A, %add3A_144 : i32
          %dma_start3A_153 = arith.constant 0 : i32
          %dma_start3A_154 = tpu.memref_slice %arg4[%add3A_152, %dma_start3A_153] : memref<2500x128xi32, #tpu.memory_space<hbm>> -> memref<1x128xi32, #tpu.memory_space<hbm>>
          %dma_start3A_155 = tpu.memref_squeeze %dma_start3A_154 : memref<1x128xi32, #tpu.memory_space<hbm>> -> memref<128xi32, #tpu.memory_space<hbm>>
          %dma_start3A_156 = arith.constant 0 : i32
          %dma_start3A_157 = tpu.memref_slice %arg4[%add3A_152, %dma_start3A_156] : memref<2500x128xi32, #tpu.memory_space<hbm>> -> memref<1x128xi32, #tpu.memory_space<hbm>>
          %dma_start3A_158 = tpu.memref_squeeze %dma_start3A_157 : memref<1x128xi32, #tpu.memory_space<hbm>> -> memref<128xi32, #tpu.memory_space<hbm>>
          tpu.enqueue_dma source(%dma_start3A_158 : memref<128xi32, #tpu.memory_space<hbm>>) target(%arg14 : memref<128xi32, #tpu.memory_space<vmem>>) target_semaphore(%arg23 : memref<!tpu.dma_semaphore, #tpu.memory_space<semaphore_mem>>)
        } else {
        }
        %add3A_137 = arith.constant 2 : i32
        %add3A_138 = arith.addi %add3A_95, %add3A_137 : i32
        %lt3A_139 = arith.cmpi slt, %add3A_138, %select_n3A : i32
        %convert_element_type3A_140 = arith.extui %lt3A_139 : i1 to i32
        %cond3A_141 = arith.constant 0 : i32
        %cond3A_142 = arith.cmpi ne, %convert_element_type3A_140, %cond3A_141 : i32
        scf.if %cond3A_142 {
          %add3A_143 = arith.addi %add3A, %add3A_95 : i32
          %add3A_144 = arith.constant 2 : i32
          %add3A_145 = arith.addi %add3A_143, %add3A_144 : i32
          %lt3A_146 = arith.constant 2500 : i32
          %lt3A_147 = arith.cmpi slt, %add3A_145, %lt3A_146 : i32
          %convert_element_type3A_148 = arith.extui %lt3A_147 : i1 to i32
          %cond3A_149 = arith.constant 0 : i32
          %cond3A_150 = arith.cmpi ne, %convert_element_type3A_148, %cond3A_149 : i32
          scf.if %cond3A_150 {
            %add3A_154 = arith.constant 2 : i32
            %add3A_155 = arith.addi %add3A_95, %add3A_154 : i32
            %add3A_156 = arith.addi %add3A, %add3A_155 : i32
            %dma_wait3A_157 = arith.constant 0 : i32
            %dma_wait3A_158 = tpu.memref_slice %arg3[%add3A_156, %dma_wait3A_157] : memref<2500x128xi32, #tpu.memory_space<hbm>> -> memref<1x128xi32, #tpu.memory_space<hbm>>
            %dma_wait3A_159 = tpu.memref_squeeze %dma_wait3A_158 : memref<1x128xi32, #tpu.memory_space<hbm>> -> memref<128xi32, #tpu.memory_space<hbm>>
            %dma_wait3A_160 = arith.constant 0 : i32
            %dma_wait3A_161 = tpu.memref_slice %arg3[%add3A_156, %dma_wait3A_160] : memref<2500x128xi32, #tpu.memory_space<hbm>> -> memref<1x128xi32, #tpu.memory_space<hbm>>
            %dma_wait3A_162 = tpu.memref_squeeze %dma_wait3A_161 : memref<1x128xi32, #tpu.memory_space<hbm>> -> memref<128xi32, #tpu.memory_space<hbm>>
            tpu.wait_dma2 semaphore(%arg25 : memref<!tpu.dma_semaphore, #tpu.memory_space<semaphore_mem>>) src(%dma_wait3A_162 : memref<128xi32, #tpu.memory_space<hbm>>) dst(%arg12 : memref<128xi32, #tpu.memory_space<vmem>>)
            %add3A_163 = arith.addi %add3A, %add3A_155 : i32
            %dma_wait3A_164 = arith.constant 0 : i32
            %dma_wait3A_165 = tpu.memref_slice %arg4[%add3A_163, %dma_wait3A_164] : memref<2500x128xi32, #tpu.memory_space<hbm>> -> memref<1x128xi32, #tpu.memory_space<hbm>>
            %dma_wait3A_166 = tpu.memref_squeeze %dma_wait3A_165 : memref<1x128xi32, #tpu.memory_space<hbm>> -> memref<128xi32, #tpu.memory_space<hbm>>
            %dma_wait3A_167 = arith.constant 0 : i32
            %dma_wait3A_168 = tpu.memref_slice %arg4[%add3A_163, %dma_wait3A_167] : memref<2500x128xi32, #tpu.memory_space<hbm>> -> memref<1x128xi32, #tpu.memory_space<hbm>>
            %dma_wait3A_169 = tpu.memref_squeeze %dma_wait3A_168 : memref<1x128xi32, #tpu.memory_space<hbm>> -> memref<128xi32, #tpu.memory_space<hbm>>
            tpu.wait_dma2 semaphore(%arg25 : memref<!tpu.dma_semaphore, #tpu.memory_space<semaphore_mem>>) src(%dma_wait3A_169 : memref<128xi32, #tpu.memory_space<hbm>>) dst(%arg16 : memref<128xi32, #tpu.memory_space<vmem>>)
          } else {
          }
          %dma_start3A_151 = arith.constant 0 : i32
          %dma_start3A_152 = arith.constant 0 : i32
          %dma_start3A_153 = tpu.memref_slice %arg2[%dma_start3A_151, %dma_start3A_152] : memref<10000x128xf32, #tpu.memory_space<hbm>> -> memref<10000x128xf32, #tpu.memory_space<hbm>>
          tpu.enqueue_indirect_dma source(%dma_start3A_153 : memref<10000x128xf32, #tpu.memory_space<hbm>>) target(%arg18 : memref<128x128xf32, #tpu.memory_space<vmem>>) offsets(%arg12 : memref<128xi32, #tpu.memory_space<vmem>>) semaphore(%arg27 : memref<!tpu.dma_semaphore, #tpu.memory_space<semaphore_mem>>)
        } else {
        }
      } else {
      }
      %mul3A_100 = arith.constant 4 : i32
      %mul3A_101 = arith.muli %mul3A_100, %while3A_85 : i32
      %add3A_102 = arith.constant 2 : i32
      %add3A_103 = arith.addi %mul3A_101, %add3A_102 : i32
      %lt3A_104 = arith.cmpi slt, %add3A_103, %select_n3A : i32
      %convert_element_type3A_105 = arith.extui %lt3A_104 : i1 to i32
      %cond3A_106 = arith.constant 0 : i32
      %cond3A_107 = arith.cmpi ne, %convert_element_type3A_105, %cond3A_106 : i32
      scf.if %cond3A_107 {
        %dma_wait3A = arith.constant 0 : i32
        %dma_wait3A_117 = arith.constant 0 : i32
        %dma_wait3A_118 = tpu.memref_slice %arg2[%dma_wait3A, %dma_wait3A_117] : memref<10000x128xf32, #tpu.memory_space<hbm>> -> memref<10000x128xf32, #tpu.memory_space<hbm>>
        tpu.wait_indirect_dma semaphore(%arg26 : memref<!tpu.dma_semaphore, #tpu.memory_space<semaphore_mem>>) src(%dma_wait3A_118 : memref<10000x128xf32, #tpu.memory_space<hbm>>) dst(%arg17 : memref<128x128xf32, #tpu.memory_space<vmem>>)
        %add3A_119 = arith.addi %add3A, %add3A_103 : i32
        %lt3A_120 = arith.constant 2500 : i32
        %lt3A_121 = arith.cmpi slt, %add3A_119, %lt3A_120 : i32
        %convert_element_type3A_122 = arith.extui %lt3A_121 : i1 to i32
        %cond3A_123 = arith.constant 0 : i32
        %cond3A_124 = arith.cmpi ne, %convert_element_type3A_122, %cond3A_123 : i32
        scf.if %cond3A_124 {
          "tpu.region"() ({
            %run_scoped3A = tpu.sem_alloc : memref<!tpu.dma_semaphore, #tpu.memory_space<semaphore_mem>>
            %dma_start3A_143 = arith.constant 0 : i32
            %dma_start3A_144 = arith.constant 0 : i32
            %dma_start3A_145 = tpu.memref_slice %arg20[%dma_start3A_143, %dma_start3A_144] : memref<10016x128xf32, #tpu.memory_space<vmem_shared>> -> memref<10016x128xf32, #tpu.memory_space<vmem_shared>>
            tpu.enqueue_indirect_dma source(%arg17 : memref<128x128xf32, #tpu.memory_space<vmem>>) target(%dma_start3A_145 : memref<10016x128xf32, #tpu.memory_space<vmem_shared>>) offsets(%arg15 : memref<128xi32, #tpu.memory_space<vmem>>) semaphore(%run_scoped3A : memref<!tpu.dma_semaphore, #tpu.memory_space<semaphore_mem>>) {add = true}
            %dma_wait3A_146 = arith.constant 0 : i32
            %dma_wait3A_147 = arith.constant 0 : i32
            %dma_wait3A_148 = tpu.memref_slice %arg20[%dma_wait3A_146, %dma_wait3A_147] : memref<10016x128xf32, #tpu.memory_space<vmem_shared>> -> memref<10016x128xf32, #tpu.memory_space<vmem_shared>>
            tpu.wait_indirect_dma semaphore(%run_scoped3A : memref<!tpu.dma_semaphore, #tpu.memory_space<semaphore_mem>>) src(%arg17 : memref<128x128xf32, #tpu.memory_space<vmem>>) dst(%dma_wait3A_148 : memref<10016x128xf32, #tpu.memory_space<vmem_shared>>)
            tpu.yield
          }) : () -> ()
        } else {
        }
        %add3A_125 = arith.constant 4 : i32
        %add3A_126 = arith.addi %add3A_103, %add3A_125 : i32
        %lt3A_127 = arith.cmpi slt, %add3A_126, %select_n3A : i32
        %add3A_128 = arith.addi %add3A, %add3A_103 : i32
        %add3A_129 = arith.constant 4 : i32
        %add3A_130 = arith.addi %add3A_128, %add3A_129 : i32
        %lt3A_131 = arith.constant 2500 : i32
        %lt3A_132 = arith.cmpi slt, %add3A_130, %lt3A_131 : i32
        %and3A_133 = arith.andi %lt3A_127, %lt3A_132 : i1
        %convert_element_type3A_134 = arith.extui %and3A_133 : i1 to i32
        %cond3A_135 = arith.constant 0 : i32
        %cond3A_136 = arith.cmpi ne, %convert_element_type3A_134, %cond3A_135 : i32
        scf.if %cond3A_136 {
          %add3A_143 = arith.constant 4 : i32
          %add3A_144 = arith.addi %add3A_103, %add3A_143 : i32
          %add3A_145 = arith.addi %add3A, %add3A_144 : i32
          %dma_start3A_146 = arith.constant 0 : i32
          %dma_start3A_147 = tpu.memref_slice %arg3[%add3A_145, %dma_start3A_146] : memref<2500x128xi32, #tpu.memory_space<hbm>> -> memref<1x128xi32, #tpu.memory_space<hbm>>
          %dma_start3A_148 = tpu.memref_squeeze %dma_start3A_147 : memref<1x128xi32, #tpu.memory_space<hbm>> -> memref<128xi32, #tpu.memory_space<hbm>>
          %dma_start3A_149 = arith.constant 0 : i32
          %dma_start3A_150 = tpu.memref_slice %arg3[%add3A_145, %dma_start3A_149] : memref<2500x128xi32, #tpu.memory_space<hbm>> -> memref<1x128xi32, #tpu.memory_space<hbm>>
          %dma_start3A_151 = tpu.memref_squeeze %dma_start3A_150 : memref<1x128xi32, #tpu.memory_space<hbm>> -> memref<128xi32, #tpu.memory_space<hbm>>
          tpu.enqueue_dma source(%dma_start3A_151 : memref<128xi32, #tpu.memory_space<hbm>>) target(%arg11 : memref<128xi32, #tpu.memory_space<vmem>>) target_semaphore(%arg24 : memref<!tpu.dma_semaphore, #tpu.memory_space<semaphore_mem>>)
          %add3A_152 = arith.addi %add3A, %add3A_144 : i32
          %dma_start3A_153 = arith.constant 0 : i32
          %dma_start3A_154 = tpu.memref_slice %arg4[%add3A_152, %dma_start3A_153] : memref<2500x128xi32, #tpu.memory_space<hbm>> -> memref<1x128xi32, #tpu.memory_space<hbm>>
          %dma_start3A_155 = tpu.memref_squeeze %dma_start3A_154 : memref<1x128xi32, #tpu.memory_space<hbm>> -> memref<128xi32, #tpu.memory_space<hbm>>
          %dma_start3A_156 = arith.constant 0 : i32
          %dma_start3A_157 = tpu.memref_slice %arg4[%add3A_152, %dma_start3A_156] : memref<2500x128xi32, #tpu.memory_space<hbm>> -> memref<1x128xi32, #tpu.memory_space<hbm>>
          %dma_start3A_158 = tpu.memref_squeeze %dma_start3A_157 : memref<1x128xi32, #tpu.memory_space<hbm>> -> memref<128xi32, #tpu.memory_space<hbm>>
          tpu.enqueue_dma source(%dma_start3A_158 : memref<128xi32, #tpu.memory_space<hbm>>) target(%arg15 : memref<128xi32, #tpu.memory_space<vmem>>) target_semaphore(%arg24 : memref<!tpu.dma_semaphore, #tpu.memory_space<semaphore_mem>>)
        } else {
        }
        %add3A_137 = arith.constant 2 : i32
        %add3A_138 = arith.addi %add3A_103, %add3A_137 : i32
        %lt3A_139 = arith.cmpi slt, %add3A_138, %select_n3A : i32
        %convert_element_type3A_140 = arith.extui %lt3A_139 : i1 to i32
        %cond3A_141 = arith.constant 0 : i32
        %cond3A_142 = arith.cmpi ne, %convert_element_type3A_140, %cond3A_141 : i32
        scf.if %cond3A_142 {
          %add3A_143 = arith.addi %add3A, %add3A_103 : i32
          %add3A_144 = arith.constant 2 : i32
          %add3A_145 = arith.addi %add3A_143, %add3A_144 : i32
          %lt3A_146 = arith.constant 2500 : i32
          %lt3A_147 = arith.cmpi slt, %add3A_145, %lt3A_146 : i32
          %convert_element_type3A_148 = arith.extui %lt3A_147 : i1 to i32
          %cond3A_149 = arith.constant 0 : i32
          %cond3A_150 = arith.cmpi ne, %convert_element_type3A_148, %cond3A_149 : i32
          scf.if %cond3A_150 {
            %add3A_154 = arith.constant 2 : i32
            %add3A_155 = arith.addi %add3A_103, %add3A_154 : i32
            %add3A_156 = arith.addi %add3A, %add3A_155 : i32
            %dma_wait3A_157 = arith.constant 0 : i32
            %dma_wait3A_158 = tpu.memref_slice %arg3[%add3A_156, %dma_wait3A_157] : memref<2500x128xi32, #tpu.memory_space<hbm>> -> memref<1x128xi32, #tpu.memory_space<hbm>>
            %dma_wait3A_159 = tpu.memref_squeeze %dma_wait3A_158 : memref<1x128xi32, #tpu.memory_space<hbm>> -> memref<128xi32, #tpu.memory_space<hbm>>
            %dma_wait3A_160 = arith.constant 0 : i32
            %dma_wait3A_161 = tpu.memref_slice %arg3[%add3A_156, %dma_wait3A_160] : memref<2500x128xi32, #tpu.memory_space<hbm>> -> memref<1x128xi32, #tpu.memory_space<hbm>>
            %dma_wait3A_162 = tpu.memref_squeeze %dma_wait3A_161 : memref<1x128xi32, #tpu.memory_space<hbm>> -> memref<128xi32, #tpu.memory_space<hbm>>
            tpu.wait_dma2 semaphore(%arg22 : memref<!tpu.dma_semaphore, #tpu.memory_space<semaphore_mem>>) src(%dma_wait3A_162 : memref<128xi32, #tpu.memory_space<hbm>>) dst(%arg9 : memref<128xi32, #tpu.memory_space<vmem>>)
            %add3A_163 = arith.addi %add3A, %add3A_155 : i32
            %dma_wait3A_164 = arith.constant 0 : i32
            %dma_wait3A_165 = tpu.memref_slice %arg4[%add3A_163, %dma_wait3A_164] : memref<2500x128xi32, #tpu.memory_space<hbm>> -> memref<1x128xi32, #tpu.memory_space<hbm>>
            %dma_wait3A_166 = tpu.memref_squeeze %dma_wait3A_165 : memref<1x128xi32, #tpu.memory_space<hbm>> -> memref<128xi32, #tpu.memory_space<hbm>>
            %dma_wait3A_167 = arith.constant 0 : i32
            %dma_wait3A_168 = tpu.memref_slice %arg4[%add3A_163, %dma_wait3A_167] : memref<2500x128xi32, #tpu.memory_space<hbm>> -> memref<1x128xi32, #tpu.memory_space<hbm>>
            %dma_wait3A_169 = tpu.memref_squeeze %dma_wait3A_168 : memref<1x128xi32, #tpu.memory_space<hbm>> -> memref<128xi32, #tpu.memory_space<hbm>>
            tpu.wait_dma2 semaphore(%arg22 : memref<!tpu.dma_semaphore, #tpu.memory_space<semaphore_mem>>) src(%dma_wait3A_169 : memref<128xi32, #tpu.memory_space<hbm>>) dst(%arg13 : memref<128xi32, #tpu.memory_space<vmem>>)
          } else {
          }
          %dma_start3A_151 = arith.constant 0 : i32
          %dma_start3A_152 = arith.constant 0 : i32
          %dma_start3A_153 = tpu.memref_slice %arg2[%dma_start3A_151, %dma_start3A_152] : memref<10000x128xf32, #tpu.memory_space<hbm>> -> memref<10000x128xf32, #tpu.memory_space<hbm>>
          tpu.enqueue_indirect_dma source(%dma_start3A_153 : memref<10000x128xf32, #tpu.memory_space<hbm>>) target(%arg17 : memref<128x128xf32, #tpu.memory_space<vmem>>) offsets(%arg9 : memref<128xi32, #tpu.memory_space<vmem>>) semaphore(%arg26 : memref<!tpu.dma_semaphore, #tpu.memory_space<semaphore_mem>>)
        } else {
        }
      } else {
      }
      %mul3A_108 = arith.constant 4 : i32
      %mul3A_109 = arith.muli %mul3A_108, %while3A_85 : i32
      %add3A_110 = arith.constant 3 : i32
      %add3A_111 = arith.addi %mul3A_109, %add3A_110 : i32
      %lt3A_112 = arith.cmpi slt, %add3A_111, %select_n3A : i32
      %convert_element_type3A_113 = arith.extui %lt3A_112 : i1 to i32
      %cond3A_114 = arith.constant 0 : i32
      %cond3A_115 = arith.cmpi ne, %convert_element_type3A_113, %cond3A_114 : i32
      scf.if %cond3A_115 {
        %dma_wait3A = arith.constant 0 : i32
        %dma_wait3A_117 = arith.constant 0 : i32
        %dma_wait3A_118 = tpu.memref_slice %arg2[%dma_wait3A, %dma_wait3A_117] : memref<10000x128xf32, #tpu.memory_space<hbm>> -> memref<10000x128xf32, #tpu.memory_space<hbm>>
        tpu.wait_indirect_dma semaphore(%arg27 : memref<!tpu.dma_semaphore, #tpu.memory_space<semaphore_mem>>) src(%dma_wait3A_118 : memref<10000x128xf32, #tpu.memory_space<hbm>>) dst(%arg18 : memref<128x128xf32, #tpu.memory_space<vmem>>)
        %add3A_119 = arith.addi %add3A, %add3A_111 : i32
        %lt3A_120 = arith.constant 2500 : i32
        %lt3A_121 = arith.cmpi slt, %add3A_119, %lt3A_120 : i32
        %convert_element_type3A_122 = arith.extui %lt3A_121 : i1 to i32
        %cond3A_123 = arith.constant 0 : i32
        %cond3A_124 = arith.cmpi ne, %convert_element_type3A_122, %cond3A_123 : i32
        scf.if %cond3A_124 {
          "tpu.region"() ({
            %run_scoped3A = tpu.sem_alloc : memref<!tpu.dma_semaphore, #tpu.memory_space<semaphore_mem>>
            %dma_start3A_143 = arith.constant 0 : i32
            %dma_start3A_144 = arith.constant 0 : i32
            %dma_start3A_145 = tpu.memref_slice %arg20[%dma_start3A_143, %dma_start3A_144] : memref<10016x128xf32, #tpu.memory_space<vmem_shared>> -> memref<10016x128xf32, #tpu.memory_space<vmem_shared>>
            tpu.enqueue_indirect_dma source(%arg18 : memref<128x128xf32, #tpu.memory_space<vmem>>) target(%dma_start3A_145 : memref<10016x128xf32, #tpu.memory_space<vmem_shared>>) offsets(%arg16 : memref<128xi32, #tpu.memory_space<vmem>>) semaphore(%run_scoped3A : memref<!tpu.dma_semaphore, #tpu.memory_space<semaphore_mem>>) {add = true}
            %dma_wait3A_146 = arith.constant 0 : i32
            %dma_wait3A_147 = arith.constant 0 : i32
            %dma_wait3A_148 = tpu.memref_slice %arg20[%dma_wait3A_146, %dma_wait3A_147] : memref<10016x128xf32, #tpu.memory_space<vmem_shared>> -> memref<10016x128xf32, #tpu.memory_space<vmem_shared>>
            tpu.wait_indirect_dma semaphore(%run_scoped3A : memref<!tpu.dma_semaphore, #tpu.memory_space<semaphore_mem>>) src(%arg18 : memref<128x128xf32, #tpu.memory_space<vmem>>) dst(%dma_wait3A_148 : memref<10016x128xf32, #tpu.memory_space<vmem_shared>>)
            tpu.yield
          }) : () -> ()
        } else {
        }
        %add3A_125 = arith.constant 4 : i32
        %add3A_126 = arith.addi %add3A_111, %add3A_125 : i32
        %lt3A_127 = arith.cmpi slt, %add3A_126, %select_n3A : i32
        %add3A_128 = arith.addi %add3A, %add3A_111 : i32
        %add3A_129 = arith.constant 4 : i32
        %add3A_130 = arith.addi %add3A_128, %add3A_129 : i32
        %lt3A_131 = arith.constant 2500 : i32
        %lt3A_132 = arith.cmpi slt, %add3A_130, %lt3A_131 : i32
        %and3A_133 = arith.andi %lt3A_127, %lt3A_132 : i1
        %convert_element_type3A_134 = arith.extui %and3A_133 : i1 to i32
        %cond3A_135 = arith.constant 0 : i32
        %cond3A_136 = arith.cmpi ne, %convert_element_type3A_134, %cond3A_135 : i32
        scf.if %cond3A_136 {
          %add3A_143 = arith.constant 4 : i32
          %add3A_144 = arith.addi %add3A_111, %add3A_143 : i32
          %add3A_145 = arith.addi %add3A, %add3A_144 : i32
          %dma_start3A_146 = arith.constant 0 : i32
          %dma_start3A_147 = tpu.memref_slice %arg3[%add3A_145, %dma_start3A_146] : memref<2500x128xi32, #tpu.memory_space<hbm>> -> memref<1x128xi32, #tpu.memory_space<hbm>>
          %dma_start3A_148 = tpu.memref_squeeze %dma_start3A_147 : memref<1x128xi32, #tpu.memory_space<hbm>> -> memref<128xi32, #tpu.memory_space<hbm>>
          %dma_start3A_149 = arith.constant 0 : i32
          %dma_start3A_150 = tpu.memref_slice %arg3[%add3A_145, %dma_start3A_149] : memref<2500x128xi32, #tpu.memory_space<hbm>> -> memref<1x128xi32, #tpu.memory_space<hbm>>
          %dma_start3A_151 = tpu.memref_squeeze %dma_start3A_150 : memref<1x128xi32, #tpu.memory_space<hbm>> -> memref<128xi32, #tpu.memory_space<hbm>>
          tpu.enqueue_dma source(%dma_start3A_151 : memref<128xi32, #tpu.memory_space<hbm>>) target(%arg12 : memref<128xi32, #tpu.memory_space<vmem>>) target_semaphore(%arg25 : memref<!tpu.dma_semaphore, #tpu.memory_space<semaphore_mem>>)
          %add3A_152 = arith.addi %add3A, %add3A_144 : i32
          %dma_start3A_153 = arith.constant 0 : i32
          %dma_start3A_154 = tpu.memref_slice %arg4[%add3A_152, %dma_start3A_153] : memref<2500x128xi32, #tpu.memory_space<hbm>> -> memref<1x128xi32, #tpu.memory_space<hbm>>
          %dma_start3A_155 = tpu.memref_squeeze %dma_start3A_154 : memref<1x128xi32, #tpu.memory_space<hbm>> -> memref<128xi32, #tpu.memory_space<hbm>>
          %dma_start3A_156 = arith.constant 0 : i32
          %dma_start3A_157 = tpu.memref_slice %arg4[%add3A_152, %dma_start3A_156] : memref<2500x128xi32, #tpu.memory_space<hbm>> -> memref<1x128xi32, #tpu.memory_space<hbm>>
          %dma_start3A_158 = tpu.memref_squeeze %dma_start3A_157 : memref<1x128xi32, #tpu.memory_space<hbm>> -> memref<128xi32, #tpu.memory_space<hbm>>
          tpu.enqueue_dma source(%dma_start3A_158 : memref<128xi32, #tpu.memory_space<hbm>>) target(%arg16 : memref<128xi32, #tpu.memory_space<vmem>>) target_semaphore(%arg25 : memref<!tpu.dma_semaphore, #tpu.memory_space<semaphore_mem>>)
        } else {
        }
        %add3A_137 = arith.constant 2 : i32
        %add3A_138 = arith.addi %add3A_111, %add3A_137 : i32
        %lt3A_139 = arith.cmpi slt, %add3A_138, %select_n3A : i32
        %convert_element_type3A_140 = arith.extui %lt3A_139 : i1 to i32
        %cond3A_141 = arith.constant 0 : i32
        %cond3A_142 = arith.cmpi ne, %convert_element_type3A_140, %cond3A_141 : i32
        scf.if %cond3A_142 {
          %add3A_143 = arith.addi %add3A, %add3A_111 : i32
          %add3A_144 = arith.constant 2 : i32
          %add3A_145 = arith.addi %add3A_143, %add3A_144 : i32
          %lt3A_146 = arith.constant 2500 : i32
          %lt3A_147 = arith.cmpi slt, %add3A_145, %lt3A_146 : i32
          %convert_element_type3A_148 = arith.extui %lt3A_147 : i1 to i32
          %cond3A_149 = arith.constant 0 : i32
          %cond3A_150 = arith.cmpi ne, %convert_element_type3A_148, %cond3A_149 : i32
          scf.if %cond3A_150 {
            %add3A_154 = arith.constant 2 : i32
            %add3A_155 = arith.addi %add3A_111, %add3A_154 : i32
            %add3A_156 = arith.addi %add3A, %add3A_155 : i32
            %dma_wait3A_157 = arith.constant 0 : i32
            %dma_wait3A_158 = tpu.memref_slice %arg3[%add3A_156, %dma_wait3A_157] : memref<2500x128xi32, #tpu.memory_space<hbm>> -> memref<1x128xi32, #tpu.memory_space<hbm>>
            %dma_wait3A_159 = tpu.memref_squeeze %dma_wait3A_158 : memref<1x128xi32, #tpu.memory_space<hbm>> -> memref<128xi32, #tpu.memory_space<hbm>>
            %dma_wait3A_160 = arith.constant 0 : i32
            %dma_wait3A_161 = tpu.memref_slice %arg3[%add3A_156, %dma_wait3A_160] : memref<2500x128xi32, #tpu.memory_space<hbm>> -> memref<1x128xi32, #tpu.memory_space<hbm>>
            %dma_wait3A_162 = tpu.memref_squeeze %dma_wait3A_161 : memref<1x128xi32, #tpu.memory_space<hbm>> -> memref<128xi32, #tpu.memory_space<hbm>>
            tpu.wait_dma2 semaphore(%arg23 : memref<!tpu.dma_semaphore, #tpu.memory_space<semaphore_mem>>) src(%dma_wait3A_162 : memref<128xi32, #tpu.memory_space<hbm>>) dst(%arg10 : memref<128xi32, #tpu.memory_space<vmem>>)
            %add3A_163 = arith.addi %add3A, %add3A_155 : i32
            %dma_wait3A_164 = arith.constant 0 : i32
            %dma_wait3A_165 = tpu.memref_slice %arg4[%add3A_163, %dma_wait3A_164] : memref<2500x128xi32, #tpu.memory_space<hbm>> -> memref<1x128xi32, #tpu.memory_space<hbm>>
            %dma_wait3A_166 = tpu.memref_squeeze %dma_wait3A_165 : memref<1x128xi32, #tpu.memory_space<hbm>> -> memref<128xi32, #tpu.memory_space<hbm>>
            %dma_wait3A_167 = arith.constant 0 : i32
            %dma_wait3A_168 = tpu.memref_slice %arg4[%add3A_163, %dma_wait3A_167] : memref<2500x128xi32, #tpu.memory_space<hbm>> -> memref<1x128xi32, #tpu.memory_space<hbm>>
            %dma_wait3A_169 = tpu.memref_squeeze %dma_wait3A_168 : memref<1x128xi32, #tpu.memory_space<hbm>> -> memref<128xi32, #tpu.memory_space<hbm>>
            tpu.wait_dma2 semaphore(%arg23 : memref<!tpu.dma_semaphore, #tpu.memory_space<semaphore_mem>>) src(%dma_wait3A_169 : memref<128xi32, #tpu.memory_space<hbm>>) dst(%arg14 : memref<128xi32, #tpu.memory_space<vmem>>)
          } else {
          }
          %dma_start3A_151 = arith.constant 0 : i32
          %dma_start3A_152 = arith.constant 0 : i32
          %dma_start3A_153 = tpu.memref_slice %arg2[%dma_start3A_151, %dma_start3A_152] : memref<10000x128xf32, #tpu.memory_space<hbm>> -> memref<10000x128xf32, #tpu.memory_space<hbm>>
          tpu.enqueue_indirect_dma source(%dma_start3A_153 : memref<10000x128xf32, #tpu.memory_space<hbm>>) target(%arg18 : memref<128x128xf32, #tpu.memory_space<vmem>>) offsets(%arg10 : memref<128xi32, #tpu.memory_space<vmem>>) semaphore(%arg27 : memref<!tpu.dma_semaphore, #tpu.memory_space<semaphore_mem>>)
        } else {
        }
      } else {
      }
      %while3A_116 = arith.constant 0 : i32
      scf.yield %while3A_116 : i32
    }
    %while3A_82 = arith.constant 1 : i32
    %while3A_83 = scf.for %while3A_85 = %while3A_79 to %while3A_75 step %while3A_82 iter_args(%while3A_86 = %while3A_81) -> (i32)  : i32 {
      %mul3A_87 = arith.constant 4 : i32
      %mul3A_88 = arith.muli %mul3A_87, %while3A_85 : i32
      %add3A_89 = arith.constant 0 : i32
      %add3A_90 = arith.addi %mul3A_88, %add3A_89 : i32
      %lt3A = arith.cmpi slt, %add3A_90, %select_n3A : i32
      %convert_element_type3A = arith.extui %lt3A : i1 to i32
      %cond3A = arith.constant 0 : i32
      %cond3A_91 = arith.cmpi ne, %convert_element_type3A, %cond3A : i32
      scf.if %cond3A_91 {
        %dma_wait3A = arith.constant 0 : i32
        %dma_wait3A_117 = arith.constant 0 : i32
        %dma_wait3A_118 = tpu.memref_slice %arg2[%dma_wait3A, %dma_wait3A_117] : memref<10000x128xf32, #tpu.memory_space<hbm>> -> memref<10000x128xf32, #tpu.memory_space<hbm>>
        tpu.wait_indirect_dma semaphore(%arg26 : memref<!tpu.dma_semaphore, #tpu.memory_space<semaphore_mem>>) src(%dma_wait3A_118 : memref<10000x128xf32, #tpu.memory_space<hbm>>) dst(%arg17 : memref<128x128xf32, #tpu.memory_space<vmem>>)
        %add3A_119 = arith.addi %add3A, %add3A_90 : i32
        %lt3A_120 = arith.constant 2500 : i32
        %lt3A_121 = arith.cmpi slt, %add3A_119, %lt3A_120 : i32
        %convert_element_type3A_122 = arith.extui %lt3A_121 : i1 to i32
        %cond3A_123 = arith.constant 0 : i32
        %cond3A_124 = arith.cmpi ne, %convert_element_type3A_122, %cond3A_123 : i32
        scf.if %cond3A_124 {
          "tpu.region"() ({
            %run_scoped3A = tpu.sem_alloc : memref<!tpu.dma_semaphore, #tpu.memory_space<semaphore_mem>>
            %dma_start3A_143 = arith.constant 0 : i32
            %dma_start3A_144 = arith.constant 0 : i32
            %dma_start3A_145 = tpu.memref_slice %arg20[%dma_start3A_143, %dma_start3A_144] : memref<10016x128xf32, #tpu.memory_space<vmem_shared>> -> memref<10016x128xf32, #tpu.memory_space<vmem_shared>>
            tpu.enqueue_indirect_dma source(%arg17 : memref<128x128xf32, #tpu.memory_space<vmem>>) target(%dma_start3A_145 : memref<10016x128xf32, #tpu.memory_space<vmem_shared>>) offsets(%arg13 : memref<128xi32, #tpu.memory_space<vmem>>) semaphore(%run_scoped3A : memref<!tpu.dma_semaphore, #tpu.memory_space<semaphore_mem>>) {add = true}
            %dma_wait3A_146 = arith.constant 0 : i32
            %dma_wait3A_147 = arith.constant 0 : i32
            %dma_wait3A_148 = tpu.memref_slice %arg20[%dma_wait3A_146, %dma_wait3A_147] : memref<10016x128xf32, #tpu.memory_space<vmem_shared>> -> memref<10016x128xf32, #tpu.memory_space<vmem_shared>>
            tpu.wait_indirect_dma semaphore(%run_scoped3A : memref<!tpu.dma_semaphore, #tpu.memory_space<semaphore_mem>>) src(%arg17 : memref<128x128xf32, #tpu.memory_space<vmem>>) dst(%dma_wait3A_148 : memref<10016x128xf32, #tpu.memory_space<vmem_shared>>)
            tpu.yield
          }) : () -> ()
        } else {
        }
        %add3A_125 = arith.constant 4 : i32
        %add3A_126 = arith.addi %add3A_90, %add3A_125 : i32
        %lt3A_127 = arith.cmpi slt, %add3A_126, %select_n3A : i32
        %add3A_128 = arith.addi %add3A, %add3A_90 : i32
        %add3A_129 = arith.constant 4 : i32
        %add3A_130 = arith.addi %add3A_128, %add3A_129 : i32
        %lt3A_131 = arith.constant 2500 : i32
        %lt3A_132 = arith.cmpi slt, %add3A_130, %lt3A_131 : i32
        %and3A_133 = arith.andi %lt3A_127, %lt3A_132 : i1
        %convert_element_type3A_134 = arith.extui %and3A_133 : i1 to i32
        %cond3A_135 = arith.constant 0 : i32
        %cond3A_136 = arith.cmpi ne, %convert_element_type3A_134, %cond3A_135 : i32
        scf.if %cond3A_136 {
          %add3A_143 = arith.constant 4 : i32
          %add3A_144 = arith.addi %add3A_90, %add3A_143 : i32
          %add3A_145 = arith.addi %add3A, %add3A_144 : i32
          %dma_start3A_146 = arith.constant 0 : i32
          %dma_start3A_147 = tpu.memref_slice %arg3[%add3A_145, %dma_start3A_146] : memref<2500x128xi32, #tpu.memory_space<hbm>> -> memref<1x128xi32, #tpu.memory_space<hbm>>
          %dma_start3A_148 = tpu.memref_squeeze %dma_start3A_147 : memref<1x128xi32, #tpu.memory_space<hbm>> -> memref<128xi32, #tpu.memory_space<hbm>>
          %dma_start3A_149 = arith.constant 0 : i32
          %dma_start3A_150 = tpu.memref_slice %arg3[%add3A_145, %dma_start3A_149] : memref<2500x128xi32, #tpu.memory_space<hbm>> -> memref<1x128xi32, #tpu.memory_space<hbm>>
          %dma_start3A_151 = tpu.memref_squeeze %dma_start3A_150 : memref<1x128xi32, #tpu.memory_space<hbm>> -> memref<128xi32, #tpu.memory_space<hbm>>
          tpu.enqueue_dma source(%dma_start3A_151 : memref<128xi32, #tpu.memory_space<hbm>>) target(%arg9 : memref<128xi32, #tpu.memory_space<vmem>>) target_semaphore(%arg22 : memref<!tpu.dma_semaphore, #tpu.memory_space<semaphore_mem>>)
          %add3A_152 = arith.addi %add3A, %add3A_144 : i32
          %dma_start3A_153 = arith.constant 0 : i32
          %dma_start3A_154 = tpu.memref_slice %arg4[%add3A_152, %dma_start3A_153] : memref<2500x128xi32, #tpu.memory_space<hbm>> -> memref<1x128xi32, #tpu.memory_space<hbm>>
          %dma_start3A_155 = tpu.memref_squeeze %dma_start3A_154 : memref<1x128xi32, #tpu.memory_space<hbm>> -> memref<128xi32, #tpu.memory_space<hbm>>
          %dma_start3A_156 = arith.constant 0 : i32
          %dma_start3A_157 = tpu.memref_slice %arg4[%add3A_152, %dma_start3A_156] : memref<2500x128xi32, #tpu.memory_space<hbm>> -> memref<1x128xi32, #tpu.memory_space<hbm>>
          %dma_start3A_158 = tpu.memref_squeeze %dma_start3A_157 : memref<1x128xi32, #tpu.memory_space<hbm>> -> memref<128xi32, #tpu.memory_space<hbm>>
          tpu.enqueue_dma source(%dma_start3A_158 : memref<128xi32, #tpu.memory_space<hbm>>) target(%arg13 : memref<128xi32, #tpu.memory_space<vmem>>) target_semaphore(%arg22 : memref<!tpu.dma_semaphore, #tpu.memory_space<semaphore_mem>>)
        } else {
        }
        %add3A_137 = arith.constant 2 : i32
        %add3A_138 = arith.addi %add3A_90, %add3A_137 : i32
        %lt3A_139 = arith.cmpi slt, %add3A_138, %select_n3A : i32
        %convert_element_type3A_140 = arith.extui %lt3A_139 : i1 to i32
        %cond3A_141 = arith.constant 0 : i32
        %cond3A_142 = arith.cmpi ne, %convert_element_type3A_140, %cond3A_141 : i32
        scf.if %cond3A_142 {
          %add3A_143 = arith.addi %add3A, %add3A_90 : i32
          %add3A_144 = arith.constant 2 : i32
          %add3A_145 = arith.addi %add3A_143, %add3A_144 : i32
          %lt3A_146 = arith.constant 2500 : i32
          %lt3A_147 = arith.cmpi slt, %add3A_145, %lt3A_146 : i32
          %convert_element_type3A_148 = arith.extui %lt3A_147 : i1 to i32
          %cond3A_149 = arith.constant 0 : i32
          %cond3A_150 = arith.cmpi ne, %convert_element_type3A_148, %cond3A_149 : i32
          scf.if %cond3A_150 {
            %add3A_154 = arith.constant 2 : i32
            %add3A_155 = arith.addi %add3A_90, %add3A_154 : i32
            %add3A_156 = arith.addi %add3A, %add3A_155 : i32
            %dma_wait3A_157 = arith.constant 0 : i32
            %dma_wait3A_158 = tpu.memref_slice %arg3[%add3A_156, %dma_wait3A_157] : memref<2500x128xi32, #tpu.memory_space<hbm>> -> memref<1x128xi32, #tpu.memory_space<hbm>>
            %dma_wait3A_159 = tpu.memref_squeeze %dma_wait3A_158 : memref<1x128xi32, #tpu.memory_space<hbm>> -> memref<128xi32, #tpu.memory_space<hbm>>
            %dma_wait3A_160 = arith.constant 0 : i32
            %dma_wait3A_161 = tpu.memref_slice %arg3[%add3A_156, %dma_wait3A_160] : memref<2500x128xi32, #tpu.memory_space<hbm>> -> memref<1x128xi32, #tpu.memory_space<hbm>>
            %dma_wait3A_162 = tpu.memref_squeeze %dma_wait3A_161 : memref<1x128xi32, #tpu.memory_space<hbm>> -> memref<128xi32, #tpu.memory_space<hbm>>
            tpu.wait_dma2 semaphore(%arg24 : memref<!tpu.dma_semaphore, #tpu.memory_space<semaphore_mem>>) src(%dma_wait3A_162 : memref<128xi32, #tpu.memory_space<hbm>>) dst(%arg11 : memref<128xi32, #tpu.memory_space<vmem>>)
            %add3A_163 = arith.addi %add3A, %add3A_155 : i32
            %dma_wait3A_164 = arith.constant 0 : i32
            %dma_wait3A_165 = tpu.memref_slice %arg4[%add3A_163, %dma_wait3A_164] : memref<2500x128xi32, #tpu.memory_space<hbm>> -> memref<1x128xi32, #tpu.memory_space<hbm>>
            %dma_wait3A_166 = tpu.memref_squeeze %dma_wait3A_165 : memref<1x128xi32, #tpu.memory_space<hbm>> -> memref<128xi32, #tpu.memory_space<hbm>>
            %dma_wait3A_167 = arith.constant 0 : i32
            %dma_wait3A_168 = tpu.memref_slice %arg4[%add3A_163, %dma_wait3A_167] : memref<2500x128xi32, #tpu.memory_space<hbm>> -> memref<1x128xi32, #tpu.memory_space<hbm>>
            %dma_wait3A_169 = tpu.memref_squeeze %dma_wait3A_168 : memref<1x128xi32, #tpu.memory_space<hbm>> -> memref<128xi32, #tpu.memory_space<hbm>>
            tpu.wait_dma2 semaphore(%arg24 : memref<!tpu.dma_semaphore, #tpu.memory_space<semaphore_mem>>) src(%dma_wait3A_169 : memref<128xi32, #tpu.memory_space<hbm>>) dst(%arg15 : memref<128xi32, #tpu.memory_space<vmem>>)
          } else {
          }
          %dma_start3A_151 = arith.constant 0 : i32
          %dma_start3A_152 = arith.constant 0 : i32
          %dma_start3A_153 = tpu.memref_slice %arg2[%dma_start3A_151, %dma_start3A_152] : memref<10000x128xf32, #tpu.memory_space<hbm>> -> memref<10000x128xf32, #tpu.memory_space<hbm>>
          tpu.enqueue_indirect_dma source(%dma_start3A_153 : memref<10000x128xf32, #tpu.memory_space<hbm>>) target(%arg17 : memref<128x128xf32, #tpu.memory_space<vmem>>) offsets(%arg11 : memref<128xi32, #tpu.memory_space<vmem>>) semaphore(%arg26 : memref<!tpu.dma_semaphore, #tpu.memory_space<semaphore_mem>>)
        } else {
        }
      } else {
      }
      %mul3A_92 = arith.constant 4 : i32
      %mul3A_93 = arith.muli %mul3A_92, %while3A_85 : i32
      %add3A_94 = arith.constant 1 : i32
      %add3A_95 = arith.addi %mul3A_93, %add3A_94 : i32
      %lt3A_96 = arith.cmpi slt, %add3A_95, %select_n3A : i32
      %convert_element_type3A_97 = arith.extui %lt3A_96 : i1 to i32
      %cond3A_98 = arith.constant 0 : i32
      %cond3A_99 = arith.cmpi ne, %convert_element_type3A_97, %cond3A_98 : i32
      scf.if %cond3A_99 {
        %dma_wait3A = arith.constant 0 : i32
        %dma_wait3A_117 = arith.constant 0 : i32
        %dma_wait3A_118 = tpu.memref_slice %arg2[%dma_wait3A, %dma_wait3A_117] : memref<10000x128xf32, #tpu.memory_space<hbm>> -> memref<10000x128xf32, #tpu.memory_space<hbm>>
        tpu.wait_indirect_dma semaphore(%arg27 : memref<!tpu.dma_semaphore, #tpu.memory_space<semaphore_mem>>) src(%dma_wait3A_118 : memref<10000x128xf32, #tpu.memory_space<hbm>>) dst(%arg18 : memref<128x128xf32, #tpu.memory_space<vmem>>)
        %add3A_119 = arith.addi %add3A, %add3A_95 : i32
        %lt3A_120 = arith.constant 2500 : i32
        %lt3A_121 = arith.cmpi slt, %add3A_119, %lt3A_120 : i32
        %convert_element_type3A_122 = arith.extui %lt3A_121 : i1 to i32
        %cond3A_123 = arith.constant 0 : i32
        %cond3A_124 = arith.cmpi ne, %convert_element_type3A_122, %cond3A_123 : i32
        scf.if %cond3A_124 {
          "tpu.region"() ({
            %run_scoped3A = tpu.sem_alloc : memref<!tpu.dma_semaphore, #tpu.memory_space<semaphore_mem>>
            %dma_start3A_143 = arith.constant 0 : i32
            %dma_start3A_144 = arith.constant 0 : i32
            %dma_start3A_145 = tpu.memref_slice %arg20[%dma_start3A_143, %dma_start3A_144] : memref<10016x128xf32, #tpu.memory_space<vmem_shared>> -> memref<10016x128xf32, #tpu.memory_space<vmem_shared>>
            tpu.enqueue_indirect_dma source(%arg18 : memref<128x128xf32, #tpu.memory_space<vmem>>) target(%dma_start3A_145 : memref<10016x128xf32, #tpu.memory_space<vmem_shared>>) offsets(%arg14 : memref<128xi32, #tpu.memory_space<vmem>>) semaphore(%run_scoped3A : memref<!tpu.dma_semaphore, #tpu.memory_space<semaphore_mem>>) {add = true}
            %dma_wait3A_146 = arith.constant 0 : i32
            %dma_wait3A_147 = arith.constant 0 : i32
            %dma_wait3A_148 = tpu.memref_slice %arg20[%dma_wait3A_146, %dma_wait3A_147] : memref<10016x128xf32, #tpu.memory_space<vmem_shared>> -> memref<10016x128xf32, #tpu.memory_space<vmem_shared>>
            tpu.wait_indirect_dma semaphore(%run_scoped3A : memref<!tpu.dma_semaphore, #tpu.memory_space<semaphore_mem>>) src(%arg18 : memref<128x128xf32, #tpu.memory_space<vmem>>) dst(%dma_wait3A_148 : memref<10016x128xf32, #tpu.memory_space<vmem_shared>>)
            tpu.yield
          }) : () -> ()
        } else {
        }
        %add3A_125 = arith.constant 4 : i32
        %add3A_126 = arith.addi %add3A_95, %add3A_125 : i32
        %lt3A_127 = arith.cmpi slt, %add3A_126, %select_n3A : i32
        %add3A_128 = arith.addi %add3A, %add3A_95 : i32
        %add3A_129 = arith.constant 4 : i32
        %add3A_130 = arith.addi %add3A_128, %add3A_129 : i32
        %lt3A_131 = arith.constant 2500 : i32
        %lt3A_132 = arith.cmpi slt, %add3A_130, %lt3A_131 : i32
        %and3A_133 = arith.andi %lt3A_127, %lt3A_132 : i1
        %convert_element_type3A_134 = arith.extui %and3A_133 : i1 to i32
        %cond3A_135 = arith.constant 0 : i32
        %cond3A_136 = arith.cmpi ne, %convert_element_type3A_134, %cond3A_135 : i32
        scf.if %cond3A_136 {
          %add3A_143 = arith.constant 4 : i32
          %add3A_144 = arith.addi %add3A_95, %add3A_143 : i32
          %add3A_145 = arith.addi %add3A, %add3A_144 : i32
          %dma_start3A_146 = arith.constant 0 : i32
          %dma_start3A_147 = tpu.memref_slice %arg3[%add3A_145, %dma_start3A_146] : memref<2500x128xi32, #tpu.memory_space<hbm>> -> memref<1x128xi32, #tpu.memory_space<hbm>>
          %dma_start3A_148 = tpu.memref_squeeze %dma_start3A_147 : memref<1x128xi32, #tpu.memory_space<hbm>> -> memref<128xi32, #tpu.memory_space<hbm>>
          %dma_start3A_149 = arith.constant 0 : i32
          %dma_start3A_150 = tpu.memref_slice %arg3[%add3A_145, %dma_start3A_149] : memref<2500x128xi32, #tpu.memory_space<hbm>> -> memref<1x128xi32, #tpu.memory_space<hbm>>
          %dma_start3A_151 = tpu.memref_squeeze %dma_start3A_150 : memref<1x128xi32, #tpu.memory_space<hbm>> -> memref<128xi32, #tpu.memory_space<hbm>>
          tpu.enqueue_dma source(%dma_start3A_151 : memref<128xi32, #tpu.memory_space<hbm>>) target(%arg10 : memref<128xi32, #tpu.memory_space<vmem>>) target_semaphore(%arg23 : memref<!tpu.dma_semaphore, #tpu.memory_space<semaphore_mem>>)
          %add3A_152 = arith.addi %add3A, %add3A_144 : i32
          %dma_start3A_153 = arith.constant 0 : i32
          %dma_start3A_154 = tpu.memref_slice %arg4[%add3A_152, %dma_start3A_153] : memref<2500x128xi32, #tpu.memory_space<hbm>> -> memref<1x128xi32, #tpu.memory_space<hbm>>
          %dma_start3A_155 = tpu.memref_squeeze %dma_start3A_154 : memref<1x128xi32, #tpu.memory_space<hbm>> -> memref<128xi32, #tpu.memory_space<hbm>>
          %dma_start3A_156 = arith.constant 0 : i32
          %dma_start3A_157 = tpu.memref_slice %arg4[%add3A_152, %dma_start3A_156] : memref<2500x128xi32, #tpu.memory_space<hbm>> -> memref<1x128xi32, #tpu.memory_space<hbm>>
          %dma_start3A_158 = tpu.memref_squeeze %dma_start3A_157 : memref<1x128xi32, #tpu.memory_space<hbm>> -> memref<128xi32, #tpu.memory_space<hbm>>
          tpu.enqueue_dma source(%dma_start3A_158 : memref<128xi32, #tpu.memory_space<hbm>>) target(%arg14 : memref<128xi32, #tpu.memory_space<vmem>>) target_semaphore(%arg23 : memref<!tpu.dma_semaphore, #tpu.memory_space<semaphore_mem>>)
        } else {
        }
        %add3A_137 = arith.constant 2 : i32
        %add3A_138 = arith.addi %add3A_95, %add3A_137 : i32
        %lt3A_139 = arith.cmpi slt, %add3A_138, %select_n3A : i32
        %convert_element_type3A_140 = arith.extui %lt3A_139 : i1 to i32
        %cond3A_141 = arith.constant 0 : i32
        %cond3A_142 = arith.cmpi ne, %convert_element_type3A_140, %cond3A_141 : i32
        scf.if %cond3A_142 {
          %add3A_143 = arith.addi %add3A, %add3A_95 : i32
          %add3A_144 = arith.constant 2 : i32
          %add3A_145 = arith.addi %add3A_143, %add3A_144 : i32
          %lt3A_146 = arith.constant 2500 : i32
          %lt3A_147 = arith.cmpi slt, %add3A_145, %lt3A_146 : i32
          %convert_element_type3A_148 = arith.extui %lt3A_147 : i1 to i32
          %cond3A_149 = arith.constant 0 : i32
          %cond3A_150 = arith.cmpi ne, %convert_element_type3A_148, %cond3A_149 : i32
          scf.if %cond3A_150 {
            %add3A_154 = arith.constant 2 : i32
            %add3A_155 = arith.addi %add3A_95, %add3A_154 : i32
            %add3A_156 = arith.addi %add3A, %add3A_155 : i32
            %dma_wait3A_157 = arith.constant 0 : i32
            %dma_wait3A_158 = tpu.memref_slice %arg3[%add3A_156, %dma_wait3A_157] : memref<2500x128xi32, #tpu.memory_space<hbm>> -> memref<1x128xi32, #tpu.memory_space<hbm>>
            %dma_wait3A_159 = tpu.memref_squeeze %dma_wait3A_158 : memref<1x128xi32, #tpu.memory_space<hbm>> -> memref<128xi32, #tpu.memory_space<hbm>>
            %dma_wait3A_160 = arith.constant 0 : i32
            %dma_wait3A_161 = tpu.memref_slice %arg3[%add3A_156, %dma_wait3A_160] : memref<2500x128xi32, #tpu.memory_space<hbm>> -> memref<1x128xi32, #tpu.memory_space<hbm>>
            %dma_wait3A_162 = tpu.memref_squeeze %dma_wait3A_161 : memref<1x128xi32, #tpu.memory_space<hbm>> -> memref<128xi32, #tpu.memory_space<hbm>>
            tpu.wait_dma2 semaphore(%arg25 : memref<!tpu.dma_semaphore, #tpu.memory_space<semaphore_mem>>) src(%dma_wait3A_162 : memref<128xi32, #tpu.memory_space<hbm>>) dst(%arg12 : memref<128xi32, #tpu.memory_space<vmem>>)
            %add3A_163 = arith.addi %add3A, %add3A_155 : i32
            %dma_wait3A_164 = arith.constant 0 : i32
            %dma_wait3A_165 = tpu.memref_slice %arg4[%add3A_163, %dma_wait3A_164] : memref<2500x128xi32, #tpu.memory_space<hbm>> -> memref<1x128xi32, #tpu.memory_space<hbm>>
            %dma_wait3A_166 = tpu.memref_squeeze %dma_wait3A_165 : memref<1x128xi32, #tpu.memory_space<hbm>> -> memref<128xi32, #tpu.memory_space<hbm>>
            %dma_wait3A_167 = arith.constant 0 : i32
            %dma_wait3A_168 = tpu.memref_slice %arg4[%add3A_163, %dma_wait3A_167] : memref<2500x128xi32, #tpu.memory_space<hbm>> -> memref<1x128xi32, #tpu.memory_space<hbm>>
            %dma_wait3A_169 = tpu.memref_squeeze %dma_wait3A_168 : memref<1x128xi32, #tpu.memory_space<hbm>> -> memref<128xi32, #tpu.memory_space<hbm>>
            tpu.wait_dma2 semaphore(%arg25 : memref<!tpu.dma_semaphore, #tpu.memory_space<semaphore_mem>>) src(%dma_wait3A_169 : memref<128xi32, #tpu.memory_space<hbm>>) dst(%arg16 : memref<128xi32, #tpu.memory_space<vmem>>)
          } else {
          }
          %dma_start3A_151 = arith.constant 0 : i32
          %dma_start3A_152 = arith.constant 0 : i32
          %dma_start3A_153 = tpu.memref_slice %arg2[%dma_start3A_151, %dma_start3A_152] : memref<10000x128xf32, #tpu.memory_space<hbm>> -> memref<10000x128xf32, #tpu.memory_space<hbm>>
          tpu.enqueue_indirect_dma source(%dma_start3A_153 : memref<10000x128xf32, #tpu.memory_space<hbm>>) target(%arg18 : memref<128x128xf32, #tpu.memory_space<vmem>>) offsets(%arg12 : memref<128xi32, #tpu.memory_space<vmem>>) semaphore(%arg27 : memref<!tpu.dma_semaphore, #tpu.memory_space<semaphore_mem>>)
        } else {
        }
      } else {
      }
      %mul3A_100 = arith.constant 4 : i32
      %mul3A_101 = arith.muli %mul3A_100, %while3A_85 : i32
      %add3A_102 = arith.constant 2 : i32
      %add3A_103 = arith.addi %mul3A_101, %add3A_102 : i32
      %lt3A_104 = arith.cmpi slt, %add3A_103, %select_n3A : i32
      %convert_element_type3A_105 = arith.extui %lt3A_104 : i1 to i32
      %cond3A_106 = arith.constant 0 : i32
      %cond3A_107 = arith.cmpi ne, %convert_element_type3A_105, %cond3A_106 : i32
      scf.if %cond3A_107 {
        %dma_wait3A = arith.constant 0 : i32
        %dma_wait3A_117 = arith.constant 0 : i32
        %dma_wait3A_118 = tpu.memref_slice %arg2[%dma_wait3A, %dma_wait3A_117] : memref<10000x128xf32, #tpu.memory_space<hbm>> -> memref<10000x128xf32, #tpu.memory_space<hbm>>
        tpu.wait_indirect_dma semaphore(%arg26 : memref<!tpu.dma_semaphore, #tpu.memory_space<semaphore_mem>>) src(%dma_wait3A_118 : memref<10000x128xf32, #tpu.memory_space<hbm>>) dst(%arg17 : memref<128x128xf32, #tpu.memory_space<vmem>>)
        %add3A_119 = arith.addi %add3A, %add3A_103 : i32
        %lt3A_120 = arith.constant 2500 : i32
        %lt3A_121 = arith.cmpi slt, %add3A_119, %lt3A_120 : i32
        %convert_element_type3A_122 = arith.extui %lt3A_121 : i1 to i32
        %cond3A_123 = arith.constant 0 : i32
        %cond3A_124 = arith.cmpi ne, %convert_element_type3A_122, %cond3A_123 : i32
        scf.if %cond3A_124 {
          "tpu.region"() ({
            %run_scoped3A = tpu.sem_alloc : memref<!tpu.dma_semaphore, #tpu.memory_space<semaphore_mem>>
            %dma_start3A_143 = arith.constant 0 : i32
            %dma_start3A_144 = arith.constant 0 : i32
            %dma_start3A_145 = tpu.memref_slice %arg20[%dma_start3A_143, %dma_start3A_144] : memref<10016x128xf32, #tpu.memory_space<vmem_shared>> -> memref<10016x128xf32, #tpu.memory_space<vmem_shared>>
            tpu.enqueue_indirect_dma source(%arg17 : memref<128x128xf32, #tpu.memory_space<vmem>>) target(%dma_start3A_145 : memref<10016x128xf32, #tpu.memory_space<vmem_shared>>) offsets(%arg15 : memref<128xi32, #tpu.memory_space<vmem>>) semaphore(%run_scoped3A : memref<!tpu.dma_semaphore, #tpu.memory_space<semaphore_mem>>) {add = true}
            %dma_wait3A_146 = arith.constant 0 : i32
            %dma_wait3A_147 = arith.constant 0 : i32
            %dma_wait3A_148 = tpu.memref_slice %arg20[%dma_wait3A_146, %dma_wait3A_147] : memref<10016x128xf32, #tpu.memory_space<vmem_shared>> -> memref<10016x128xf32, #tpu.memory_space<vmem_shared>>
            tpu.wait_indirect_dma semaphore(%run_scoped3A : memref<!tpu.dma_semaphore, #tpu.memory_space<semaphore_mem>>) src(%arg17 : memref<128x128xf32, #tpu.memory_space<vmem>>) dst(%dma_wait3A_148 : memref<10016x128xf32, #tpu.memory_space<vmem_shared>>)
            tpu.yield
          }) : () -> ()
        } else {
        }
        %add3A_125 = arith.constant 4 : i32
        %add3A_126 = arith.addi %add3A_103, %add3A_125 : i32
        %lt3A_127 = arith.cmpi slt, %add3A_126, %select_n3A : i32
        %add3A_128 = arith.addi %add3A, %add3A_103 : i32
        %add3A_129 = arith.constant 4 : i32
        %add3A_130 = arith.addi %add3A_128, %add3A_129 : i32
        %lt3A_131 = arith.constant 2500 : i32
        %lt3A_132 = arith.cmpi slt, %add3A_130, %lt3A_131 : i32
        %and3A_133 = arith.andi %lt3A_127, %lt3A_132 : i1
        %convert_element_type3A_134 = arith.extui %and3A_133 : i1 to i32
        %cond3A_135 = arith.constant 0 : i32
        %cond3A_136 = arith.cmpi ne, %convert_element_type3A_134, %cond3A_135 : i32
        scf.if %cond3A_136 {
          %add3A_143 = arith.constant 4 : i32
          %add3A_144 = arith.addi %add3A_103, %add3A_143 : i32
          %add3A_145 = arith.addi %add3A, %add3A_144 : i32
          %dma_start3A_146 = arith.constant 0 : i32
          %dma_start3A_147 = tpu.memref_slice %arg3[%add3A_145, %dma_start3A_146] : memref<2500x128xi32, #tpu.memory_space<hbm>> -> memref<1x128xi32, #tpu.memory_space<hbm>>
          %dma_start3A_148 = tpu.memref_squeeze %dma_start3A_147 : memref<1x128xi32, #tpu.memory_space<hbm>> -> memref<128xi32, #tpu.memory_space<hbm>>
          %dma_start3A_149 = arith.constant 0 : i32
          %dma_start3A_150 = tpu.memref_slice %arg3[%add3A_145, %dma_start3A_149] : memref<2500x128xi32, #tpu.memory_space<hbm>> -> memref<1x128xi32, #tpu.memory_space<hbm>>
          %dma_start3A_151 = tpu.memref_squeeze %dma_start3A_150 : memref<1x128xi32, #tpu.memory_space<hbm>> -> memref<128xi32, #tpu.memory_space<hbm>>
          tpu.enqueue_dma source(%dma_start3A_151 : memref<128xi32, #tpu.memory_space<hbm>>) target(%arg11 : memref<128xi32, #tpu.memory_space<vmem>>) target_semaphore(%arg24 : memref<!tpu.dma_semaphore, #tpu.memory_space<semaphore_mem>>)
          %add3A_152 = arith.addi %add3A, %add3A_144 : i32
          %dma_start3A_153 = arith.constant 0 : i32
          %dma_start3A_154 = tpu.memref_slice %arg4[%add3A_152, %dma_start3A_153] : memref<2500x128xi32, #tpu.memory_space<hbm>> -> memref<1x128xi32, #tpu.memory_space<hbm>>
          %dma_start3A_155 = tpu.memref_squeeze %dma_start3A_154 : memref<1x128xi32, #tpu.memory_space<hbm>> -> memref<128xi32, #tpu.memory_space<hbm>>
          %dma_start3A_156 = arith.constant 0 : i32
          %dma_start3A_157 = tpu.memref_slice %arg4[%add3A_152, %dma_start3A_156] : memref<2500x128xi32, #tpu.memory_space<hbm>> -> memref<1x128xi32, #tpu.memory_space<hbm>>
          %dma_start3A_158 = tpu.memref_squeeze %dma_start3A_157 : memref<1x128xi32, #tpu.memory_space<hbm>> -> memref<128xi32, #tpu.memory_space<hbm>>
          tpu.enqueue_dma source(%dma_start3A_158 : memref<128xi32, #tpu.memory_space<hbm>>) target(%arg15 : memref<128xi32, #tpu.memory_space<vmem>>) target_semaphore(%arg24 : memref<!tpu.dma_semaphore, #tpu.memory_space<semaphore_mem>>)
        } else {
        }
        %add3A_137 = arith.constant 2 : i32
        %add3A_138 = arith.addi %add3A_103, %add3A_137 : i32
        %lt3A_139 = arith.cmpi slt, %add3A_138, %select_n3A : i32
        %convert_element_type3A_140 = arith.extui %lt3A_139 : i1 to i32
        %cond3A_141 = arith.constant 0 : i32
        %cond3A_142 = arith.cmpi ne, %convert_element_type3A_140, %cond3A_141 : i32
        scf.if %cond3A_142 {
          %add3A_143 = arith.addi %add3A, %add3A_103 : i32
          %add3A_144 = arith.constant 2 : i32
          %add3A_145 = arith.addi %add3A_143, %add3A_144 : i32
          %lt3A_146 = arith.constant 2500 : i32
          %lt3A_147 = arith.cmpi slt, %add3A_145, %lt3A_146 : i32
          %convert_element_type3A_148 = arith.extui %lt3A_147 : i1 to i32
          %cond3A_149 = arith.constant 0 : i32
          %cond3A_150 = arith.cmpi ne, %convert_element_type3A_148, %cond3A_149 : i32
          scf.if %cond3A_150 {
            %add3A_154 = arith.constant 2 : i32
            %add3A_155 = arith.addi %add3A_103, %add3A_154 : i32
            %add3A_156 = arith.addi %add3A, %add3A_155 : i32
            %dma_wait3A_157 = arith.constant 0 : i32
            %dma_wait3A_158 = tpu.memref_slice %arg3[%add3A_156, %dma_wait3A_157] : memref<2500x128xi32, #tpu.memory_space<hbm>> -> memref<1x128xi32, #tpu.memory_space<hbm>>
            %dma_wait3A_159 = tpu.memref_squeeze %dma_wait3A_158 : memref<1x128xi32, #tpu.memory_space<hbm>> -> memref<128xi32, #tpu.memory_space<hbm>>
            %dma_wait3A_160 = arith.constant 0 : i32
            %dma_wait3A_161 = tpu.memref_slice %arg3[%add3A_156, %dma_wait3A_160] : memref<2500x128xi32, #tpu.memory_space<hbm>> -> memref<1x128xi32, #tpu.memory_space<hbm>>
            %dma_wait3A_162 = tpu.memref_squeeze %dma_wait3A_161 : memref<1x128xi32, #tpu.memory_space<hbm>> -> memref<128xi32, #tpu.memory_space<hbm>>
            tpu.wait_dma2 semaphore(%arg22 : memref<!tpu.dma_semaphore, #tpu.memory_space<semaphore_mem>>) src(%dma_wait3A_162 : memref<128xi32, #tpu.memory_space<hbm>>) dst(%arg9 : memref<128xi32, #tpu.memory_space<vmem>>)
            %add3A_163 = arith.addi %add3A, %add3A_155 : i32
            %dma_wait3A_164 = arith.constant 0 : i32
            %dma_wait3A_165 = tpu.memref_slice %arg4[%add3A_163, %dma_wait3A_164] : memref<2500x128xi32, #tpu.memory_space<hbm>> -> memref<1x128xi32, #tpu.memory_space<hbm>>
            %dma_wait3A_166 = tpu.memref_squeeze %dma_wait3A_165 : memref<1x128xi32, #tpu.memory_space<hbm>> -> memref<128xi32, #tpu.memory_space<hbm>>
            %dma_wait3A_167 = arith.constant 0 : i32
            %dma_wait3A_168 = tpu.memref_slice %arg4[%add3A_163, %dma_wait3A_167] : memref<2500x128xi32, #tpu.memory_space<hbm>> -> memref<1x128xi32, #tpu.memory_space<hbm>>
            %dma_wait3A_169 = tpu.memref_squeeze %dma_wait3A_168 : memref<1x128xi32, #tpu.memory_space<hbm>> -> memref<128xi32, #tpu.memory_space<hbm>>
            tpu.wait_dma2 semaphore(%arg22 : memref<!tpu.dma_semaphore, #tpu.memory_space<semaphore_mem>>) src(%dma_wait3A_169 : memref<128xi32, #tpu.memory_space<hbm>>) dst(%arg13 : memref<128xi32, #tpu.memory_space<vmem>>)
          } else {
          }
          %dma_start3A_151 = arith.constant 0 : i32
          %dma_start3A_152 = arith.constant 0 : i32
          %dma_start3A_153 = tpu.memref_slice %arg2[%dma_start3A_151, %dma_start3A_152] : memref<10000x128xf32, #tpu.memory_space<hbm>> -> memref<10000x128xf32, #tpu.memory_space<hbm>>
          tpu.enqueue_indirect_dma source(%dma_start3A_153 : memref<10000x128xf32, #tpu.memory_space<hbm>>) target(%arg17 : memref<128x128xf32, #tpu.memory_space<vmem>>) offsets(%arg9 : memref<128xi32, #tpu.memory_space<vmem>>) semaphore(%arg26 : memref<!tpu.dma_semaphore, #tpu.memory_space<semaphore_mem>>)
        } else {
        }
      } else {
      }
      %mul3A_108 = arith.constant 4 : i32
      %mul3A_109 = arith.muli %mul3A_108, %while3A_85 : i32
      %add3A_110 = arith.constant 3 : i32
      %add3A_111 = arith.addi %mul3A_109, %add3A_110 : i32
      %lt3A_112 = arith.cmpi slt, %add3A_111, %select_n3A : i32
      %convert_element_type3A_113 = arith.extui %lt3A_112 : i1 to i32
      %cond3A_114 = arith.constant 0 : i32
      %cond3A_115 = arith.cmpi ne, %convert_element_type3A_113, %cond3A_114 : i32
      scf.if %cond3A_115 {
        %dma_wait3A = arith.constant 0 : i32
        %dma_wait3A_117 = arith.constant 0 : i32
        %dma_wait3A_118 = tpu.memref_slice %arg2[%dma_wait3A, %dma_wait3A_117] : memref<10000x128xf32, #tpu.memory_space<hbm>> -> memref<10000x128xf32, #tpu.memory_space<hbm>>
        tpu.wait_indirect_dma semaphore(%arg27 : memref<!tpu.dma_semaphore, #tpu.memory_space<semaphore_mem>>) src(%dma_wait3A_118 : memref<10000x128xf32, #tpu.memory_space<hbm>>) dst(%arg18 : memref<128x128xf32, #tpu.memory_space<vmem>>)
        %add3A_119 = arith.addi %add3A, %add3A_111 : i32
        %lt3A_120 = arith.constant 2500 : i32
        %lt3A_121 = arith.cmpi slt, %add3A_119, %lt3A_120 : i32
        %convert_element_type3A_122 = arith.extui %lt3A_121 : i1 to i32
        %cond3A_123 = arith.constant 0 : i32
        %cond3A_124 = arith.cmpi ne, %convert_element_type3A_122, %cond3A_123 : i32
        scf.if %cond3A_124 {
          "tpu.region"() ({
            %run_scoped3A = tpu.sem_alloc : memref<!tpu.dma_semaphore, #tpu.memory_space<semaphore_mem>>
            %dma_start3A_143 = arith.constant 0 : i32
            %dma_start3A_144 = arith.constant 0 : i32
            %dma_start3A_145 = tpu.memref_slice %arg20[%dma_start3A_143, %dma_start3A_144] : memref<10016x128xf32, #tpu.memory_space<vmem_shared>> -> memref<10016x128xf32, #tpu.memory_space<vmem_shared>>
            tpu.enqueue_indirect_dma source(%arg18 : memref<128x128xf32, #tpu.memory_space<vmem>>) target(%dma_start3A_145 : memref<10016x128xf32, #tpu.memory_space<vmem_shared>>) offsets(%arg16 : memref<128xi32, #tpu.memory_space<vmem>>) semaphore(%run_scoped3A : memref<!tpu.dma_semaphore, #tpu.memory_space<semaphore_mem>>) {add = true}
            %dma_wait3A_146 = arith.constant 0 : i32
            %dma_wait3A_147 = arith.constant 0 : i32
            %dma_wait3A_148 = tpu.memref_slice %arg20[%dma_wait3A_146, %dma_wait3A_147] : memref<10016x128xf32, #tpu.memory_space<vmem_shared>> -> memref<10016x128xf32, #tpu.memory_space<vmem_shared>>
            tpu.wait_indirect_dma semaphore(%run_scoped3A : memref<!tpu.dma_semaphore, #tpu.memory_space<semaphore_mem>>) src(%arg18 : memref<128x128xf32, #tpu.memory_space<vmem>>) dst(%dma_wait3A_148 : memref<10016x128xf32, #tpu.memory_space<vmem_shared>>)
            tpu.yield
          }) : () -> ()
        } else {
        }
        %add3A_125 = arith.constant 4 : i32
        %add3A_126 = arith.addi %add3A_111, %add3A_125 : i32
        %lt3A_127 = arith.cmpi slt, %add3A_126, %select_n3A : i32
        %add3A_128 = arith.addi %add3A, %add3A_111 : i32
        %add3A_129 = arith.constant 4 : i32
        %add3A_130 = arith.addi %add3A_128, %add3A_129 : i32
        %lt3A_131 = arith.constant 2500 : i32
        %lt3A_132 = arith.cmpi slt, %add3A_130, %lt3A_131 : i32
        %and3A_133 = arith.andi %lt3A_127, %lt3A_132 : i1
        %convert_element_type3A_134 = arith.extui %and3A_133 : i1 to i32
        %cond3A_135 = arith.constant 0 : i32
        %cond3A_136 = arith.cmpi ne, %convert_element_type3A_134, %cond3A_135 : i32
        scf.if %cond3A_136 {
          %add3A_143 = arith.constant 4 : i32
          %add3A_144 = arith.addi %add3A_111, %add3A_143 : i32
          %add3A_145 = arith.addi %add3A, %add3A_144 : i32
          %dma_start3A_146 = arith.constant 0 : i32
          %dma_start3A_147 = tpu.memref_slice %arg3[%add3A_145, %dma_start3A_146] : memref<2500x128xi32, #tpu.memory_space<hbm>> -> memref<1x128xi32, #tpu.memory_space<hbm>>
          %dma_start3A_148 = tpu.memref_squeeze %dma_start3A_147 : memref<1x128xi32, #tpu.memory_space<hbm>> -> memref<128xi32, #tpu.memory_space<hbm>>
          %dma_start3A_149 = arith.constant 0 : i32
          %dma_start3A_150 = tpu.memref_slice %arg3[%add3A_145, %dma_start3A_149] : memref<2500x128xi32, #tpu.memory_space<hbm>> -> memref<1x128xi32, #tpu.memory_space<hbm>>
          %dma_start3A_151 = tpu.memref_squeeze %dma_start3A_150 : memref<1x128xi32, #tpu.memory_space<hbm>> -> memref<128xi32, #tpu.memory_space<hbm>>
          tpu.enqueue_dma source(%dma_start3A_151 : memref<128xi32, #tpu.memory_space<hbm>>) target(%arg12 : memref<128xi32, #tpu.memory_space<vmem>>) target_semaphore(%arg25 : memref<!tpu.dma_semaphore, #tpu.memory_space<semaphore_mem>>)
          %add3A_152 = arith.addi %add3A, %add3A_144 : i32
          %dma_start3A_153 = arith.constant 0 : i32
          %dma_start3A_154 = tpu.memref_slice %arg4[%add3A_152, %dma_start3A_153] : memref<2500x128xi32, #tpu.memory_space<hbm>> -> memref<1x128xi32, #tpu.memory_space<hbm>>
          %dma_start3A_155 = tpu.memref_squeeze %dma_start3A_154 : memref<1x128xi32, #tpu.memory_space<hbm>> -> memref<128xi32, #tpu.memory_space<hbm>>
          %dma_start3A_156 = arith.constant 0 : i32
          %dma_start3A_157 = tpu.memref_slice %arg4[%add3A_152, %dma_start3A_156] : memref<2500x128xi32, #tpu.memory_space<hbm>> -> memref<1x128xi32, #tpu.memory_space<hbm>>
          %dma_start3A_158 = tpu.memref_squeeze %dma_start3A_157 : memref<1x128xi32, #tpu.memory_space<hbm>> -> memref<128xi32, #tpu.memory_space<hbm>>
          tpu.enqueue_dma source(%dma_start3A_158 : memref<128xi32, #tpu.memory_space<hbm>>) target(%arg16 : memref<128xi32, #tpu.memory_space<vmem>>) target_semaphore(%arg25 : memref<!tpu.dma_semaphore, #tpu.memory_space<semaphore_mem>>)
        } else {
        }
        %add3A_137 = arith.constant 2 : i32
        %add3A_138 = arith.addi %add3A_111, %add3A_137 : i32
        %lt3A_139 = arith.cmpi slt, %add3A_138, %select_n3A : i32
        %convert_element_type3A_140 = arith.extui %lt3A_139 : i1 to i32
        %cond3A_141 = arith.constant 0 : i32
        %cond3A_142 = arith.cmpi ne, %convert_element_type3A_140, %cond3A_141 : i32
        scf.if %cond3A_142 {
          %add3A_143 = arith.addi %add3A, %add3A_111 : i32
          %add3A_144 = arith.constant 2 : i32
          %add3A_145 = arith.addi %add3A_143, %add3A_144 : i32
          %lt3A_146 = arith.constant 2500 : i32
          %lt3A_147 = arith.cmpi slt, %add3A_145, %lt3A_146 : i32
          %convert_element_type3A_148 = arith.extui %lt3A_147 : i1 to i32
          %cond3A_149 = arith.constant 0 : i32
          %cond3A_150 = arith.cmpi ne, %convert_element_type3A_148, %cond3A_149 : i32
          scf.if %cond3A_150 {
            %add3A_154 = arith.constant 2 : i32
            %add3A_155 = arith.addi %add3A_111, %add3A_154 : i32
            %add3A_156 = arith.addi %add3A, %add3A_155 : i32
            %dma_wait3A_157 = arith.constant 0 : i32
            %dma_wait3A_158 = tpu.memref_slice %arg3[%add3A_156, %dma_wait3A_157] : memref<2500x128xi32, #tpu.memory_space<hbm>> -> memref<1x128xi32, #tpu.memory_space<hbm>>
            %dma_wait3A_159 = tpu.memref_squeeze %dma_wait3A_158 : memref<1x128xi32, #tpu.memory_space<hbm>> -> memref<128xi32, #tpu.memory_space<hbm>>
            %dma_wait3A_160 = arith.constant 0 : i32
            %dma_wait3A_161 = tpu.memref_slice %arg3[%add3A_156, %dma_wait3A_160] : memref<2500x128xi32, #tpu.memory_space<hbm>> -> memref<1x128xi32, #tpu.memory_space<hbm>>
            %dma_wait3A_162 = tpu.memref_squeeze %dma_wait3A_161 : memref<1x128xi32, #tpu.memory_space<hbm>> -> memref<128xi32, #tpu.memory_space<hbm>>
            tpu.wait_dma2 semaphore(%arg23 : memref<!tpu.dma_semaphore, #tpu.memory_space<semaphore_mem>>) src(%dma_wait3A_162 : memref<128xi32, #tpu.memory_space<hbm>>) dst(%arg10 : memref<128xi32, #tpu.memory_space<vmem>>)
            %add3A_163 = arith.addi %add3A, %add3A_155 : i32
            %dma_wait3A_164 = arith.constant 0 : i32
            %dma_wait3A_165 = tpu.memref_slice %arg4[%add3A_163, %dma_wait3A_164] : memref<2500x128xi32, #tpu.memory_space<hbm>> -> memref<1x128xi32, #tpu.memory_space<hbm>>
            %dma_wait3A_166 = tpu.memref_squeeze %dma_wait3A_165 : memref<1x128xi32, #tpu.memory_space<hbm>> -> memref<128xi32, #tpu.memory_space<hbm>>
            %dma_wait3A_167 = arith.constant 0 : i32
            %dma_wait3A_168 = tpu.memref_slice %arg4[%add3A_163, %dma_wait3A_167] : memref<2500x128xi32, #tpu.memory_space<hbm>> -> memref<1x128xi32, #tpu.memory_space<hbm>>
            %dma_wait3A_169 = tpu.memref_squeeze %dma_wait3A_168 : memref<1x128xi32, #tpu.memory_space<hbm>> -> memref<128xi32, #tpu.memory_space<hbm>>
            tpu.wait_dma2 semaphore(%arg23 : memref<!tpu.dma_semaphore, #tpu.memory_space<semaphore_mem>>) src(%dma_wait3A_169 : memref<128xi32, #tpu.memory_space<hbm>>) dst(%arg14 : memref<128xi32, #tpu.memory_space<vmem>>)
          } else {
          }
          %dma_start3A_151 = arith.constant 0 : i32
          %dma_start3A_152 = arith.constant 0 : i32
          %dma_start3A_153 = tpu.memref_slice %arg2[%dma_start3A_151, %dma_start3A_152] : memref<10000x128xf32, #tpu.memory_space<hbm>> -> memref<10000x128xf32, #tpu.memory_space<hbm>>
          tpu.enqueue_indirect_dma source(%dma_start3A_153 : memref<10000x128xf32, #tpu.memory_space<hbm>>) target(%arg18 : memref<128x128xf32, #tpu.memory_space<vmem>>) offsets(%arg10 : memref<128xi32, #tpu.memory_space<vmem>>) semaphore(%arg27 : memref<!tpu.dma_semaphore, #tpu.memory_space<semaphore_mem>>)
        } else {
        }
      } else {
      }
      %while3A_116 = arith.constant 0 : i32
      scf.yield %while3A_116 : i32
    }
    %barrier3A_84 = arith.constant 0 : index
    tpu.barrier barrier_id(%barrier3A_84)
    "tpu.region"() ({
      %run_scoped3A = tpu.sem_alloc : memref<!tpu.dma_semaphore, #tpu.memory_space<semaphore_mem>>
      %dma_start3A_85 = arith.constant 0 : i32
      %dma_start3A_86 = tpu.memref_slice %arg7[%arg0, %mul3A_7, %dma_start3A_85] : memref<2x10016x128xf32, #tpu.memory_space<hbm>> -> memref<1x626x128xf32, #tpu.memory_space<hbm>>
      %dma_start3A_87 = tpu.memref_squeeze %dma_start3A_86 : memref<1x626x128xf32, #tpu.memory_space<hbm>> -> memref<626x128xf32, #tpu.memory_space<hbm>>
      %dma_start3A_88 = arith.constant 0 : i32
      %dma_start3A_89 = tpu.memref_slice %arg20[%mul3A_7, %dma_start3A_88] : memref<10016x128xf32, #tpu.memory_space<vmem_shared>> -> memref<626x128xf32, #tpu.memory_space<vmem_shared>>
      tpu.enqueue_dma source(%dma_start3A_89 : memref<626x128xf32, #tpu.memory_space<vmem_shared>>) target(%dma_start3A_87 : memref<626x128xf32, #tpu.memory_space<hbm>>) target_semaphore(%run_scoped3A : memref<!tpu.dma_semaphore, #tpu.memory_space<semaphore_mem>>)
      %dma_wait3A = arith.constant 0 : i32
      %dma_wait3A_90 = tpu.memref_slice %arg7[%arg0, %mul3A_7, %dma_wait3A] : memref<2x10016x128xf32, #tpu.memory_space<hbm>> -> memref<1x626x128xf32, #tpu.memory_space<hbm>>
      %dma_wait3A_91 = tpu.memref_squeeze %dma_wait3A_90 : memref<1x626x128xf32, #tpu.memory_space<hbm>> -> memref<626x128xf32, #tpu.memory_space<hbm>>
      %dma_wait3A_92 = arith.constant 0 : i32
      %dma_wait3A_93 = tpu.memref_slice %arg20[%mul3A_7, %dma_wait3A_92] : memref<10016x128xf32, #tpu.memory_space<vmem_shared>> -> memref<626x128xf32, #tpu.memory_space<vmem_shared>>
      tpu.wait_dma2 semaphore(%run_scoped3A : memref<!tpu.dma_semaphore, #tpu.memory_space<semaphore_mem>>) src(%dma_wait3A_93 : memref<626x128xf32, #tpu.memory_space<vmem_shared>>) dst(%dma_wait3A_91 : memref<626x128xf32, #tpu.memory_space<hbm>>)
      tpu.yield
    }) : () -> ()
    return
  }
}

#map = affine_map<(d0, d1) -> (0, 0)>
#map1 = affine_map<(d0, d1) -> (0, 0, 0)>
module attributes {stable_mosaic.version = 14 : i64} {
  func.func @_agg_body(%arg0: i32, %arg1: i32, %arg2: memref<10000x128xf32, #tpu.memory_space<hbm>>, %arg3: memref<2500x128xi32, #tpu.memory_space<hbm>>, %arg4: memref<2500x128xi32, #tpu.memory_space<hbm>>, %arg5: memref<626x128xf32, #tpu.memory_space<hbm>>, %arg6: memref<128x8xf32, #tpu.memory_space<hbm>>, %arg7: memref<2x10016x128xf32, #tpu.memory_space<hbm>>, %arg8: memref<2x10016x128xf32, #tpu.memory_space<hbm>>, %arg9: memref<128xi32, #tpu.memory_space<vmem>>, %arg10: memref<128xi32, #tpu.memory_space<vmem>>, %arg11: memref<128xi32, #tpu.memory_space<vmem>>, %arg12: memref<128xi32, #tpu.memory_space<vmem>>, %arg13: memref<128xi32, #tpu.memory_space<vmem>>, %arg14: memref<128xi32, #tpu.memory_space<vmem>>, %arg15: memref<128xi32, #tpu.memory_space<vmem>>, %arg16: memref<128xi32, #tpu.memory_space<vmem>>, %arg17: memref<128x128xf32, #tpu.memory_space<vmem>>, %arg18: memref<128x128xf32, #tpu.memory_space<vmem>>, %arg19: memref<128x8xf32, #tpu.memory_space<vmem>>, %arg20: memref<10016x128xf32, #tpu.memory_space<vmem_shared>>, %arg21: memref<10016x8xf32, #tpu.memory_space<vmem_shared>>, %arg22: memref<!tpu.dma_semaphore, #tpu.memory_space<semaphore_mem>>, %arg23: memref<!tpu.dma_semaphore, #tpu.memory_space<semaphore_mem>>, %arg24: memref<!tpu.dma_semaphore, #tpu.memory_space<semaphore_mem>>, %arg25: memref<!tpu.dma_semaphore, #tpu.memory_space<semaphore_mem>>, %arg26: memref<!tpu.dma_semaphore, #tpu.memory_space<semaphore_mem>>, %arg27: memref<!tpu.dma_semaphore, #tpu.memory_space<semaphore_mem>>, %arg28: memref<!tpu.dma_semaphore, #tpu.memory_space<semaphore_mem>>) attributes {dimension_semantics = [#tpu.dimension_semantics<core_parallel>, #tpu.dimension_semantics<subcore_parallel>], iteration_bounds = array<i64: 2, 16>, scalar_prefetch = 0 : i64, scratch_operands = 20 : i64, tpu.core_type = #tpu.core_type<sc_vector_subcore>, window_params = [{transform_indices = #map}, {transform_indices = #map}, {transform_indices = #map}, {transform_indices = #map}, {transform_indices = #map}, {transform_indices = #map1}, {transform_indices = #map1}]} {
    %eq3A = arith.constant 0 : i32
    %eq3A_0 = arith.cmpi eq, %arg0, %eq3A : i32
    %jit3A = arith.constant 111 : i32
    %jit3A_1 = arith.constant 46 : i32
    %select_n3A = arith.select %eq3A_0, %jit3A, %jit3A_1 : i32
    %mul3A = arith.constant 16 : i32
    %mul3A_2 = arith.muli %arg0, %mul3A : i32
    %mul3A_3 = arith.constant 111 : i32
    %mul3A_4 = arith.muli %mul3A_2, %mul3A_3 : i32
    %mul3A_5 = arith.muli %arg1, %select_n3A : i32
    %add3A = arith.addi %mul3A_4, %mul3A_5 : i32
    %mul3A_6 = arith.constant 626 : i32
    %mul3A_7 = arith.muli %arg1, %mul3A_6 : i32
    "tpu.region"() ({
      %run_scoped3A = tpu.sem_alloc : memref<!tpu.dma_semaphore, #tpu.memory_space<semaphore_mem>>
      %dma_start3A_85 = arith.constant 0 : i32
      %dma_start3A_86 = tpu.memref_slice %arg20[%mul3A_7, %dma_start3A_85] : memref<10016x128xf32, #tpu.memory_space<vmem_shared>> -> memref<626x128xf32, #tpu.memory_space<vmem_shared>>
      %dma_start3A_87 = arith.constant 0 : i32
      %dma_start3A_88 = arith.constant 0 : i32
      %dma_start3A_89 = tpu.memref_slice %arg5[%dma_start3A_87, %dma_start3A_88] : memref<626x128xf32, #tpu.memory_space<hbm>> -> memref<626x128xf32, #tpu.memory_space<hbm>>
      tpu.enqueue_dma source(%dma_start3A_89 : memref<626x128xf32, #tpu.memory_space<hbm>>) target(%dma_start3A_86 : memref<626x128xf32, #tpu.memory_space<vmem_shared>>) target_semaphore(%run_scoped3A : memref<!tpu.dma_semaphore, #tpu.memory_space<semaphore_mem>>)
      %dma_wait3A = arith.constant 0 : i32
      %dma_wait3A_90 = tpu.memref_slice %arg20[%mul3A_7, %dma_wait3A] : memref<10016x128xf32, #tpu.memory_space<vmem_shared>> -> memref<626x128xf32, #tpu.memory_space<vmem_shared>>
      %dma_wait3A_91 = arith.constant 0 : i32
      %dma_wait3A_92 = arith.constant 0 : i32
      %dma_wait3A_93 = tpu.memref_slice %arg5[%dma_wait3A_91, %dma_wait3A_92] : memref<626x128xf32, #tpu.memory_space<hbm>> -> memref<626x128xf32, #tpu.memory_space<hbm>>
      tpu.wait_dma2 semaphore(%run_scoped3A : memref<!tpu.dma_semaphore, #tpu.memory_space<semaphore_mem>>) src(%dma_wait3A_93 : memref<626x128xf32, #tpu.memory_space<hbm>>) dst(%dma_wait3A_90 : memref<626x128xf32, #tpu.memory_space<vmem_shared>>)
      tpu.yield
    }) : () -> ()
    "tpu.region"() ({
      %run_scoped3A = tpu.sem_alloc : memref<!tpu.dma_semaphore, #tpu.memory_space<semaphore_mem>>
      %dma_start3A_85 = arith.constant 0 : i32
      %dma_start3A_86 = tpu.memref_slice %arg21[%mul3A_7, %dma_start3A_85] : memref<10016x8xf32, #tpu.memory_space<vmem_shared>> -> memref<626x8xf32, #tpu.memory_space<vmem_shared>>
      %dma_start3A_87 = arith.constant 0 : i32
      %dma_start3A_88 = arith.constant 0 : i32
      %dma_start3A_89 = tpu.memref_slice %arg5[%dma_start3A_87, %dma_start3A_88] : memref<626x128xf32, #tpu.memory_space<hbm>> -> memref<626x8xf32, #tpu.memory_space<hbm>>
      tpu.enqueue_dma source(%dma_start3A_89 : memref<626x8xf32, #tpu.memory_space<hbm>>) target(%dma_start3A_86 : memref<626x8xf32, #tpu.memory_space<vmem_shared>>) target_semaphore(%run_scoped3A : memref<!tpu.dma_semaphore, #tpu.memory_space<semaphore_mem>>)
      %dma_wait3A = arith.constant 0 : i32
      %dma_wait3A_90 = tpu.memref_slice %arg21[%mul3A_7, %dma_wait3A] : memref<10016x8xf32, #tpu.memory_space<vmem_shared>> -> memref<626x8xf32, #tpu.memory_space<vmem_shared>>
      %dma_wait3A_91 = arith.constant 0 : i32
      %dma_wait3A_92 = arith.constant 0 : i32
      %dma_wait3A_93 = tpu.memref_slice %arg5[%dma_wait3A_91, %dma_wait3A_92] : memref<626x128xf32, #tpu.memory_space<hbm>> -> memref<626x8xf32, #tpu.memory_space<hbm>>
      tpu.wait_dma2 semaphore(%run_scoped3A : memref<!tpu.dma_semaphore, #tpu.memory_space<semaphore_mem>>) src(%dma_wait3A_93 : memref<626x8xf32, #tpu.memory_space<hbm>>) dst(%dma_wait3A_90 : memref<626x8xf32, #tpu.memory_space<vmem_shared>>)
      tpu.yield
    }) : () -> ()
    "tpu.region"() ({
      %run_scoped3A = tpu.sem_alloc : memref<!tpu.dma_semaphore, #tpu.memory_space<semaphore_mem>>
      tpu.enqueue_dma source(%arg6 : memref<128x8xf32, #tpu.memory_space<hbm>>) target(%arg19 : memref<128x8xf32, #tpu.memory_space<vmem>>) target_semaphore(%run_scoped3A : memref<!tpu.dma_semaphore, #tpu.memory_space<semaphore_mem>>)
      tpu.wait_dma2 semaphore(%run_scoped3A : memref<!tpu.dma_semaphore, #tpu.memory_space<semaphore_mem>>) src(%arg6 : memref<128x8xf32, #tpu.memory_space<hbm>>) dst(%arg19 : memref<128x8xf32, #tpu.memory_space<vmem>>)
      tpu.yield
    }) : () -> ()
    %barrier3A = arith.constant 0 : index
    tpu.barrier barrier_id(%barrier3A)
    %add3A_8 = arith.constant 0 : i32
    %add3A_9 = arith.addi %add3A, %add3A_8 : i32
    "tpu.region"() ({
      %run_scoped3A = tpu.sem_alloc : memref<!tpu.dma_semaphore, #tpu.memory_space<semaphore_mem>>
      %dma_start3A_85 = arith.constant 0 : i32
      %dma_start3A_86 = tpu.memref_slice %arg3[%add3A_9, %dma_start3A_85] : memref<2500x128xi32, #tpu.memory_space<hbm>> -> memref<1x128xi32, #tpu.memory_space<hbm>>
      %dma_start3A_87 = tpu.memref_squeeze %dma_start3A_86 : memref<1x128xi32, #tpu.memory_space<hbm>> -> memref<128xi32, #tpu.memory_space<hbm>>
      %dma_start3A_88 = arith.constant 0 : i32
      %dma_start3A_89 = tpu.memref_slice %arg3[%add3A_9, %dma_start3A_88] : memref<2500x128xi32, #tpu.memory_space<hbm>> -> memref<1x128xi32, #tpu.memory_space<hbm>>
      %dma_start3A_90 = tpu.memref_squeeze %dma_start3A_89 : memref<1x128xi32, #tpu.memory_space<hbm>> -> memref<128xi32, #tpu.memory_space<hbm>>
      tpu.enqueue_dma source(%dma_start3A_90 : memref<128xi32, #tpu.memory_space<hbm>>) target(%arg9 : memref<128xi32, #tpu.memory_space<vmem>>) target_semaphore(%run_scoped3A : memref<!tpu.dma_semaphore, #tpu.memory_space<semaphore_mem>>)
      %dma_wait3A = arith.constant 0 : i32
      %dma_wait3A_91 = tpu.memref_slice %arg3[%add3A_9, %dma_wait3A] : memref<2500x128xi32, #tpu.memory_space<hbm>> -> memref<1x128xi32, #tpu.memory_space<hbm>>
      %dma_wait3A_92 = tpu.memref_squeeze %dma_wait3A_91 : memref<1x128xi32, #tpu.memory_space<hbm>> -> memref<128xi32, #tpu.memory_space<hbm>>
      %dma_wait3A_93 = arith.constant 0 : i32
      %dma_wait3A_94 = tpu.memref_slice %arg3[%add3A_9, %dma_wait3A_93] : memref<2500x128xi32, #tpu.memory_space<hbm>> -> memref<1x128xi32, #tpu.memory_space<hbm>>
      %dma_wait3A_95 = tpu.memref_squeeze %dma_wait3A_94 : memref<1x128xi32, #tpu.memory_space<hbm>> -> memref<128xi32, #tpu.memory_space<hbm>>
      tpu.wait_dma2 semaphore(%run_scoped3A : memref<!tpu.dma_semaphore, #tpu.memory_space<semaphore_mem>>) src(%dma_wait3A_95 : memref<128xi32, #tpu.memory_space<hbm>>) dst(%arg9 : memref<128xi32, #tpu.memory_space<vmem>>)
      tpu.yield
    }) : () -> ()
    %add3A_10 = arith.constant 0 : i32
    %add3A_11 = arith.addi %add3A, %add3A_10 : i32
    "tpu.region"() ({
      %run_scoped3A = tpu.sem_alloc : memref<!tpu.dma_semaphore, #tpu.memory_space<semaphore_mem>>
      %dma_start3A_85 = arith.constant 0 : i32
      %dma_start3A_86 = tpu.memref_slice %arg4[%add3A_11, %dma_start3A_85] : memref<2500x128xi32, #tpu.memory_space<hbm>> -> memref<1x128xi32, #tpu.memory_space<hbm>>
      %dma_start3A_87 = tpu.memref_squeeze %dma_start3A_86 : memref<1x128xi32, #tpu.memory_space<hbm>> -> memref<128xi32, #tpu.memory_space<hbm>>
      %dma_start3A_88 = arith.constant 0 : i32
      %dma_start3A_89 = tpu.memref_slice %arg4[%add3A_11, %dma_start3A_88] : memref<2500x128xi32, #tpu.memory_space<hbm>> -> memref<1x128xi32, #tpu.memory_space<hbm>>
      %dma_start3A_90 = tpu.memref_squeeze %dma_start3A_89 : memref<1x128xi32, #tpu.memory_space<hbm>> -> memref<128xi32, #tpu.memory_space<hbm>>
      tpu.enqueue_dma source(%dma_start3A_90 : memref<128xi32, #tpu.memory_space<hbm>>) target(%arg13 : memref<128xi32, #tpu.memory_space<vmem>>) target_semaphore(%run_scoped3A : memref<!tpu.dma_semaphore, #tpu.memory_space<semaphore_mem>>)
      %dma_wait3A = arith.constant 0 : i32
      %dma_wait3A_91 = tpu.memref_slice %arg4[%add3A_11, %dma_wait3A] : memref<2500x128xi32, #tpu.memory_space<hbm>> -> memref<1x128xi32, #tpu.memory_space<hbm>>
      %dma_wait3A_92 = tpu.memref_squeeze %dma_wait3A_91 : memref<1x128xi32, #tpu.memory_space<hbm>> -> memref<128xi32, #tpu.memory_space<hbm>>
      %dma_wait3A_93 = arith.constant 0 : i32
      %dma_wait3A_94 = tpu.memref_slice %arg4[%add3A_11, %dma_wait3A_93] : memref<2500x128xi32, #tpu.memory_space<hbm>> -> memref<1x128xi32, #tpu.memory_space<hbm>>
      %dma_wait3A_95 = tpu.memref_squeeze %dma_wait3A_94 : memref<1x128xi32, #tpu.memory_space<hbm>> -> memref<128xi32, #tpu.memory_space<hbm>>
      tpu.wait_dma2 semaphore(%run_scoped3A : memref<!tpu.dma_semaphore, #tpu.memory_space<semaphore_mem>>) src(%dma_wait3A_95 : memref<128xi32, #tpu.memory_space<hbm>>) dst(%arg13 : memref<128xi32, #tpu.memory_space<vmem>>)
      tpu.yield
    }) : () -> ()
    %add3A_12 = arith.constant 1 : i32
    %add3A_13 = arith.addi %add3A, %add3A_12 : i32
    "tpu.region"() ({
      %run_scoped3A = tpu.sem_alloc : memref<!tpu.dma_semaphore, #tpu.memory_space<semaphore_mem>>
      %dma_start3A_85 = arith.constant 0 : i32
      %dma_start3A_86 = tpu.memref_slice %arg3[%add3A_13, %dma_start3A_85] : memref<2500x128xi32, #tpu.memory_space<hbm>> -> memref<1x128xi32, #tpu.memory_space<hbm>>
      %dma_start3A_87 = tpu.memref_squeeze %dma_start3A_86 : memref<1x128xi32, #tpu.memory_space<hbm>> -> memref<128xi32, #tpu.memory_space<hbm>>
      %dma_start3A_88 = arith.constant 0 : i32
      %dma_start3A_89 = tpu.memref_slice %arg3[%add3A_13, %dma_start3A_88] : memref<2500x128xi32, #tpu.memory_space<hbm>> -> memref<1x128xi32, #tpu.memory_space<hbm>>
      %dma_start3A_90 = tpu.memref_squeeze %dma_start3A_89 : memref<1x128xi32, #tpu.memory_space<hbm>> -> memref<128xi32, #tpu.memory_space<hbm>>
      tpu.enqueue_dma source(%dma_start3A_90 : memref<128xi32, #tpu.memory_space<hbm>>) target(%arg10 : memref<128xi32, #tpu.memory_space<vmem>>) target_semaphore(%run_scoped3A : memref<!tpu.dma_semaphore, #tpu.memory_space<semaphore_mem>>)
      %dma_wait3A = arith.constant 0 : i32
      %dma_wait3A_91 = tpu.memref_slice %arg3[%add3A_13, %dma_wait3A] : memref<2500x128xi32, #tpu.memory_space<hbm>> -> memref<1x128xi32, #tpu.memory_space<hbm>>
      %dma_wait3A_92 = tpu.memref_squeeze %dma_wait3A_91 : memref<1x128xi32, #tpu.memory_space<hbm>> -> memref<128xi32, #tpu.memory_space<hbm>>
      %dma_wait3A_93 = arith.constant 0 : i32
      %dma_wait3A_94 = tpu.memref_slice %arg3[%add3A_13, %dma_wait3A_93] : memref<2500x128xi32, #tpu.memory_space<hbm>> -> memref<1x128xi32, #tpu.memory_space<hbm>>
      %dma_wait3A_95 = tpu.memref_squeeze %dma_wait3A_94 : memref<1x128xi32, #tpu.memory_space<hbm>> -> memref<128xi32, #tpu.memory_space<hbm>>
      tpu.wait_dma2 semaphore(%run_scoped3A : memref<!tpu.dma_semaphore, #tpu.memory_space<semaphore_mem>>) src(%dma_wait3A_95 : memref<128xi32, #tpu.memory_space<hbm>>) dst(%arg10 : memref<128xi32, #tpu.memory_space<vmem>>)
      tpu.yield
    }) : () -> ()
    %add3A_14 = arith.constant 1 : i32
    %add3A_15 = arith.addi %add3A, %add3A_14 : i32
    "tpu.region"() ({
      %run_scoped3A = tpu.sem_alloc : memref<!tpu.dma_semaphore, #tpu.memory_space<semaphore_mem>>
      %dma_start3A_85 = arith.constant 0 : i32
      %dma_start3A_86 = tpu.memref_slice %arg4[%add3A_15, %dma_start3A_85] : memref<2500x128xi32, #tpu.memory_space<hbm>> -> memref<1x128xi32, #tpu.memory_space<hbm>>
      %dma_start3A_87 = tpu.memref_squeeze %dma_start3A_86 : memref<1x128xi32, #tpu.memory_space<hbm>> -> memref<128xi32, #tpu.memory_space<hbm>>
      %dma_start3A_88 = arith.constant 0 : i32
      %dma_start3A_89 = tpu.memref_slice %arg4[%add3A_15, %dma_start3A_88] : memref<2500x128xi32, #tpu.memory_space<hbm>> -> memref<1x128xi32, #tpu.memory_space<hbm>>
      %dma_start3A_90 = tpu.memref_squeeze %dma_start3A_89 : memref<1x128xi32, #tpu.memory_space<hbm>> -> memref<128xi32, #tpu.memory_space<hbm>>
      tpu.enqueue_dma source(%dma_start3A_90 : memref<128xi32, #tpu.memory_space<hbm>>) target(%arg14 : memref<128xi32, #tpu.memory_space<vmem>>) target_semaphore(%run_scoped3A : memref<!tpu.dma_semaphore, #tpu.memory_space<semaphore_mem>>)
      %dma_wait3A = arith.constant 0 : i32
      %dma_wait3A_91 = tpu.memref_slice %arg4[%add3A_15, %dma_wait3A] : memref<2500x128xi32, #tpu.memory_space<hbm>> -> memref<1x128xi32, #tpu.memory_space<hbm>>
      %dma_wait3A_92 = tpu.memref_squeeze %dma_wait3A_91 : memref<1x128xi32, #tpu.memory_space<hbm>> -> memref<128xi32, #tpu.memory_space<hbm>>
      %dma_wait3A_93 = arith.constant 0 : i32
      %dma_wait3A_94 = tpu.memref_slice %arg4[%add3A_15, %dma_wait3A_93] : memref<2500x128xi32, #tpu.memory_space<hbm>> -> memref<1x128xi32, #tpu.memory_space<hbm>>
      %dma_wait3A_95 = tpu.memref_squeeze %dma_wait3A_94 : memref<1x128xi32, #tpu.memory_space<hbm>> -> memref<128xi32, #tpu.memory_space<hbm>>
      tpu.wait_dma2 semaphore(%run_scoped3A : memref<!tpu.dma_semaphore, #tpu.memory_space<semaphore_mem>>) src(%dma_wait3A_95 : memref<128xi32, #tpu.memory_space<hbm>>) dst(%arg14 : memref<128xi32, #tpu.memory_space<vmem>>)
      tpu.yield
    }) : () -> ()
    %add3A_16 = arith.constant 2 : i32
    %add3A_17 = arith.addi %add3A, %add3A_16 : i32
    %dma_start3A = arith.constant 0 : i32
    %dma_start3A_18 = tpu.memref_slice %arg3[%add3A_17, %dma_start3A] : memref<2500x128xi32, #tpu.memory_space<hbm>> -> memref<1x128xi32, #tpu.memory_space<hbm>>
    %dma_start3A_19 = tpu.memref_squeeze %dma_start3A_18 : memref<1x128xi32, #tpu.memory_space<hbm>> -> memref<128xi32, #tpu.memory_space<hbm>>
    %dma_start3A_20 = arith.constant 0 : i32
    %dma_start3A_21 = tpu.memref_slice %arg3[%add3A_17, %dma_start3A_20] : memref<2500x128xi32, #tpu.memory_space<hbm>> -> memref<1x128xi32, #tpu.memory_space<hbm>>
    %dma_start3A_22 = tpu.memref_squeeze %dma_start3A_21 : memref<1x128xi32, #tpu.memory_space<hbm>> -> memref<128xi32, #tpu.memory_space<hbm>>
    tpu.enqueue_dma source(%dma_start3A_22 : memref<128xi32, #tpu.memory_space<hbm>>) target(%arg11 : memref<128xi32, #tpu.memory_space<vmem>>) target_semaphore(%arg24 : memref<!tpu.dma_semaphore, #tpu.memory_space<semaphore_mem>>)
    %add3A_23 = arith.constant 2 : i32
    %add3A_24 = arith.addi %add3A, %add3A_23 : i32
    %dma_start3A_25 = arith.constant 0 : i32
    %dma_start3A_26 = tpu.memref_slice %arg4[%add3A_24, %dma_start3A_25] : memref<2500x128xi32, #tpu.memory_space<hbm>> -> memref<1x128xi32, #tpu.memory_space<hbm>>
    %dma_start3A_27 = tpu.memref_squeeze %dma_start3A_26 : memref<1x128xi32, #tpu.memory_space<hbm>> -> memref<128xi32, #tpu.memory_space<hbm>>
    %dma_start3A_28 = arith.constant 0 : i32
    %dma_start3A_29 = tpu.memref_slice %arg4[%add3A_24, %dma_start3A_28] : memref<2500x128xi32, #tpu.memory_space<hbm>> -> memref<1x128xi32, #tpu.memory_space<hbm>>
    %dma_start3A_30 = tpu.memref_squeeze %dma_start3A_29 : memref<1x128xi32, #tpu.memory_space<hbm>> -> memref<128xi32, #tpu.memory_space<hbm>>
    tpu.enqueue_dma source(%dma_start3A_30 : memref<128xi32, #tpu.memory_space<hbm>>) target(%arg15 : memref<128xi32, #tpu.memory_space<vmem>>) target_semaphore(%arg24 : memref<!tpu.dma_semaphore, #tpu.memory_space<semaphore_mem>>)
    %add3A_31 = arith.constant 3 : i32
    %add3A_32 = arith.addi %add3A, %add3A_31 : i32
    %dma_start3A_33 = arith.constant 0 : i32
    %dma_start3A_34 = tpu.memref_slice %arg3[%add3A_32, %dma_start3A_33] : memref<2500x128xi32, #tpu.memory_space<hbm>> -> memref<1x128xi32, #tpu.memory_space<hbm>>
    %dma_start3A_35 = tpu.memref_squeeze %dma_start3A_34 : memref<1x128xi32, #tpu.memory_space<hbm>> -> memref<128xi32, #tpu.memory_space<hbm>>
    %dma_start3A_36 = arith.constant 0 : i32
    %dma_start3A_37 = tpu.memref_slice %arg3[%add3A_32, %dma_start3A_36] : memref<2500x128xi32, #tpu.memory_space<hbm>> -> memref<1x128xi32, #tpu.memory_space<hbm>>
    %dma_start3A_38 = tpu.memref_squeeze %dma_start3A_37 : memref<1x128xi32, #tpu.memory_space<hbm>> -> memref<128xi32, #tpu.memory_space<hbm>>
    tpu.enqueue_dma source(%dma_start3A_38 : memref<128xi32, #tpu.memory_space<hbm>>) target(%arg12 : memref<128xi32, #tpu.memory_space<vmem>>) target_semaphore(%arg25 : memref<!tpu.dma_semaphore, #tpu.memory_space<semaphore_mem>>)
    %add3A_39 = arith.constant 3 : i32
    %add3A_40 = arith.addi %add3A, %add3A_39 : i32
    %dma_start3A_41 = arith.constant 0 : i32
    %dma_start3A_42 = tpu.memref_slice %arg4[%add3A_40, %dma_start3A_41] : memref<2500x128xi32, #tpu.memory_space<hbm>> -> memref<1x128xi32, #tpu.memory_space<hbm>>
    %dma_start3A_43 = tpu.memref_squeeze %dma_start3A_42 : memref<1x128xi32, #tpu.memory_space<hbm>> -> memref<128xi32, #tpu.memory_space<hbm>>
    %dma_start3A_44 = arith.constant 0 : i32
    %dma_start3A_45 = tpu.memref_slice %arg4[%add3A_40, %dma_start3A_44] : memref<2500x128xi32, #tpu.memory_space<hbm>> -> memref<1x128xi32, #tpu.memory_space<hbm>>
    %dma_start3A_46 = tpu.memref_squeeze %dma_start3A_45 : memref<1x128xi32, #tpu.memory_space<hbm>> -> memref<128xi32, #tpu.memory_space<hbm>>
    tpu.enqueue_dma source(%dma_start3A_46 : memref<128xi32, #tpu.memory_space<hbm>>) target(%arg16 : memref<128xi32, #tpu.memory_space<vmem>>) target_semaphore(%arg25 : memref<!tpu.dma_semaphore, #tpu.memory_space<semaphore_mem>>)
    %dma_start3A_47 = arith.constant 0 : i32
    %dma_start3A_48 = arith.constant 0 : i32
    %dma_start3A_49 = tpu.memref_slice %arg2[%dma_start3A_47, %dma_start3A_48] : memref<10000x128xf32, #tpu.memory_space<hbm>> -> memref<10000x128xf32, #tpu.memory_space<hbm>>
    tpu.enqueue_indirect_dma source(%dma_start3A_49 : memref<10000x128xf32, #tpu.memory_space<hbm>>) target(%arg17 : memref<128x128xf32, #tpu.memory_space<vmem>>) offsets(%arg9 : memref<128xi32, #tpu.memory_space<vmem>>) semaphore(%arg26 : memref<!tpu.dma_semaphore, #tpu.memory_space<semaphore_mem>>)
    %dma_start3A_50 = arith.constant 0 : i32
    %dma_start3A_51 = arith.constant 0 : i32
    %dma_start3A_52 = tpu.memref_slice %arg2[%dma_start3A_50, %dma_start3A_51] : memref<10000x128xf32, #tpu.memory_space<hbm>> -> memref<10000x128xf32, #tpu.memory_space<hbm>>
    tpu.enqueue_indirect_dma source(%dma_start3A_52 : memref<10000x128xf32, #tpu.memory_space<hbm>>) target(%arg18 : memref<128x128xf32, #tpu.memory_space<vmem>>) offsets(%arg10 : memref<128xi32, #tpu.memory_space<vmem>>) semaphore(%arg27 : memref<!tpu.dma_semaphore, #tpu.memory_space<semaphore_mem>>)
    %add3A_53 = arith.constant 3 : i32
    %add3A_54 = arith.addi %select_n3A, %add3A_53 : i32
    %jit3A_55 = arith.constant 4 : i32
    %div3A = arith.divsi %add3A_54, %jit3A_55 : i32
    %sign3A = arith.constant 0 : i32
    %sign3A_56 = arith.cmpi sgt, %add3A_54, %sign3A : i32
    %sign3A_57 = arith.extui %sign3A_56 : i1 to i32
    %sign3A_58 = arith.constant 0 : i32
    %sign3A_59 = arith.cmpi slt, %add3A_54, %sign3A_58 : i32
    %sign3A_60 = arith.extui %sign3A_59 : i1 to i32
    %sign3A_61 = arith.subi %sign3A_57, %sign3A_60 : i32
    %sign3A_62 = arith.constant 0 : i32
    %sign3A_63 = arith.cmpi sgt, %jit3A_55, %sign3A_62 : i32
    %sign3A_64 = arith.extui %sign3A_63 : i1 to i32
    %sign3A_65 = arith.constant 0 : i32
    %sign3A_66 = arith.cmpi slt, %jit3A_55, %sign3A_65 : i32
    %sign3A_67 = arith.extui %sign3A_66 : i1 to i32
    %sign3A_68 = arith.subi %sign3A_64, %sign3A_67 : i32
    %ne3A = arith.cmpi ne, %sign3A_61, %sign3A_68 : i32
    %rem3A = arith.remsi %add3A_54, %jit3A_55 : i32
    %ne3A_69 = arith.constant 0 : i32
    %ne3A_70 = arith.cmpi ne, %rem3A, %ne3A_69 : i32
    %and3A = arith.andi %ne3A, %ne3A_70 : i1
    %sub3A = arith.constant 1 : i32
    %sub3A_71 = arith.subi %div3A, %sub3A : i32
    %select_n3A_72 = arith.select %and3A, %sub3A_71, %div3A : i32
    %while3A = arith.constant 0 : i32
    %while3A_73 = arith.constant 0 : i32
    %while3A_74 = arith.subi %select_n3A_72, %while3A : i32
    %while3A_75 = arith.addi %while3A, %while3A_74 : i32
    %while3A_76 = arith.constant 1 : i32
    %while3A_77 = arith.divsi %while3A_74, %while3A_76 : i32
    %while3A_78 = arith.muli %while3A_77, %while3A_76 : i32
    %while3A_79 = arith.addi %while3A, %while3A_78 : i32
    %while3A_80 = arith.constant 1 : i32
    %while3A_81 = scf.for %while3A_85 = %while3A to %while3A_79 step %while3A_80 iter_args(%while3A_86 = %while3A_73) -> (i32)  : i32 {
      %mul3A_87 = arith.constant 4 : i32
      %mul3A_88 = arith.muli %mul3A_87, %while3A_85 : i32
      %add3A_89 = arith.constant 0 : i32
      %add3A_90 = arith.addi %mul3A_88, %add3A_89 : i32
      %lt3A = arith.cmpi slt, %add3A_90, %select_n3A : i32
      %convert_element_type3A = arith.extui %lt3A : i1 to i32
      %cond3A = arith.constant 0 : i32
      %cond3A_91 = arith.cmpi ne, %convert_element_type3A, %cond3A : i32
      scf.if %cond3A_91 {
        %dma_wait3A = arith.constant 0 : i32
        %dma_wait3A_117 = arith.constant 0 : i32
        %dma_wait3A_118 = tpu.memref_slice %arg2[%dma_wait3A, %dma_wait3A_117] : memref<10000x128xf32, #tpu.memory_space<hbm>> -> memref<10000x128xf32, #tpu.memory_space<hbm>>
        tpu.wait_indirect_dma semaphore(%arg26 : memref<!tpu.dma_semaphore, #tpu.memory_space<semaphore_mem>>) src(%dma_wait3A_118 : memref<10000x128xf32, #tpu.memory_space<hbm>>) dst(%arg17 : memref<128x128xf32, #tpu.memory_space<vmem>>)
        %add3A_119 = arith.addi %add3A, %add3A_90 : i32
        %lt3A_120 = arith.constant 2500 : i32
        %lt3A_121 = arith.cmpi slt, %add3A_119, %lt3A_120 : i32
        %convert_element_type3A_122 = arith.extui %lt3A_121 : i1 to i32
        %cond3A_123 = arith.constant 0 : i32
        %cond3A_124 = arith.cmpi ne, %convert_element_type3A_122, %cond3A_123 : i32
        scf.if %cond3A_124 {
          %dma_start3A_143 = arith.constant 0 : i32
          %dma_start3A_144 = arith.constant 0 : i32
          %dma_start3A_145 = tpu.memref_slice %arg21[%dma_start3A_143, %dma_start3A_144] : memref<10016x8xf32, #tpu.memory_space<vmem_shared>> -> memref<10016x8xf32, #tpu.memory_space<vmem_shared>>
          tpu.enqueue_indirect_dma source(%arg19 : memref<128x8xf32, #tpu.memory_space<vmem>>) target(%dma_start3A_145 : memref<10016x8xf32, #tpu.memory_space<vmem_shared>>) offsets(%arg13 : memref<128xi32, #tpu.memory_space<vmem>>) semaphore(%arg28 : memref<!tpu.dma_semaphore, #tpu.memory_space<semaphore_mem>>) {add = true}
          "tpu.region"() ({
            %run_scoped3A = tpu.sem_alloc : memref<!tpu.dma_semaphore, #tpu.memory_space<semaphore_mem>>
            %dma_start3A_149 = arith.constant 0 : i32
            %dma_start3A_150 = arith.constant 0 : i32
            %dma_start3A_151 = tpu.memref_slice %arg20[%dma_start3A_149, %dma_start3A_150] : memref<10016x128xf32, #tpu.memory_space<vmem_shared>> -> memref<10016x128xf32, #tpu.memory_space<vmem_shared>>
            tpu.enqueue_indirect_dma source(%arg17 : memref<128x128xf32, #tpu.memory_space<vmem>>) target(%dma_start3A_151 : memref<10016x128xf32, #tpu.memory_space<vmem_shared>>) offsets(%arg13 : memref<128xi32, #tpu.memory_space<vmem>>) semaphore(%run_scoped3A : memref<!tpu.dma_semaphore, #tpu.memory_space<semaphore_mem>>) {add = true}
            %dma_wait3A_152 = arith.constant 0 : i32
            %dma_wait3A_153 = arith.constant 0 : i32
            %dma_wait3A_154 = tpu.memref_slice %arg20[%dma_wait3A_152, %dma_wait3A_153] : memref<10016x128xf32, #tpu.memory_space<vmem_shared>> -> memref<10016x128xf32, #tpu.memory_space<vmem_shared>>
            tpu.wait_indirect_dma semaphore(%run_scoped3A : memref<!tpu.dma_semaphore, #tpu.memory_space<semaphore_mem>>) src(%arg17 : memref<128x128xf32, #tpu.memory_space<vmem>>) dst(%dma_wait3A_154 : memref<10016x128xf32, #tpu.memory_space<vmem_shared>>)
            tpu.yield
          }) : () -> ()
          %dma_wait3A_146 = arith.constant 0 : i32
          %dma_wait3A_147 = arith.constant 0 : i32
          %dma_wait3A_148 = tpu.memref_slice %arg21[%dma_wait3A_146, %dma_wait3A_147] : memref<10016x8xf32, #tpu.memory_space<vmem_shared>> -> memref<10016x8xf32, #tpu.memory_space<vmem_shared>>
          tpu.wait_indirect_dma semaphore(%arg28 : memref<!tpu.dma_semaphore, #tpu.memory_space<semaphore_mem>>) src(%arg19 : memref<128x8xf32, #tpu.memory_space<vmem>>) dst(%dma_wait3A_148 : memref<10016x8xf32, #tpu.memory_space<vmem_shared>>)
        } else {
        }
        %add3A_125 = arith.constant 4 : i32
        %add3A_126 = arith.addi %add3A_90, %add3A_125 : i32
        %lt3A_127 = arith.cmpi slt, %add3A_126, %select_n3A : i32
        %add3A_128 = arith.addi %add3A, %add3A_90 : i32
        %add3A_129 = arith.constant 4 : i32
        %add3A_130 = arith.addi %add3A_128, %add3A_129 : i32
        %lt3A_131 = arith.constant 2500 : i32
        %lt3A_132 = arith.cmpi slt, %add3A_130, %lt3A_131 : i32
        %and3A_133 = arith.andi %lt3A_127, %lt3A_132 : i1
        %convert_element_type3A_134 = arith.extui %and3A_133 : i1 to i32
        %cond3A_135 = arith.constant 0 : i32
        %cond3A_136 = arith.cmpi ne, %convert_element_type3A_134, %cond3A_135 : i32
        scf.if %cond3A_136 {
          %add3A_143 = arith.constant 4 : i32
          %add3A_144 = arith.addi %add3A_90, %add3A_143 : i32
          %add3A_145 = arith.addi %add3A, %add3A_144 : i32
          %dma_start3A_146 = arith.constant 0 : i32
          %dma_start3A_147 = tpu.memref_slice %arg3[%add3A_145, %dma_start3A_146] : memref<2500x128xi32, #tpu.memory_space<hbm>> -> memref<1x128xi32, #tpu.memory_space<hbm>>
          %dma_start3A_148 = tpu.memref_squeeze %dma_start3A_147 : memref<1x128xi32, #tpu.memory_space<hbm>> -> memref<128xi32, #tpu.memory_space<hbm>>
          %dma_start3A_149 = arith.constant 0 : i32
          %dma_start3A_150 = tpu.memref_slice %arg3[%add3A_145, %dma_start3A_149] : memref<2500x128xi32, #tpu.memory_space<hbm>> -> memref<1x128xi32, #tpu.memory_space<hbm>>
          %dma_start3A_151 = tpu.memref_squeeze %dma_start3A_150 : memref<1x128xi32, #tpu.memory_space<hbm>> -> memref<128xi32, #tpu.memory_space<hbm>>
          tpu.enqueue_dma source(%dma_start3A_151 : memref<128xi32, #tpu.memory_space<hbm>>) target(%arg9 : memref<128xi32, #tpu.memory_space<vmem>>) target_semaphore(%arg22 : memref<!tpu.dma_semaphore, #tpu.memory_space<semaphore_mem>>)
          %add3A_152 = arith.addi %add3A, %add3A_144 : i32
          %dma_start3A_153 = arith.constant 0 : i32
          %dma_start3A_154 = tpu.memref_slice %arg4[%add3A_152, %dma_start3A_153] : memref<2500x128xi32, #tpu.memory_space<hbm>> -> memref<1x128xi32, #tpu.memory_space<hbm>>
          %dma_start3A_155 = tpu.memref_squeeze %dma_start3A_154 : memref<1x128xi32, #tpu.memory_space<hbm>> -> memref<128xi32, #tpu.memory_space<hbm>>
          %dma_start3A_156 = arith.constant 0 : i32
          %dma_start3A_157 = tpu.memref_slice %arg4[%add3A_152, %dma_start3A_156] : memref<2500x128xi32, #tpu.memory_space<hbm>> -> memref<1x128xi32, #tpu.memory_space<hbm>>
          %dma_start3A_158 = tpu.memref_squeeze %dma_start3A_157 : memref<1x128xi32, #tpu.memory_space<hbm>> -> memref<128xi32, #tpu.memory_space<hbm>>
          tpu.enqueue_dma source(%dma_start3A_158 : memref<128xi32, #tpu.memory_space<hbm>>) target(%arg13 : memref<128xi32, #tpu.memory_space<vmem>>) target_semaphore(%arg22 : memref<!tpu.dma_semaphore, #tpu.memory_space<semaphore_mem>>)
        } else {
        }
        %add3A_137 = arith.constant 2 : i32
        %add3A_138 = arith.addi %add3A_90, %add3A_137 : i32
        %lt3A_139 = arith.cmpi slt, %add3A_138, %select_n3A : i32
        %convert_element_type3A_140 = arith.extui %lt3A_139 : i1 to i32
        %cond3A_141 = arith.constant 0 : i32
        %cond3A_142 = arith.cmpi ne, %convert_element_type3A_140, %cond3A_141 : i32
        scf.if %cond3A_142 {
          %add3A_143 = arith.addi %add3A, %add3A_90 : i32
          %add3A_144 = arith.constant 2 : i32
          %add3A_145 = arith.addi %add3A_143, %add3A_144 : i32
          %lt3A_146 = arith.constant 2500 : i32
          %lt3A_147 = arith.cmpi slt, %add3A_145, %lt3A_146 : i32
          %convert_element_type3A_148 = arith.extui %lt3A_147 : i1 to i32
          %cond3A_149 = arith.constant 0 : i32
          %cond3A_150 = arith.cmpi ne, %convert_element_type3A_148, %cond3A_149 : i32
          scf.if %cond3A_150 {
            %add3A_154 = arith.constant 2 : i32
            %add3A_155 = arith.addi %add3A_90, %add3A_154 : i32
            %add3A_156 = arith.addi %add3A, %add3A_155 : i32
            %dma_wait3A_157 = arith.constant 0 : i32
            %dma_wait3A_158 = tpu.memref_slice %arg3[%add3A_156, %dma_wait3A_157] : memref<2500x128xi32, #tpu.memory_space<hbm>> -> memref<1x128xi32, #tpu.memory_space<hbm>>
            %dma_wait3A_159 = tpu.memref_squeeze %dma_wait3A_158 : memref<1x128xi32, #tpu.memory_space<hbm>> -> memref<128xi32, #tpu.memory_space<hbm>>
            %dma_wait3A_160 = arith.constant 0 : i32
            %dma_wait3A_161 = tpu.memref_slice %arg3[%add3A_156, %dma_wait3A_160] : memref<2500x128xi32, #tpu.memory_space<hbm>> -> memref<1x128xi32, #tpu.memory_space<hbm>>
            %dma_wait3A_162 = tpu.memref_squeeze %dma_wait3A_161 : memref<1x128xi32, #tpu.memory_space<hbm>> -> memref<128xi32, #tpu.memory_space<hbm>>
            tpu.wait_dma2 semaphore(%arg24 : memref<!tpu.dma_semaphore, #tpu.memory_space<semaphore_mem>>) src(%dma_wait3A_162 : memref<128xi32, #tpu.memory_space<hbm>>) dst(%arg11 : memref<128xi32, #tpu.memory_space<vmem>>)
            %add3A_163 = arith.addi %add3A, %add3A_155 : i32
            %dma_wait3A_164 = arith.constant 0 : i32
            %dma_wait3A_165 = tpu.memref_slice %arg4[%add3A_163, %dma_wait3A_164] : memref<2500x128xi32, #tpu.memory_space<hbm>> -> memref<1x128xi32, #tpu.memory_space<hbm>>
            %dma_wait3A_166 = tpu.memref_squeeze %dma_wait3A_165 : memref<1x128xi32, #tpu.memory_space<hbm>> -> memref<128xi32, #tpu.memory_space<hbm>>
            %dma_wait3A_167 = arith.constant 0 : i32
            %dma_wait3A_168 = tpu.memref_slice %arg4[%add3A_163, %dma_wait3A_167] : memref<2500x128xi32, #tpu.memory_space<hbm>> -> memref<1x128xi32, #tpu.memory_space<hbm>>
            %dma_wait3A_169 = tpu.memref_squeeze %dma_wait3A_168 : memref<1x128xi32, #tpu.memory_space<hbm>> -> memref<128xi32, #tpu.memory_space<hbm>>
            tpu.wait_dma2 semaphore(%arg24 : memref<!tpu.dma_semaphore, #tpu.memory_space<semaphore_mem>>) src(%dma_wait3A_169 : memref<128xi32, #tpu.memory_space<hbm>>) dst(%arg15 : memref<128xi32, #tpu.memory_space<vmem>>)
          } else {
          }
          %dma_start3A_151 = arith.constant 0 : i32
          %dma_start3A_152 = arith.constant 0 : i32
          %dma_start3A_153 = tpu.memref_slice %arg2[%dma_start3A_151, %dma_start3A_152] : memref<10000x128xf32, #tpu.memory_space<hbm>> -> memref<10000x128xf32, #tpu.memory_space<hbm>>
          tpu.enqueue_indirect_dma source(%dma_start3A_153 : memref<10000x128xf32, #tpu.memory_space<hbm>>) target(%arg17 : memref<128x128xf32, #tpu.memory_space<vmem>>) offsets(%arg11 : memref<128xi32, #tpu.memory_space<vmem>>) semaphore(%arg26 : memref<!tpu.dma_semaphore, #tpu.memory_space<semaphore_mem>>)
        } else {
        }
      } else {
      }
      %mul3A_92 = arith.constant 4 : i32
      %mul3A_93 = arith.muli %mul3A_92, %while3A_85 : i32
      %add3A_94 = arith.constant 1 : i32
      %add3A_95 = arith.addi %mul3A_93, %add3A_94 : i32
      %lt3A_96 = arith.cmpi slt, %add3A_95, %select_n3A : i32
      %convert_element_type3A_97 = arith.extui %lt3A_96 : i1 to i32
      %cond3A_98 = arith.constant 0 : i32
      %cond3A_99 = arith.cmpi ne, %convert_element_type3A_97, %cond3A_98 : i32
      scf.if %cond3A_99 {
        %dma_wait3A = arith.constant 0 : i32
        %dma_wait3A_117 = arith.constant 0 : i32
        %dma_wait3A_118 = tpu.memref_slice %arg2[%dma_wait3A, %dma_wait3A_117] : memref<10000x128xf32, #tpu.memory_space<hbm>> -> memref<10000x128xf32, #tpu.memory_space<hbm>>
        tpu.wait_indirect_dma semaphore(%arg27 : memref<!tpu.dma_semaphore, #tpu.memory_space<semaphore_mem>>) src(%dma_wait3A_118 : memref<10000x128xf32, #tpu.memory_space<hbm>>) dst(%arg18 : memref<128x128xf32, #tpu.memory_space<vmem>>)
        %add3A_119 = arith.addi %add3A, %add3A_95 : i32
        %lt3A_120 = arith.constant 2500 : i32
        %lt3A_121 = arith.cmpi slt, %add3A_119, %lt3A_120 : i32
        %convert_element_type3A_122 = arith.extui %lt3A_121 : i1 to i32
        %cond3A_123 = arith.constant 0 : i32
        %cond3A_124 = arith.cmpi ne, %convert_element_type3A_122, %cond3A_123 : i32
        scf.if %cond3A_124 {
          %dma_start3A_143 = arith.constant 0 : i32
          %dma_start3A_144 = arith.constant 0 : i32
          %dma_start3A_145 = tpu.memref_slice %arg21[%dma_start3A_143, %dma_start3A_144] : memref<10016x8xf32, #tpu.memory_space<vmem_shared>> -> memref<10016x8xf32, #tpu.memory_space<vmem_shared>>
          tpu.enqueue_indirect_dma source(%arg19 : memref<128x8xf32, #tpu.memory_space<vmem>>) target(%dma_start3A_145 : memref<10016x8xf32, #tpu.memory_space<vmem_shared>>) offsets(%arg14 : memref<128xi32, #tpu.memory_space<vmem>>) semaphore(%arg28 : memref<!tpu.dma_semaphore, #tpu.memory_space<semaphore_mem>>) {add = true}
          "tpu.region"() ({
            %run_scoped3A = tpu.sem_alloc : memref<!tpu.dma_semaphore, #tpu.memory_space<semaphore_mem>>
            %dma_start3A_149 = arith.constant 0 : i32
            %dma_start3A_150 = arith.constant 0 : i32
            %dma_start3A_151 = tpu.memref_slice %arg20[%dma_start3A_149, %dma_start3A_150] : memref<10016x128xf32, #tpu.memory_space<vmem_shared>> -> memref<10016x128xf32, #tpu.memory_space<vmem_shared>>
            tpu.enqueue_indirect_dma source(%arg18 : memref<128x128xf32, #tpu.memory_space<vmem>>) target(%dma_start3A_151 : memref<10016x128xf32, #tpu.memory_space<vmem_shared>>) offsets(%arg14 : memref<128xi32, #tpu.memory_space<vmem>>) semaphore(%run_scoped3A : memref<!tpu.dma_semaphore, #tpu.memory_space<semaphore_mem>>) {add = true}
            %dma_wait3A_152 = arith.constant 0 : i32
            %dma_wait3A_153 = arith.constant 0 : i32
            %dma_wait3A_154 = tpu.memref_slice %arg20[%dma_wait3A_152, %dma_wait3A_153] : memref<10016x128xf32, #tpu.memory_space<vmem_shared>> -> memref<10016x128xf32, #tpu.memory_space<vmem_shared>>
            tpu.wait_indirect_dma semaphore(%run_scoped3A : memref<!tpu.dma_semaphore, #tpu.memory_space<semaphore_mem>>) src(%arg18 : memref<128x128xf32, #tpu.memory_space<vmem>>) dst(%dma_wait3A_154 : memref<10016x128xf32, #tpu.memory_space<vmem_shared>>)
            tpu.yield
          }) : () -> ()
          %dma_wait3A_146 = arith.constant 0 : i32
          %dma_wait3A_147 = arith.constant 0 : i32
          %dma_wait3A_148 = tpu.memref_slice %arg21[%dma_wait3A_146, %dma_wait3A_147] : memref<10016x8xf32, #tpu.memory_space<vmem_shared>> -> memref<10016x8xf32, #tpu.memory_space<vmem_shared>>
          tpu.wait_indirect_dma semaphore(%arg28 : memref<!tpu.dma_semaphore, #tpu.memory_space<semaphore_mem>>) src(%arg19 : memref<128x8xf32, #tpu.memory_space<vmem>>) dst(%dma_wait3A_148 : memref<10016x8xf32, #tpu.memory_space<vmem_shared>>)
        } else {
        }
        %add3A_125 = arith.constant 4 : i32
        %add3A_126 = arith.addi %add3A_95, %add3A_125 : i32
        %lt3A_127 = arith.cmpi slt, %add3A_126, %select_n3A : i32
        %add3A_128 = arith.addi %add3A, %add3A_95 : i32
        %add3A_129 = arith.constant 4 : i32
        %add3A_130 = arith.addi %add3A_128, %add3A_129 : i32
        %lt3A_131 = arith.constant 2500 : i32
        %lt3A_132 = arith.cmpi slt, %add3A_130, %lt3A_131 : i32
        %and3A_133 = arith.andi %lt3A_127, %lt3A_132 : i1
        %convert_element_type3A_134 = arith.extui %and3A_133 : i1 to i32
        %cond3A_135 = arith.constant 0 : i32
        %cond3A_136 = arith.cmpi ne, %convert_element_type3A_134, %cond3A_135 : i32
        scf.if %cond3A_136 {
          %add3A_143 = arith.constant 4 : i32
          %add3A_144 = arith.addi %add3A_95, %add3A_143 : i32
          %add3A_145 = arith.addi %add3A, %add3A_144 : i32
          %dma_start3A_146 = arith.constant 0 : i32
          %dma_start3A_147 = tpu.memref_slice %arg3[%add3A_145, %dma_start3A_146] : memref<2500x128xi32, #tpu.memory_space<hbm>> -> memref<1x128xi32, #tpu.memory_space<hbm>>
          %dma_start3A_148 = tpu.memref_squeeze %dma_start3A_147 : memref<1x128xi32, #tpu.memory_space<hbm>> -> memref<128xi32, #tpu.memory_space<hbm>>
          %dma_start3A_149 = arith.constant 0 : i32
          %dma_start3A_150 = tpu.memref_slice %arg3[%add3A_145, %dma_start3A_149] : memref<2500x128xi32, #tpu.memory_space<hbm>> -> memref<1x128xi32, #tpu.memory_space<hbm>>
          %dma_start3A_151 = tpu.memref_squeeze %dma_start3A_150 : memref<1x128xi32, #tpu.memory_space<hbm>> -> memref<128xi32, #tpu.memory_space<hbm>>
          tpu.enqueue_dma source(%dma_start3A_151 : memref<128xi32, #tpu.memory_space<hbm>>) target(%arg10 : memref<128xi32, #tpu.memory_space<vmem>>) target_semaphore(%arg23 : memref<!tpu.dma_semaphore, #tpu.memory_space<semaphore_mem>>)
          %add3A_152 = arith.addi %add3A, %add3A_144 : i32
          %dma_start3A_153 = arith.constant 0 : i32
          %dma_start3A_154 = tpu.memref_slice %arg4[%add3A_152, %dma_start3A_153] : memref<2500x128xi32, #tpu.memory_space<hbm>> -> memref<1x128xi32, #tpu.memory_space<hbm>>
          %dma_start3A_155 = tpu.memref_squeeze %dma_start3A_154 : memref<1x128xi32, #tpu.memory_space<hbm>> -> memref<128xi32, #tpu.memory_space<hbm>>
          %dma_start3A_156 = arith.constant 0 : i32
          %dma_start3A_157 = tpu.memref_slice %arg4[%add3A_152, %dma_start3A_156] : memref<2500x128xi32, #tpu.memory_space<hbm>> -> memref<1x128xi32, #tpu.memory_space<hbm>>
          %dma_start3A_158 = tpu.memref_squeeze %dma_start3A_157 : memref<1x128xi32, #tpu.memory_space<hbm>> -> memref<128xi32, #tpu.memory_space<hbm>>
          tpu.enqueue_dma source(%dma_start3A_158 : memref<128xi32, #tpu.memory_space<hbm>>) target(%arg14 : memref<128xi32, #tpu.memory_space<vmem>>) target_semaphore(%arg23 : memref<!tpu.dma_semaphore, #tpu.memory_space<semaphore_mem>>)
        } else {
        }
        %add3A_137 = arith.constant 2 : i32
        %add3A_138 = arith.addi %add3A_95, %add3A_137 : i32
        %lt3A_139 = arith.cmpi slt, %add3A_138, %select_n3A : i32
        %convert_element_type3A_140 = arith.extui %lt3A_139 : i1 to i32
        %cond3A_141 = arith.constant 0 : i32
        %cond3A_142 = arith.cmpi ne, %convert_element_type3A_140, %cond3A_141 : i32
        scf.if %cond3A_142 {
          %add3A_143 = arith.addi %add3A, %add3A_95 : i32
          %add3A_144 = arith.constant 2 : i32
          %add3A_145 = arith.addi %add3A_143, %add3A_144 : i32
          %lt3A_146 = arith.constant 2500 : i32
          %lt3A_147 = arith.cmpi slt, %add3A_145, %lt3A_146 : i32
          %convert_element_type3A_148 = arith.extui %lt3A_147 : i1 to i32
          %cond3A_149 = arith.constant 0 : i32
          %cond3A_150 = arith.cmpi ne, %convert_element_type3A_148, %cond3A_149 : i32
          scf.if %cond3A_150 {
            %add3A_154 = arith.constant 2 : i32
            %add3A_155 = arith.addi %add3A_95, %add3A_154 : i32
            %add3A_156 = arith.addi %add3A, %add3A_155 : i32
            %dma_wait3A_157 = arith.constant 0 : i32
            %dma_wait3A_158 = tpu.memref_slice %arg3[%add3A_156, %dma_wait3A_157] : memref<2500x128xi32, #tpu.memory_space<hbm>> -> memref<1x128xi32, #tpu.memory_space<hbm>>
            %dma_wait3A_159 = tpu.memref_squeeze %dma_wait3A_158 : memref<1x128xi32, #tpu.memory_space<hbm>> -> memref<128xi32, #tpu.memory_space<hbm>>
            %dma_wait3A_160 = arith.constant 0 : i32
            %dma_wait3A_161 = tpu.memref_slice %arg3[%add3A_156, %dma_wait3A_160] : memref<2500x128xi32, #tpu.memory_space<hbm>> -> memref<1x128xi32, #tpu.memory_space<hbm>>
            %dma_wait3A_162 = tpu.memref_squeeze %dma_wait3A_161 : memref<1x128xi32, #tpu.memory_space<hbm>> -> memref<128xi32, #tpu.memory_space<hbm>>
            tpu.wait_dma2 semaphore(%arg25 : memref<!tpu.dma_semaphore, #tpu.memory_space<semaphore_mem>>) src(%dma_wait3A_162 : memref<128xi32, #tpu.memory_space<hbm>>) dst(%arg12 : memref<128xi32, #tpu.memory_space<vmem>>)
            %add3A_163 = arith.addi %add3A, %add3A_155 : i32
            %dma_wait3A_164 = arith.constant 0 : i32
            %dma_wait3A_165 = tpu.memref_slice %arg4[%add3A_163, %dma_wait3A_164] : memref<2500x128xi32, #tpu.memory_space<hbm>> -> memref<1x128xi32, #tpu.memory_space<hbm>>
            %dma_wait3A_166 = tpu.memref_squeeze %dma_wait3A_165 : memref<1x128xi32, #tpu.memory_space<hbm>> -> memref<128xi32, #tpu.memory_space<hbm>>
            %dma_wait3A_167 = arith.constant 0 : i32
            %dma_wait3A_168 = tpu.memref_slice %arg4[%add3A_163, %dma_wait3A_167] : memref<2500x128xi32, #tpu.memory_space<hbm>> -> memref<1x128xi32, #tpu.memory_space<hbm>>
            %dma_wait3A_169 = tpu.memref_squeeze %dma_wait3A_168 : memref<1x128xi32, #tpu.memory_space<hbm>> -> memref<128xi32, #tpu.memory_space<hbm>>
            tpu.wait_dma2 semaphore(%arg25 : memref<!tpu.dma_semaphore, #tpu.memory_space<semaphore_mem>>) src(%dma_wait3A_169 : memref<128xi32, #tpu.memory_space<hbm>>) dst(%arg16 : memref<128xi32, #tpu.memory_space<vmem>>)
          } else {
          }
          %dma_start3A_151 = arith.constant 0 : i32
          %dma_start3A_152 = arith.constant 0 : i32
          %dma_start3A_153 = tpu.memref_slice %arg2[%dma_start3A_151, %dma_start3A_152] : memref<10000x128xf32, #tpu.memory_space<hbm>> -> memref<10000x128xf32, #tpu.memory_space<hbm>>
          tpu.enqueue_indirect_dma source(%dma_start3A_153 : memref<10000x128xf32, #tpu.memory_space<hbm>>) target(%arg18 : memref<128x128xf32, #tpu.memory_space<vmem>>) offsets(%arg12 : memref<128xi32, #tpu.memory_space<vmem>>) semaphore(%arg27 : memref<!tpu.dma_semaphore, #tpu.memory_space<semaphore_mem>>)
        } else {
        }
      } else {
      }
      %mul3A_100 = arith.constant 4 : i32
      %mul3A_101 = arith.muli %mul3A_100, %while3A_85 : i32
      %add3A_102 = arith.constant 2 : i32
      %add3A_103 = arith.addi %mul3A_101, %add3A_102 : i32
      %lt3A_104 = arith.cmpi slt, %add3A_103, %select_n3A : i32
      %convert_element_type3A_105 = arith.extui %lt3A_104 : i1 to i32
      %cond3A_106 = arith.constant 0 : i32
      %cond3A_107 = arith.cmpi ne, %convert_element_type3A_105, %cond3A_106 : i32
      scf.if %cond3A_107 {
        %dma_wait3A = arith.constant 0 : i32
        %dma_wait3A_117 = arith.constant 0 : i32
        %dma_wait3A_118 = tpu.memref_slice %arg2[%dma_wait3A, %dma_wait3A_117] : memref<10000x128xf32, #tpu.memory_space<hbm>> -> memref<10000x128xf32, #tpu.memory_space<hbm>>
        tpu.wait_indirect_dma semaphore(%arg26 : memref<!tpu.dma_semaphore, #tpu.memory_space<semaphore_mem>>) src(%dma_wait3A_118 : memref<10000x128xf32, #tpu.memory_space<hbm>>) dst(%arg17 : memref<128x128xf32, #tpu.memory_space<vmem>>)
        %add3A_119 = arith.addi %add3A, %add3A_103 : i32
        %lt3A_120 = arith.constant 2500 : i32
        %lt3A_121 = arith.cmpi slt, %add3A_119, %lt3A_120 : i32
        %convert_element_type3A_122 = arith.extui %lt3A_121 : i1 to i32
        %cond3A_123 = arith.constant 0 : i32
        %cond3A_124 = arith.cmpi ne, %convert_element_type3A_122, %cond3A_123 : i32
        scf.if %cond3A_124 {
          %dma_start3A_143 = arith.constant 0 : i32
          %dma_start3A_144 = arith.constant 0 : i32
          %dma_start3A_145 = tpu.memref_slice %arg21[%dma_start3A_143, %dma_start3A_144] : memref<10016x8xf32, #tpu.memory_space<vmem_shared>> -> memref<10016x8xf32, #tpu.memory_space<vmem_shared>>
          tpu.enqueue_indirect_dma source(%arg19 : memref<128x8xf32, #tpu.memory_space<vmem>>) target(%dma_start3A_145 : memref<10016x8xf32, #tpu.memory_space<vmem_shared>>) offsets(%arg15 : memref<128xi32, #tpu.memory_space<vmem>>) semaphore(%arg28 : memref<!tpu.dma_semaphore, #tpu.memory_space<semaphore_mem>>) {add = true}
          "tpu.region"() ({
            %run_scoped3A = tpu.sem_alloc : memref<!tpu.dma_semaphore, #tpu.memory_space<semaphore_mem>>
            %dma_start3A_149 = arith.constant 0 : i32
            %dma_start3A_150 = arith.constant 0 : i32
            %dma_start3A_151 = tpu.memref_slice %arg20[%dma_start3A_149, %dma_start3A_150] : memref<10016x128xf32, #tpu.memory_space<vmem_shared>> -> memref<10016x128xf32, #tpu.memory_space<vmem_shared>>
            tpu.enqueue_indirect_dma source(%arg17 : memref<128x128xf32, #tpu.memory_space<vmem>>) target(%dma_start3A_151 : memref<10016x128xf32, #tpu.memory_space<vmem_shared>>) offsets(%arg15 : memref<128xi32, #tpu.memory_space<vmem>>) semaphore(%run_scoped3A : memref<!tpu.dma_semaphore, #tpu.memory_space<semaphore_mem>>) {add = true}
            %dma_wait3A_152 = arith.constant 0 : i32
            %dma_wait3A_153 = arith.constant 0 : i32
            %dma_wait3A_154 = tpu.memref_slice %arg20[%dma_wait3A_152, %dma_wait3A_153] : memref<10016x128xf32, #tpu.memory_space<vmem_shared>> -> memref<10016x128xf32, #tpu.memory_space<vmem_shared>>
            tpu.wait_indirect_dma semaphore(%run_scoped3A : memref<!tpu.dma_semaphore, #tpu.memory_space<semaphore_mem>>) src(%arg17 : memref<128x128xf32, #tpu.memory_space<vmem>>) dst(%dma_wait3A_154 : memref<10016x128xf32, #tpu.memory_space<vmem_shared>>)
            tpu.yield
          }) : () -> ()
          %dma_wait3A_146 = arith.constant 0 : i32
          %dma_wait3A_147 = arith.constant 0 : i32
          %dma_wait3A_148 = tpu.memref_slice %arg21[%dma_wait3A_146, %dma_wait3A_147] : memref<10016x8xf32, #tpu.memory_space<vmem_shared>> -> memref<10016x8xf32, #tpu.memory_space<vmem_shared>>
          tpu.wait_indirect_dma semaphore(%arg28 : memref<!tpu.dma_semaphore, #tpu.memory_space<semaphore_mem>>) src(%arg19 : memref<128x8xf32, #tpu.memory_space<vmem>>) dst(%dma_wait3A_148 : memref<10016x8xf32, #tpu.memory_space<vmem_shared>>)
        } else {
        }
        %add3A_125 = arith.constant 4 : i32
        %add3A_126 = arith.addi %add3A_103, %add3A_125 : i32
        %lt3A_127 = arith.cmpi slt, %add3A_126, %select_n3A : i32
        %add3A_128 = arith.addi %add3A, %add3A_103 : i32
        %add3A_129 = arith.constant 4 : i32
        %add3A_130 = arith.addi %add3A_128, %add3A_129 : i32
        %lt3A_131 = arith.constant 2500 : i32
        %lt3A_132 = arith.cmpi slt, %add3A_130, %lt3A_131 : i32
        %and3A_133 = arith.andi %lt3A_127, %lt3A_132 : i1
        %convert_element_type3A_134 = arith.extui %and3A_133 : i1 to i32
        %cond3A_135 = arith.constant 0 : i32
        %cond3A_136 = arith.cmpi ne, %convert_element_type3A_134, %cond3A_135 : i32
        scf.if %cond3A_136 {
          %add3A_143 = arith.constant 4 : i32
          %add3A_144 = arith.addi %add3A_103, %add3A_143 : i32
          %add3A_145 = arith.addi %add3A, %add3A_144 : i32
          %dma_start3A_146 = arith.constant 0 : i32
          %dma_start3A_147 = tpu.memref_slice %arg3[%add3A_145, %dma_start3A_146] : memref<2500x128xi32, #tpu.memory_space<hbm>> -> memref<1x128xi32, #tpu.memory_space<hbm>>
          %dma_start3A_148 = tpu.memref_squeeze %dma_start3A_147 : memref<1x128xi32, #tpu.memory_space<hbm>> -> memref<128xi32, #tpu.memory_space<hbm>>
          %dma_start3A_149 = arith.constant 0 : i32
          %dma_start3A_150 = tpu.memref_slice %arg3[%add3A_145, %dma_start3A_149] : memref<2500x128xi32, #tpu.memory_space<hbm>> -> memref<1x128xi32, #tpu.memory_space<hbm>>
          %dma_start3A_151 = tpu.memref_squeeze %dma_start3A_150 : memref<1x128xi32, #tpu.memory_space<hbm>> -> memref<128xi32, #tpu.memory_space<hbm>>
          tpu.enqueue_dma source(%dma_start3A_151 : memref<128xi32, #tpu.memory_space<hbm>>) target(%arg11 : memref<128xi32, #tpu.memory_space<vmem>>) target_semaphore(%arg24 : memref<!tpu.dma_semaphore, #tpu.memory_space<semaphore_mem>>)
          %add3A_152 = arith.addi %add3A, %add3A_144 : i32
          %dma_start3A_153 = arith.constant 0 : i32
          %dma_start3A_154 = tpu.memref_slice %arg4[%add3A_152, %dma_start3A_153] : memref<2500x128xi32, #tpu.memory_space<hbm>> -> memref<1x128xi32, #tpu.memory_space<hbm>>
          %dma_start3A_155 = tpu.memref_squeeze %dma_start3A_154 : memref<1x128xi32, #tpu.memory_space<hbm>> -> memref<128xi32, #tpu.memory_space<hbm>>
          %dma_start3A_156 = arith.constant 0 : i32
          %dma_start3A_157 = tpu.memref_slice %arg4[%add3A_152, %dma_start3A_156] : memref<2500x128xi32, #tpu.memory_space<hbm>> -> memref<1x128xi32, #tpu.memory_space<hbm>>
          %dma_start3A_158 = tpu.memref_squeeze %dma_start3A_157 : memref<1x128xi32, #tpu.memory_space<hbm>> -> memref<128xi32, #tpu.memory_space<hbm>>
          tpu.enqueue_dma source(%dma_start3A_158 : memref<128xi32, #tpu.memory_space<hbm>>) target(%arg15 : memref<128xi32, #tpu.memory_space<vmem>>) target_semaphore(%arg24 : memref<!tpu.dma_semaphore, #tpu.memory_space<semaphore_mem>>)
        } else {
        }
        %add3A_137 = arith.constant 2 : i32
        %add3A_138 = arith.addi %add3A_103, %add3A_137 : i32
        %lt3A_139 = arith.cmpi slt, %add3A_138, %select_n3A : i32
        %convert_element_type3A_140 = arith.extui %lt3A_139 : i1 to i32
        %cond3A_141 = arith.constant 0 : i32
        %cond3A_142 = arith.cmpi ne, %convert_element_type3A_140, %cond3A_141 : i32
        scf.if %cond3A_142 {
          %add3A_143 = arith.addi %add3A, %add3A_103 : i32
          %add3A_144 = arith.constant 2 : i32
          %add3A_145 = arith.addi %add3A_143, %add3A_144 : i32
          %lt3A_146 = arith.constant 2500 : i32
          %lt3A_147 = arith.cmpi slt, %add3A_145, %lt3A_146 : i32
          %convert_element_type3A_148 = arith.extui %lt3A_147 : i1 to i32
          %cond3A_149 = arith.constant 0 : i32
          %cond3A_150 = arith.cmpi ne, %convert_element_type3A_148, %cond3A_149 : i32
          scf.if %cond3A_150 {
            %add3A_154 = arith.constant 2 : i32
            %add3A_155 = arith.addi %add3A_103, %add3A_154 : i32
            %add3A_156 = arith.addi %add3A, %add3A_155 : i32
            %dma_wait3A_157 = arith.constant 0 : i32
            %dma_wait3A_158 = tpu.memref_slice %arg3[%add3A_156, %dma_wait3A_157] : memref<2500x128xi32, #tpu.memory_space<hbm>> -> memref<1x128xi32, #tpu.memory_space<hbm>>
            %dma_wait3A_159 = tpu.memref_squeeze %dma_wait3A_158 : memref<1x128xi32, #tpu.memory_space<hbm>> -> memref<128xi32, #tpu.memory_space<hbm>>
            %dma_wait3A_160 = arith.constant 0 : i32
            %dma_wait3A_161 = tpu.memref_slice %arg3[%add3A_156, %dma_wait3A_160] : memref<2500x128xi32, #tpu.memory_space<hbm>> -> memref<1x128xi32, #tpu.memory_space<hbm>>
            %dma_wait3A_162 = tpu.memref_squeeze %dma_wait3A_161 : memref<1x128xi32, #tpu.memory_space<hbm>> -> memref<128xi32, #tpu.memory_space<hbm>>
            tpu.wait_dma2 semaphore(%arg22 : memref<!tpu.dma_semaphore, #tpu.memory_space<semaphore_mem>>) src(%dma_wait3A_162 : memref<128xi32, #tpu.memory_space<hbm>>) dst(%arg9 : memref<128xi32, #tpu.memory_space<vmem>>)
            %add3A_163 = arith.addi %add3A, %add3A_155 : i32
            %dma_wait3A_164 = arith.constant 0 : i32
            %dma_wait3A_165 = tpu.memref_slice %arg4[%add3A_163, %dma_wait3A_164] : memref<2500x128xi32, #tpu.memory_space<hbm>> -> memref<1x128xi32, #tpu.memory_space<hbm>>
            %dma_wait3A_166 = tpu.memref_squeeze %dma_wait3A_165 : memref<1x128xi32, #tpu.memory_space<hbm>> -> memref<128xi32, #tpu.memory_space<hbm>>
            %dma_wait3A_167 = arith.constant 0 : i32
            %dma_wait3A_168 = tpu.memref_slice %arg4[%add3A_163, %dma_wait3A_167] : memref<2500x128xi32, #tpu.memory_space<hbm>> -> memref<1x128xi32, #tpu.memory_space<hbm>>
            %dma_wait3A_169 = tpu.memref_squeeze %dma_wait3A_168 : memref<1x128xi32, #tpu.memory_space<hbm>> -> memref<128xi32, #tpu.memory_space<hbm>>
            tpu.wait_dma2 semaphore(%arg22 : memref<!tpu.dma_semaphore, #tpu.memory_space<semaphore_mem>>) src(%dma_wait3A_169 : memref<128xi32, #tpu.memory_space<hbm>>) dst(%arg13 : memref<128xi32, #tpu.memory_space<vmem>>)
          } else {
          }
          %dma_start3A_151 = arith.constant 0 : i32
          %dma_start3A_152 = arith.constant 0 : i32
          %dma_start3A_153 = tpu.memref_slice %arg2[%dma_start3A_151, %dma_start3A_152] : memref<10000x128xf32, #tpu.memory_space<hbm>> -> memref<10000x128xf32, #tpu.memory_space<hbm>>
          tpu.enqueue_indirect_dma source(%dma_start3A_153 : memref<10000x128xf32, #tpu.memory_space<hbm>>) target(%arg17 : memref<128x128xf32, #tpu.memory_space<vmem>>) offsets(%arg9 : memref<128xi32, #tpu.memory_space<vmem>>) semaphore(%arg26 : memref<!tpu.dma_semaphore, #tpu.memory_space<semaphore_mem>>)
        } else {
        }
      } else {
      }
      %mul3A_108 = arith.constant 4 : i32
      %mul3A_109 = arith.muli %mul3A_108, %while3A_85 : i32
      %add3A_110 = arith.constant 3 : i32
      %add3A_111 = arith.addi %mul3A_109, %add3A_110 : i32
      %lt3A_112 = arith.cmpi slt, %add3A_111, %select_n3A : i32
      %convert_element_type3A_113 = arith.extui %lt3A_112 : i1 to i32
      %cond3A_114 = arith.constant 0 : i32
      %cond3A_115 = arith.cmpi ne, %convert_element_type3A_113, %cond3A_114 : i32
      scf.if %cond3A_115 {
        %dma_wait3A = arith.constant 0 : i32
        %dma_wait3A_117 = arith.constant 0 : i32
        %dma_wait3A_118 = tpu.memref_slice %arg2[%dma_wait3A, %dma_wait3A_117] : memref<10000x128xf32, #tpu.memory_space<hbm>> -> memref<10000x128xf32, #tpu.memory_space<hbm>>
        tpu.wait_indirect_dma semaphore(%arg27 : memref<!tpu.dma_semaphore, #tpu.memory_space<semaphore_mem>>) src(%dma_wait3A_118 : memref<10000x128xf32, #tpu.memory_space<hbm>>) dst(%arg18 : memref<128x128xf32, #tpu.memory_space<vmem>>)
        %add3A_119 = arith.addi %add3A, %add3A_111 : i32
        %lt3A_120 = arith.constant 2500 : i32
        %lt3A_121 = arith.cmpi slt, %add3A_119, %lt3A_120 : i32
        %convert_element_type3A_122 = arith.extui %lt3A_121 : i1 to i32
        %cond3A_123 = arith.constant 0 : i32
        %cond3A_124 = arith.cmpi ne, %convert_element_type3A_122, %cond3A_123 : i32
        scf.if %cond3A_124 {
          %dma_start3A_143 = arith.constant 0 : i32
          %dma_start3A_144 = arith.constant 0 : i32
          %dma_start3A_145 = tpu.memref_slice %arg21[%dma_start3A_143, %dma_start3A_144] : memref<10016x8xf32, #tpu.memory_space<vmem_shared>> -> memref<10016x8xf32, #tpu.memory_space<vmem_shared>>
          tpu.enqueue_indirect_dma source(%arg19 : memref<128x8xf32, #tpu.memory_space<vmem>>) target(%dma_start3A_145 : memref<10016x8xf32, #tpu.memory_space<vmem_shared>>) offsets(%arg16 : memref<128xi32, #tpu.memory_space<vmem>>) semaphore(%arg28 : memref<!tpu.dma_semaphore, #tpu.memory_space<semaphore_mem>>) {add = true}
          "tpu.region"() ({
            %run_scoped3A = tpu.sem_alloc : memref<!tpu.dma_semaphore, #tpu.memory_space<semaphore_mem>>
            %dma_start3A_149 = arith.constant 0 : i32
            %dma_start3A_150 = arith.constant 0 : i32
            %dma_start3A_151 = tpu.memref_slice %arg20[%dma_start3A_149, %dma_start3A_150] : memref<10016x128xf32, #tpu.memory_space<vmem_shared>> -> memref<10016x128xf32, #tpu.memory_space<vmem_shared>>
            tpu.enqueue_indirect_dma source(%arg18 : memref<128x128xf32, #tpu.memory_space<vmem>>) target(%dma_start3A_151 : memref<10016x128xf32, #tpu.memory_space<vmem_shared>>) offsets(%arg16 : memref<128xi32, #tpu.memory_space<vmem>>) semaphore(%run_scoped3A : memref<!tpu.dma_semaphore, #tpu.memory_space<semaphore_mem>>) {add = true}
            %dma_wait3A_152 = arith.constant 0 : i32
            %dma_wait3A_153 = arith.constant 0 : i32
            %dma_wait3A_154 = tpu.memref_slice %arg20[%dma_wait3A_152, %dma_wait3A_153] : memref<10016x128xf32, #tpu.memory_space<vmem_shared>> -> memref<10016x128xf32, #tpu.memory_space<vmem_shared>>
            tpu.wait_indirect_dma semaphore(%run_scoped3A : memref<!tpu.dma_semaphore, #tpu.memory_space<semaphore_mem>>) src(%arg18 : memref<128x128xf32, #tpu.memory_space<vmem>>) dst(%dma_wait3A_154 : memref<10016x128xf32, #tpu.memory_space<vmem_shared>>)
            tpu.yield
          }) : () -> ()
          %dma_wait3A_146 = arith.constant 0 : i32
          %dma_wait3A_147 = arith.constant 0 : i32
          %dma_wait3A_148 = tpu.memref_slice %arg21[%dma_wait3A_146, %dma_wait3A_147] : memref<10016x8xf32, #tpu.memory_space<vmem_shared>> -> memref<10016x8xf32, #tpu.memory_space<vmem_shared>>
          tpu.wait_indirect_dma semaphore(%arg28 : memref<!tpu.dma_semaphore, #tpu.memory_space<semaphore_mem>>) src(%arg19 : memref<128x8xf32, #tpu.memory_space<vmem>>) dst(%dma_wait3A_148 : memref<10016x8xf32, #tpu.memory_space<vmem_shared>>)
        } else {
        }
        %add3A_125 = arith.constant 4 : i32
        %add3A_126 = arith.addi %add3A_111, %add3A_125 : i32
        %lt3A_127 = arith.cmpi slt, %add3A_126, %select_n3A : i32
        %add3A_128 = arith.addi %add3A, %add3A_111 : i32
        %add3A_129 = arith.constant 4 : i32
        %add3A_130 = arith.addi %add3A_128, %add3A_129 : i32
        %lt3A_131 = arith.constant 2500 : i32
        %lt3A_132 = arith.cmpi slt, %add3A_130, %lt3A_131 : i32
        %and3A_133 = arith.andi %lt3A_127, %lt3A_132 : i1
        %convert_element_type3A_134 = arith.extui %and3A_133 : i1 to i32
        %cond3A_135 = arith.constant 0 : i32
        %cond3A_136 = arith.cmpi ne, %convert_element_type3A_134, %cond3A_135 : i32
        scf.if %cond3A_136 {
          %add3A_143 = arith.constant 4 : i32
          %add3A_144 = arith.addi %add3A_111, %add3A_143 : i32
          %add3A_145 = arith.addi %add3A, %add3A_144 : i32
          %dma_start3A_146 = arith.constant 0 : i32
          %dma_start3A_147 = tpu.memref_slice %arg3[%add3A_145, %dma_start3A_146] : memref<2500x128xi32, #tpu.memory_space<hbm>> -> memref<1x128xi32, #tpu.memory_space<hbm>>
          %dma_start3A_148 = tpu.memref_squeeze %dma_start3A_147 : memref<1x128xi32, #tpu.memory_space<hbm>> -> memref<128xi32, #tpu.memory_space<hbm>>
          %dma_start3A_149 = arith.constant 0 : i32
          %dma_start3A_150 = tpu.memref_slice %arg3[%add3A_145, %dma_start3A_149] : memref<2500x128xi32, #tpu.memory_space<hbm>> -> memref<1x128xi32, #tpu.memory_space<hbm>>
          %dma_start3A_151 = tpu.memref_squeeze %dma_start3A_150 : memref<1x128xi32, #tpu.memory_space<hbm>> -> memref<128xi32, #tpu.memory_space<hbm>>
          tpu.enqueue_dma source(%dma_start3A_151 : memref<128xi32, #tpu.memory_space<hbm>>) target(%arg12 : memref<128xi32, #tpu.memory_space<vmem>>) target_semaphore(%arg25 : memref<!tpu.dma_semaphore, #tpu.memory_space<semaphore_mem>>)
          %add3A_152 = arith.addi %add3A, %add3A_144 : i32
          %dma_start3A_153 = arith.constant 0 : i32
          %dma_start3A_154 = tpu.memref_slice %arg4[%add3A_152, %dma_start3A_153] : memref<2500x128xi32, #tpu.memory_space<hbm>> -> memref<1x128xi32, #tpu.memory_space<hbm>>
          %dma_start3A_155 = tpu.memref_squeeze %dma_start3A_154 : memref<1x128xi32, #tpu.memory_space<hbm>> -> memref<128xi32, #tpu.memory_space<hbm>>
          %dma_start3A_156 = arith.constant 0 : i32
          %dma_start3A_157 = tpu.memref_slice %arg4[%add3A_152, %dma_start3A_156] : memref<2500x128xi32, #tpu.memory_space<hbm>> -> memref<1x128xi32, #tpu.memory_space<hbm>>
          %dma_start3A_158 = tpu.memref_squeeze %dma_start3A_157 : memref<1x128xi32, #tpu.memory_space<hbm>> -> memref<128xi32, #tpu.memory_space<hbm>>
          tpu.enqueue_dma source(%dma_start3A_158 : memref<128xi32, #tpu.memory_space<hbm>>) target(%arg16 : memref<128xi32, #tpu.memory_space<vmem>>) target_semaphore(%arg25 : memref<!tpu.dma_semaphore, #tpu.memory_space<semaphore_mem>>)
        } else {
        }
        %add3A_137 = arith.constant 2 : i32
        %add3A_138 = arith.addi %add3A_111, %add3A_137 : i32
        %lt3A_139 = arith.cmpi slt, %add3A_138, %select_n3A : i32
        %convert_element_type3A_140 = arith.extui %lt3A_139 : i1 to i32
        %cond3A_141 = arith.constant 0 : i32
        %cond3A_142 = arith.cmpi ne, %convert_element_type3A_140, %cond3A_141 : i32
        scf.if %cond3A_142 {
          %add3A_143 = arith.addi %add3A, %add3A_111 : i32
          %add3A_144 = arith.constant 2 : i32
          %add3A_145 = arith.addi %add3A_143, %add3A_144 : i32
          %lt3A_146 = arith.constant 2500 : i32
          %lt3A_147 = arith.cmpi slt, %add3A_145, %lt3A_146 : i32
          %convert_element_type3A_148 = arith.extui %lt3A_147 : i1 to i32
          %cond3A_149 = arith.constant 0 : i32
          %cond3A_150 = arith.cmpi ne, %convert_element_type3A_148, %cond3A_149 : i32
          scf.if %cond3A_150 {
            %add3A_154 = arith.constant 2 : i32
            %add3A_155 = arith.addi %add3A_111, %add3A_154 : i32
            %add3A_156 = arith.addi %add3A, %add3A_155 : i32
            %dma_wait3A_157 = arith.constant 0 : i32
            %dma_wait3A_158 = tpu.memref_slice %arg3[%add3A_156, %dma_wait3A_157] : memref<2500x128xi32, #tpu.memory_space<hbm>> -> memref<1x128xi32, #tpu.memory_space<hbm>>
            %dma_wait3A_159 = tpu.memref_squeeze %dma_wait3A_158 : memref<1x128xi32, #tpu.memory_space<hbm>> -> memref<128xi32, #tpu.memory_space<hbm>>
            %dma_wait3A_160 = arith.constant 0 : i32
            %dma_wait3A_161 = tpu.memref_slice %arg3[%add3A_156, %dma_wait3A_160] : memref<2500x128xi32, #tpu.memory_space<hbm>> -> memref<1x128xi32, #tpu.memory_space<hbm>>
            %dma_wait3A_162 = tpu.memref_squeeze %dma_wait3A_161 : memref<1x128xi32, #tpu.memory_space<hbm>> -> memref<128xi32, #tpu.memory_space<hbm>>
            tpu.wait_dma2 semaphore(%arg23 : memref<!tpu.dma_semaphore, #tpu.memory_space<semaphore_mem>>) src(%dma_wait3A_162 : memref<128xi32, #tpu.memory_space<hbm>>) dst(%arg10 : memref<128xi32, #tpu.memory_space<vmem>>)
            %add3A_163 = arith.addi %add3A, %add3A_155 : i32
            %dma_wait3A_164 = arith.constant 0 : i32
            %dma_wait3A_165 = tpu.memref_slice %arg4[%add3A_163, %dma_wait3A_164] : memref<2500x128xi32, #tpu.memory_space<hbm>> -> memref<1x128xi32, #tpu.memory_space<hbm>>
            %dma_wait3A_166 = tpu.memref_squeeze %dma_wait3A_165 : memref<1x128xi32, #tpu.memory_space<hbm>> -> memref<128xi32, #tpu.memory_space<hbm>>
            %dma_wait3A_167 = arith.constant 0 : i32
            %dma_wait3A_168 = tpu.memref_slice %arg4[%add3A_163, %dma_wait3A_167] : memref<2500x128xi32, #tpu.memory_space<hbm>> -> memref<1x128xi32, #tpu.memory_space<hbm>>
            %dma_wait3A_169 = tpu.memref_squeeze %dma_wait3A_168 : memref<1x128xi32, #tpu.memory_space<hbm>> -> memref<128xi32, #tpu.memory_space<hbm>>
            tpu.wait_dma2 semaphore(%arg23 : memref<!tpu.dma_semaphore, #tpu.memory_space<semaphore_mem>>) src(%dma_wait3A_169 : memref<128xi32, #tpu.memory_space<hbm>>) dst(%arg14 : memref<128xi32, #tpu.memory_space<vmem>>)
          } else {
          }
          %dma_start3A_151 = arith.constant 0 : i32
          %dma_start3A_152 = arith.constant 0 : i32
          %dma_start3A_153 = tpu.memref_slice %arg2[%dma_start3A_151, %dma_start3A_152] : memref<10000x128xf32, #tpu.memory_space<hbm>> -> memref<10000x128xf32, #tpu.memory_space<hbm>>
          tpu.enqueue_indirect_dma source(%dma_start3A_153 : memref<10000x128xf32, #tpu.memory_space<hbm>>) target(%arg18 : memref<128x128xf32, #tpu.memory_space<vmem>>) offsets(%arg10 : memref<128xi32, #tpu.memory_space<vmem>>) semaphore(%arg27 : memref<!tpu.dma_semaphore, #tpu.memory_space<semaphore_mem>>)
        } else {
        }
      } else {
      }
      %while3A_116 = arith.constant 0 : i32
      scf.yield %while3A_116 : i32
    }
    %while3A_82 = arith.constant 1 : i32
    %while3A_83 = scf.for %while3A_85 = %while3A_79 to %while3A_75 step %while3A_82 iter_args(%while3A_86 = %while3A_81) -> (i32)  : i32 {
      %mul3A_87 = arith.constant 4 : i32
      %mul3A_88 = arith.muli %mul3A_87, %while3A_85 : i32
      %add3A_89 = arith.constant 0 : i32
      %add3A_90 = arith.addi %mul3A_88, %add3A_89 : i32
      %lt3A = arith.cmpi slt, %add3A_90, %select_n3A : i32
      %convert_element_type3A = arith.extui %lt3A : i1 to i32
      %cond3A = arith.constant 0 : i32
      %cond3A_91 = arith.cmpi ne, %convert_element_type3A, %cond3A : i32
      scf.if %cond3A_91 {
        %dma_wait3A = arith.constant 0 : i32
        %dma_wait3A_117 = arith.constant 0 : i32
        %dma_wait3A_118 = tpu.memref_slice %arg2[%dma_wait3A, %dma_wait3A_117] : memref<10000x128xf32, #tpu.memory_space<hbm>> -> memref<10000x128xf32, #tpu.memory_space<hbm>>
        tpu.wait_indirect_dma semaphore(%arg26 : memref<!tpu.dma_semaphore, #tpu.memory_space<semaphore_mem>>) src(%dma_wait3A_118 : memref<10000x128xf32, #tpu.memory_space<hbm>>) dst(%arg17 : memref<128x128xf32, #tpu.memory_space<vmem>>)
        %add3A_119 = arith.addi %add3A, %add3A_90 : i32
        %lt3A_120 = arith.constant 2500 : i32
        %lt3A_121 = arith.cmpi slt, %add3A_119, %lt3A_120 : i32
        %convert_element_type3A_122 = arith.extui %lt3A_121 : i1 to i32
        %cond3A_123 = arith.constant 0 : i32
        %cond3A_124 = arith.cmpi ne, %convert_element_type3A_122, %cond3A_123 : i32
        scf.if %cond3A_124 {
          %dma_start3A_143 = arith.constant 0 : i32
          %dma_start3A_144 = arith.constant 0 : i32
          %dma_start3A_145 = tpu.memref_slice %arg21[%dma_start3A_143, %dma_start3A_144] : memref<10016x8xf32, #tpu.memory_space<vmem_shared>> -> memref<10016x8xf32, #tpu.memory_space<vmem_shared>>
          tpu.enqueue_indirect_dma source(%arg19 : memref<128x8xf32, #tpu.memory_space<vmem>>) target(%dma_start3A_145 : memref<10016x8xf32, #tpu.memory_space<vmem_shared>>) offsets(%arg13 : memref<128xi32, #tpu.memory_space<vmem>>) semaphore(%arg28 : memref<!tpu.dma_semaphore, #tpu.memory_space<semaphore_mem>>) {add = true}
          "tpu.region"() ({
            %run_scoped3A = tpu.sem_alloc : memref<!tpu.dma_semaphore, #tpu.memory_space<semaphore_mem>>
            %dma_start3A_149 = arith.constant 0 : i32
            %dma_start3A_150 = arith.constant 0 : i32
            %dma_start3A_151 = tpu.memref_slice %arg20[%dma_start3A_149, %dma_start3A_150] : memref<10016x128xf32, #tpu.memory_space<vmem_shared>> -> memref<10016x128xf32, #tpu.memory_space<vmem_shared>>
            tpu.enqueue_indirect_dma source(%arg17 : memref<128x128xf32, #tpu.memory_space<vmem>>) target(%dma_start3A_151 : memref<10016x128xf32, #tpu.memory_space<vmem_shared>>) offsets(%arg13 : memref<128xi32, #tpu.memory_space<vmem>>) semaphore(%run_scoped3A : memref<!tpu.dma_semaphore, #tpu.memory_space<semaphore_mem>>) {add = true}
            %dma_wait3A_152 = arith.constant 0 : i32
            %dma_wait3A_153 = arith.constant 0 : i32
            %dma_wait3A_154 = tpu.memref_slice %arg20[%dma_wait3A_152, %dma_wait3A_153] : memref<10016x128xf32, #tpu.memory_space<vmem_shared>> -> memref<10016x128xf32, #tpu.memory_space<vmem_shared>>
            tpu.wait_indirect_dma semaphore(%run_scoped3A : memref<!tpu.dma_semaphore, #tpu.memory_space<semaphore_mem>>) src(%arg17 : memref<128x128xf32, #tpu.memory_space<vmem>>) dst(%dma_wait3A_154 : memref<10016x128xf32, #tpu.memory_space<vmem_shared>>)
            tpu.yield
          }) : () -> ()
          %dma_wait3A_146 = arith.constant 0 : i32
          %dma_wait3A_147 = arith.constant 0 : i32
          %dma_wait3A_148 = tpu.memref_slice %arg21[%dma_wait3A_146, %dma_wait3A_147] : memref<10016x8xf32, #tpu.memory_space<vmem_shared>> -> memref<10016x8xf32, #tpu.memory_space<vmem_shared>>
          tpu.wait_indirect_dma semaphore(%arg28 : memref<!tpu.dma_semaphore, #tpu.memory_space<semaphore_mem>>) src(%arg19 : memref<128x8xf32, #tpu.memory_space<vmem>>) dst(%dma_wait3A_148 : memref<10016x8xf32, #tpu.memory_space<vmem_shared>>)
        } else {
        }
        %add3A_125 = arith.constant 4 : i32
        %add3A_126 = arith.addi %add3A_90, %add3A_125 : i32
        %lt3A_127 = arith.cmpi slt, %add3A_126, %select_n3A : i32
        %add3A_128 = arith.addi %add3A, %add3A_90 : i32
        %add3A_129 = arith.constant 4 : i32
        %add3A_130 = arith.addi %add3A_128, %add3A_129 : i32
        %lt3A_131 = arith.constant 2500 : i32
        %lt3A_132 = arith.cmpi slt, %add3A_130, %lt3A_131 : i32
        %and3A_133 = arith.andi %lt3A_127, %lt3A_132 : i1
        %convert_element_type3A_134 = arith.extui %and3A_133 : i1 to i32
        %cond3A_135 = arith.constant 0 : i32
        %cond3A_136 = arith.cmpi ne, %convert_element_type3A_134, %cond3A_135 : i32
        scf.if %cond3A_136 {
          %add3A_143 = arith.constant 4 : i32
          %add3A_144 = arith.addi %add3A_90, %add3A_143 : i32
          %add3A_145 = arith.addi %add3A, %add3A_144 : i32
          %dma_start3A_146 = arith.constant 0 : i32
          %dma_start3A_147 = tpu.memref_slice %arg3[%add3A_145, %dma_start3A_146] : memref<2500x128xi32, #tpu.memory_space<hbm>> -> memref<1x128xi32, #tpu.memory_space<hbm>>
          %dma_start3A_148 = tpu.memref_squeeze %dma_start3A_147 : memref<1x128xi32, #tpu.memory_space<hbm>> -> memref<128xi32, #tpu.memory_space<hbm>>
          %dma_start3A_149 = arith.constant 0 : i32
          %dma_start3A_150 = tpu.memref_slice %arg3[%add3A_145, %dma_start3A_149] : memref<2500x128xi32, #tpu.memory_space<hbm>> -> memref<1x128xi32, #tpu.memory_space<hbm>>
          %dma_start3A_151 = tpu.memref_squeeze %dma_start3A_150 : memref<1x128xi32, #tpu.memory_space<hbm>> -> memref<128xi32, #tpu.memory_space<hbm>>
          tpu.enqueue_dma source(%dma_start3A_151 : memref<128xi32, #tpu.memory_space<hbm>>) target(%arg9 : memref<128xi32, #tpu.memory_space<vmem>>) target_semaphore(%arg22 : memref<!tpu.dma_semaphore, #tpu.memory_space<semaphore_mem>>)
          %add3A_152 = arith.addi %add3A, %add3A_144 : i32
          %dma_start3A_153 = arith.constant 0 : i32
          %dma_start3A_154 = tpu.memref_slice %arg4[%add3A_152, %dma_start3A_153] : memref<2500x128xi32, #tpu.memory_space<hbm>> -> memref<1x128xi32, #tpu.memory_space<hbm>>
          %dma_start3A_155 = tpu.memref_squeeze %dma_start3A_154 : memref<1x128xi32, #tpu.memory_space<hbm>> -> memref<128xi32, #tpu.memory_space<hbm>>
          %dma_start3A_156 = arith.constant 0 : i32
          %dma_start3A_157 = tpu.memref_slice %arg4[%add3A_152, %dma_start3A_156] : memref<2500x128xi32, #tpu.memory_space<hbm>> -> memref<1x128xi32, #tpu.memory_space<hbm>>
          %dma_start3A_158 = tpu.memref_squeeze %dma_start3A_157 : memref<1x128xi32, #tpu.memory_space<hbm>> -> memref<128xi32, #tpu.memory_space<hbm>>
          tpu.enqueue_dma source(%dma_start3A_158 : memref<128xi32, #tpu.memory_space<hbm>>) target(%arg13 : memref<128xi32, #tpu.memory_space<vmem>>) target_semaphore(%arg22 : memref<!tpu.dma_semaphore, #tpu.memory_space<semaphore_mem>>)
        } else {
        }
        %add3A_137 = arith.constant 2 : i32
        %add3A_138 = arith.addi %add3A_90, %add3A_137 : i32
        %lt3A_139 = arith.cmpi slt, %add3A_138, %select_n3A : i32
        %convert_element_type3A_140 = arith.extui %lt3A_139 : i1 to i32
        %cond3A_141 = arith.constant 0 : i32
        %cond3A_142 = arith.cmpi ne, %convert_element_type3A_140, %cond3A_141 : i32
        scf.if %cond3A_142 {
          %add3A_143 = arith.addi %add3A, %add3A_90 : i32
          %add3A_144 = arith.constant 2 : i32
          %add3A_145 = arith.addi %add3A_143, %add3A_144 : i32
          %lt3A_146 = arith.constant 2500 : i32
          %lt3A_147 = arith.cmpi slt, %add3A_145, %lt3A_146 : i32
          %convert_element_type3A_148 = arith.extui %lt3A_147 : i1 to i32
          %cond3A_149 = arith.constant 0 : i32
          %cond3A_150 = arith.cmpi ne, %convert_element_type3A_148, %cond3A_149 : i32
          scf.if %cond3A_150 {
            %add3A_154 = arith.constant 2 : i32
            %add3A_155 = arith.addi %add3A_90, %add3A_154 : i32
            %add3A_156 = arith.addi %add3A, %add3A_155 : i32
            %dma_wait3A_157 = arith.constant 0 : i32
            %dma_wait3A_158 = tpu.memref_slice %arg3[%add3A_156, %dma_wait3A_157] : memref<2500x128xi32, #tpu.memory_space<hbm>> -> memref<1x128xi32, #tpu.memory_space<hbm>>
            %dma_wait3A_159 = tpu.memref_squeeze %dma_wait3A_158 : memref<1x128xi32, #tpu.memory_space<hbm>> -> memref<128xi32, #tpu.memory_space<hbm>>
            %dma_wait3A_160 = arith.constant 0 : i32
            %dma_wait3A_161 = tpu.memref_slice %arg3[%add3A_156, %dma_wait3A_160] : memref<2500x128xi32, #tpu.memory_space<hbm>> -> memref<1x128xi32, #tpu.memory_space<hbm>>
            %dma_wait3A_162 = tpu.memref_squeeze %dma_wait3A_161 : memref<1x128xi32, #tpu.memory_space<hbm>> -> memref<128xi32, #tpu.memory_space<hbm>>
            tpu.wait_dma2 semaphore(%arg24 : memref<!tpu.dma_semaphore, #tpu.memory_space<semaphore_mem>>) src(%dma_wait3A_162 : memref<128xi32, #tpu.memory_space<hbm>>) dst(%arg11 : memref<128xi32, #tpu.memory_space<vmem>>)
            %add3A_163 = arith.addi %add3A, %add3A_155 : i32
            %dma_wait3A_164 = arith.constant 0 : i32
            %dma_wait3A_165 = tpu.memref_slice %arg4[%add3A_163, %dma_wait3A_164] : memref<2500x128xi32, #tpu.memory_space<hbm>> -> memref<1x128xi32, #tpu.memory_space<hbm>>
            %dma_wait3A_166 = tpu.memref_squeeze %dma_wait3A_165 : memref<1x128xi32, #tpu.memory_space<hbm>> -> memref<128xi32, #tpu.memory_space<hbm>>
            %dma_wait3A_167 = arith.constant 0 : i32
            %dma_wait3A_168 = tpu.memref_slice %arg4[%add3A_163, %dma_wait3A_167] : memref<2500x128xi32, #tpu.memory_space<hbm>> -> memref<1x128xi32, #tpu.memory_space<hbm>>
            %dma_wait3A_169 = tpu.memref_squeeze %dma_wait3A_168 : memref<1x128xi32, #tpu.memory_space<hbm>> -> memref<128xi32, #tpu.memory_space<hbm>>
            tpu.wait_dma2 semaphore(%arg24 : memref<!tpu.dma_semaphore, #tpu.memory_space<semaphore_mem>>) src(%dma_wait3A_169 : memref<128xi32, #tpu.memory_space<hbm>>) dst(%arg15 : memref<128xi32, #tpu.memory_space<vmem>>)
          } else {
          }
          %dma_start3A_151 = arith.constant 0 : i32
          %dma_start3A_152 = arith.constant 0 : i32
          %dma_start3A_153 = tpu.memref_slice %arg2[%dma_start3A_151, %dma_start3A_152] : memref<10000x128xf32, #tpu.memory_space<hbm>> -> memref<10000x128xf32, #tpu.memory_space<hbm>>
          tpu.enqueue_indirect_dma source(%dma_start3A_153 : memref<10000x128xf32, #tpu.memory_space<hbm>>) target(%arg17 : memref<128x128xf32, #tpu.memory_space<vmem>>) offsets(%arg11 : memref<128xi32, #tpu.memory_space<vmem>>) semaphore(%arg26 : memref<!tpu.dma_semaphore, #tpu.memory_space<semaphore_mem>>)
        } else {
        }
      } else {
      }
      %mul3A_92 = arith.constant 4 : i32
      %mul3A_93 = arith.muli %mul3A_92, %while3A_85 : i32
      %add3A_94 = arith.constant 1 : i32
      %add3A_95 = arith.addi %mul3A_93, %add3A_94 : i32
      %lt3A_96 = arith.cmpi slt, %add3A_95, %select_n3A : i32
      %convert_element_type3A_97 = arith.extui %lt3A_96 : i1 to i32
      %cond3A_98 = arith.constant 0 : i32
      %cond3A_99 = arith.cmpi ne, %convert_element_type3A_97, %cond3A_98 : i32
      scf.if %cond3A_99 {
        %dma_wait3A = arith.constant 0 : i32
        %dma_wait3A_117 = arith.constant 0 : i32
        %dma_wait3A_118 = tpu.memref_slice %arg2[%dma_wait3A, %dma_wait3A_117] : memref<10000x128xf32, #tpu.memory_space<hbm>> -> memref<10000x128xf32, #tpu.memory_space<hbm>>
        tpu.wait_indirect_dma semaphore(%arg27 : memref<!tpu.dma_semaphore, #tpu.memory_space<semaphore_mem>>) src(%dma_wait3A_118 : memref<10000x128xf32, #tpu.memory_space<hbm>>) dst(%arg18 : memref<128x128xf32, #tpu.memory_space<vmem>>)
        %add3A_119 = arith.addi %add3A, %add3A_95 : i32
        %lt3A_120 = arith.constant 2500 : i32
        %lt3A_121 = arith.cmpi slt, %add3A_119, %lt3A_120 : i32
        %convert_element_type3A_122 = arith.extui %lt3A_121 : i1 to i32
        %cond3A_123 = arith.constant 0 : i32
        %cond3A_124 = arith.cmpi ne, %convert_element_type3A_122, %cond3A_123 : i32
        scf.if %cond3A_124 {
          %dma_start3A_143 = arith.constant 0 : i32
          %dma_start3A_144 = arith.constant 0 : i32
          %dma_start3A_145 = tpu.memref_slice %arg21[%dma_start3A_143, %dma_start3A_144] : memref<10016x8xf32, #tpu.memory_space<vmem_shared>> -> memref<10016x8xf32, #tpu.memory_space<vmem_shared>>
          tpu.enqueue_indirect_dma source(%arg19 : memref<128x8xf32, #tpu.memory_space<vmem>>) target(%dma_start3A_145 : memref<10016x8xf32, #tpu.memory_space<vmem_shared>>) offsets(%arg14 : memref<128xi32, #tpu.memory_space<vmem>>) semaphore(%arg28 : memref<!tpu.dma_semaphore, #tpu.memory_space<semaphore_mem>>) {add = true}
          "tpu.region"() ({
            %run_scoped3A = tpu.sem_alloc : memref<!tpu.dma_semaphore, #tpu.memory_space<semaphore_mem>>
            %dma_start3A_149 = arith.constant 0 : i32
            %dma_start3A_150 = arith.constant 0 : i32
            %dma_start3A_151 = tpu.memref_slice %arg20[%dma_start3A_149, %dma_start3A_150] : memref<10016x128xf32, #tpu.memory_space<vmem_shared>> -> memref<10016x128xf32, #tpu.memory_space<vmem_shared>>
            tpu.enqueue_indirect_dma source(%arg18 : memref<128x128xf32, #tpu.memory_space<vmem>>) target(%dma_start3A_151 : memref<10016x128xf32, #tpu.memory_space<vmem_shared>>) offsets(%arg14 : memref<128xi32, #tpu.memory_space<vmem>>) semaphore(%run_scoped3A : memref<!tpu.dma_semaphore, #tpu.memory_space<semaphore_mem>>) {add = true}
            %dma_wait3A_152 = arith.constant 0 : i32
            %dma_wait3A_153 = arith.constant 0 : i32
            %dma_wait3A_154 = tpu.memref_slice %arg20[%dma_wait3A_152, %dma_wait3A_153] : memref<10016x128xf32, #tpu.memory_space<vmem_shared>> -> memref<10016x128xf32, #tpu.memory_space<vmem_shared>>
            tpu.wait_indirect_dma semaphore(%run_scoped3A : memref<!tpu.dma_semaphore, #tpu.memory_space<semaphore_mem>>) src(%arg18 : memref<128x128xf32, #tpu.memory_space<vmem>>) dst(%dma_wait3A_154 : memref<10016x128xf32, #tpu.memory_space<vmem_shared>>)
            tpu.yield
          }) : () -> ()
          %dma_wait3A_146 = arith.constant 0 : i32
          %dma_wait3A_147 = arith.constant 0 : i32
          %dma_wait3A_148 = tpu.memref_slice %arg21[%dma_wait3A_146, %dma_wait3A_147] : memref<10016x8xf32, #tpu.memory_space<vmem_shared>> -> memref<10016x8xf32, #tpu.memory_space<vmem_shared>>
          tpu.wait_indirect_dma semaphore(%arg28 : memref<!tpu.dma_semaphore, #tpu.memory_space<semaphore_mem>>) src(%arg19 : memref<128x8xf32, #tpu.memory_space<vmem>>) dst(%dma_wait3A_148 : memref<10016x8xf32, #tpu.memory_space<vmem_shared>>)
        } else {
        }
        %add3A_125 = arith.constant 4 : i32
        %add3A_126 = arith.addi %add3A_95, %add3A_125 : i32
        %lt3A_127 = arith.cmpi slt, %add3A_126, %select_n3A : i32
        %add3A_128 = arith.addi %add3A, %add3A_95 : i32
        %add3A_129 = arith.constant 4 : i32
        %add3A_130 = arith.addi %add3A_128, %add3A_129 : i32
        %lt3A_131 = arith.constant 2500 : i32
        %lt3A_132 = arith.cmpi slt, %add3A_130, %lt3A_131 : i32
        %and3A_133 = arith.andi %lt3A_127, %lt3A_132 : i1
        %convert_element_type3A_134 = arith.extui %and3A_133 : i1 to i32
        %cond3A_135 = arith.constant 0 : i32
        %cond3A_136 = arith.cmpi ne, %convert_element_type3A_134, %cond3A_135 : i32
        scf.if %cond3A_136 {
          %add3A_143 = arith.constant 4 : i32
          %add3A_144 = arith.addi %add3A_95, %add3A_143 : i32
          %add3A_145 = arith.addi %add3A, %add3A_144 : i32
          %dma_start3A_146 = arith.constant 0 : i32
          %dma_start3A_147 = tpu.memref_slice %arg3[%add3A_145, %dma_start3A_146] : memref<2500x128xi32, #tpu.memory_space<hbm>> -> memref<1x128xi32, #tpu.memory_space<hbm>>
          %dma_start3A_148 = tpu.memref_squeeze %dma_start3A_147 : memref<1x128xi32, #tpu.memory_space<hbm>> -> memref<128xi32, #tpu.memory_space<hbm>>
          %dma_start3A_149 = arith.constant 0 : i32
          %dma_start3A_150 = tpu.memref_slice %arg3[%add3A_145, %dma_start3A_149] : memref<2500x128xi32, #tpu.memory_space<hbm>> -> memref<1x128xi32, #tpu.memory_space<hbm>>
          %dma_start3A_151 = tpu.memref_squeeze %dma_start3A_150 : memref<1x128xi32, #tpu.memory_space<hbm>> -> memref<128xi32, #tpu.memory_space<hbm>>
          tpu.enqueue_dma source(%dma_start3A_151 : memref<128xi32, #tpu.memory_space<hbm>>) target(%arg10 : memref<128xi32, #tpu.memory_space<vmem>>) target_semaphore(%arg23 : memref<!tpu.dma_semaphore, #tpu.memory_space<semaphore_mem>>)
          %add3A_152 = arith.addi %add3A, %add3A_144 : i32
          %dma_start3A_153 = arith.constant 0 : i32
          %dma_start3A_154 = tpu.memref_slice %arg4[%add3A_152, %dma_start3A_153] : memref<2500x128xi32, #tpu.memory_space<hbm>> -> memref<1x128xi32, #tpu.memory_space<hbm>>
          %dma_start3A_155 = tpu.memref_squeeze %dma_start3A_154 : memref<1x128xi32, #tpu.memory_space<hbm>> -> memref<128xi32, #tpu.memory_space<hbm>>
          %dma_start3A_156 = arith.constant 0 : i32
          %dma_start3A_157 = tpu.memref_slice %arg4[%add3A_152, %dma_start3A_156] : memref<2500x128xi32, #tpu.memory_space<hbm>> -> memref<1x128xi32, #tpu.memory_space<hbm>>
          %dma_start3A_158 = tpu.memref_squeeze %dma_start3A_157 : memref<1x128xi32, #tpu.memory_space<hbm>> -> memref<128xi32, #tpu.memory_space<hbm>>
          tpu.enqueue_dma source(%dma_start3A_158 : memref<128xi32, #tpu.memory_space<hbm>>) target(%arg14 : memref<128xi32, #tpu.memory_space<vmem>>) target_semaphore(%arg23 : memref<!tpu.dma_semaphore, #tpu.memory_space<semaphore_mem>>)
        } else {
        }
        %add3A_137 = arith.constant 2 : i32
        %add3A_138 = arith.addi %add3A_95, %add3A_137 : i32
        %lt3A_139 = arith.cmpi slt, %add3A_138, %select_n3A : i32
        %convert_element_type3A_140 = arith.extui %lt3A_139 : i1 to i32
        %cond3A_141 = arith.constant 0 : i32
        %cond3A_142 = arith.cmpi ne, %convert_element_type3A_140, %cond3A_141 : i32
        scf.if %cond3A_142 {
          %add3A_143 = arith.addi %add3A, %add3A_95 : i32
          %add3A_144 = arith.constant 2 : i32
          %add3A_145 = arith.addi %add3A_143, %add3A_144 : i32
          %lt3A_146 = arith.constant 2500 : i32
          %lt3A_147 = arith.cmpi slt, %add3A_145, %lt3A_146 : i32
          %convert_element_type3A_148 = arith.extui %lt3A_147 : i1 to i32
          %cond3A_149 = arith.constant 0 : i32
          %cond3A_150 = arith.cmpi ne, %convert_element_type3A_148, %cond3A_149 : i32
          scf.if %cond3A_150 {
            %add3A_154 = arith.constant 2 : i32
            %add3A_155 = arith.addi %add3A_95, %add3A_154 : i32
            %add3A_156 = arith.addi %add3A, %add3A_155 : i32
            %dma_wait3A_157 = arith.constant 0 : i32
            %dma_wait3A_158 = tpu.memref_slice %arg3[%add3A_156, %dma_wait3A_157] : memref<2500x128xi32, #tpu.memory_space<hbm>> -> memref<1x128xi32, #tpu.memory_space<hbm>>
            %dma_wait3A_159 = tpu.memref_squeeze %dma_wait3A_158 : memref<1x128xi32, #tpu.memory_space<hbm>> -> memref<128xi32, #tpu.memory_space<hbm>>
            %dma_wait3A_160 = arith.constant 0 : i32
            %dma_wait3A_161 = tpu.memref_slice %arg3[%add3A_156, %dma_wait3A_160] : memref<2500x128xi32, #tpu.memory_space<hbm>> -> memref<1x128xi32, #tpu.memory_space<hbm>>
            %dma_wait3A_162 = tpu.memref_squeeze %dma_wait3A_161 : memref<1x128xi32, #tpu.memory_space<hbm>> -> memref<128xi32, #tpu.memory_space<hbm>>
            tpu.wait_dma2 semaphore(%arg25 : memref<!tpu.dma_semaphore, #tpu.memory_space<semaphore_mem>>) src(%dma_wait3A_162 : memref<128xi32, #tpu.memory_space<hbm>>) dst(%arg12 : memref<128xi32, #tpu.memory_space<vmem>>)
            %add3A_163 = arith.addi %add3A, %add3A_155 : i32
            %dma_wait3A_164 = arith.constant 0 : i32
            %dma_wait3A_165 = tpu.memref_slice %arg4[%add3A_163, %dma_wait3A_164] : memref<2500x128xi32, #tpu.memory_space<hbm>> -> memref<1x128xi32, #tpu.memory_space<hbm>>
            %dma_wait3A_166 = tpu.memref_squeeze %dma_wait3A_165 : memref<1x128xi32, #tpu.memory_space<hbm>> -> memref<128xi32, #tpu.memory_space<hbm>>
            %dma_wait3A_167 = arith.constant 0 : i32
            %dma_wait3A_168 = tpu.memref_slice %arg4[%add3A_163, %dma_wait3A_167] : memref<2500x128xi32, #tpu.memory_space<hbm>> -> memref<1x128xi32, #tpu.memory_space<hbm>>
            %dma_wait3A_169 = tpu.memref_squeeze %dma_wait3A_168 : memref<1x128xi32, #tpu.memory_space<hbm>> -> memref<128xi32, #tpu.memory_space<hbm>>
            tpu.wait_dma2 semaphore(%arg25 : memref<!tpu.dma_semaphore, #tpu.memory_space<semaphore_mem>>) src(%dma_wait3A_169 : memref<128xi32, #tpu.memory_space<hbm>>) dst(%arg16 : memref<128xi32, #tpu.memory_space<vmem>>)
          } else {
          }
          %dma_start3A_151 = arith.constant 0 : i32
          %dma_start3A_152 = arith.constant 0 : i32
          %dma_start3A_153 = tpu.memref_slice %arg2[%dma_start3A_151, %dma_start3A_152] : memref<10000x128xf32, #tpu.memory_space<hbm>> -> memref<10000x128xf32, #tpu.memory_space<hbm>>
          tpu.enqueue_indirect_dma source(%dma_start3A_153 : memref<10000x128xf32, #tpu.memory_space<hbm>>) target(%arg18 : memref<128x128xf32, #tpu.memory_space<vmem>>) offsets(%arg12 : memref<128xi32, #tpu.memory_space<vmem>>) semaphore(%arg27 : memref<!tpu.dma_semaphore, #tpu.memory_space<semaphore_mem>>)
        } else {
        }
      } else {
      }
      %mul3A_100 = arith.constant 4 : i32
      %mul3A_101 = arith.muli %mul3A_100, %while3A_85 : i32
      %add3A_102 = arith.constant 2 : i32
      %add3A_103 = arith.addi %mul3A_101, %add3A_102 : i32
      %lt3A_104 = arith.cmpi slt, %add3A_103, %select_n3A : i32
      %convert_element_type3A_105 = arith.extui %lt3A_104 : i1 to i32
      %cond3A_106 = arith.constant 0 : i32
      %cond3A_107 = arith.cmpi ne, %convert_element_type3A_105, %cond3A_106 : i32
      scf.if %cond3A_107 {
        %dma_wait3A = arith.constant 0 : i32
        %dma_wait3A_117 = arith.constant 0 : i32
        %dma_wait3A_118 = tpu.memref_slice %arg2[%dma_wait3A, %dma_wait3A_117] : memref<10000x128xf32, #tpu.memory_space<hbm>> -> memref<10000x128xf32, #tpu.memory_space<hbm>>
        tpu.wait_indirect_dma semaphore(%arg26 : memref<!tpu.dma_semaphore, #tpu.memory_space<semaphore_mem>>) src(%dma_wait3A_118 : memref<10000x128xf32, #tpu.memory_space<hbm>>) dst(%arg17 : memref<128x128xf32, #tpu.memory_space<vmem>>)
        %add3A_119 = arith.addi %add3A, %add3A_103 : i32
        %lt3A_120 = arith.constant 2500 : i32
        %lt3A_121 = arith.cmpi slt, %add3A_119, %lt3A_120 : i32
        %convert_element_type3A_122 = arith.extui %lt3A_121 : i1 to i32
        %cond3A_123 = arith.constant 0 : i32
        %cond3A_124 = arith.cmpi ne, %convert_element_type3A_122, %cond3A_123 : i32
        scf.if %cond3A_124 {
          %dma_start3A_143 = arith.constant 0 : i32
          %dma_start3A_144 = arith.constant 0 : i32
          %dma_start3A_145 = tpu.memref_slice %arg21[%dma_start3A_143, %dma_start3A_144] : memref<10016x8xf32, #tpu.memory_space<vmem_shared>> -> memref<10016x8xf32, #tpu.memory_space<vmem_shared>>
          tpu.enqueue_indirect_dma source(%arg19 : memref<128x8xf32, #tpu.memory_space<vmem>>) target(%dma_start3A_145 : memref<10016x8xf32, #tpu.memory_space<vmem_shared>>) offsets(%arg15 : memref<128xi32, #tpu.memory_space<vmem>>) semaphore(%arg28 : memref<!tpu.dma_semaphore, #tpu.memory_space<semaphore_mem>>) {add = true}
          "tpu.region"() ({
            %run_scoped3A = tpu.sem_alloc : memref<!tpu.dma_semaphore, #tpu.memory_space<semaphore_mem>>
            %dma_start3A_149 = arith.constant 0 : i32
            %dma_start3A_150 = arith.constant 0 : i32
            %dma_start3A_151 = tpu.memref_slice %arg20[%dma_start3A_149, %dma_start3A_150] : memref<10016x128xf32, #tpu.memory_space<vmem_shared>> -> memref<10016x128xf32, #tpu.memory_space<vmem_shared>>
            tpu.enqueue_indirect_dma source(%arg17 : memref<128x128xf32, #tpu.memory_space<vmem>>) target(%dma_start3A_151 : memref<10016x128xf32, #tpu.memory_space<vmem_shared>>) offsets(%arg15 : memref<128xi32, #tpu.memory_space<vmem>>) semaphore(%run_scoped3A : memref<!tpu.dma_semaphore, #tpu.memory_space<semaphore_mem>>) {add = true}
            %dma_wait3A_152 = arith.constant 0 : i32
            %dma_wait3A_153 = arith.constant 0 : i32
            %dma_wait3A_154 = tpu.memref_slice %arg20[%dma_wait3A_152, %dma_wait3A_153] : memref<10016x128xf32, #tpu.memory_space<vmem_shared>> -> memref<10016x128xf32, #tpu.memory_space<vmem_shared>>
            tpu.wait_indirect_dma semaphore(%run_scoped3A : memref<!tpu.dma_semaphore, #tpu.memory_space<semaphore_mem>>) src(%arg17 : memref<128x128xf32, #tpu.memory_space<vmem>>) dst(%dma_wait3A_154 : memref<10016x128xf32, #tpu.memory_space<vmem_shared>>)
            tpu.yield
          }) : () -> ()
          %dma_wait3A_146 = arith.constant 0 : i32
          %dma_wait3A_147 = arith.constant 0 : i32
          %dma_wait3A_148 = tpu.memref_slice %arg21[%dma_wait3A_146, %dma_wait3A_147] : memref<10016x8xf32, #tpu.memory_space<vmem_shared>> -> memref<10016x8xf32, #tpu.memory_space<vmem_shared>>
          tpu.wait_indirect_dma semaphore(%arg28 : memref<!tpu.dma_semaphore, #tpu.memory_space<semaphore_mem>>) src(%arg19 : memref<128x8xf32, #tpu.memory_space<vmem>>) dst(%dma_wait3A_148 : memref<10016x8xf32, #tpu.memory_space<vmem_shared>>)
        } else {
        }
        %add3A_125 = arith.constant 4 : i32
        %add3A_126 = arith.addi %add3A_103, %add3A_125 : i32
        %lt3A_127 = arith.cmpi slt, %add3A_126, %select_n3A : i32
        %add3A_128 = arith.addi %add3A, %add3A_103 : i32
        %add3A_129 = arith.constant 4 : i32
        %add3A_130 = arith.addi %add3A_128, %add3A_129 : i32
        %lt3A_131 = arith.constant 2500 : i32
        %lt3A_132 = arith.cmpi slt, %add3A_130, %lt3A_131 : i32
        %and3A_133 = arith.andi %lt3A_127, %lt3A_132 : i1
        %convert_element_type3A_134 = arith.extui %and3A_133 : i1 to i32
        %cond3A_135 = arith.constant 0 : i32
        %cond3A_136 = arith.cmpi ne, %convert_element_type3A_134, %cond3A_135 : i32
        scf.if %cond3A_136 {
          %add3A_143 = arith.constant 4 : i32
          %add3A_144 = arith.addi %add3A_103, %add3A_143 : i32
          %add3A_145 = arith.addi %add3A, %add3A_144 : i32
          %dma_start3A_146 = arith.constant 0 : i32
          %dma_start3A_147 = tpu.memref_slice %arg3[%add3A_145, %dma_start3A_146] : memref<2500x128xi32, #tpu.memory_space<hbm>> -> memref<1x128xi32, #tpu.memory_space<hbm>>
          %dma_start3A_148 = tpu.memref_squeeze %dma_start3A_147 : memref<1x128xi32, #tpu.memory_space<hbm>> -> memref<128xi32, #tpu.memory_space<hbm>>
          %dma_start3A_149 = arith.constant 0 : i32
          %dma_start3A_150 = tpu.memref_slice %arg3[%add3A_145, %dma_start3A_149] : memref<2500x128xi32, #tpu.memory_space<hbm>> -> memref<1x128xi32, #tpu.memory_space<hbm>>
          %dma_start3A_151 = tpu.memref_squeeze %dma_start3A_150 : memref<1x128xi32, #tpu.memory_space<hbm>> -> memref<128xi32, #tpu.memory_space<hbm>>
          tpu.enqueue_dma source(%dma_start3A_151 : memref<128xi32, #tpu.memory_space<hbm>>) target(%arg11 : memref<128xi32, #tpu.memory_space<vmem>>) target_semaphore(%arg24 : memref<!tpu.dma_semaphore, #tpu.memory_space<semaphore_mem>>)
          %add3A_152 = arith.addi %add3A, %add3A_144 : i32
          %dma_start3A_153 = arith.constant 0 : i32
          %dma_start3A_154 = tpu.memref_slice %arg4[%add3A_152, %dma_start3A_153] : memref<2500x128xi32, #tpu.memory_space<hbm>> -> memref<1x128xi32, #tpu.memory_space<hbm>>
          %dma_start3A_155 = tpu.memref_squeeze %dma_start3A_154 : memref<1x128xi32, #tpu.memory_space<hbm>> -> memref<128xi32, #tpu.memory_space<hbm>>
          %dma_start3A_156 = arith.constant 0 : i32
          %dma_start3A_157 = tpu.memref_slice %arg4[%add3A_152, %dma_start3A_156] : memref<2500x128xi32, #tpu.memory_space<hbm>> -> memref<1x128xi32, #tpu.memory_space<hbm>>
          %dma_start3A_158 = tpu.memref_squeeze %dma_start3A_157 : memref<1x128xi32, #tpu.memory_space<hbm>> -> memref<128xi32, #tpu.memory_space<hbm>>
          tpu.enqueue_dma source(%dma_start3A_158 : memref<128xi32, #tpu.memory_space<hbm>>) target(%arg15 : memref<128xi32, #tpu.memory_space<vmem>>) target_semaphore(%arg24 : memref<!tpu.dma_semaphore, #tpu.memory_space<semaphore_mem>>)
        } else {
        }
        %add3A_137 = arith.constant 2 : i32
        %add3A_138 = arith.addi %add3A_103, %add3A_137 : i32
        %lt3A_139 = arith.cmpi slt, %add3A_138, %select_n3A : i32
        %convert_element_type3A_140 = arith.extui %lt3A_139 : i1 to i32
        %cond3A_141 = arith.constant 0 : i32
        %cond3A_142 = arith.cmpi ne, %convert_element_type3A_140, %cond3A_141 : i32
        scf.if %cond3A_142 {
          %add3A_143 = arith.addi %add3A, %add3A_103 : i32
          %add3A_144 = arith.constant 2 : i32
          %add3A_145 = arith.addi %add3A_143, %add3A_144 : i32
          %lt3A_146 = arith.constant 2500 : i32
          %lt3A_147 = arith.cmpi slt, %add3A_145, %lt3A_146 : i32
          %convert_element_type3A_148 = arith.extui %lt3A_147 : i1 to i32
          %cond3A_149 = arith.constant 0 : i32
          %cond3A_150 = arith.cmpi ne, %convert_element_type3A_148, %cond3A_149 : i32
          scf.if %cond3A_150 {
            %add3A_154 = arith.constant 2 : i32
            %add3A_155 = arith.addi %add3A_103, %add3A_154 : i32
            %add3A_156 = arith.addi %add3A, %add3A_155 : i32
            %dma_wait3A_157 = arith.constant 0 : i32
            %dma_wait3A_158 = tpu.memref_slice %arg3[%add3A_156, %dma_wait3A_157] : memref<2500x128xi32, #tpu.memory_space<hbm>> -> memref<1x128xi32, #tpu.memory_space<hbm>>
            %dma_wait3A_159 = tpu.memref_squeeze %dma_wait3A_158 : memref<1x128xi32, #tpu.memory_space<hbm>> -> memref<128xi32, #tpu.memory_space<hbm>>
            %dma_wait3A_160 = arith.constant 0 : i32
            %dma_wait3A_161 = tpu.memref_slice %arg3[%add3A_156, %dma_wait3A_160] : memref<2500x128xi32, #tpu.memory_space<hbm>> -> memref<1x128xi32, #tpu.memory_space<hbm>>
            %dma_wait3A_162 = tpu.memref_squeeze %dma_wait3A_161 : memref<1x128xi32, #tpu.memory_space<hbm>> -> memref<128xi32, #tpu.memory_space<hbm>>
            tpu.wait_dma2 semaphore(%arg22 : memref<!tpu.dma_semaphore, #tpu.memory_space<semaphore_mem>>) src(%dma_wait3A_162 : memref<128xi32, #tpu.memory_space<hbm>>) dst(%arg9 : memref<128xi32, #tpu.memory_space<vmem>>)
            %add3A_163 = arith.addi %add3A, %add3A_155 : i32
            %dma_wait3A_164 = arith.constant 0 : i32
            %dma_wait3A_165 = tpu.memref_slice %arg4[%add3A_163, %dma_wait3A_164] : memref<2500x128xi32, #tpu.memory_space<hbm>> -> memref<1x128xi32, #tpu.memory_space<hbm>>
            %dma_wait3A_166 = tpu.memref_squeeze %dma_wait3A_165 : memref<1x128xi32, #tpu.memory_space<hbm>> -> memref<128xi32, #tpu.memory_space<hbm>>
            %dma_wait3A_167 = arith.constant 0 : i32
            %dma_wait3A_168 = tpu.memref_slice %arg4[%add3A_163, %dma_wait3A_167] : memref<2500x128xi32, #tpu.memory_space<hbm>> -> memref<1x128xi32, #tpu.memory_space<hbm>>
            %dma_wait3A_169 = tpu.memref_squeeze %dma_wait3A_168 : memref<1x128xi32, #tpu.memory_space<hbm>> -> memref<128xi32, #tpu.memory_space<hbm>>
            tpu.wait_dma2 semaphore(%arg22 : memref<!tpu.dma_semaphore, #tpu.memory_space<semaphore_mem>>) src(%dma_wait3A_169 : memref<128xi32, #tpu.memory_space<hbm>>) dst(%arg13 : memref<128xi32, #tpu.memory_space<vmem>>)
          } else {
          }
          %dma_start3A_151 = arith.constant 0 : i32
          %dma_start3A_152 = arith.constant 0 : i32
          %dma_start3A_153 = tpu.memref_slice %arg2[%dma_start3A_151, %dma_start3A_152] : memref<10000x128xf32, #tpu.memory_space<hbm>> -> memref<10000x128xf32, #tpu.memory_space<hbm>>
          tpu.enqueue_indirect_dma source(%dma_start3A_153 : memref<10000x128xf32, #tpu.memory_space<hbm>>) target(%arg17 : memref<128x128xf32, #tpu.memory_space<vmem>>) offsets(%arg9 : memref<128xi32, #tpu.memory_space<vmem>>) semaphore(%arg26 : memref<!tpu.dma_semaphore, #tpu.memory_space<semaphore_mem>>)
        } else {
        }
      } else {
      }
      %mul3A_108 = arith.constant 4 : i32
      %mul3A_109 = arith.muli %mul3A_108, %while3A_85 : i32
      %add3A_110 = arith.constant 3 : i32
      %add3A_111 = arith.addi %mul3A_109, %add3A_110 : i32
      %lt3A_112 = arith.cmpi slt, %add3A_111, %select_n3A : i32
      %convert_element_type3A_113 = arith.extui %lt3A_112 : i1 to i32
      %cond3A_114 = arith.constant 0 : i32
      %cond3A_115 = arith.cmpi ne, %convert_element_type3A_113, %cond3A_114 : i32
      scf.if %cond3A_115 {
        %dma_wait3A = arith.constant 0 : i32
        %dma_wait3A_117 = arith.constant 0 : i32
        %dma_wait3A_118 = tpu.memref_slice %arg2[%dma_wait3A, %dma_wait3A_117] : memref<10000x128xf32, #tpu.memory_space<hbm>> -> memref<10000x128xf32, #tpu.memory_space<hbm>>
        tpu.wait_indirect_dma semaphore(%arg27 : memref<!tpu.dma_semaphore, #tpu.memory_space<semaphore_mem>>) src(%dma_wait3A_118 : memref<10000x128xf32, #tpu.memory_space<hbm>>) dst(%arg18 : memref<128x128xf32, #tpu.memory_space<vmem>>)
        %add3A_119 = arith.addi %add3A, %add3A_111 : i32
        %lt3A_120 = arith.constant 2500 : i32
        %lt3A_121 = arith.cmpi slt, %add3A_119, %lt3A_120 : i32
        %convert_element_type3A_122 = arith.extui %lt3A_121 : i1 to i32
        %cond3A_123 = arith.constant 0 : i32
        %cond3A_124 = arith.cmpi ne, %convert_element_type3A_122, %cond3A_123 : i32
        scf.if %cond3A_124 {
          %dma_start3A_143 = arith.constant 0 : i32
          %dma_start3A_144 = arith.constant 0 : i32
          %dma_start3A_145 = tpu.memref_slice %arg21[%dma_start3A_143, %dma_start3A_144] : memref<10016x8xf32, #tpu.memory_space<vmem_shared>> -> memref<10016x8xf32, #tpu.memory_space<vmem_shared>>
          tpu.enqueue_indirect_dma source(%arg19 : memref<128x8xf32, #tpu.memory_space<vmem>>) target(%dma_start3A_145 : memref<10016x8xf32, #tpu.memory_space<vmem_shared>>) offsets(%arg16 : memref<128xi32, #tpu.memory_space<vmem>>) semaphore(%arg28 : memref<!tpu.dma_semaphore, #tpu.memory_space<semaphore_mem>>) {add = true}
          "tpu.region"() ({
            %run_scoped3A = tpu.sem_alloc : memref<!tpu.dma_semaphore, #tpu.memory_space<semaphore_mem>>
            %dma_start3A_149 = arith.constant 0 : i32
            %dma_start3A_150 = arith.constant 0 : i32
            %dma_start3A_151 = tpu.memref_slice %arg20[%dma_start3A_149, %dma_start3A_150] : memref<10016x128xf32, #tpu.memory_space<vmem_shared>> -> memref<10016x128xf32, #tpu.memory_space<vmem_shared>>
            tpu.enqueue_indirect_dma source(%arg18 : memref<128x128xf32, #tpu.memory_space<vmem>>) target(%dma_start3A_151 : memref<10016x128xf32, #tpu.memory_space<vmem_shared>>) offsets(%arg16 : memref<128xi32, #tpu.memory_space<vmem>>) semaphore(%run_scoped3A : memref<!tpu.dma_semaphore, #tpu.memory_space<semaphore_mem>>) {add = true}
            %dma_wait3A_152 = arith.constant 0 : i32
            %dma_wait3A_153 = arith.constant 0 : i32
            %dma_wait3A_154 = tpu.memref_slice %arg20[%dma_wait3A_152, %dma_wait3A_153] : memref<10016x128xf32, #tpu.memory_space<vmem_shared>> -> memref<10016x128xf32, #tpu.memory_space<vmem_shared>>
            tpu.wait_indirect_dma semaphore(%run_scoped3A : memref<!tpu.dma_semaphore, #tpu.memory_space<semaphore_mem>>) src(%arg18 : memref<128x128xf32, #tpu.memory_space<vmem>>) dst(%dma_wait3A_154 : memref<10016x128xf32, #tpu.memory_space<vmem_shared>>)
            tpu.yield
          }) : () -> ()
          %dma_wait3A_146 = arith.constant 0 : i32
          %dma_wait3A_147 = arith.constant 0 : i32
          %dma_wait3A_148 = tpu.memref_slice %arg21[%dma_wait3A_146, %dma_wait3A_147] : memref<10016x8xf32, #tpu.memory_space<vmem_shared>> -> memref<10016x8xf32, #tpu.memory_space<vmem_shared>>
          tpu.wait_indirect_dma semaphore(%arg28 : memref<!tpu.dma_semaphore, #tpu.memory_space<semaphore_mem>>) src(%arg19 : memref<128x8xf32, #tpu.memory_space<vmem>>) dst(%dma_wait3A_148 : memref<10016x8xf32, #tpu.memory_space<vmem_shared>>)
        } else {
        }
        %add3A_125 = arith.constant 4 : i32
        %add3A_126 = arith.addi %add3A_111, %add3A_125 : i32
        %lt3A_127 = arith.cmpi slt, %add3A_126, %select_n3A : i32
        %add3A_128 = arith.addi %add3A, %add3A_111 : i32
        %add3A_129 = arith.constant 4 : i32
        %add3A_130 = arith.addi %add3A_128, %add3A_129 : i32
        %lt3A_131 = arith.constant 2500 : i32
        %lt3A_132 = arith.cmpi slt, %add3A_130, %lt3A_131 : i32
        %and3A_133 = arith.andi %lt3A_127, %lt3A_132 : i1
        %convert_element_type3A_134 = arith.extui %and3A_133 : i1 to i32
        %cond3A_135 = arith.constant 0 : i32
        %cond3A_136 = arith.cmpi ne, %convert_element_type3A_134, %cond3A_135 : i32
        scf.if %cond3A_136 {
          %add3A_143 = arith.constant 4 : i32
          %add3A_144 = arith.addi %add3A_111, %add3A_143 : i32
          %add3A_145 = arith.addi %add3A, %add3A_144 : i32
          %dma_start3A_146 = arith.constant 0 : i32
          %dma_start3A_147 = tpu.memref_slice %arg3[%add3A_145, %dma_start3A_146] : memref<2500x128xi32, #tpu.memory_space<hbm>> -> memref<1x128xi32, #tpu.memory_space<hbm>>
          %dma_start3A_148 = tpu.memref_squeeze %dma_start3A_147 : memref<1x128xi32, #tpu.memory_space<hbm>> -> memref<128xi32, #tpu.memory_space<hbm>>
          %dma_start3A_149 = arith.constant 0 : i32
          %dma_start3A_150 = tpu.memref_slice %arg3[%add3A_145, %dma_start3A_149] : memref<2500x128xi32, #tpu.memory_space<hbm>> -> memref<1x128xi32, #tpu.memory_space<hbm>>
          %dma_start3A_151 = tpu.memref_squeeze %dma_start3A_150 : memref<1x128xi32, #tpu.memory_space<hbm>> -> memref<128xi32, #tpu.memory_space<hbm>>
          tpu.enqueue_dma source(%dma_start3A_151 : memref<128xi32, #tpu.memory_space<hbm>>) target(%arg12 : memref<128xi32, #tpu.memory_space<vmem>>) target_semaphore(%arg25 : memref<!tpu.dma_semaphore, #tpu.memory_space<semaphore_mem>>)
          %add3A_152 = arith.addi %add3A, %add3A_144 : i32
          %dma_start3A_153 = arith.constant 0 : i32
          %dma_start3A_154 = tpu.memref_slice %arg4[%add3A_152, %dma_start3A_153] : memref<2500x128xi32, #tpu.memory_space<hbm>> -> memref<1x128xi32, #tpu.memory_space<hbm>>
          %dma_start3A_155 = tpu.memref_squeeze %dma_start3A_154 : memref<1x128xi32, #tpu.memory_space<hbm>> -> memref<128xi32, #tpu.memory_space<hbm>>
          %dma_start3A_156 = arith.constant 0 : i32
          %dma_start3A_157 = tpu.memref_slice %arg4[%add3A_152, %dma_start3A_156] : memref<2500x128xi32, #tpu.memory_space<hbm>> -> memref<1x128xi32, #tpu.memory_space<hbm>>
          %dma_start3A_158 = tpu.memref_squeeze %dma_start3A_157 : memref<1x128xi32, #tpu.memory_space<hbm>> -> memref<128xi32, #tpu.memory_space<hbm>>
          tpu.enqueue_dma source(%dma_start3A_158 : memref<128xi32, #tpu.memory_space<hbm>>) target(%arg16 : memref<128xi32, #tpu.memory_space<vmem>>) target_semaphore(%arg25 : memref<!tpu.dma_semaphore, #tpu.memory_space<semaphore_mem>>)
        } else {
        }
        %add3A_137 = arith.constant 2 : i32
        %add3A_138 = arith.addi %add3A_111, %add3A_137 : i32
        %lt3A_139 = arith.cmpi slt, %add3A_138, %select_n3A : i32
        %convert_element_type3A_140 = arith.extui %lt3A_139 : i1 to i32
        %cond3A_141 = arith.constant 0 : i32
        %cond3A_142 = arith.cmpi ne, %convert_element_type3A_140, %cond3A_141 : i32
        scf.if %cond3A_142 {
          %add3A_143 = arith.addi %add3A, %add3A_111 : i32
          %add3A_144 = arith.constant 2 : i32
          %add3A_145 = arith.addi %add3A_143, %add3A_144 : i32
          %lt3A_146 = arith.constant 2500 : i32
          %lt3A_147 = arith.cmpi slt, %add3A_145, %lt3A_146 : i32
          %convert_element_type3A_148 = arith.extui %lt3A_147 : i1 to i32
          %cond3A_149 = arith.constant 0 : i32
          %cond3A_150 = arith.cmpi ne, %convert_element_type3A_148, %cond3A_149 : i32
          scf.if %cond3A_150 {
            %add3A_154 = arith.constant 2 : i32
            %add3A_155 = arith.addi %add3A_111, %add3A_154 : i32
            %add3A_156 = arith.addi %add3A, %add3A_155 : i32
            %dma_wait3A_157 = arith.constant 0 : i32
            %dma_wait3A_158 = tpu.memref_slice %arg3[%add3A_156, %dma_wait3A_157] : memref<2500x128xi32, #tpu.memory_space<hbm>> -> memref<1x128xi32, #tpu.memory_space<hbm>>
            %dma_wait3A_159 = tpu.memref_squeeze %dma_wait3A_158 : memref<1x128xi32, #tpu.memory_space<hbm>> -> memref<128xi32, #tpu.memory_space<hbm>>
            %dma_wait3A_160 = arith.constant 0 : i32
            %dma_wait3A_161 = tpu.memref_slice %arg3[%add3A_156, %dma_wait3A_160] : memref<2500x128xi32, #tpu.memory_space<hbm>> -> memref<1x128xi32, #tpu.memory_space<hbm>>
            %dma_wait3A_162 = tpu.memref_squeeze %dma_wait3A_161 : memref<1x128xi32, #tpu.memory_space<hbm>> -> memref<128xi32, #tpu.memory_space<hbm>>
            tpu.wait_dma2 semaphore(%arg23 : memref<!tpu.dma_semaphore, #tpu.memory_space<semaphore_mem>>) src(%dma_wait3A_162 : memref<128xi32, #tpu.memory_space<hbm>>) dst(%arg10 : memref<128xi32, #tpu.memory_space<vmem>>)
            %add3A_163 = arith.addi %add3A, %add3A_155 : i32
            %dma_wait3A_164 = arith.constant 0 : i32
            %dma_wait3A_165 = tpu.memref_slice %arg4[%add3A_163, %dma_wait3A_164] : memref<2500x128xi32, #tpu.memory_space<hbm>> -> memref<1x128xi32, #tpu.memory_space<hbm>>
            %dma_wait3A_166 = tpu.memref_squeeze %dma_wait3A_165 : memref<1x128xi32, #tpu.memory_space<hbm>> -> memref<128xi32, #tpu.memory_space<hbm>>
            %dma_wait3A_167 = arith.constant 0 : i32
            %dma_wait3A_168 = tpu.memref_slice %arg4[%add3A_163, %dma_wait3A_167] : memref<2500x128xi32, #tpu.memory_space<hbm>> -> memref<1x128xi32, #tpu.memory_space<hbm>>
            %dma_wait3A_169 = tpu.memref_squeeze %dma_wait3A_168 : memref<1x128xi32, #tpu.memory_space<hbm>> -> memref<128xi32, #tpu.memory_space<hbm>>
            tpu.wait_dma2 semaphore(%arg23 : memref<!tpu.dma_semaphore, #tpu.memory_space<semaphore_mem>>) src(%dma_wait3A_169 : memref<128xi32, #tpu.memory_space<hbm>>) dst(%arg14 : memref<128xi32, #tpu.memory_space<vmem>>)
          } else {
          }
          %dma_start3A_151 = arith.constant 0 : i32
          %dma_start3A_152 = arith.constant 0 : i32
          %dma_start3A_153 = tpu.memref_slice %arg2[%dma_start3A_151, %dma_start3A_152] : memref<10000x128xf32, #tpu.memory_space<hbm>> -> memref<10000x128xf32, #tpu.memory_space<hbm>>
          tpu.enqueue_indirect_dma source(%dma_start3A_153 : memref<10000x128xf32, #tpu.memory_space<hbm>>) target(%arg18 : memref<128x128xf32, #tpu.memory_space<vmem>>) offsets(%arg10 : memref<128xi32, #tpu.memory_space<vmem>>) semaphore(%arg27 : memref<!tpu.dma_semaphore, #tpu.memory_space<semaphore_mem>>)
        } else {
        }
      } else {
      }
      %while3A_116 = arith.constant 0 : i32
      scf.yield %while3A_116 : i32
    }
    %barrier3A_84 = arith.constant 0 : index
    tpu.barrier barrier_id(%barrier3A_84)
    "tpu.region"() ({
      %run_scoped3A = tpu.sem_alloc : memref<!tpu.dma_semaphore, #tpu.memory_space<semaphore_mem>>
      %dma_start3A_85 = arith.constant 0 : i32
      %dma_start3A_86 = tpu.memref_slice %arg7[%arg0, %mul3A_7, %dma_start3A_85] : memref<2x10016x128xf32, #tpu.memory_space<hbm>> -> memref<1x626x128xf32, #tpu.memory_space<hbm>>
      %dma_start3A_87 = tpu.memref_squeeze %dma_start3A_86 : memref<1x626x128xf32, #tpu.memory_space<hbm>> -> memref<626x128xf32, #tpu.memory_space<hbm>>
      %dma_start3A_88 = arith.constant 0 : i32
      %dma_start3A_89 = tpu.memref_slice %arg20[%mul3A_7, %dma_start3A_88] : memref<10016x128xf32, #tpu.memory_space<vmem_shared>> -> memref<626x128xf32, #tpu.memory_space<vmem_shared>>
      tpu.enqueue_dma source(%dma_start3A_89 : memref<626x128xf32, #tpu.memory_space<vmem_shared>>) target(%dma_start3A_87 : memref<626x128xf32, #tpu.memory_space<hbm>>) target_semaphore(%run_scoped3A : memref<!tpu.dma_semaphore, #tpu.memory_space<semaphore_mem>>)
      %dma_wait3A = arith.constant 0 : i32
      %dma_wait3A_90 = tpu.memref_slice %arg7[%arg0, %mul3A_7, %dma_wait3A] : memref<2x10016x128xf32, #tpu.memory_space<hbm>> -> memref<1x626x128xf32, #tpu.memory_space<hbm>>
      %dma_wait3A_91 = tpu.memref_squeeze %dma_wait3A_90 : memref<1x626x128xf32, #tpu.memory_space<hbm>> -> memref<626x128xf32, #tpu.memory_space<hbm>>
      %dma_wait3A_92 = arith.constant 0 : i32
      %dma_wait3A_93 = tpu.memref_slice %arg20[%mul3A_7, %dma_wait3A_92] : memref<10016x128xf32, #tpu.memory_space<vmem_shared>> -> memref<626x128xf32, #tpu.memory_space<vmem_shared>>
      tpu.wait_dma2 semaphore(%run_scoped3A : memref<!tpu.dma_semaphore, #tpu.memory_space<semaphore_mem>>) src(%dma_wait3A_93 : memref<626x128xf32, #tpu.memory_space<vmem_shared>>) dst(%dma_wait3A_91 : memref<626x128xf32, #tpu.memory_space<hbm>>)
      tpu.yield
    }) : () -> ()
    "tpu.region"() ({
      %run_scoped3A = tpu.sem_alloc : memref<!tpu.dma_semaphore, #tpu.memory_space<semaphore_mem>>
      %dma_start3A_85 = arith.constant 0 : i32
      %dma_start3A_86 = tpu.memref_slice %arg8[%arg0, %mul3A_7, %dma_start3A_85] : memref<2x10016x128xf32, #tpu.memory_space<hbm>> -> memref<1x626x8xf32, #tpu.memory_space<hbm>>
      %dma_start3A_87 = tpu.memref_squeeze %dma_start3A_86 : memref<1x626x8xf32, #tpu.memory_space<hbm>> -> memref<626x8xf32, #tpu.memory_space<hbm>>
      %dma_start3A_88 = arith.constant 0 : i32
      %dma_start3A_89 = tpu.memref_slice %arg21[%mul3A_7, %dma_start3A_88] : memref<10016x8xf32, #tpu.memory_space<vmem_shared>> -> memref<626x8xf32, #tpu.memory_space<vmem_shared>>
      tpu.enqueue_dma source(%dma_start3A_89 : memref<626x8xf32, #tpu.memory_space<vmem_shared>>) target(%dma_start3A_87 : memref<626x8xf32, #tpu.memory_space<hbm>>) target_semaphore(%run_scoped3A : memref<!tpu.dma_semaphore, #tpu.memory_space<semaphore_mem>>)
      %dma_wait3A = arith.constant 0 : i32
      %dma_wait3A_90 = tpu.memref_slice %arg8[%arg0, %mul3A_7, %dma_wait3A] : memref<2x10016x128xf32, #tpu.memory_space<hbm>> -> memref<1x626x8xf32, #tpu.memory_space<hbm>>
      %dma_wait3A_91 = tpu.memref_squeeze %dma_wait3A_90 : memref<1x626x8xf32, #tpu.memory_space<hbm>> -> memref<626x8xf32, #tpu.memory_space<hbm>>
      %dma_wait3A_92 = arith.constant 0 : i32
      %dma_wait3A_93 = tpu.memref_slice %arg21[%mul3A_7, %dma_wait3A_92] : memref<10016x8xf32, #tpu.memory_space<vmem_shared>> -> memref<626x8xf32, #tpu.memory_space<vmem_shared>>
      tpu.wait_dma2 semaphore(%run_scoped3A : memref<!tpu.dma_semaphore, #tpu.memory_space<semaphore_mem>>) src(%dma_wait3A_93 : memref<626x8xf32, #tpu.memory_space<vmem_shared>>) dst(%dma_wait3A_91 : memref<626x8xf32, #tpu.memory_space<hbm>>)
      tpu.yield
    }) : () -> ()
    return
  }
}

module attributes {stable_mosaic.version = 14 : i64} {
  func.func @_proj_body(%arg0: i32, %arg1: memref<400x128xf32, #tpu.memory_space<vmem>>, %arg2: memref<400x1xi32, #tpu.memory_space<vmem>>, %arg3: memref<1x128xf32, #tpu.memory_space<vmem>>, %arg4: memref<1x128xf32, #tpu.memory_space<vmem>>, %arg5: memref<128x128xf32, #tpu.memory_space<vmem>>, %arg6: memref<1x128xf32, #tpu.memory_space<vmem>>, %arg7: memref<1x128xf32, #tpu.memory_space<vmem>>, %arg8: memref<1x128xf32, #tpu.memory_space<vmem>>, %arg9: memref<128x128xf32, #tpu.memory_space<vmem>>, %arg10: memref<1x128xf32, #tpu.memory_space<vmem>>, %arg11: memref<1x128xf32, #tpu.memory_space<vmem>>, %arg12: memref<1x128xf32, #tpu.memory_space<vmem>>, %arg13: memref<128x128xf32, #tpu.memory_space<vmem>>, %arg14: memref<1x128xf32, #tpu.memory_space<vmem>>, %arg15: memref<8x128xf32, #tpu.memory_space<vmem>>, %arg16: memref<400x128xf32, #tpu.memory_space<vmem>>) attributes {dimension_semantics = [#tpu.dimension_semantics<arbitrary>], iteration_bounds = array<i64: 25>, scalar_prefetch = 0 : i64, scratch_operands = 0 : i64, tpu.core_type = #tpu.core_type<tc>, window_params = [{transform_indices = @transform_0, window_bounds = array<i64: 400, 128>}, {transform_indices = @transform_1, window_bounds = array<i64: 400, 1>}, {pipeline_mode = #tpu.pipeline_mode<synchronous>, transform_indices = @transform_2, window_bounds = array<i64: 1, 128>}, {pipeline_mode = #tpu.pipeline_mode<synchronous>, transform_indices = @transform_3, window_bounds = array<i64: 1, 128>}, {pipeline_mode = #tpu.pipeline_mode<synchronous>, transform_indices = @transform_4, window_bounds = array<i64: 128, 128>}, {pipeline_mode = #tpu.pipeline_mode<synchronous>, transform_indices = @transform_5, window_bounds = array<i64: 1, 128>}, {pipeline_mode = #tpu.pipeline_mode<synchronous>, transform_indices = @transform_6, window_bounds = array<i64: 1, 128>}, {pipeline_mode = #tpu.pipeline_mode<synchronous>, transform_indices = @transform_7, window_bounds = array<i64: 1, 128>}, {pipeline_mode = #tpu.pipeline_mode<synchronous>, transform_indices = @transform_8, window_bounds = array<i64: 128, 128>}, {pipeline_mode = #tpu.pipeline_mode<synchronous>, transform_indices = @transform_9, window_bounds = array<i64: 1, 128>}, {pipeline_mode = #tpu.pipeline_mode<synchronous>, transform_indices = @transform_10, window_bounds = array<i64: 1, 128>}, {pipeline_mode = #tpu.pipeline_mode<synchronous>, transform_indices = @transform_11, window_bounds = array<i64: 1, 128>}, {pipeline_mode = #tpu.pipeline_mode<synchronous>, transform_indices = @transform_12, window_bounds = array<i64: 128, 128>}, {pipeline_mode = #tpu.pipeline_mode<synchronous>, transform_indices = @transform_13, window_bounds = array<i64: 1, 128>}, {pipeline_mode = #tpu.pipeline_mode<synchronous>, transform_indices = @transform_14, window_bounds = array<i64: 8, 128>}, {transform_indices = @transform_15, window_bounds = array<i64: 400, 128>}]} {
    %get3A = arith.constant 0 : index
    %get3A_0 = arith.constant 0 : index
    %get3A_1 = vector.load %arg1[%get3A, %get3A_0] : memref<400x128xf32, #tpu.memory_space<vmem>>, vector<400x128xf32>
    %jit3A = arith.constant -1.000000e+01 : f32
    %jit3A_2 = arith.constant 1.000000e+01 : f32
    %max3A = vector.broadcast %jit3A : f32 to vector<400x128xf32>
    %max3A_3 = arith.maximumf %max3A, %get3A_1 : vector<400x128xf32>
    %min3A = vector.broadcast %jit3A_2 : f32 to vector<400x128xf32>
    %min3A_4 = arith.minimumf %min3A, %max3A_3 : vector<400x128xf32>
    %get3A_5 = arith.constant 0 : index
    %get3A_6 = arith.constant 0 : index
    %get3A_7 = vector.load %arg3[%get3A_5, %get3A_6] : memref<1x128xf32, #tpu.memory_space<vmem>>, vector<1x128xf32>
    %get3A_8 = arith.constant 0 : index
    %get3A_9 = arith.constant 0 : index
    %get3A_10 = vector.load %arg4[%get3A_8, %get3A_9] : memref<1x128xf32, #tpu.memory_space<vmem>>, vector<1x128xf32>
    %reduce_sum3A = arith.constant dense<0.000000e+00> : vector<400xf32>
    %reduce_sum3A_11 = vector.multi_reduction <add>, %min3A_4, %reduce_sum3A [1] : vector<400x128xf32> to vector<400xf32>
    %broadcast_in_dim3A = vector.shape_cast %reduce_sum3A_11 : vector<400xf32> to vector<400x1xf32>
    %div3A = arith.constant 1.280000e+02 : f32
    %div3A_12 = vector.broadcast %div3A : f32 to vector<400x1xf32>
    %div3A_13 = arith.divf %broadcast_in_dim3A, %div3A_12 : vector<400x1xf32>
    %jit3A_14 = arith.constant 0 : i32
    %reduce_sum3A_15 = arith.constant dense<0.000000e+00> : vector<400xf32>
    %reduce_sum3A_16 = vector.multi_reduction <add>, %min3A_4, %reduce_sum3A_15 [1] : vector<400x128xf32> to vector<400xf32>
    %broadcast_in_dim3A_17 = vector.shape_cast %reduce_sum3A_16 : vector<400xf32> to vector<400x1xf32>
    %div3A_18 = arith.constant 1.280000e+02 : f32
    %div3A_19 = vector.broadcast %div3A_18 : f32 to vector<400x1xf32>
    %div3A_20 = arith.divf %broadcast_in_dim3A_17, %div3A_19 : vector<400x1xf32>
    %sub3A = vector.broadcast %div3A_20 : vector<400x1xf32> to vector<400x128xf32>
    %sub3A_21 = arith.subf %min3A_4, %sub3A : vector<400x128xf32>
    %square3A = arith.mulf %sub3A_21, %sub3A_21 : vector<400x128xf32>
    %convert_element_type3A = arith.sitofp %jit3A_14 : i32 to f32
    %sub3A_22 = arith.constant 1.280000e+02 : f32
    %sub3A_23 = arith.subf %sub3A_22, %convert_element_type3A : f32
    %reduce_sum3A_24 = arith.constant dense<0.000000e+00> : vector<400xf32>
    %reduce_sum3A_25 = vector.multi_reduction <add>, %square3A, %reduce_sum3A_24 [1] : vector<400x128xf32> to vector<400xf32>
    %broadcast_in_dim3A_26 = vector.shape_cast %reduce_sum3A_25 : vector<400xf32> to vector<400x1xf32>
    %div3A_27 = vector.broadcast %sub3A_23 : f32 to vector<400x1xf32>
    %div3A_28 = arith.divf %broadcast_in_dim3A_26, %div3A_27 : vector<400x1xf32>
    %gt3A = arith.constant 0.000000e+00 : f32
    %gt3A_29 = arith.cmpf ogt, %sub3A_23, %gt3A : f32
    %jit3A_30 = arith.constant 0x7FC00000 : f32
    %broadcast_in_dim3A_31 = vector.broadcast %jit3A_30 : f32 to vector<400x1xf32>
    %select_n3A = arith.select %gt3A_29, %div3A_28, %broadcast_in_dim3A_31 : vector<400x1xf32>
    %sub3A_32 = vector.broadcast %div3A_13 : vector<400x1xf32> to vector<400x128xf32>
    %sub3A_33 = arith.subf %min3A_4, %sub3A_32 : vector<400x128xf32>
    %add3A = arith.constant 9.99999974E-6 : f32
    %add3A_34 = vector.broadcast %add3A : f32 to vector<400x1xf32>
    %add3A_35 = arith.addf %select_n3A, %add3A_34 : vector<400x1xf32>
    %sqrt3A = math.sqrt %add3A_35 : vector<400x1xf32>
    %div3A_36 = vector.broadcast %sqrt3A : vector<400x1xf32> to vector<400x128xf32>
    %div3A_37 = arith.divf %sub3A_33, %div3A_36 : vector<400x128xf32>
    %mul3A = vector.broadcast %get3A_7 : vector<1x128xf32> to vector<400x128xf32>
    %mul3A_38 = arith.mulf %div3A_37, %mul3A : vector<400x128xf32>
    %add3A_39 = vector.broadcast %get3A_10 : vector<1x128xf32> to vector<400x128xf32>
    %add3A_40 = arith.addf %mul3A_38, %add3A_39 : vector<400x128xf32>
    %get3A_41 = arith.constant 0 : index
    %get3A_42 = arith.constant 0 : index
    %get3A_43 = vector.load %arg5[%get3A_41, %get3A_42] : memref<128x128xf32, #tpu.memory_space<vmem>>, vector<128x128xf32>
    %dot_general3A = arith.constant dense<0.000000e+00> : vector<400x128xf32>
    %dot_general3A_44 = tpu.matmul %add3A_40, %get3A_43, %dot_general3A {dimension_numbers = #tpu.dot_dimension_numbers<[1], [0], [0], [1], [0, 0, 1, 1], [], []>, transpose_lhs_hint = false} : vector<400x128xf32>, vector<128x128xf32>, vector<400x128xf32> -> vector<400x128xf32>
    %get3A_45 = arith.constant 0 : index
    %get3A_46 = arith.constant 0 : index
    %get3A_47 = vector.load %arg6[%get3A_45, %get3A_46] : memref<1x128xf32, #tpu.memory_space<vmem>>, vector<1x128xf32>
    %add3A_48 = vector.broadcast %get3A_47 : vector<1x128xf32> to vector<400x128xf32>
    %add3A_49 = arith.addf %dot_general3A_44, %add3A_48 : vector<400x128xf32>
    %get3A_50 = arith.constant 0 : index
    %get3A_51 = arith.constant 0 : index
    %get3A_52 = vector.load %arg7[%get3A_50, %get3A_51] : memref<1x128xf32, #tpu.memory_space<vmem>>, vector<1x128xf32>
    %get3A_53 = arith.constant 0 : index
    %get3A_54 = arith.constant 0 : index
    %get3A_55 = vector.load %arg8[%get3A_53, %get3A_54] : memref<1x128xf32, #tpu.memory_space<vmem>>, vector<1x128xf32>
    %reduce_sum3A_56 = arith.constant dense<0.000000e+00> : vector<400xf32>
    %reduce_sum3A_57 = vector.multi_reduction <add>, %min3A_4, %reduce_sum3A_56 [1] : vector<400x128xf32> to vector<400xf32>
    %broadcast_in_dim3A_58 = vector.shape_cast %reduce_sum3A_57 : vector<400xf32> to vector<400x1xf32>
    %div3A_59 = arith.constant 1.280000e+02 : f32
    %div3A_60 = vector.broadcast %div3A_59 : f32 to vector<400x1xf32>
    %div3A_61 = arith.divf %broadcast_in_dim3A_58, %div3A_60 : vector<400x1xf32>
    %jit3A_62 = arith.constant 0 : i32
    %reduce_sum3A_63 = arith.constant dense<0.000000e+00> : vector<400xf32>
    %reduce_sum3A_64 = vector.multi_reduction <add>, %min3A_4, %reduce_sum3A_63 [1] : vector<400x128xf32> to vector<400xf32>
    %broadcast_in_dim3A_65 = vector.shape_cast %reduce_sum3A_64 : vector<400xf32> to vector<400x1xf32>
    %div3A_66 = arith.constant 1.280000e+02 : f32
    %div3A_67 = vector.broadcast %div3A_66 : f32 to vector<400x1xf32>
    %div3A_68 = arith.divf %broadcast_in_dim3A_65, %div3A_67 : vector<400x1xf32>
    %sub3A_69 = vector.broadcast %div3A_68 : vector<400x1xf32> to vector<400x128xf32>
    %sub3A_70 = arith.subf %min3A_4, %sub3A_69 : vector<400x128xf32>
    %square3A_71 = arith.mulf %sub3A_70, %sub3A_70 : vector<400x128xf32>
    %convert_element_type3A_72 = arith.sitofp %jit3A_62 : i32 to f32
    %sub3A_73 = arith.constant 1.280000e+02 : f32
    %sub3A_74 = arith.subf %sub3A_73, %convert_element_type3A_72 : f32
    %reduce_sum3A_75 = arith.constant dense<0.000000e+00> : vector<400xf32>
    %reduce_sum3A_76 = vector.multi_reduction <add>, %square3A_71, %reduce_sum3A_75 [1] : vector<400x128xf32> to vector<400xf32>
    %broadcast_in_dim3A_77 = vector.shape_cast %reduce_sum3A_76 : vector<400xf32> to vector<400x1xf32>
    %div3A_78 = vector.broadcast %sub3A_74 : f32 to vector<400x1xf32>
    %div3A_79 = arith.divf %broadcast_in_dim3A_77, %div3A_78 : vector<400x1xf32>
    %gt3A_80 = arith.constant 0.000000e+00 : f32
    %gt3A_81 = arith.cmpf ogt, %sub3A_74, %gt3A_80 : f32
    %jit3A_82 = arith.constant 0x7FC00000 : f32
    %broadcast_in_dim3A_83 = vector.broadcast %jit3A_82 : f32 to vector<400x1xf32>
    %select_n3A_84 = arith.select %gt3A_81, %div3A_79, %broadcast_in_dim3A_83 : vector<400x1xf32>
    %sub3A_85 = vector.broadcast %div3A_61 : vector<400x1xf32> to vector<400x128xf32>
    %sub3A_86 = arith.subf %min3A_4, %sub3A_85 : vector<400x128xf32>
    %add3A_87 = arith.constant 9.99999974E-6 : f32
    %add3A_88 = vector.broadcast %add3A_87 : f32 to vector<400x1xf32>
    %add3A_89 = arith.addf %select_n3A_84, %add3A_88 : vector<400x1xf32>
    %sqrt3A_90 = math.sqrt %add3A_89 : vector<400x1xf32>
    %div3A_91 = vector.broadcast %sqrt3A_90 : vector<400x1xf32> to vector<400x128xf32>
    %div3A_92 = arith.divf %sub3A_86, %div3A_91 : vector<400x128xf32>
    %mul3A_93 = vector.broadcast %get3A_52 : vector<1x128xf32> to vector<400x128xf32>
    %mul3A_94 = arith.mulf %div3A_92, %mul3A_93 : vector<400x128xf32>
    %add3A_95 = vector.broadcast %get3A_55 : vector<1x128xf32> to vector<400x128xf32>
    %add3A_96 = arith.addf %mul3A_94, %add3A_95 : vector<400x128xf32>
    %get3A_97 = arith.constant 0 : index
    %get3A_98 = arith.constant 0 : index
    %get3A_99 = vector.load %arg9[%get3A_97, %get3A_98] : memref<128x128xf32, #tpu.memory_space<vmem>>, vector<128x128xf32>
    %dot_general3A_100 = arith.constant dense<0.000000e+00> : vector<400x128xf32>
    %dot_general3A_101 = tpu.matmul %add3A_96, %get3A_99, %dot_general3A_100 {dimension_numbers = #tpu.dot_dimension_numbers<[1], [0], [0], [1], [0, 0, 1, 1], [], []>, transpose_lhs_hint = false} : vector<400x128xf32>, vector<128x128xf32>, vector<400x128xf32> -> vector<400x128xf32>
    %get3A_102 = arith.constant 0 : index
    %get3A_103 = arith.constant 0 : index
    %get3A_104 = vector.load %arg10[%get3A_102, %get3A_103] : memref<1x128xf32, #tpu.memory_space<vmem>>, vector<1x128xf32>
    %add3A_105 = vector.broadcast %get3A_104 : vector<1x128xf32> to vector<400x128xf32>
    %add3A_106 = arith.addf %dot_general3A_101, %add3A_105 : vector<400x128xf32>
    %get3A_107 = arith.constant 0 : index
    %get3A_108 = arith.constant 0 : index
    %get3A_109 = vector.load %arg11[%get3A_107, %get3A_108] : memref<1x128xf32, #tpu.memory_space<vmem>>, vector<1x128xf32>
    %get3A_110 = arith.constant 0 : index
    %get3A_111 = arith.constant 0 : index
    %get3A_112 = vector.load %arg12[%get3A_110, %get3A_111] : memref<1x128xf32, #tpu.memory_space<vmem>>, vector<1x128xf32>
    %reduce_sum3A_113 = arith.constant dense<0.000000e+00> : vector<400xf32>
    %reduce_sum3A_114 = vector.multi_reduction <add>, %min3A_4, %reduce_sum3A_113 [1] : vector<400x128xf32> to vector<400xf32>
    %broadcast_in_dim3A_115 = vector.shape_cast %reduce_sum3A_114 : vector<400xf32> to vector<400x1xf32>
    %div3A_116 = arith.constant 1.280000e+02 : f32
    %div3A_117 = vector.broadcast %div3A_116 : f32 to vector<400x1xf32>
    %div3A_118 = arith.divf %broadcast_in_dim3A_115, %div3A_117 : vector<400x1xf32>
    %jit3A_119 = arith.constant 0 : i32
    %reduce_sum3A_120 = arith.constant dense<0.000000e+00> : vector<400xf32>
    %reduce_sum3A_121 = vector.multi_reduction <add>, %min3A_4, %reduce_sum3A_120 [1] : vector<400x128xf32> to vector<400xf32>
    %broadcast_in_dim3A_122 = vector.shape_cast %reduce_sum3A_121 : vector<400xf32> to vector<400x1xf32>
    %div3A_123 = arith.constant 1.280000e+02 : f32
    %div3A_124 = vector.broadcast %div3A_123 : f32 to vector<400x1xf32>
    %div3A_125 = arith.divf %broadcast_in_dim3A_122, %div3A_124 : vector<400x1xf32>
    %sub3A_126 = vector.broadcast %div3A_125 : vector<400x1xf32> to vector<400x128xf32>
    %sub3A_127 = arith.subf %min3A_4, %sub3A_126 : vector<400x128xf32>
    %square3A_128 = arith.mulf %sub3A_127, %sub3A_127 : vector<400x128xf32>
    %convert_element_type3A_129 = arith.sitofp %jit3A_119 : i32 to f32
    %sub3A_130 = arith.constant 1.280000e+02 : f32
    %sub3A_131 = arith.subf %sub3A_130, %convert_element_type3A_129 : f32
    %reduce_sum3A_132 = arith.constant dense<0.000000e+00> : vector<400xf32>
    %reduce_sum3A_133 = vector.multi_reduction <add>, %square3A_128, %reduce_sum3A_132 [1] : vector<400x128xf32> to vector<400xf32>
    %broadcast_in_dim3A_134 = vector.shape_cast %reduce_sum3A_133 : vector<400xf32> to vector<400x1xf32>
    %div3A_135 = vector.broadcast %sub3A_131 : f32 to vector<400x1xf32>
    %div3A_136 = arith.divf %broadcast_in_dim3A_134, %div3A_135 : vector<400x1xf32>
    %gt3A_137 = arith.constant 0.000000e+00 : f32
    %gt3A_138 = arith.cmpf ogt, %sub3A_131, %gt3A_137 : f32
    %jit3A_139 = arith.constant 0x7FC00000 : f32
    %broadcast_in_dim3A_140 = vector.broadcast %jit3A_139 : f32 to vector<400x1xf32>
    %select_n3A_141 = arith.select %gt3A_138, %div3A_136, %broadcast_in_dim3A_140 : vector<400x1xf32>
    %sub3A_142 = vector.broadcast %div3A_118 : vector<400x1xf32> to vector<400x128xf32>
    %sub3A_143 = arith.subf %min3A_4, %sub3A_142 : vector<400x128xf32>
    %add3A_144 = arith.constant 9.99999974E-6 : f32
    %add3A_145 = vector.broadcast %add3A_144 : f32 to vector<400x1xf32>
    %add3A_146 = arith.addf %select_n3A_141, %add3A_145 : vector<400x1xf32>
    %sqrt3A_147 = math.sqrt %add3A_146 : vector<400x1xf32>
    %div3A_148 = vector.broadcast %sqrt3A_147 : vector<400x1xf32> to vector<400x128xf32>
    %div3A_149 = arith.divf %sub3A_143, %div3A_148 : vector<400x128xf32>
    %mul3A_150 = vector.broadcast %get3A_109 : vector<1x128xf32> to vector<400x128xf32>
    %mul3A_151 = arith.mulf %div3A_149, %mul3A_150 : vector<400x128xf32>
    %add3A_152 = vector.broadcast %get3A_112 : vector<1x128xf32> to vector<400x128xf32>
    %add3A_153 = arith.addf %mul3A_151, %add3A_152 : vector<400x128xf32>
    %get3A_154 = arith.constant 0 : index
    %get3A_155 = arith.constant 0 : index
    %get3A_156 = vector.load %arg13[%get3A_154, %get3A_155] : memref<128x128xf32, #tpu.memory_space<vmem>>, vector<128x128xf32>
    %dot_general3A_157 = arith.constant dense<0.000000e+00> : vector<400x128xf32>
    %dot_general3A_158 = tpu.matmul %add3A_153, %get3A_156, %dot_general3A_157 {dimension_numbers = #tpu.dot_dimension_numbers<[1], [0], [0], [1], [0, 0, 1, 1], [], []>, transpose_lhs_hint = false} : vector<400x128xf32>, vector<128x128xf32>, vector<400x128xf32> -> vector<400x128xf32>
    %get3A_159 = arith.constant 0 : index
    %get3A_160 = arith.constant 0 : index
    %get3A_161 = vector.load %arg14[%get3A_159, %get3A_160] : memref<1x128xf32, #tpu.memory_space<vmem>>, vector<1x128xf32>
    %add3A_162 = vector.broadcast %get3A_161 : vector<1x128xf32> to vector<400x128xf32>
    %add3A_163 = arith.addf %dot_general3A_158, %add3A_162 : vector<400x128xf32>
    %get3A_164 = arith.constant 0 : index
    %get3A_165 = arith.constant 0 : index
    %get3A_166 = vector.load %arg2[%get3A_164, %get3A_165] : memref<400x1xi32, #tpu.memory_space<vmem>>, vector<400x1xi32>
    %eq3A = arith.constant 0 : i32
    %eq3A_167 = vector.broadcast %eq3A : i32 to vector<400x1xi32>
    %eq3A_168 = arith.cmpi eq, %get3A_166, %eq3A_167 : vector<400x1xi32>
    %eq3A_169 = arith.constant 1 : i32
    %eq3A_170 = vector.broadcast %eq3A_169 : i32 to vector<400x1xi32>
    %eq3A_171 = arith.cmpi eq, %get3A_166, %eq3A_170 : vector<400x1xi32>
    %eq3A_172 = arith.constant 2 : i32
    %eq3A_173 = vector.broadcast %eq3A_172 : i32 to vector<400x1xi32>
    %eq3A_174 = arith.cmpi eq, %get3A_166, %eq3A_173 : vector<400x1xi32>
    %jit3A_175 = arith.constant 0.000000e+00 : f32
    %broadcast_in_dim3A_176 = vector.shape_cast %eq3A_174 : vector<400x1xi1> to vector<400x1xi1>
    %broadcast_in_dim3A_177 = vector.broadcast %broadcast_in_dim3A_176 : vector<400x1xi1> to vector<400x128xi1>
    %broadcast_in_dim3A_178 = vector.broadcast %jit3A_175 : f32 to vector<400x128xf32>
    %select_n3A_179 = arith.select %broadcast_in_dim3A_177, %add3A_163, %broadcast_in_dim3A_178 : vector<400x128xi1>, vector<400x128xf32>
    %broadcast_in_dim3A_180 = vector.shape_cast %eq3A_171 : vector<400x1xi1> to vector<400x1xi1>
    %broadcast_in_dim3A_181 = vector.broadcast %broadcast_in_dim3A_180 : vector<400x1xi1> to vector<400x128xi1>
    %select_n3A_182 = arith.select %broadcast_in_dim3A_181, %add3A_106, %select_n3A_179 : vector<400x128xi1>, vector<400x128xf32>
    %broadcast_in_dim3A_183 = vector.shape_cast %eq3A_168 : vector<400x1xi1> to vector<400x1xi1>
    %broadcast_in_dim3A_184 = vector.broadcast %broadcast_in_dim3A_183 : vector<400x1xi1> to vector<400x128xi1>
    %select_n3A_185 = arith.select %broadcast_in_dim3A_184, %add3A_49, %select_n3A_182 : vector<400x128xi1>, vector<400x128xf32>
    %eq3A_186 = arith.constant 0 : i32
    %eq3A_187 = vector.broadcast %eq3A_186 : i32 to vector<400x1xi32>
    %eq3A_188 = arith.cmpi eq, %get3A_166, %eq3A_187 : vector<400x1xi32>
    %get3A_189 = arith.constant 0 : index
    %get3A_190 = arith.constant 0 : index
    %get3A_191 = vector.load %arg15[%get3A_189, %get3A_190] : memref<8x128xf32, #tpu.memory_space<vmem>>, vector<1x128xf32>
    %eq3A_192 = arith.constant 1 : i32
    %eq3A_193 = vector.broadcast %eq3A_192 : i32 to vector<400x1xi32>
    %eq3A_194 = arith.cmpi eq, %get3A_166, %eq3A_193 : vector<400x1xi32>
    %get3A_195 = arith.constant 1 : index
    %get3A_196 = arith.constant 0 : index
    %get3A_197 = vector.load %arg15[%get3A_195, %get3A_196] : memref<8x128xf32, #tpu.memory_space<vmem>>, vector<1x128xf32>
    %get3A_198 = arith.constant 2 : index
    %get3A_199 = arith.constant 0 : index
    %get3A_200 = vector.load %arg15[%get3A_198, %get3A_199] : memref<8x128xf32, #tpu.memory_space<vmem>>, vector<1x128xf32>
    %broadcast_in_dim3A_201 = vector.shape_cast %eq3A_194 : vector<400x1xi1> to vector<400x1xi1>
    %broadcast_in_dim3A_202 = vector.broadcast %broadcast_in_dim3A_201 : vector<400x1xi1> to vector<400x128xi1>
    %broadcast_in_dim3A_203 = vector.shape_cast %get3A_197 : vector<1x128xf32> to vector<1x128xf32>
    %broadcast_in_dim3A_204 = vector.broadcast %broadcast_in_dim3A_203 : vector<1x128xf32> to vector<400x128xf32>
    %broadcast_in_dim3A_205 = vector.shape_cast %get3A_200 : vector<1x128xf32> to vector<1x128xf32>
    %broadcast_in_dim3A_206 = vector.broadcast %broadcast_in_dim3A_205 : vector<1x128xf32> to vector<400x128xf32>
    %select_n3A_207 = arith.select %broadcast_in_dim3A_202, %broadcast_in_dim3A_204, %broadcast_in_dim3A_206 : vector<400x128xi1>, vector<400x128xf32>
    %broadcast_in_dim3A_208 = vector.shape_cast %eq3A_188 : vector<400x1xi1> to vector<400x1xi1>
    %broadcast_in_dim3A_209 = vector.broadcast %broadcast_in_dim3A_208 : vector<400x1xi1> to vector<400x128xi1>
    %broadcast_in_dim3A_210 = vector.shape_cast %get3A_191 : vector<1x128xf32> to vector<1x128xf32>
    %broadcast_in_dim3A_211 = vector.broadcast %broadcast_in_dim3A_210 : vector<1x128xf32> to vector<400x128xf32>
    %select_n3A_212 = arith.select %broadcast_in_dim3A_209, %broadcast_in_dim3A_211, %select_n3A_207 : vector<400x128xi1>, vector<400x128xf32>
    %add3A_213 = arith.addf %select_n3A_185, %select_n3A_212 : vector<400x128xf32>
    %swap3A = arith.constant 0 : index
    %swap3A_214 = arith.constant 0 : index
    %swap3A_215 = vector.load %arg16[%swap3A, %swap3A_214] : memref<400x128xf32, #tpu.memory_space<vmem>>, vector<400x128xf32>
    tpu.vector_store %arg16[%swap3A, %swap3A_214], %add3A_213 {strides = array<i32>} : memref<400x128xf32, #tpu.memory_space<vmem>>, vector<400x128xf32>,
    return
  }
  func.func @transform_0(%arg0: i32) -> (i32, i32) {
    %c0_i32 = arith.constant 0 : i32
    %c0_i32_0 = arith.constant 0 : i32
    return %arg0, %c0_i32 : i32, i32
  }
  func.func @transform_1(%arg0: i32) -> (i32, i32) {
    %c0_i32 = arith.constant 0 : i32
    %c0_i32_0 = arith.constant 0 : i32
    return %arg0, %c0_i32 : i32, i32
  }
  func.func @transform_2(%arg0: i32) -> (i32, i32) {
    %c0_i32 = arith.constant 0 : i32
    %c0_i32_0 = arith.constant 0 : i32
    %c0_i32_1 = arith.constant 0 : i32
    return %c0_i32, %c0_i32_0 : i32, i32
  }
  func.func @transform_3(%arg0: i32) -> (i32, i32) {
    %c0_i32 = arith.constant 0 : i32
    %c0_i32_0 = arith.constant 0 : i32
    %c0_i32_1 = arith.constant 0 : i32
    return %c0_i32, %c0_i32_0 : i32, i32
  }
  func.func @transform_4(%arg0: i32) -> (i32, i32) {
    %c0_i32 = arith.constant 0 : i32
    %c0_i32_0 = arith.constant 0 : i32
    %c0_i32_1 = arith.constant 0 : i32
    return %c0_i32, %c0_i32_0 : i32, i32
  }
  func.func @transform_5(%arg0: i32) -> (i32, i32) {
    %c0_i32 = arith.constant 0 : i32
    %c0_i32_0 = arith.constant 0 : i32
    %c0_i32_1 = arith.constant 0 : i32
    return %c0_i32, %c0_i32_0 : i32, i32
  }
  func.func @transform_6(%arg0: i32) -> (i32, i32) {
    %c0_i32 = arith.constant 0 : i32
    %c0_i32_0 = arith.constant 0 : i32
    %c0_i32_1 = arith.constant 0 : i32
    return %c0_i32, %c0_i32_0 : i32, i32
  }
  func.func @transform_7(%arg0: i32) -> (i32, i32) {
    %c0_i32 = arith.constant 0 : i32
    %c0_i32_0 = arith.constant 0 : i32
    %c0_i32_1 = arith.constant 0 : i32
    return %c0_i32, %c0_i32_0 : i32, i32
  }
  func.func @transform_8(%arg0: i32) -> (i32, i32) {
    %c0_i32 = arith.constant 0 : i32
    %c0_i32_0 = arith.constant 0 : i32
    %c0_i32_1 = arith.constant 0 : i32
    return %c0_i32, %c0_i32_0 : i32, i32
  }
  func.func @transform_9(%arg0: i32) -> (i32, i32) {
    %c0_i32 = arith.constant 0 : i32
    %c0_i32_0 = arith.constant 0 : i32
    %c0_i32_1 = arith.constant 0 : i32
    return %c0_i32, %c0_i32_0 : i32, i32
  }
  func.func @transform_10(%arg0: i32) -> (i32, i32) {
    %c0_i32 = arith.constant 0 : i32
    %c0_i32_0 = arith.constant 0 : i32
    %c0_i32_1 = arith.constant 0 : i32
    return %c0_i32, %c0_i32_0 : i32, i32
  }
  func.func @transform_11(%arg0: i32) -> (i32, i32) {
    %c0_i32 = arith.constant 0 : i32
    %c0_i32_0 = arith.constant 0 : i32
    %c0_i32_1 = arith.constant 0 : i32
    return %c0_i32, %c0_i32_0 : i32, i32
  }
  func.func @transform_12(%arg0: i32) -> (i32, i32) {
    %c0_i32 = arith.constant 0 : i32
    %c0_i32_0 = arith.constant 0 : i32
    %c0_i32_1 = arith.constant 0 : i32
    return %c0_i32, %c0_i32_0 : i32, i32
  }
  func.func @transform_13(%arg0: i32) -> (i32, i32) {
    %c0_i32 = arith.constant 0 : i32
    %c0_i32_0 = arith.constant 0 : i32
    %c0_i32_1 = arith.constant 0 : i32
    return %c0_i32, %c0_i32_0 : i32, i32
  }
  func.func @transform_14(%arg0: i32) -> (i32, i32) {
    %c0_i32 = arith.constant 0 : i32
    %c0_i32_0 = arith.constant 0 : i32
    %c0_i32_1 = arith.constant 0 : i32
    return %c0_i32, %c0_i32_0 : i32, i32
  }
  func.func @transform_15(%arg0: i32) -> (i32, i32) {
    %c0_i32 = arith.constant 0 : i32
    %c0_i32_0 = arith.constant 0 : i32
    return %arg0, %c0_i32 : i32, i32
  }
}

module attributes {stable_mosaic.version = 14 : i64} {
  func.func @_layer_body(%arg0: i32, %arg1: memref<2x400x128xf32, #tpu.memory_space<vmem>>, %arg2: memref<2x400x128xf32, #tpu.memory_space<vmem>>, %arg3: memref<400x128xf32, #tpu.memory_space<vmem>>, %arg4: memref<128x128xf32, #tpu.memory_space<vmem>>, %arg5: memref<1x128xf32, #tpu.memory_space<vmem>>, %arg6: memref<128x128xf32, #tpu.memory_space<vmem>>, %arg7: memref<1x128xf32, #tpu.memory_space<vmem>>, %arg8: memref<1x128xf32, #tpu.memory_space<vmem>>, %arg9: memref<400x128xf32, #tpu.memory_space<vmem>>) attributes {dimension_semantics = [#tpu.dimension_semantics<arbitrary>], iteration_bounds = array<i64: 25>, scalar_prefetch = 0 : i64, scratch_operands = 0 : i64, tpu.core_type = #tpu.core_type<tc>, window_params = [{transform_indices = @transform_0, window_bounds = array<i64: 2, 400, 128>}, {transform_indices = @transform_1, window_bounds = array<i64: 2, 400, 128>}, {transform_indices = @transform_2, window_bounds = array<i64: 400, 128>}, {pipeline_mode = #tpu.pipeline_mode<synchronous>, transform_indices = @transform_3, window_bounds = array<i64: 128, 128>}, {pipeline_mode = #tpu.pipeline_mode<synchronous>, transform_indices = @transform_4, window_bounds = array<i64: 1, 128>}, {pipeline_mode = #tpu.pipeline_mode<synchronous>, transform_indices = @transform_5, window_bounds = array<i64: 128, 128>}, {pipeline_mode = #tpu.pipeline_mode<synchronous>, transform_indices = @transform_6, window_bounds = array<i64: 1, 128>}, {pipeline_mode = #tpu.pipeline_mode<synchronous>, transform_indices = @transform_7, window_bounds = array<i64: 1, 128>}, {transform_indices = @transform_8, window_bounds = array<i64: 400, 128>}]} {
    %get3A = arith.constant 0 : index
    %get3A_0 = arith.constant 0 : index
    %get3A_1 = arith.constant 0 : index
    %get3A_2 = vector.load %arg1[%get3A, %get3A_0, %get3A_1] : memref<2x400x128xf32, #tpu.memory_space<vmem>>, vector<1x400x128xf32>
    %get3A_3 = vector.shape_cast %get3A_2 : vector<1x400x128xf32> to vector<400x128xf32>
    %get3A_4 = arith.constant 1 : index
    %get3A_5 = arith.constant 0 : index
    %get3A_6 = arith.constant 0 : index
    %get3A_7 = vector.load %arg1[%get3A_4, %get3A_5, %get3A_6] : memref<2x400x128xf32, #tpu.memory_space<vmem>>, vector<1x400x128xf32>
    %get3A_8 = vector.shape_cast %get3A_7 : vector<1x400x128xf32> to vector<400x128xf32>
    %add3A = arith.addf %get3A_3, %get3A_8 : vector<400x128xf32>
    %get3A_9 = arith.constant 0 : index
    %get3A_10 = arith.constant 0 : index
    %get3A_11 = arith.constant 0 : index
    %get3A_12 = vector.load %arg2[%get3A_9, %get3A_10, %get3A_11] : memref<2x400x128xf32, #tpu.memory_space<vmem>>, vector<1x400x128xf32>
    %get3A_13 = vector.shape_cast %get3A_12 : vector<1x400x128xf32> to vector<400x128xf32>
    %slice3A = vector.extract_strided_slice %get3A_13 {offsets = [0, 0], sizes = [400, 1], strides = [1, 1]} : vector<400x128xf32> to vector<400x1xf32>
    %get3A_14 = arith.constant 1 : index
    %get3A_15 = arith.constant 0 : index
    %get3A_16 = arith.constant 0 : index
    %get3A_17 = vector.load %arg2[%get3A_14, %get3A_15, %get3A_16] : memref<2x400x128xf32, #tpu.memory_space<vmem>>, vector<1x400x128xf32>
    %get3A_18 = vector.shape_cast %get3A_17 : vector<1x400x128xf32> to vector<400x128xf32>
    %slice3A_19 = vector.extract_strided_slice %get3A_18 {offsets = [0, 0], sizes = [400, 1], strides = [1, 1]} : vector<400x128xf32> to vector<400x1xf32>
    %add3A_20 = arith.addf %slice3A, %slice3A_19 : vector<400x1xf32>
    %max3A = arith.constant 1.000000e+00 : f32
    %max3A_21 = vector.broadcast %max3A : f32 to vector<400x1xf32>
    %max3A_22 = arith.maximumf %add3A_20, %max3A_21 : vector<400x1xf32>
    %div3A = vector.broadcast %max3A_22 : vector<400x1xf32> to vector<400x128xf32>
    %div3A_23 = arith.divf %add3A, %div3A : vector<400x128xf32>
    %get3A_24 = arith.constant 0 : index
    %get3A_25 = arith.constant 0 : index
    %get3A_26 = vector.load %arg3[%get3A_24, %get3A_25] : memref<400x128xf32, #tpu.memory_space<vmem>>, vector<400x128xf32>
    %get3A_27 = arith.constant 0 : index
    %get3A_28 = arith.constant 0 : index
    %get3A_29 = vector.load %arg4[%get3A_27, %get3A_28] : memref<128x128xf32, #tpu.memory_space<vmem>>, vector<128x128xf32>
    %dot_general3A = arith.constant dense<0.000000e+00> : vector<400x128xf32>
    %dot_general3A_30 = tpu.matmul %div3A_23, %get3A_29, %dot_general3A {dimension_numbers = #tpu.dot_dimension_numbers<[1], [0], [0], [1], [0, 0, 1, 1], [], []>, transpose_lhs_hint = false} : vector<400x128xf32>, vector<128x128xf32>, vector<400x128xf32> -> vector<400x128xf32>
    %get3A_31 = arith.constant 0 : index
    %get3A_32 = arith.constant 0 : index
    %get3A_33 = vector.load %arg6[%get3A_31, %get3A_32] : memref<128x128xf32, #tpu.memory_space<vmem>>, vector<128x128xf32>
    %dot_general3A_34 = arith.constant dense<0.000000e+00> : vector<400x128xf32>
    %dot_general3A_35 = tpu.matmul %get3A_26, %get3A_33, %dot_general3A_34 {dimension_numbers = #tpu.dot_dimension_numbers<[1], [0], [0], [1], [0, 0, 1, 1], [], []>, transpose_lhs_hint = false} : vector<400x128xf32>, vector<128x128xf32>, vector<400x128xf32> -> vector<400x128xf32>
    %add3A_36 = arith.addf %dot_general3A_30, %dot_general3A_35 : vector<400x128xf32>
    %get3A_37 = arith.constant 0 : index
    %get3A_38 = arith.constant 0 : index
    %get3A_39 = vector.load %arg5[%get3A_37, %get3A_38] : memref<1x128xf32, #tpu.memory_space<vmem>>, vector<1x128xf32>
    %add3A_40 = vector.broadcast %get3A_39 : vector<1x128xf32> to vector<400x128xf32>
    %add3A_41 = arith.addf %add3A_36, %add3A_40 : vector<400x128xf32>
    %add3A_42 = arith.addf %add3A_41, %get3A_26 : vector<400x128xf32>
    %get3A_43 = arith.constant 0 : index
    %get3A_44 = arith.constant 0 : index
    %get3A_45 = vector.load %arg7[%get3A_43, %get3A_44] : memref<1x128xf32, #tpu.memory_space<vmem>>, vector<1x128xf32>
    %get3A_46 = arith.constant 0 : index
    %get3A_47 = arith.constant 0 : index
    %get3A_48 = vector.load %arg8[%get3A_46, %get3A_47] : memref<1x128xf32, #tpu.memory_space<vmem>>, vector<1x128xf32>
    %reduce_sum3A = arith.constant dense<0.000000e+00> : vector<400xf32>
    %reduce_sum3A_49 = vector.multi_reduction <add>, %add3A_42, %reduce_sum3A [1] : vector<400x128xf32> to vector<400xf32>
    %broadcast_in_dim3A = vector.shape_cast %reduce_sum3A_49 : vector<400xf32> to vector<400x1xf32>
    %div3A_50 = arith.constant 1.280000e+02 : f32
    %div3A_51 = vector.broadcast %div3A_50 : f32 to vector<400x1xf32>
    %div3A_52 = arith.divf %broadcast_in_dim3A, %div3A_51 : vector<400x1xf32>
    %jit3A = arith.constant 0 : i32
    %reduce_sum3A_53 = arith.constant dense<0.000000e+00> : vector<400xf32>
    %reduce_sum3A_54 = vector.multi_reduction <add>, %add3A_42, %reduce_sum3A_53 [1] : vector<400x128xf32> to vector<400xf32>
    %broadcast_in_dim3A_55 = vector.shape_cast %reduce_sum3A_54 : vector<400xf32> to vector<400x1xf32>
    %div3A_56 = arith.constant 1.280000e+02 : f32
    %div3A_57 = vector.broadcast %div3A_56 : f32 to vector<400x1xf32>
    %div3A_58 = arith.divf %broadcast_in_dim3A_55, %div3A_57 : vector<400x1xf32>
    %sub3A = vector.broadcast %div3A_58 : vector<400x1xf32> to vector<400x128xf32>
    %sub3A_59 = arith.subf %add3A_42, %sub3A : vector<400x128xf32>
    %square3A = arith.mulf %sub3A_59, %sub3A_59 : vector<400x128xf32>
    %convert_element_type3A = arith.sitofp %jit3A : i32 to f32
    %sub3A_60 = arith.constant 1.280000e+02 : f32
    %sub3A_61 = arith.subf %sub3A_60, %convert_element_type3A : f32
    %reduce_sum3A_62 = arith.constant dense<0.000000e+00> : vector<400xf32>
    %reduce_sum3A_63 = vector.multi_reduction <add>, %square3A, %reduce_sum3A_62 [1] : vector<400x128xf32> to vector<400xf32>
    %broadcast_in_dim3A_64 = vector.shape_cast %reduce_sum3A_63 : vector<400xf32> to vector<400x1xf32>
    %div3A_65 = vector.broadcast %sub3A_61 : f32 to vector<400x1xf32>
    %div3A_66 = arith.divf %broadcast_in_dim3A_64, %div3A_65 : vector<400x1xf32>
    %gt3A = arith.constant 0.000000e+00 : f32
    %gt3A_67 = arith.cmpf ogt, %sub3A_61, %gt3A : f32
    %jit3A_68 = arith.constant 0x7FC00000 : f32
    %broadcast_in_dim3A_69 = vector.broadcast %jit3A_68 : f32 to vector<400x1xf32>
    %select_n3A = arith.select %gt3A_67, %div3A_66, %broadcast_in_dim3A_69 : vector<400x1xf32>
    %sub3A_70 = vector.broadcast %div3A_52 : vector<400x1xf32> to vector<400x128xf32>
    %sub3A_71 = arith.subf %add3A_42, %sub3A_70 : vector<400x128xf32>
    %add3A_72 = arith.constant 9.99999974E-6 : f32
    %add3A_73 = vector.broadcast %add3A_72 : f32 to vector<400x1xf32>
    %add3A_74 = arith.addf %select_n3A, %add3A_73 : vector<400x1xf32>
    %sqrt3A = math.sqrt %add3A_74 : vector<400x1xf32>
    %div3A_75 = vector.broadcast %sqrt3A : vector<400x1xf32> to vector<400x128xf32>
    %div3A_76 = arith.divf %sub3A_71, %div3A_75 : vector<400x128xf32>
    %mul3A = vector.broadcast %get3A_45 : vector<1x128xf32> to vector<400x128xf32>
    %mul3A_77 = arith.mulf %div3A_76, %mul3A : vector<400x128xf32>
    %add3A_78 = vector.broadcast %get3A_48 : vector<1x128xf32> to vector<400x128xf32>
    %add3A_79 = arith.addf %mul3A_77, %add3A_78 : vector<400x128xf32>
    %max3A_80 = arith.constant 0.000000e+00 : f32
    %max3A_81 = vector.broadcast %max3A_80 : f32 to vector<400x128xf32>
    %max3A_82 = arith.maximumf %add3A_79, %max3A_81 : vector<400x128xf32>
    %swap3A = arith.constant 0 : index
    %swap3A_83 = arith.constant 0 : index
    %swap3A_84 = vector.load %arg9[%swap3A, %swap3A_83] : memref<400x128xf32, #tpu.memory_space<vmem>>, vector<400x128xf32>
    tpu.vector_store %arg9[%swap3A, %swap3A_83], %max3A_82 {strides = array<i32>} : memref<400x128xf32, #tpu.memory_space<vmem>>, vector<400x128xf32>,
    return
  }
  func.func @transform_0(%arg0: i32) -> (i32, i32, i32) {
    %c0_i32 = arith.constant 0 : i32
    %c0_i32_0 = arith.constant 0 : i32
    %c0_i32_1 = arith.constant 0 : i32
    return %c0_i32, %arg0, %c0_i32_0 : i32, i32, i32
  }
  func.func @transform_1(%arg0: i32) -> (i32, i32, i32) {
    %c0_i32 = arith.constant 0 : i32
    %c0_i32_0 = arith.constant 0 : i32
    %c0_i32_1 = arith.constant 0 : i32
    return %c0_i32, %arg0, %c0_i32_0 : i32, i32, i32
  }
  func.func @transform_2(%arg0: i32) -> (i32, i32) {
    %c0_i32 = arith.constant 0 : i32
    %c0_i32_0 = arith.constant 0 : i32
    return %arg0, %c0_i32 : i32, i32
  }
  func.func @transform_3(%arg0: i32) -> (i32, i32) {
    %c0_i32 = arith.constant 0 : i32
    %c0_i32_0 = arith.constant 0 : i32
    %c0_i32_1 = arith.constant 0 : i32
    return %c0_i32, %c0_i32_0 : i32, i32
  }
  func.func @transform_4(%arg0: i32) -> (i32, i32) {
    %c0_i32 = arith.constant 0 : i32
    %c0_i32_0 = arith.constant 0 : i32
    %c0_i32_1 = arith.constant 0 : i32
    return %c0_i32, %c0_i32_0 : i32, i32
  }
  func.func @transform_5(%arg0: i32) -> (i32, i32) {
    %c0_i32 = arith.constant 0 : i32
    %c0_i32_0 = arith.constant 0 : i32
    %c0_i32_1 = arith.constant 0 : i32
    return %c0_i32, %c0_i32_0 : i32, i32
  }
  func.func @transform_6(%arg0: i32) -> (i32, i32) {
    %c0_i32 = arith.constant 0 : i32
    %c0_i32_0 = arith.constant 0 : i32
    %c0_i32_1 = arith.constant 0 : i32
    return %c0_i32, %c0_i32_0 : i32, i32
  }
  func.func @transform_7(%arg0: i32) -> (i32, i32) {
    %c0_i32 = arith.constant 0 : i32
    %c0_i32_0 = arith.constant 0 : i32
    %c0_i32_1 = arith.constant 0 : i32
    return %c0_i32, %c0_i32_0 : i32, i32
  }
  func.func @transform_8(%arg0: i32) -> (i32, i32) {
    %c0_i32 = arith.constant 0 : i32
    %c0_i32_0 = arith.constant 0 : i32
    return %arg0, %c0_i32 : i32, i32
  }
}

module attributes {stable_mosaic.version = 14 : i64} {
  func.func @_layer_body(%arg0: i32, %arg1: memref<2x400x128xf32, #tpu.memory_space<vmem>>, %arg2: memref<2x400x128xf32, #tpu.memory_space<vmem>>, %arg3: memref<400x128xf32, #tpu.memory_space<vmem>>, %arg4: memref<128x128xf32, #tpu.memory_space<vmem>>, %arg5: memref<1x128xf32, #tpu.memory_space<vmem>>, %arg6: memref<128x128xf32, #tpu.memory_space<vmem>>, %arg7: memref<1x128xf32, #tpu.memory_space<vmem>>, %arg8: memref<1x128xf32, #tpu.memory_space<vmem>>, %arg9: memref<400x128xf32, #tpu.memory_space<vmem>>) attributes {dimension_semantics = [#tpu.dimension_semantics<arbitrary>], iteration_bounds = array<i64: 25>, scalar_prefetch = 0 : i64, scratch_operands = 0 : i64, tpu.core_type = #tpu.core_type<tc>, window_params = [{transform_indices = @transform_0, window_bounds = array<i64: 2, 400, 128>}, {transform_indices = @transform_1, window_bounds = array<i64: 2, 400, 128>}, {transform_indices = @transform_2, window_bounds = array<i64: 400, 128>}, {pipeline_mode = #tpu.pipeline_mode<synchronous>, transform_indices = @transform_3, window_bounds = array<i64: 128, 128>}, {pipeline_mode = #tpu.pipeline_mode<synchronous>, transform_indices = @transform_4, window_bounds = array<i64: 1, 128>}, {pipeline_mode = #tpu.pipeline_mode<synchronous>, transform_indices = @transform_5, window_bounds = array<i64: 128, 128>}, {pipeline_mode = #tpu.pipeline_mode<synchronous>, transform_indices = @transform_6, window_bounds = array<i64: 1, 128>}, {pipeline_mode = #tpu.pipeline_mode<synchronous>, transform_indices = @transform_7, window_bounds = array<i64: 1, 128>}, {transform_indices = @transform_8, window_bounds = array<i64: 400, 128>}]} {
    %get3A = arith.constant 0 : index
    %get3A_0 = arith.constant 0 : index
    %get3A_1 = arith.constant 0 : index
    %get3A_2 = vector.load %arg1[%get3A, %get3A_0, %get3A_1] : memref<2x400x128xf32, #tpu.memory_space<vmem>>, vector<1x400x128xf32>
    %get3A_3 = vector.shape_cast %get3A_2 : vector<1x400x128xf32> to vector<400x128xf32>
    %get3A_4 = arith.constant 1 : index
    %get3A_5 = arith.constant 0 : index
    %get3A_6 = arith.constant 0 : index
    %get3A_7 = vector.load %arg1[%get3A_4, %get3A_5, %get3A_6] : memref<2x400x128xf32, #tpu.memory_space<vmem>>, vector<1x400x128xf32>
    %get3A_8 = vector.shape_cast %get3A_7 : vector<1x400x128xf32> to vector<400x128xf32>
    %add3A = arith.addf %get3A_3, %get3A_8 : vector<400x128xf32>
    %get3A_9 = arith.constant 0 : index
    %get3A_10 = arith.constant 0 : index
    %get3A_11 = arith.constant 0 : index
    %get3A_12 = vector.load %arg2[%get3A_9, %get3A_10, %get3A_11] : memref<2x400x128xf32, #tpu.memory_space<vmem>>, vector<1x400x128xf32>
    %get3A_13 = vector.shape_cast %get3A_12 : vector<1x400x128xf32> to vector<400x128xf32>
    %slice3A = vector.extract_strided_slice %get3A_13 {offsets = [0, 0], sizes = [400, 1], strides = [1, 1]} : vector<400x128xf32> to vector<400x1xf32>
    %get3A_14 = arith.constant 1 : index
    %get3A_15 = arith.constant 0 : index
    %get3A_16 = arith.constant 0 : index
    %get3A_17 = vector.load %arg2[%get3A_14, %get3A_15, %get3A_16] : memref<2x400x128xf32, #tpu.memory_space<vmem>>, vector<1x400x128xf32>
    %get3A_18 = vector.shape_cast %get3A_17 : vector<1x400x128xf32> to vector<400x128xf32>
    %slice3A_19 = vector.extract_strided_slice %get3A_18 {offsets = [0, 0], sizes = [400, 1], strides = [1, 1]} : vector<400x128xf32> to vector<400x1xf32>
    %add3A_20 = arith.addf %slice3A, %slice3A_19 : vector<400x1xf32>
    %max3A = arith.constant 1.000000e+00 : f32
    %max3A_21 = vector.broadcast %max3A : f32 to vector<400x1xf32>
    %max3A_22 = arith.maximumf %add3A_20, %max3A_21 : vector<400x1xf32>
    %div3A = vector.broadcast %max3A_22 : vector<400x1xf32> to vector<400x128xf32>
    %div3A_23 = arith.divf %add3A, %div3A : vector<400x128xf32>
    %get3A_24 = arith.constant 0 : index
    %get3A_25 = arith.constant 0 : index
    %get3A_26 = vector.load %arg3[%get3A_24, %get3A_25] : memref<400x128xf32, #tpu.memory_space<vmem>>, vector<400x128xf32>
    %get3A_27 = arith.constant 0 : index
    %get3A_28 = arith.constant 0 : index
    %get3A_29 = vector.load %arg4[%get3A_27, %get3A_28] : memref<128x128xf32, #tpu.memory_space<vmem>>, vector<128x128xf32>
    %dot_general3A = arith.constant dense<0.000000e+00> : vector<400x128xf32>
    %dot_general3A_30 = tpu.matmul %div3A_23, %get3A_29, %dot_general3A {dimension_numbers = #tpu.dot_dimension_numbers<[1], [0], [0], [1], [0, 0, 1, 1], [], []>, transpose_lhs_hint = false} : vector<400x128xf32>, vector<128x128xf32>, vector<400x128xf32> -> vector<400x128xf32>
    %get3A_31 = arith.constant 0 : index
    %get3A_32 = arith.constant 0 : index
    %get3A_33 = vector.load %arg6[%get3A_31, %get3A_32] : memref<128x128xf32, #tpu.memory_space<vmem>>, vector<128x128xf32>
    %dot_general3A_34 = arith.constant dense<0.000000e+00> : vector<400x128xf32>
    %dot_general3A_35 = tpu.matmul %get3A_26, %get3A_33, %dot_general3A_34 {dimension_numbers = #tpu.dot_dimension_numbers<[1], [0], [0], [1], [0, 0, 1, 1], [], []>, transpose_lhs_hint = false} : vector<400x128xf32>, vector<128x128xf32>, vector<400x128xf32> -> vector<400x128xf32>
    %add3A_36 = arith.addf %dot_general3A_30, %dot_general3A_35 : vector<400x128xf32>
    %get3A_37 = arith.constant 0 : index
    %get3A_38 = arith.constant 0 : index
    %get3A_39 = vector.load %arg5[%get3A_37, %get3A_38] : memref<1x128xf32, #tpu.memory_space<vmem>>, vector<1x128xf32>
    %add3A_40 = vector.broadcast %get3A_39 : vector<1x128xf32> to vector<400x128xf32>
    %add3A_41 = arith.addf %add3A_36, %add3A_40 : vector<400x128xf32>
    %add3A_42 = arith.addf %add3A_41, %get3A_26 : vector<400x128xf32>
    %get3A_43 = arith.constant 0 : index
    %get3A_44 = arith.constant 0 : index
    %get3A_45 = vector.load %arg7[%get3A_43, %get3A_44] : memref<1x128xf32, #tpu.memory_space<vmem>>, vector<1x128xf32>
    %get3A_46 = arith.constant 0 : index
    %get3A_47 = arith.constant 0 : index
    %get3A_48 = vector.load %arg8[%get3A_46, %get3A_47] : memref<1x128xf32, #tpu.memory_space<vmem>>, vector<1x128xf32>
    %reduce_sum3A = arith.constant dense<0.000000e+00> : vector<400xf32>
    %reduce_sum3A_49 = vector.multi_reduction <add>, %add3A_42, %reduce_sum3A [1] : vector<400x128xf32> to vector<400xf32>
    %broadcast_in_dim3A = vector.shape_cast %reduce_sum3A_49 : vector<400xf32> to vector<400x1xf32>
    %div3A_50 = arith.constant 1.280000e+02 : f32
    %div3A_51 = vector.broadcast %div3A_50 : f32 to vector<400x1xf32>
    %div3A_52 = arith.divf %broadcast_in_dim3A, %div3A_51 : vector<400x1xf32>
    %jit3A = arith.constant 0 : i32
    %reduce_sum3A_53 = arith.constant dense<0.000000e+00> : vector<400xf32>
    %reduce_sum3A_54 = vector.multi_reduction <add>, %add3A_42, %reduce_sum3A_53 [1] : vector<400x128xf32> to vector<400xf32>
    %broadcast_in_dim3A_55 = vector.shape_cast %reduce_sum3A_54 : vector<400xf32> to vector<400x1xf32>
    %div3A_56 = arith.constant 1.280000e+02 : f32
    %div3A_57 = vector.broadcast %div3A_56 : f32 to vector<400x1xf32>
    %div3A_58 = arith.divf %broadcast_in_dim3A_55, %div3A_57 : vector<400x1xf32>
    %sub3A = vector.broadcast %div3A_58 : vector<400x1xf32> to vector<400x128xf32>
    %sub3A_59 = arith.subf %add3A_42, %sub3A : vector<400x128xf32>
    %square3A = arith.mulf %sub3A_59, %sub3A_59 : vector<400x128xf32>
    %convert_element_type3A = arith.sitofp %jit3A : i32 to f32
    %sub3A_60 = arith.constant 1.280000e+02 : f32
    %sub3A_61 = arith.subf %sub3A_60, %convert_element_type3A : f32
    %reduce_sum3A_62 = arith.constant dense<0.000000e+00> : vector<400xf32>
    %reduce_sum3A_63 = vector.multi_reduction <add>, %square3A, %reduce_sum3A_62 [1] : vector<400x128xf32> to vector<400xf32>
    %broadcast_in_dim3A_64 = vector.shape_cast %reduce_sum3A_63 : vector<400xf32> to vector<400x1xf32>
    %div3A_65 = vector.broadcast %sub3A_61 : f32 to vector<400x1xf32>
    %div3A_66 = arith.divf %broadcast_in_dim3A_64, %div3A_65 : vector<400x1xf32>
    %gt3A = arith.constant 0.000000e+00 : f32
    %gt3A_67 = arith.cmpf ogt, %sub3A_61, %gt3A : f32
    %jit3A_68 = arith.constant 0x7FC00000 : f32
    %broadcast_in_dim3A_69 = vector.broadcast %jit3A_68 : f32 to vector<400x1xf32>
    %select_n3A = arith.select %gt3A_67, %div3A_66, %broadcast_in_dim3A_69 : vector<400x1xf32>
    %sub3A_70 = vector.broadcast %div3A_52 : vector<400x1xf32> to vector<400x128xf32>
    %sub3A_71 = arith.subf %add3A_42, %sub3A_70 : vector<400x128xf32>
    %add3A_72 = arith.constant 9.99999974E-6 : f32
    %add3A_73 = vector.broadcast %add3A_72 : f32 to vector<400x1xf32>
    %add3A_74 = arith.addf %select_n3A, %add3A_73 : vector<400x1xf32>
    %sqrt3A = math.sqrt %add3A_74 : vector<400x1xf32>
    %div3A_75 = vector.broadcast %sqrt3A : vector<400x1xf32> to vector<400x128xf32>
    %div3A_76 = arith.divf %sub3A_71, %div3A_75 : vector<400x128xf32>
    %mul3A = vector.broadcast %get3A_45 : vector<1x128xf32> to vector<400x128xf32>
    %mul3A_77 = arith.mulf %div3A_76, %mul3A : vector<400x128xf32>
    %add3A_78 = vector.broadcast %get3A_48 : vector<1x128xf32> to vector<400x128xf32>
    %add3A_79 = arith.addf %mul3A_77, %add3A_78 : vector<400x128xf32>
    %max3A_80 = arith.constant 0.000000e+00 : f32
    %max3A_81 = vector.broadcast %max3A_80 : f32 to vector<400x128xf32>
    %max3A_82 = arith.maximumf %add3A_79, %max3A_81 : vector<400x128xf32>
    %swap3A = arith.constant 0 : index
    %swap3A_83 = arith.constant 0 : index
    %swap3A_84 = vector.load %arg9[%swap3A, %swap3A_83] : memref<400x128xf32, #tpu.memory_space<vmem>>, vector<400x128xf32>
    tpu.vector_store %arg9[%swap3A, %swap3A_83], %max3A_82 {strides = array<i32>} : memref<400x128xf32, #tpu.memory_space<vmem>>, vector<400x128xf32>,
    return
  }
  func.func @transform_0(%arg0: i32) -> (i32, i32, i32) {
    %c0_i32 = arith.constant 0 : i32
    %c0_i32_0 = arith.constant 0 : i32
    %c0_i32_1 = arith.constant 0 : i32
    return %c0_i32, %arg0, %c0_i32_0 : i32, i32, i32
  }
  func.func @transform_1(%arg0: i32) -> (i32, i32, i32) {
    %c0_i32 = arith.constant 0 : i32
    %c0_i32_0 = arith.constant 0 : i32
    %c0_i32_1 = arith.constant 0 : i32
    return %c0_i32, %arg0, %c0_i32_0 : i32, i32, i32
  }
  func.func @transform_2(%arg0: i32) -> (i32, i32) {
    %c0_i32 = arith.constant 0 : i32
    %c0_i32_0 = arith.constant 0 : i32
    return %arg0, %c0_i32 : i32, i32
  }
  func.func @transform_3(%arg0: i32) -> (i32, i32) {
    %c0_i32 = arith.constant 0 : i32
    %c0_i32_0 = arith.constant 0 : i32
    %c0_i32_1 = arith.constant 0 : i32
    return %c0_i32, %c0_i32_0 : i32, i32
  }
  func.func @transform_4(%arg0: i32) -> (i32, i32) {
    %c0_i32 = arith.constant 0 : i32
    %c0_i32_0 = arith.constant 0 : i32
    %c0_i32_1 = arith.constant 0 : i32
    return %c0_i32, %c0_i32_0 : i32, i32
  }
  func.func @transform_5(%arg0: i32) -> (i32, i32) {
    %c0_i32 = arith.constant 0 : i32
    %c0_i32_0 = arith.constant 0 : i32
    %c0_i32_1 = arith.constant 0 : i32
    return %c0_i32, %c0_i32_0 : i32, i32
  }
  func.func @transform_6(%arg0: i32) -> (i32, i32) {
    %c0_i32 = arith.constant 0 : i32
    %c0_i32_0 = arith.constant 0 : i32
    %c0_i32_1 = arith.constant 0 : i32
    return %c0_i32, %c0_i32_0 : i32, i32
  }
  func.func @transform_7(%arg0: i32) -> (i32, i32) {
    %c0_i32 = arith.constant 0 : i32
    %c0_i32_0 = arith.constant 0 : i32
    %c0_i32_1 = arith.constant 0 : i32
    return %c0_i32, %c0_i32_0 : i32, i32
  }
  func.func @transform_8(%arg0: i32) -> (i32, i32) {
    %c0_i32 = arith.constant 0 : i32
    %c0_i32_0 = arith.constant 0 : i32
    return %arg0, %c0_i32 : i32, i32
  }
}

</mosaic_0001>

<sc_bundles>
// kernel: kernel.10.cloned.1.call-start
scs
__scs_entry_jumppad:
0x0: {  	(pc) =	sbr.rel $0x88, $3  }
0x1: {  	(tag) =	ssettag $0x0;
	lr =	simm.s32 $0x1  }
0x2: {  	[smem:$0x3F87] =	sst lr;
	_ =	strace $0xD0000000  }
0x3: {  	_ = 	snop  }
0x4: {  	_ = 	snop  }
0x5: {  	_ = 	snop  }
0x6: {  	_ = 	snop  }
0x7: {  	_ = 	snop  }
__scs_overlays_trampoline_lowered:
0x8: {  	[smem:$0x3F96] =	sst s0  }
0x9: {  	[smem:$0x3F97] =	sst s1  }
0xa: {  	[smem:$0x3F98] =	sst s2  }
0xb: {  	[smem:$0x3F99] =	sst s3  }
0xc: {  	[smem:$0x3F9A] =	sst s4  }
0xd: {  	[smem:$0x3F9B] =	sst s5  }
0xe: {  	[smem:$0x3F9C] =	sst s6  }
0xf: {  	[smem:$0x3F9D] =	sst s7  }
0x10: {  	[smem:$0x3F9E] =	sst s8  }
0x11: {  	[smem:$0x3F9F] =	sst s9;
	s0 =	simm.s32 @!p0 $0x0  }
0x12: {  	s1 =	sld [smem:$0x3F85];
	s0 =	simm.s32 @p0 $0x1  }
0x13: {  	[smem:$0x3FA0] =	sst s0;
	s0 =	simm.s32 @!p1 $0x0  }
0x14: {  	s2 =	sld [smem:$0x3F84];
	s0 =	simm.s32 @p1 $0x1  }
0x15: {  	[smem:$0x3FA1] =	sst s0;
	s0 =	simm.s32 @!p2 $0x0  }
0x16: {  	s3 =	sld [smem:$0x3FDB];
	s0 =	simm.s32 @p2 $0x1  }
0x17: {  	s4 =	simm.s32 $0x1BF5;
	[smem:$0x3FA3] =	sst s0  }
0x18: {  	s0 =	sld [smem:$0x3F86];
	_ =	swait.ge [sflag:s4], $0x0  }
0x19: {  	s7 =	sld [smem:$0x3F87]  }
0x1a: {  	s8 =	sadd.s32 $0xFFFFE003, lr  }
0x1b: {  	s9 =	sadd.s32 $0xFFFFFEF7, lr;
	s5 =	simm.s32 $0xFFFFFFFF;
	p2 =	slt.u32 s8, $0xFFFFF086  }
0x1c: {  	p1 =	slt.u32 s9, $0xF7A;
	s5 =	simm.s32 @!p2 $0x0  }
0x1d: {  	s5 =	simm.s32 @p1 $0x1;
	p0 =	seq.s32 s7, s2  }
0x1e: {  	s7 =	smul.u32 @!p0 $0xF7A, s2;
	p2 =	seq.s32 @!p0 s5, $0x0  }
0x1f: {  	s9 =	smul.u32 $0xF7A, s1;
	s8 =	simm.s32 @!p0 $0x1BF5;
	p2 =	por !p2, p0  }
0x20: {  	[sflag:s8] =	ssyncset.s32 @!p0 $0xFFFFF086;
	s6 =	sadd.s32 @!p0 s3, s7;
	s7 =	simm.s32 @!p0 $0x108  }
0x21: {  	s3 =	sadd.s32 s3, s9;
	s6 =	sadd.s32 @!p0 $0x88, s6;
	s7 =	simm.s32 @p2 $0x1082  }
0x22: {  	[simem:s7], [sflag:s8] =	dma.local @!p0 [hbm:s6], $0xF7A  }
0x23: {  	s9 =	sor.u32 $0xD0000000, s2;
	s6 =	simm.s32 $0x108;
	_ =	swait.ge @!p0 [sflag:s8], $0x0  }
0x24: {  	s3 =	sadd.s32 $0x88, s3;
	s6 =	simm.s32 @!p1 $0x1082;
	[sflag:s4] =	ssyncset.s32 $0xFFFFF086  }
0x25: {  	[simem:s6], [sflag:s4] =	dma.local [hbm:s3], $0xF7A  }
0x26: {  	[smem:$0x3F87] =	sst s1;
	(tag) =	ssettag s2;
	_ =	strace s9  }
0x27: {  	s1 =	sld [smem:$0x3F97]  }
0x28: {  	s2 =	sld [smem:$0x3F98]  }
0x29: {  	s4 =	sld [smem:$0x3F9A]  }
0x2a: {  	p0 =	seq.s32 s5, $0x0;
	s5 =	sld [smem:$0x3F9B]  }
0x2b: {  	s6 =	sld [smem:$0x3F9C]  }
0x2c: {  	s7 =	sld [smem:$0x3F9D]  }
0x2d: {  	s3 =	simm.s32 $0x108;
	s8 =	sld [smem:$0x3F9E]  }
0x2e: {  	s3 =	simm.s32 @!p0 $0x1082;
	s9 =	sld [smem:$0x3F9F]  }
0x2f: {  	lr =	sadd.s32 s0, s3;
	s0 =	sld [smem:$0x3F96]  }
0x30: {  	s3 =	sld [smem:$0x3F99]  }
0x31: {  	[smem:$0x3FA2] =	sst s10  }
0x32: {  	s10 =	sld [smem:$0x3FA0];
	_ =	sdelay $0x3  }
0x33: {  	p0 =	seq.s32 s10, $0x1;
	s10 =	sld [smem:$0x3FA2];
	_ =	sdelay $0x3  }
0x34: {  	[smem:$0x3FA2] =	sst s10  }
0x35: {  	s10 =	sld [smem:$0x3FA1];
	_ =	sdelay $0x3  }
0x36: {  	p1 =	seq.s32 s10, $0x1;
	s10 =	sld [smem:$0x3FA2];
	_ =	sdelay $0x3  }
0x37: {  	[smem:$0x3FA2] =	sst s10  }
0x38: {  	s10 =	sld [smem:$0x3FA3]  }
0x39: {  	_ = 	snop;
	(pc) =	sbr.ind lr, $3  }
0x3a: {  	_ = 	snop  }
0x3b: {  	_ = 	snop  }
0x3c: {  	p2 =	seq.s32 s10, $0x1;
	s10 =	sld [smem:$0x3FA2]  }
0x3d: {  	_ =	shalt  }
0x3e: {  	_ =	shalt  }
0x3f: {  	_ =	shalt  }
0x40: {  	_ =	shalt  }
0x41: {  	_ =	shalt  }
0x42: {  	_ =	shalt  }
0x43: {  	_ =	shalt  }
0x44: {  	_ =	shalt  }
0x45: {  	_ =	shalt  }
0x46: {  	_ =	shalt  }
0x47: {  	_ =	shalt  }
0x48: {  	_ =	shalt  }
0x49: {  	_ =	shalt  }
0x4a: {  	_ =	shalt  }
0x4b: {  	_ =	shalt  }
0x4c: {  	_ =	shalt  }
0x4d: {  	_ =	shalt  }
0x4e: {  	_ =	shalt  }
0x4f: {  	_ =	shalt  }
0x50: {  	_ =	shalt  }
0x51: {  	_ =	shalt  }
0x52: {  	_ =	shalt  }
0x53: {  	_ =	shalt  }
0x54: {  	_ =	shalt  }
0x55: {  	_ =	shalt  }
0x56: {  	_ =	shalt  }
0x57: {  	_ =	shalt  }
0x58: {  	_ =	shalt  }
0x59: {  	_ =	shalt  }
0x5a: {  	_ =	shalt  }
0x5b: {  	_ =	shalt  }
0x5c: {  	_ =	shalt  }
0x5d: {  	_ =	shalt  }
0x5e: {  	_ =	shalt  }
0x5f: {  	_ =	shalt  }
0x60: {  	_ =	shalt  }
0x61: {  	_ =	shalt  }
0x62: {  	_ =	shalt  }
0x63: {  	_ =	shalt  }
0x64: {  	_ =	shalt  }
0x65: {  	_ =	shalt  }
0x66: {  	_ =	shalt  }
0x67: {  	_ =	shalt  }
0x68: {  	_ =	shalt  }
0x69: {  	_ =	shalt  }
0x6a: {  	_ =	shalt  }
0x6b: {  	_ =	shalt  }
0x6c: {  	_ =	shalt  }
0x6d: {  	_ =	shalt  }
0x6e: {  	_ =	shalt  }
0x6f: {  	_ =	shalt  }
0x70: {  	_ =	shalt  }
0x71: {  	_ =	shalt  }
0x72: {  	_ =	shalt  }
0x73: {  	_ =	shalt  }
0x74: {  	_ =	shalt  }
0x75: {  	_ =	shalt  }
0x76: {  	_ =	shalt  }
0x77: {  	_ =	shalt  }
0x78: {  	_ =	shalt  }
0x79: {  	_ =	shalt  }
0x7a: {  	_ =	shalt  }
0x7b: {  	_ =	shalt  }
0x7c: {  	_ =	shalt  }
0x7d: {  	_ =	shalt  }
0x7e: {  	_ =	shalt  }
0x7f: {  	_ =	shalt  }
0x80: {  	_ =	shalt  }
0x81: {  	_ =	shalt  }
0x82: {  	_ =	shalt  }
0x83: {  	_ =	shalt  }
0x84: {  	_ =	shalt  }
0x85: {  	_ =	shalt  }
0x86: {  	_ =	shalt  }
0x87: {  	_ =	shalt  }
.Lfunc_end0:
.L_simem_size_0:
called_computation.1_lowered:
.L_overlay_start_0:
0x88: {  	s2 =	sld [smem:$0x3FD9]  }
0x89: {  	s3 =	sld [smem:$0x3FFE];
	_ =	sdelay $0x1  }
0x8a: {  	s1 =	srdreg.scid  }
0x8b: {  	s0 =	sand.u32 $0x1, s1  }
0x8c: {  	s17 =	sshll.u32 s0, $0xA;
	s2 =	sadd.s32 s3, s2  }
0x8d: {  	s2 =	sadd.s32 s2, s17  }
0x8e: {  	[smem:$0x3FAE] =	sst s2  }
0x8f: {  	_ = 	snop  }
0x90: {  	s2 =	sld [smem:$0x3FD0];
	(tm) =	ssettm $0x1  }
0x91: {  	s18 =	sld [smem:$0x3FFB];
	_ =	sdelay $0x3  }
0x92: {  	_ =	strace s18  }
0x93: {  	s3 =	sld [smem:$0x3FFC];
	_ =	sdelay $0x3  }
0x94: {  	_ =	strace s3  }
0x95: {  	s3 =	sld [smem:$0x3FFD];
	_ =	sdelay $0x3  }
0x96: {  	_ =	strace s3  }
0x97: {  	_ =	strace $0x8FFFFFFF  }
0x98: {  	s19 =	sld [smem:$0x3FDB];
	_ =	sdelay $0x1  }
0x99: {  	s4 =	simm.s32 $_scs_section_size  }
0x9a: {  	s5 =	simm.s32 $_size__tile_overlayer_lowered;
	s6 =	simm.s32 $_tile_overlayer_lowered  }
0x9b: {  	s22 =	simm.s32 $0x1BFF;
	s21 =	sshll.u32 s6, $0x1;
	s3 =	sadd.s32 s4, s19  }
0x9c: {  	s7 =	simm.s32 $0x0;
	s20 =	sshll.u32 s5, $0x1;
	s5 =	sadd.s32 s21, s3  }
0x9d: {  	[timem:s7], [sflag:s22] =	dma.local [hbm:s5], s20  }
0x9e: {  	_ =	swait.ge [sflag:s22], s20  }
0x9f: {  	s4 =	ssub.s32 $0x0, s20;
	[sflag:s22] =	ssyncset.done $0x0  }
0xa0: {  	[sflag:s22] =	ssyncadd.s32 s4;
	_ =	sdelay $0x1  }
0xa1: {  	s23 =	simm.s32 $0x1B8B  }
0xa2: {  	_ =	swait.ge [sflag:s23], $0x1  }
0xa3: {  	[sflag:s23] =	ssyncset.done $0x0  }
0xa4: {  	s25 =	simm.s32 $0x1B8E;
	s24 =	sld [smem:$0x3FFE];
	[sflag:s23] =	ssyncadd.s32 $0xFFFFFFFF  }
0xa5: {  	s26 =	simm.s32 $execute0_lowered;
	[smem:$0x3FD2] =	sst s25  }
0xa6: {  	s5 =	sshll.u32 s26, $0x1;
	_ =	strace $0x80000049;
	[dreg:$0x1] =	wrdreg $0xFFFFFFFF  }
0xa7: {  	s28 =	simm.s32 $_size_execute0_lowered;
	s3 =	sadd.s32 s3, s5;
	[dreg:$0x0] =	wrdreg $0x0  }
0xa8: {  	s5 =	sshll.u32 s28, $0x1;
	[dreg:$0x2] =	wrdreg s3  }
0xa9: {  	[dreg:$0x3] =	wrdreg s5  }
0xaa: {  	[dreg:$0x4] =	wrdreg $0xC0  }
0xab: {  	_ =	task [dreg:s7], $0x5FFFF  }
0xac: {  	[dreg:$0x1] =	wrdreg $0xFFFFFFFF  }
0xad: {  	[dreg:$0x0] =	wrdreg $0x60  }
0xae: {  	[dreg:$0x2] =	wrdreg s2  }
0xaf: {  	[dreg:$0x3] =	wrdreg s24  }
0xb0: {  	[dreg:$0x4] =	wrdreg $0x84000  }
0xb1: {  	[dreg:$0x5] =	wrdreg $0x9  }
0xb2: {  	_ =	task.clear_ibuf [dreg:s7], $0x6FFFF;
	_ =	strace $0x90000049  }
0xb3: {  	s29 =	simm.s32 $0x9;
	_ =	strace $0x8000004B  }
0xb4: {  	_ =	swait.ge [sflag:s29], $0x1  }
0xb5: {  	[sflag:s29] =	ssyncadd.s32 $0xFFFFFFFF  }
0xb6: {  	_ =	strace $0x9000004B  }
0xb7: {  	_ =	sfence  }
0xb8: {  	s30 =	sld [smem:$0x0];
	_ =	sdelay $0x2  }
0xb9: {  	s31 =	sshll.u32 s1, $0xD;
	s1 =	sshrl.u32 s1, $0x2  }
0xba: {  	s3 =	sand.u32 $0x4000, s31;
	s1 =	sadd.s32 s1, s30  }
0xbb: {  	s0 =	sor.u32 s3, s0;
	s1 =	sshll.u32 s1, $0x11  }
0xbc: {  	s0 =	sor.u32 s1, s0  }
0xbd: {  	s0 =	sadd.s32 $0x8F2B, s0  }
0xbe: {  	[sflag:s0] =	ssyncadd.remote.s32 $0x1  }
0xbf: {  	_ =	sfence.sel $0xFFFF  }
0xc0: {  	[dreg:$0x0] =	wrdreg $0xFFFFFFFF;
	(pc) =	sbr.abs _section_cstart, $3  }
0xc1: {  	[dreg:$0x1] =	wrdreg $0xFFFFFFFF  }
0xc2: {  	_ =	task.clear_ibuf [dreg:s7], $0x2FFFF;
	_ =	strace $0x9FFFFFFF  }
0xc3: {  	(tm) =	ssettm $0x7FFFFFFF  }
tec
execute0_lowered:
.L_overlay_start_1:
0x0: {  	(tag) =	ssettag $0x1  }
0x1: {  	s1 =	rddreg [dreg:$0x0]  }
0x2: {  	s7 =	rddreg [dreg:$0x1]  }
0x3: {  	s3 =	rddreg [dreg:$0x2]  }
0x4: {  	s4 =	simm.s32 $0x0;
	s0 =	srdreg.scid;
	s12 =	stileid.u32  }
0x5: {  	s5 =	simm.s32 $0x6F;
	s29 =	simm.s32 $0x400;
	s30 =	simm.s32 $0x4400  }
0x6: {  	s31 =	simm.s32 $0x0;
	[smem:$0x7FF] =	sst s4;
	s16 =	sand.u32 $0x1, s0  }
0x7: {  	s8 =	smul.u32 $0x13900, s12;
	s2 =	sadd.s32 $0xE400, s7;
	s0 =	sadd.s32 $0x4600, s7  }
0x8: {  	s24 =	sshll.u32 s12, $0x6;
	_ =	strace $0x8000004A;
	s6 =	smul.u32 $0x139000, s16  }
0x9: {  	p0 =	seq.s32 s16, $0x0;
	s9 =	smul.u32 $0x6F0, s16;
	s11 =	ssub.s32 $0x2, s16  }
0xa: {  	s16 =	smul.u32 $0x6F00, s16;
	s5 =	simm.s32 @!p0 $0x2E;
	s23 =	sshrl.u32 s11, $0x1  }
0xb: {  	s6 =	sadd.s32 s8, s6;
	s17 =	smul.u32 s12, s5;
	s14 =	sadd.s32 $0xFFFFFFFE, s5  }
0xc: {  	s19 =	ssub.s32 s11, s23;
	s21 =	sadd.s32 $0xFFFFFFFD, s5;
	[dreg:$0x4] =	wrdreg s14  }
0xd: {  	s8 =	sadd.s32 s8, s3;
	s25 =	sadd.s32 $0xFFFFFFFC, s5;
	[dreg:$0x5] =	wrdreg s21  }
0xe: {  	s26 =	sadd.s32 $0xFFFFFFFB, s5;
	s23 =	sadd.s32 $0x3, s5;
	[dreg:$0x6] =	wrdreg s25  }
0xf: {  	s10 =	sshrl.u32 s6, $0x3;
	s6 =	sadd.s32 $0x18400, s7;
	[dreg:$0x7] =	wrdreg s26  }
0x10: {  	s23 =	sand.u32 $0x70, s23;
	s19 =	smax.u32 s19, $0x1;
	s18 =	sadd.s32 s10, s7  }
0x11: {  	s7 =	sadd.s32 s9, s17;
	s9 =	sor.u32 $0x1C07, s24;
	s17 =	sshll.u32 s17, $0x4  }
0x12: {  	[dreg:$0x8] =	wrdreg s23;
	s20 =	sshll.u32 s7, $0x4;
	s28 =	sadd.s32 s17, s0  }
0x13: {  	s17 =	sadd.s32 s17, s2;
	s18 =	sadd.s32 $0xB7400, s18;
	s10 =	sadd.s32 s2, s20  }
0x14: {  	s11 =	sadd.s32 s0, s20;
	s13 =	sadd.s32 $0x10, s20;
	s15 =	sadd.s32 $0x20, s20  }
0x15: {  	s22 =	sadd.s32 $0x30, s20;
	s21 =	sadd.s32 s16, s28;
	s16 =	sadd.s32 s16, s17  }
0x16: {  	s23 =	sadd.s32 $0x50, s20;
	s25 =	sadd.s32 $0x60, s20;
	s21 =	sadd.s32 $0x40, s21  }
0x17: {  	s20 =	sadd.s32 $0x70, s20;
	s17 =	sadd.s32 $0x40, s16;
	[dreg:$0x9] =	wrdreg s21  }
0x18: {  	s12 =	sadd.s32 s2, s13;
	s24 =	sadd.s32 s23, s2;
	[dreg:$0xa] =	wrdreg s17  }
0x19: {  	s13 =	sadd.s32 s0, s13;
	s26 =	sadd.s32 s25, s2;
	[dreg:$0xb] =	wrdreg s24  }
0x1a: {  	s14 =	sadd.s32 s2, s15;
	s28 =	sadd.s32 s25, s0;
	[dreg:$0xd] =	wrdreg s26  }
0x1b: {  	s16 =	sadd.s32 s2, s22;
	s2 =	sadd.s32 s20, s2;
	[dreg:$0xe] =	wrdreg s28  }
0x1c: {  	s15 =	sadd.s32 s0, s15;
	s21 =	sadd.s32 s23, s0;
	[dreg:$0xf] =	wrdreg s2  }
0x1d: {  	s17 =	sadd.s32 s0, s22;
	s0 =	sadd.s32 s20, s0;
	[dreg:$0xc] =	wrdreg s21  }
0x1e: {  	s20 =	simm.s32 $0x7;
	s22 =	simm.s32 $0x80;
	[dreg:$0x10] =	wrdreg s0  }
.LBB2_1:
0x1f: {  	s0 =	sshrl.u32 s8, $0x3  }
0x20: {  	[spmem:s0], [sflag:s9] =	dma.local [hbm:s6], $0x2720  }
0x21: {  	_ =	swait.ge [sflag:s20], $0x2720  }
0x22: {  	[sflag:s20] =	ssyncset.done $0x0  }
0x23: {  	[sflag:s20] =	ssyncadd.s32 $0xFFFFD8E0  }
0x24: {  	[bflag:$0x0] =	sbarrier.arrive $0xFFFF  }
0x25: {  	[tilespmem:s4], [sflag:$0x7] =	stream.linear.gather [hbm4b:s10+s4], $0x80, $0x38;
	[tilespmem:$0x1BD00] =	vst v63  }
0x26: {  	_ =	swait.ge [sflag:s20], $0x80  }
0x27: {  	[sflag:s20] =	ssyncset.done $0x0  }
0x28: {  	s2 =	simm.s32 $0x200;
	[sflag:s20] =	ssyncadd.s32 $0xFFFFFF80  }
0x29: {  	[tilespmem:s2], [sflag:$0x7] =	stream.linear.gather [hbm4b:s11+s4], $0x80, $0x38;
	[tilespmem:$0x1BD00] =	vst v63  }
0x2a: {  	_ =	swait.ge [sflag:s20], $0x80  }
0x2b: {  	[sflag:s20] =	ssyncset.done $0x0  }
0x2c: {  	[sflag:s20] =	ssyncadd.s32 $0xFFFFFF80  }
0x2d: {  	[tilespmem:s22], [sflag:$0x7] =	stream.linear.gather [hbm4b:s12+s4], $0x80, $0x38;
	[tilespmem:$0x1BD00] =	vst v63  }
0x2e: {  	_ =	swait.ge [sflag:s20], $0x80  }
0x2f: {  	[sflag:s20] =	ssyncset.done $0x0  }
0x30: {  	s23 =	simm.s32 $0x280;
	[sflag:s20] =	ssyncadd.s32 $0xFFFFFF80  }
0x31: {  	[tilespmem:s23], [sflag:$0x7] =	stream.linear.gather [hbm4b:s13+s4], $0x80, $0x38;
	[tilespmem:$0x1BD00] =	vst v63  }
0x32: {  	_ =	swait.ge [sflag:s20], $0x80  }
0x33: {  	[sflag:s20] =	ssyncset.done $0x0  }
0x34: {  	s24 =	simm.s32 $0x100;
	[sflag:s20] =	ssyncadd.s32 $0xFFFFFF80  }
0x35: {  	[tilespmem:s24], [sflag:$0x3] =	stream.linear.gather [hbm4b:s14+s4], $0x80, $0x38;
	[tilespmem:$0x1BD00] =	vst v63  }
0x36: {  	s25 =	simm.s32 $0x300  }
0x37: {  	[tilespmem:s25], [sflag:$0x3] =	stream.linear.gather [hbm4b:s15+s4], $0x80, $0x38;
	[tilespmem:$0x1BD00] =	vst v63  }
0x38: {  	s26 =	simm.s32 $0x180  }
0x39: {  	[tilespmem:s26], [sflag:$0x4] =	stream.linear.gather [hbm4b:s16+s4], $0x80, $0x38;
	[tilespmem:$0x1BD00] =	vst v63  }
0x3a: {  	s28 =	simm.s32 $0x380  }
0x3b: {  	[tilespmem:s28], [sflag:$0x4] =	stream.linear.gather [hbm4b:s17+s4], $0x80, $0x38;
	[tilespmem:$0x1BD00] =	vst v63  }
0x3c: {  	_ = 	snop  }
0x3d: {  	[tilespmem:s29], [sflag:$0x5] =	stream.indirect.gather [hbm4b:s1+s22], $0x80, s4, s22, $0xb8;
	[tilespmem:$0x1BD00] =	vst v63  }
0x3e: {  	s21 =	simm.s32 $0x0;
	s2 =	simm.s32 $0x0  }
0x3f: {  	[tilespmem:s30], [sflag:$0x6] =	stream.indirect.gather [hbm4b:s1+s22], $0x80, s22, s22, $0xb8;
	[tilespmem:$0x1BD00] =	vst v63  }
.LBB2_2:
0x40: {  	p0 =	sge.u32 s21, s5  }
0x41: {  	s23 =	simm.s32 @!p0 $0x5  }
0x42: {  	s24 =	sadd.s32 @!p0 s21, s7;
	_ =	swait.ge @!p0 [sflag:s23], $0x4000  }
0x43: {  	p1 =	sgt.u32 @!p0 s24, $0x9C3;
	[sflag:s23] =	ssyncset.done @!p0 $0x0  }
0x44: {  	p2 =	por p1, p0;
	[sflag:s23] =	ssyncadd.s32 @!p0 $0xFFFFC000  }
0x45: {  	s23 =	simm.s32 @!p2 $0x80;
	s25 =	simm.s32 @!p2 $0x200;
	s26 =	simm.s32 @!p2 $0x400  }
0x46: {  	[spmem:s3] =	stream.indirect.scatter.add.f32 @!p2 [tilespmem:s26], [sflag:$0x7], $0x80, s25, s23, $0xb8;
	[tilespmem:$0x1BD00] =	vst v63  }
0x47: {  	s23 =	sadd.s32 @!p2 $0x4, s21  }
0x48: {  	p3 =	sge.u32 @!p2 s23, s5  }
0x49: {  	p4 =	por @!p0 p3, p1  }
0x4a: {  	p4 =	por p4, p0  }
0x4b: {  	s23 =	simm.s32 @!p2 $0x7;
	p4 =	sgt.u32 @!p4 s24, $0x9BF  }
0x4c: {  	_ =	swait.ge @!p2 [sflag:s23], $0x4000;
	p3 =	por @!p2 p4, p3  }
0x4d: {  	s25 =	rddreg [dreg:$0xa];
	p1 =	por @!p0 p3, p1  }
0x4e: {  	[sflag:s23] =	ssyncset.done @!p2 $0x0;
	s26 =	rddreg [dreg:$0x9];
	p1 =	por p1, p0  }
0x4f: {  	[sflag:s23] =	ssyncadd.s32 @!p2 $0xFFFFC000;
	s23 =	sadd.s32 @!p1 s2, s25;
	s25 =	simm.s32 @!p1 $0x0  }
0x50: {  	[tilespmem:s25], [sflag:$0x1] =	stream.linear.gather @!p1 [hbm4b:s23+s25], $0x80, $0x38;
	[tilespmem:$0x1BD00] =	vst v63  }
0x51: {  	s26 =	sadd.s32 @!p1 s2, s26;
	s28 =	simm.s32 @!p1 $0x200;
	s23 =	rddreg [dreg:$0x4]  }
0x52: {  	[tilespmem:s28], [sflag:$0x1] =	stream.linear.gather @!p1 [hbm4b:s26+s25], $0x80, $0x38;
	[tilespmem:$0x1BD00] =	vst v63  }
0x53: {  	p1 =	sge.u32 @!p0 s21, s23  }
0x54: {  	p2 =	por p1, p0  }
0x55: {  	p3 =	sgt.u32 @!p2 s24, $0x9C1  }
0x56: {  	p1 =	por @!p0 p3, p1  }
0x57: {  	p0 =	por p1, p0  }
0x58: {  	s23 =	simm.s32 @!p0 $0x3  }
0x59: {  	_ =	swait.ge @!p0 [sflag:s23], $0x80  }
0x5a: {  	[sflag:s23] =	ssyncset.done @!p0 $0x0  }
0x5b: {  	[sflag:s23] =	ssyncadd.s32 @!p0 $0xFFFFFF80  }
0x5c: {  	_ =	swait.ge @!p0 [sflag:s23], $0x80  }
0x5d: {  	s24 =	simm.s32 @!p2 $0x100;
	[sflag:s23] =	ssyncset.done @!p0 $0x0  }
0x5e: {  	s25 =	simm.s32 @!p2 $0x400;
	[sflag:s23] =	ssyncadd.s32 @!p0 $0xFFFFFF80;
	s23 =	simm.s32 @!p2 $0x80  }
0x5f: {  	[tilespmem:s25], [sflag:$0x5] =	stream.indirect.gather @!p2 [hbm4b:s1+s23], $0x80, s24, s23, $0xb8;
	[tilespmem:$0x1BD00] =	vst v63  }
0x60: {  	s24 =	sadd.s32 $0x1, s21  }
0x61: {  	p0 =	sge.u32 s24, s5  }
0x62: {  	s23 =	simm.s32 @!p0 $0x6;
	s24 =	sadd.s32 @!p0 s21, s7  }
0x63: {  	_ =	swait.ge @!p0 [sflag:s23], $0x4000;
	s24 =	sadd.s32 @!p0 $0x1, s24  }
0x64: {  	[sflag:s23] =	ssyncset.done @!p0 $0x0;
	p2 =	sgt.u32 @!p0 s24, $0x9C3  }
0x65: {  	[sflag:s23] =	ssyncadd.s32 @!p0 $0xFFFFC000;
	p1 =	por p2, p0  }
0x66: {  	s23 =	simm.s32 @!p1 $0x80;
	s25 =	simm.s32 @!p1 $0x280;
	s26 =	simm.s32 @!p1 $0x4400  }
0x67: {  	[spmem:s3] =	stream.indirect.scatter.add.f32 @!p1 [tilespmem:s26], [sflag:$0x7], $0x80, s25, s23, $0xb8;
	[tilespmem:$0x1BD00] =	vst v63  }
0x68: {  	s23 =	sadd.s32 @!p1 $0x5, s21  }
0x69: {  	p3 =	sge.u32 @!p1 s23, s5  }
0x6a: {  	p4 =	por @!p0 p3, p2  }
0x6b: {  	p4 =	por p4, p0  }
0x6c: {  	s23 =	simm.s32 @!p1 $0x7;
	p4 =	sgt.u32 @!p4 s24, $0x9BF  }
0x6d: {  	_ =	swait.ge @!p1 [sflag:s23], $0x4000;
	p3 =	por @!p1 p4, p3  }
0x6e: {  	s25 =	rddreg [dreg:$0xb];
	[sflag:s23] =	ssyncset.done @!p1 $0x0;
	p2 =	por @!p0 p3, p2  }
0x6f: {  	s28 =	rddreg [dreg:$0xc];
	[sflag:s23] =	ssyncadd.s32 @!p1 $0xFFFFC000;
	p2 =	por p2, p0  }
0x70: {  	s23 =	sadd.s32 @!p2 s2, s25;
	s25 =	simm.s32 @!p2 $0x0;
	s26 =	simm.s32 @!p2 $0x80  }
0x71: {  	[tilespmem:s26], [sflag:$0x2] =	stream.linear.gather @!p2 [hbm4b:s23+s25], $0x80, $0x38;
	[tilespmem:$0x1BD00] =	vst v63  }
0x72: {  	s23 =	rddreg [dreg:$0x5]  }
0x73: {  	s26 =	sadd.s32 @!p2 s2, s28;
	s28 =	simm.s32 @!p2 $0x280;
	p1 =	sge.u32 @!p0 s21, s23  }
0x74: {  	[tilespmem:s28], [sflag:$0x2] =	stream.linear.gather @!p2 [hbm4b:s26+s25], $0x80, $0x38;
	[tilespmem:$0x1BD00] =	vst v63  }
0x75: {  	p2 =	por p1, p0  }
0x76: {  	p3 =	sgt.u32 @!p2 s24, $0x9C1  }
0x77: {  	p1 =	por @!p0 p3, p1  }
0x78: {  	p0 =	por p1, p0  }
0x79: {  	s23 =	simm.s32 @!p0 $0x4  }
0x7a: {  	_ =	swait.ge @!p0 [sflag:s23], $0x80  }
0x7b: {  	[sflag:s23] =	ssyncset.done @!p0 $0x0  }
0x7c: {  	[sflag:s23] =	ssyncadd.s32 @!p0 $0xFFFFFF80  }
0x7d: {  	_ =	swait.ge @!p0 [sflag:s23], $0x80  }
0x7e: {  	s24 =	simm.s32 @!p2 $0x180;
	[sflag:s23] =	ssyncset.done @!p0 $0x0  }
0x7f: {  	s25 =	simm.s32 @!p2 $0x4400;
	[sflag:s23] =	ssyncadd.s32 @!p0 $0xFFFFFF80;
	s23 =	simm.s32 @!p2 $0x80  }
0x80: {  	[tilespmem:s25], [sflag:$0x6] =	stream.indirect.gather @!p2 [hbm4b:s1+s23], $0x80, s24, s23, $0xb8;
	[tilespmem:$0x1BD00] =	vst v63  }
0x81: {  	s25 =	sadd.s32 $0x2, s21  }
0x82: {  	p0 =	sge.u32 s25, s5  }
0x83: {  	s23 =	simm.s32 @!p0 $0x5;
	s24 =	sadd.s32 @!p0 s21, s7  }
0x84: {  	_ =	swait.ge @!p0 [sflag:s23], $0x4000;
	s24 =	sadd.s32 @!p0 $0x2, s24  }
0x85: {  	[sflag:s23] =	ssyncset.done @!p0 $0x0;
	p2 =	sgt.u32 @!p0 s24, $0x9C3  }
0x86: {  	[sflag:s23] =	ssyncadd.s32 @!p0 $0xFFFFC000;
	p1 =	por p2, p0  }
0x87: {  	s23 =	simm.s32 @!p1 $0x80;
	s25 =	simm.s32 @!p1 $0x300;
	s26 =	simm.s32 @!p1 $0x400  }
0x88: {  	[spmem:s3] =	stream.indirect.scatter.add.f32 @!p1 [tilespmem:s26], [sflag:$0x7], $0x80, s25, s23, $0xb8;
	[tilespmem:$0x1BD00] =	vst v63  }
0x89: {  	s23 =	sadd.s32 @!p1 $0x6, s21  }
0x8a: {  	p3 =	sge.u32 @!p1 s23, s5  }
0x8b: {  	p4 =	por @!p0 p3, p2  }
0x8c: {  	p4 =	por p4, p0  }
0x8d: {  	s23 =	simm.s32 @!p1 $0x7;
	p4 =	sgt.u32 @!p4 s24, $0x9BF  }
0x8e: {  	_ =	swait.ge @!p1 [sflag:s23], $0x4000;
	p3 =	por @!p1 p4, p3  }
0x8f: {  	s25 =	rddreg [dreg:$0xd];
	[sflag:s23] =	ssyncset.done @!p1 $0x0;
	p2 =	por @!p0 p3, p2  }
0x90: {  	s28 =	rddreg [dreg:$0xe];
	[sflag:s23] =	ssyncadd.s32 @!p1 $0xFFFFC000;
	p2 =	por p2, p0  }
0x91: {  	s23 =	sadd.s32 @!p2 s2, s25;
	s25 =	simm.s32 @!p2 $0x0;
	s26 =	simm.s32 @!p2 $0x100  }
0x92: {  	[tilespmem:s26], [sflag:$0x3] =	stream.linear.gather @!p2 [hbm4b:s23+s25], $0x80, $0x38;
	[tilespmem:$0x1BD00] =	vst v63  }
0x93: {  	s23 =	rddreg [dreg:$0x6]  }
0x94: {  	s26 =	sadd.s32 @!p2 s2, s28;
	s28 =	simm.s32 @!p2 $0x300;
	p1 =	sge.u32 @!p0 s21, s23  }
0x95: {  	[tilespmem:s28], [sflag:$0x3] =	stream.linear.gather @!p2 [hbm4b:s26+s25], $0x80, $0x38;
	[tilespmem:$0x1BD00] =	vst v63  }
0x96: {  	p2 =	por p1, p0  }
0x97: {  	p3 =	sgt.u32 @!p2 s24, $0x9C1  }
0x98: {  	p1 =	por @!p0 p3, p1  }
0x99: {  	p0 =	por p1, p0  }
0x9a: {  	s23 =	simm.s32 @!p0 $0x1  }
0x9b: {  	_ =	swait.ge @!p0 [sflag:s23], $0x80  }
0x9c: {  	[sflag:s23] =	ssyncset.done @!p0 $0x0  }
0x9d: {  	[sflag:s23] =	ssyncadd.s32 @!p0 $0xFFFFFF80  }
0x9e: {  	s26 =	sadd.s32 $0x3, s21;
	_ =	swait.ge @!p0 [sflag:s23], $0x80  }
0x9f: {  	s24 =	simm.s32 @!p2 $0x0;
	s25 =	simm.s32 @!p2 $0x400;
	[sflag:s23] =	ssyncset.done @!p0 $0x0  }
0xa0: {  	[sflag:s23] =	ssyncadd.s32 @!p0 $0xFFFFFF80;
	s23 =	simm.s32 @!p2 $0x80;
	p0 =	sge.u32 s26, s5  }
0xa1: {  	[tilespmem:s25], [sflag:$0x5] =	stream.indirect.gather @!p2 [hbm4b:s1+s23], $0x80, s24, s23, $0xb8;
	[tilespmem:$0x1BD00] =	vst v63  }
0xa2: {  	s23 =	simm.s32 @!p0 $0x6;
	s24 =	sadd.s32 @!p0 s21, s7  }
0xa3: {  	_ =	swait.ge @!p0 [sflag:s23], $0x4000;
	s24 =	sadd.s32 @!p0 $0x3, s24  }
0xa4: {  	[sflag:s23] =	ssyncset.done @!p0 $0x0;
	p2 =	sgt.u32 @!p0 s24, $0x9C3  }
0xa5: {  	[sflag:s23] =	ssyncadd.s32 @!p0 $0xFFFFC000;
	p1 =	por p2, p0  }
0xa6: {  	s23 =	simm.s32 @!p1 $0x80;
	s25 =	simm.s32 @!p1 $0x380;
	s26 =	simm.s32 @!p1 $0x4400  }
0xa7: {  	[spmem:s3] =	stream.indirect.scatter.add.f32 @!p1 [tilespmem:s26], [sflag:$0x7], $0x80, s25, s23, $0xb8;
	[tilespmem:$0x1BD00] =	vst v63  }
0xa8: {  	s23 =	sadd.s32 @!p1 $0x7, s21  }
0xa9: {  	p3 =	sge.u32 @!p1 s23, s5  }
0xaa: {  	p4 =	por @!p0 p3, p2  }
0xab: {  	p4 =	por p4, p0  }
0xac: {  	s23 =	simm.s32 @!p1 $0x7;
	p4 =	sgt.u32 @!p4 s24, $0x9BF  }
0xad: {  	_ =	swait.ge @!p1 [sflag:s23], $0x4000;
	p3 =	por @!p1 p4, p3  }
0xae: {  	s25 =	rddreg [dreg:$0xf];
	[sflag:s23] =	ssyncset.done @!p1 $0x0;
	p2 =	por @!p0 p3, p2  }
0xaf: {  	s28 =	rddreg [dreg:$0x10];
	[sflag:s23] =	ssyncadd.s32 @!p1 $0xFFFFC000;
	p2 =	por p2, p0  }
0xb0: {  	s23 =	sadd.s32 @!p2 s2, s25;
	s25 =	simm.s32 @!p2 $0x0;
	s26 =	simm.s32 @!p2 $0x180  }
0xb1: {  	[tilespmem:s26], [sflag:$0x4] =	stream.linear.gather @!p2 [hbm4b:s23+s25], $0x80, $0x38;
	[tilespmem:$0x1BD00] =	vst v63  }
0xb2: {  	s23 =	rddreg [dreg:$0x7]  }
0xb3: {  	s26 =	sadd.s32 @!p2 s2, s28;
	s28 =	simm.s32 @!p2 $0x380;
	p1 =	sge.u32 @!p0 s21, s23  }
0xb4: {  	[tilespmem:s28], [sflag:$0x4] =	stream.linear.gather @!p2 [hbm4b:s26+s25], $0x80, $0x38;
	[tilespmem:$0x1BD00] =	vst v63  }
0xb5: {  	p2 =	por p1, p0  }
0xb6: {  	p3 =	sgt.u32 @!p2 s24, $0x9C1  }
0xb7: {  	p1 =	por @!p0 p3, p1  }
0xb8: {  	p0 =	por p1, p0  }
0xb9: {  	s23 =	simm.s32 @!p0 $0x2  }
0xba: {  	_ =	swait.ge @!p0 [sflag:s23], $0x80  }
0xbb: {  	[sflag:s23] =	ssyncset.done @!p0 $0x0  }
0xbc: {  	[sflag:s23] =	ssyncadd.s32 @!p0 $0xFFFFFF80  }
0xbd: {  	_ =	swait.ge @!p0 [sflag:s23], $0x80  }
0xbe: {  	s21 =	sadd.s32 $0x4, s21;
	[sflag:s23] =	ssyncset.done @!p0 $0x0;
	s28 =	rddreg [dreg:$0x8]  }
0xbf: {  	[sflag:s23] =	ssyncadd.s32 @!p0 $0xFFFFFF80;
	p0 =	sne.s32 s28, s21  }
.Ltmp0:
0xc0: {  	_ = 	snop;
	(pc) =	sbr.rel @p0 .LBB2_2-.Ltmp0, $3  }
0xc1: {  	_ =	sdelay $0x1  }
0xc2: {  	s2 =	sadd.s32 $0x40, s2;
	s24 =	simm.s32 @!p2 $0x4400;
	s23 =	simm.s32 @!p2 $0x80  }
0xc3: {  	[tilespmem:s24], [sflag:$0x6] =	stream.indirect.gather @!p2 [hbm4b:s1+s23], $0x80, s23, s23, $0xb8;
	[tilespmem:$0x1BD00] =	vst v63  }
0xc4: {  	s31 =	sadd.s32 $0x1, s31  }
0xc5: {  	p0 =	sne.s32 s31, s19  }
.Ltmp1:
0xc6: {  	[bflag:$0x0] =	sbarrier.arrive $0xFFFF;
	(pc) =	sbr.rel @p0 .LBB2_1-.Ltmp1, $4  }
0xc7: {  	[hbm:s18], [sflag:s9] =	dma.local [spmem:s0], $0x2720  }
0xc8: {  	_ =	swait.ge [sflag:s20], $0x2720  }
0xc9: {  	[sflag:s20] =	ssyncset.done $0x0  }
0xca: {  	[sflag:s20] =	ssyncadd.s32 $0xFFFFD8E0  }
0xcb: {  	_ =	sfence.sel $0x180000  }
0xcc: {  	[bflag:$0x0] =	sbarrier.arrive $0xFFFF  }
0xcd: {  	_ =	strace $0x9000004A  }
0xce: {  	s0 =	stileid.u32;
	[bflag:$0x2] =	sbarrier.arrive $0xFFFF  }
0xcf: {  	p0 =	sne.s32 s0, $0x0;
	s0 =	rddreg [dreg:$0x3]  }
0xd0: {  	s0 =	sadd.s32 @!p0 $0x100000, s0  }
0xd1: {  	[sflag:s0] =	ssyncadd.tile.s32 @!p0 $0x1;
	_ =	shalt  }
.Lfunc_end2:
_tile_overlayer_lowered:
.L_overlay_start_2:
0xd2: {  	(tag) =	ssettag $0x2  }
0xd3: {  	s0 =	rddreg [dreg:$0x0];
	s2 =	stileid.u32  }
0xd4: {  	s1 =	rddreg [dreg:$0x1];
	p0 =	sne.s32 s2, $0x0  }
0xd5: {  	s3 =	rddreg [dreg:$0x2];
	[bflag:$0x3] =	sbarrier.arrive $0xFFFF;
	s2 =	simm.s32 @!p0 $0x1C07  }
0xd6: {  	[timem:s3], [sflag:s2] =	dma.local @!p0 [hbm:s0], s1  }
0xd7: {  	s0 =	simm.s32 @!p0 $0x7  }
0xd8: {  	_ =	swait.ge @!p0 [sflag:s0], s1  }
0xd9: {  	s1 =	ssub.s32 @!p0 $0x0, s1;
	[sflag:s0] =	ssyncset.done @!p0 $0x0  }
0xda: {  	[sflag:s0] =	ssyncadd.s32 @!p0 s1  }
0xdb: {  	[bflag:$0x3] =	sbarrier.arrive $0xFFFF  }
0xdc: {  	_ =	shalt  }

// kernel: kernel.7.cloned.1.call-start
scs
__scs_entry_jumppad:
0x0: {  	(pc) =	sbr.rel $0x88, $3  }
0x1: {  	(tag) =	ssettag $0x0;
	lr =	simm.s32 $0x1  }
0x2: {  	[smem:$0x3F87] =	sst lr;
	_ =	strace $0xD0000000  }
0x3: {  	_ = 	snop  }
0x4: {  	_ = 	snop  }
0x5: {  	_ = 	snop  }
0x6: {  	_ = 	snop  }
0x7: {  	_ = 	snop  }
__scs_overlays_trampoline_lowered:
0x8: {  	[smem:$0x3F96] =	sst s0  }
0x9: {  	[smem:$0x3F97] =	sst s1  }
0xa: {  	[smem:$0x3F98] =	sst s2  }
0xb: {  	[smem:$0x3F99] =	sst s3  }
0xc: {  	[smem:$0x3F9A] =	sst s4  }
0xd: {  	[smem:$0x3F9B] =	sst s5  }
0xe: {  	[smem:$0x3F9C] =	sst s6  }
0xf: {  	[smem:$0x3F9D] =	sst s7  }
0x10: {  	[smem:$0x3F9E] =	sst s8  }
0x11: {  	[smem:$0x3F9F] =	sst s9;
	s0 =	simm.s32 @!p0 $0x0  }
0x12: {  	s1 =	sld [smem:$0x3F85];
	s0 =	simm.s32 @p0 $0x1  }
0x13: {  	[smem:$0x3FA0] =	sst s0;
	s0 =	simm.s32 @!p1 $0x0  }
0x14: {  	s2 =	sld [smem:$0x3F84];
	s0 =	simm.s32 @p1 $0x1  }
0x15: {  	[smem:$0x3FA1] =	sst s0;
	s0 =	simm.s32 @!p2 $0x0  }
0x16: {  	s3 =	sld [smem:$0x3FDB];
	s0 =	simm.s32 @p2 $0x1  }
0x17: {  	s4 =	simm.s32 $0x1BF5;
	[smem:$0x3FA3] =	sst s0  }
0x18: {  	s0 =	sld [smem:$0x3F86];
	_ =	swait.ge [sflag:s4], $0x0  }
0x19: {  	s7 =	sld [smem:$0x3F87]  }
0x1a: {  	s8 =	sadd.s32 $0xFFFFE003, lr  }
0x1b: {  	s9 =	sadd.s32 $0xFFFFFEF7, lr;
	s5 =	simm.s32 $0xFFFFFFFF;
	p2 =	slt.u32 s8, $0xFFFFF086  }
0x1c: {  	p1 =	slt.u32 s9, $0xF7A;
	s5 =	simm.s32 @!p2 $0x0  }
0x1d: {  	s5 =	simm.s32 @p1 $0x1;
	p0 =	seq.s32 s7, s2  }
0x1e: {  	s7 =	smul.u32 @!p0 $0xF7A, s2;
	p2 =	seq.s32 @!p0 s5, $0x0  }
0x1f: {  	s9 =	smul.u32 $0xF7A, s1;
	s8 =	simm.s32 @!p0 $0x1BF5;
	p2 =	por !p2, p0  }
0x20: {  	[sflag:s8] =	ssyncset.s32 @!p0 $0xFFFFF086;
	s6 =	sadd.s32 @!p0 s3, s7;
	s7 =	simm.s32 @!p0 $0x108  }
0x21: {  	s3 =	sadd.s32 s3, s9;
	s6 =	sadd.s32 @!p0 $0x88, s6;
	s7 =	simm.s32 @p2 $0x1082  }
0x22: {  	[simem:s7], [sflag:s8] =	dma.local @!p0 [hbm:s6], $0xF7A  }
0x23: {  	s9 =	sor.u32 $0xD0000000, s2;
	s6 =	simm.s32 $0x108;
	_ =	swait.ge @!p0 [sflag:s8], $0x0  }
0x24: {  	s3 =	sadd.s32 $0x88, s3;
	s6 =	simm.s32 @!p1 $0x1082;
	[sflag:s4] =	ssyncset.s32 $0xFFFFF086  }
0x25: {  	[simem:s6], [sflag:s4] =	dma.local [hbm:s3], $0xF7A  }
0x26: {  	[smem:$0x3F87] =	sst s1;
	(tag) =	ssettag s2;
	_ =	strace s9  }
0x27: {  	s1 =	sld [smem:$0x3F97]  }
0x28: {  	s2 =	sld [smem:$0x3F98]  }
0x29: {  	s4 =	sld [smem:$0x3F9A]  }
0x2a: {  	p0 =	seq.s32 s5, $0x0;
	s5 =	sld [smem:$0x3F9B]  }
0x2b: {  	s6 =	sld [smem:$0x3F9C]  }
0x2c: {  	s7 =	sld [smem:$0x3F9D]  }
0x2d: {  	s3 =	simm.s32 $0x108;
	s8 =	sld [smem:$0x3F9E]  }
0x2e: {  	s3 =	simm.s32 @!p0 $0x1082;
	s9 =	sld [smem:$0x3F9F]  }
0x2f: {  	lr =	sadd.s32 s0, s3;
	s0 =	sld [smem:$0x3F96]  }
0x30: {  	s3 =	sld [smem:$0x3F99]  }
0x31: {  	[smem:$0x3FA2] =	sst s10  }
0x32: {  	s10 =	sld [smem:$0x3FA0];
	_ =	sdelay $0x3  }
0x33: {  	p0 =	seq.s32 s10, $0x1;
	s10 =	sld [smem:$0x3FA2];
	_ =	sdelay $0x3  }
0x34: {  	[smem:$0x3FA2] =	sst s10  }
0x35: {  	s10 =	sld [smem:$0x3FA1];
	_ =	sdelay $0x3  }
0x36: {  	p1 =	seq.s32 s10, $0x1;
	s10 =	sld [smem:$0x3FA2];
	_ =	sdelay $0x3  }
0x37: {  	[smem:$0x3FA2] =	sst s10  }
0x38: {  	s10 =	sld [smem:$0x3FA3]  }
0x39: {  	_ = 	snop;
	(pc) =	sbr.ind lr, $3  }
0x3a: {  	_ = 	snop  }
0x3b: {  	_ = 	snop  }
0x3c: {  	p2 =	seq.s32 s10, $0x1;
	s10 =	sld [smem:$0x3FA2]  }
0x3d: {  	_ =	shalt  }
0x3e: {  	_ =	shalt  }
0x3f: {  	_ =	shalt  }
0x40: {  	_ =	shalt  }
0x41: {  	_ =	shalt  }
0x42: {  	_ =	shalt  }
0x43: {  	_ =	shalt  }
0x44: {  	_ =	shalt  }
0x45: {  	_ =	shalt  }
0x46: {  	_ =	shalt  }
0x47: {  	_ =	shalt  }
0x48: {  	_ =	shalt  }
0x49: {  	_ =	shalt  }
0x4a: {  	_ =	shalt  }
0x4b: {  	_ =	shalt  }
0x4c: {  	_ =	shalt  }
0x4d: {  	_ =	shalt  }
0x4e: {  	_ =	shalt  }
0x4f: {  	_ =	shalt  }
0x50: {  	_ =	shalt  }
0x51: {  	_ =	shalt  }
0x52: {  	_ =	shalt  }
0x53: {  	_ =	shalt  }
0x54: {  	_ =	shalt  }
0x55: {  	_ =	shalt  }
0x56: {  	_ =	shalt  }
0x57: {  	_ =	shalt  }
0x58: {  	_ =	shalt  }
0x59: {  	_ =	shalt  }
0x5a: {  	_ =	shalt  }
0x5b: {  	_ =	shalt  }
0x5c: {  	_ =	shalt  }
0x5d: {  	_ =	shalt  }
0x5e: {  	_ =	shalt  }
0x5f: {  	_ =	shalt  }
0x60: {  	_ =	shalt  }
0x61: {  	_ =	shalt  }
0x62: {  	_ =	shalt  }
0x63: {  	_ =	shalt  }
0x64: {  	_ =	shalt  }
0x65: {  	_ =	shalt  }
0x66: {  	_ =	shalt  }
0x67: {  	_ =	shalt  }
0x68: {  	_ =	shalt  }
0x69: {  	_ =	shalt  }
0x6a: {  	_ =	shalt  }
0x6b: {  	_ =	shalt  }
0x6c: {  	_ =	shalt  }
0x6d: {  	_ =	shalt  }
0x6e: {  	_ =	shalt  }
0x6f: {  	_ =	shalt  }
0x70: {  	_ =	shalt  }
0x71: {  	_ =	shalt  }
0x72: {  	_ =	shalt  }
0x73: {  	_ =	shalt  }
0x74: {  	_ =	shalt  }
0x75: {  	_ =	shalt  }
0x76: {  	_ =	shalt  }
0x77: {  	_ =	shalt  }
0x78: {  	_ =	shalt  }
0x79: {  	_ =	shalt  }
0x7a: {  	_ =	shalt  }
0x7b: {  	_ =	shalt  }
0x7c: {  	_ =	shalt  }
0x7d: {  	_ =	shalt  }
0x7e: {  	_ =	shalt  }
0x7f: {  	_ =	shalt  }
0x80: {  	_ =	shalt  }
0x81: {  	_ =	shalt  }
0x82: {  	_ =	shalt  }
0x83: {  	_ =	shalt  }
0x84: {  	_ =	shalt  }
0x85: {  	_ =	shalt  }
0x86: {  	_ =	shalt  }
0x87: {  	_ =	shalt  }
.Lfunc_end0:
.L_simem_size_0:
called_computation_lowered:
.L_overlay_start_0:
0x88: {  	s2 =	sld [smem:$0x3FD9]  }
0x89: {  	s3 =	sld [smem:$0x3FFE];
	_ =	sdelay $0x1  }
0x8a: {  	s1 =	srdreg.scid  }
0x8b: {  	s0 =	sand.u32 $0x1, s1  }
0x8c: {  	s17 =	sshll.u32 s0, $0xA;
	s2 =	sadd.s32 s3, s2  }
0x8d: {  	s2 =	sadd.s32 s2, s17  }
0x8e: {  	[smem:$0x3FAE] =	sst s2  }
0x8f: {  	_ = 	snop  }
0x90: {  	s2 =	sld [smem:$0x3FD0];
	(tm) =	ssettm $0x1  }
0x91: {  	s18 =	sld [smem:$0x3FFB];
	_ =	sdelay $0x3  }
0x92: {  	_ =	strace s18  }
0x93: {  	s3 =	sld [smem:$0x3FFC];
	_ =	sdelay $0x3  }
0x94: {  	_ =	strace s3  }
0x95: {  	s3 =	sld [smem:$0x3FFD];
	_ =	sdelay $0x3  }
0x96: {  	_ =	strace s3  }
0x97: {  	_ =	strace $0x8FFFFFFF  }
0x98: {  	s19 =	sld [smem:$0x3FDB];
	_ =	sdelay $0x1  }
0x99: {  	s4 =	simm.s32 $_scs_section_size  }
0x9a: {  	s5 =	simm.s32 $_size__tile_overlayer_lowered;
	s6 =	simm.s32 $_tile_overlayer_lowered  }
0x9b: {  	s22 =	simm.s32 $0x1BFF;
	s21 =	sshll.u32 s6, $0x1;
	s3 =	sadd.s32 s4, s19  }
0x9c: {  	s7 =	simm.s32 $0x0;
	s20 =	sshll.u32 s5, $0x1;
	s5 =	sadd.s32 s21, s3  }
0x9d: {  	[timem:s7], [sflag:s22] =	dma.local [hbm:s5], s20  }
0x9e: {  	_ =	swait.ge [sflag:s22], s20  }
0x9f: {  	s4 =	ssub.s32 $0x0, s20;
	[sflag:s22] =	ssyncset.done $0x0  }
0xa0: {  	[sflag:s22] =	ssyncadd.s32 s4;
	_ =	sdelay $0x1  }
0xa1: {  	s23 =	simm.s32 $0x1B8B  }
0xa2: {  	_ =	swait.ge [sflag:s23], $0x1  }
0xa3: {  	[sflag:s23] =	ssyncset.done $0x0  }
0xa4: {  	s25 =	simm.s32 $0x1B8E;
	s24 =	sld [smem:$0x3FFE];
	[sflag:s23] =	ssyncadd.s32 $0xFFFFFFFF  }
0xa5: {  	s26 =	simm.s32 $execute0_lowered;
	[smem:$0x3FD2] =	sst s25  }
0xa6: {  	s5 =	sshll.u32 s26, $0x1;
	_ =	strace $0x80000046;
	[dreg:$0x1] =	wrdreg $0xFFFFFFFF  }
0xa7: {  	s28 =	simm.s32 $_size_execute0_lowered;
	s3 =	sadd.s32 s3, s5;
	[dreg:$0x0] =	wrdreg $0x0  }
0xa8: {  	s5 =	sshll.u32 s28, $0x1;
	[dreg:$0x2] =	wrdreg s3  }
0xa9: {  	[dreg:$0x3] =	wrdreg s5  }
0xaa: {  	[dreg:$0x4] =	wrdreg $0xC0  }
0xab: {  	_ =	task [dreg:s7], $0x5FFFF  }
0xac: {  	[dreg:$0x1] =	wrdreg $0xFFFFFFFF  }
0xad: {  	[dreg:$0x0] =	wrdreg $0x60  }
0xae: {  	[dreg:$0x2] =	wrdreg s2  }
0xaf: {  	[dreg:$0x3] =	wrdreg s24  }
0xb0: {  	[dreg:$0x4] =	wrdreg $0x88000  }
0xb1: {  	[dreg:$0x5] =	wrdreg $0x1C1000  }
0xb2: {  	[dreg:$0x6] =	wrdreg $0x9  }
0xb3: {  	_ =	task.clear_ibuf [dreg:s7], $0x7FFFF;
	_ =	strace $0x90000046  }
0xb4: {  	s29 =	simm.s32 $0x9;
	_ =	strace $0x80000048  }
0xb5: {  	_ =	swait.ge [sflag:s29], $0x1  }
0xb6: {  	[sflag:s29] =	ssyncadd.s32 $0xFFFFFFFF  }
0xb7: {  	_ =	strace $0x90000048  }
0xb8: {  	_ =	sfence  }
0xb9: {  	s30 =	sld [smem:$0x0];
	_ =	sdelay $0x2  }
0xba: {  	s31 =	sshll.u32 s1, $0xD;
	s1 =	sshrl.u32 s1, $0x2  }
0xbb: {  	s3 =	sand.u32 $0x4000, s31;
	s1 =	sadd.s32 s1, s30  }
0xbc: {  	s0 =	sor.u32 s3, s0;
	s1 =	sshll.u32 s1, $0x11  }
0xbd: {  	s0 =	sor.u32 s1, s0  }
0xbe: {  	s0 =	sadd.s32 $0x8F2B, s0  }
0xbf: {  	[sflag:s0] =	ssyncadd.remote.s32 $0x1  }
0xc0: {  	_ =	sfence.sel $0xFFFF  }
0xc1: {  	[dreg:$0x0] =	wrdreg $0xFFFFFFFF;
	(pc) =	sbr.abs _section_cstart, $3  }
0xc2: {  	[dreg:$0x1] =	wrdreg $0xFFFFFFFF  }
0xc3: {  	_ =	task.clear_ibuf [dreg:s7], $0x2FFFF;
	_ =	strace $0x9FFFFFFF  }
0xc4: {  	(tm) =	ssettm $0x7FFFFFFF  }
0xc5: {  	_ =	shalt  }
tec
execute0_lowered:
.L_overlay_start_1:
0x0: {  	(tag) =	ssettag $0x1  }
0x1: {  	s0 =	srdreg.scid  }
0x2: {  	s1 =	rddreg [dreg:$0x0];
	s22 =	stileid.u32;
	s2 =	simm.s32 $0x6F  }
0x3: {  	s5 =	rddreg [dreg:$0x1];
	s0 =	sand.u32 $0x1, s0;
	s9 =	smul.u32 $0x13900, s22  }
0x4: {  	s3 =	simm.s32 $0x0;
	p0 =	seq.s32 s0, $0x0;
	s4 =	smul.u32 $0x6F0, s0  }
0x5: {  	[smem:$0x7FF] =	sst s3;
	s11 =	smul.u32 $0x139000, s0;
	s2 =	simm.s32 @!p0 $0x2E  }
0x6: {  	s7 =	sadd.s32 $0xE400, s5;
	s10 =	ssub.s32 $0x2, s0;
	s6 =	smul.u32 s22, s2  }
0x7: {  	s8 =	sadd.s32 $0x4600, s5;
	s0 =	smul.u32 $0x6F00, s0;
	s12 =	sshrl.u32 s10, $0x1  }
0x8: {  	s10 =	ssub.s32 s10, s12;
	s4 =	sadd.s32 s4, s6;
	s6 =	sshll.u32 s6, $0x4  }
0x9: {  	s16 =	sshll.u32 s4, $0x4;
	s29 =	sadd.s32 s6, s8;
	s6 =	sadd.s32 s6, s7  }
0xa: {  	s19 =	sadd.s32 s7, s16;
	s20 =	sadd.s32 $0x10, s16;
	s13 =	sadd.s32 s8, s16  }
0xb: {  	s23 =	sadd.s32 $0x20, s16;
	s26 =	sadd.s32 $0x30, s16;
	s14 =	sadd.s32 $0x50, s16  }
0xc: {  	s30 =	sadd.s32 $0x60, s16;
	s17 =	sadd.s32 $0x70, s16;
	[dreg:$0x5] =	wrdreg s19  }
0xd: {  	[dreg:$0x6] =	wrdreg s13;
	s21 =	sadd.s32 s7, s20;
	s12 =	sadd.s32 s8, s20  }
0xe: {  	s24 =	sadd.s32 s7, s23;
	s25 =	sadd.s32 s8, s23;
	s19 =	rddreg [dreg:$0x2]  }
0xf: {  	s28 =	sadd.s32 s7, s26;
	s13 =	sadd.s32 s14, s7;
	[dreg:$0x7] =	wrdreg s21  }
0x10: {  	s14 =	sadd.s32 s14, s8;
	s15 =	sadd.s32 s30, s7;
	[dreg:$0x8] =	wrdreg s12  }
0x11: {  	s16 =	sadd.s32 s30, s8;
	s18 =	sadd.s32 s17, s7;
	[dreg:$0x9] =	wrdreg s24  }
0x12: {  	s20 =	sadd.s32 s17, s8;
	s17 =	sadd.s32 $0x18400, s5;
	[dreg:$0xa] =	wrdreg s25  }
0x13: {  	s30 =	smax.u32 s10, $0x1;
	s7 =	sadd.s32 $0xFFFFFFFC, s2;
	[dreg:$0xb] =	wrdreg s28  }
0x14: {  	s12 =	sadd.s32 s8, s26;
	s8 =	sadd.s32 s9, s11;
	s21 =	rddreg [dreg:$0x3]  }
0x15: {  	s11 =	smul.u32 $0x4E40, s22;
	s24 =	sshll.u32 s22, $0x6;
	s25 =	sadd.s32 s9, s19  }
0x16: {  	s9 =	simm.s32 $0x8;
	s22 =	simm.s32 $0x10;
	[dreg:$0xc] =	wrdreg s12  }
0x17: {  	s12 =	sadd.s32 s0, s29;
	s0 =	sadd.s32 s0, s6;
	s6 =	sshrl.u32 s8, $0x3  }
0x18: {  	s29 =	sadd.s32 $0x3, s2;
	s8 =	sadd.s32 $0xFFFFFFFB, s2;
	_ =	strace $0x80000047  }
0x19: {  	s6 =	sadd.s32 s6, s5;
	[dreg:$0xd] =	wrdreg s17;
	s5 =	sadd.s32 $0x18200, s5  }
0x1a: {  	s23 =	sshrl.u32 s11, $0x2;
	[dreg:$0xf] =	wrdreg s25;
	s25 =	sor.u32 $0x1C08, s24  }
0x1b: {  	[dreg:$0x13] =	wrdreg s30;
	s31 =	sand.u32 $0x70, s29;
	s17 =	sadd.s32 $0x40, s12  }
.Ltmp0:
0x1c: {  	s0 =	sadd.s32 $0x40, s0;
	s12 =	simm.s32 $0x1;
	(pc) =	sbr.rel .LBB2_1-.Ltmp0, $4  }
0x1d: {  	s24 =	simm.s32 $0x5;
	[dreg:$0xe] =	wrdreg s5;
	s5 =	sadd.s32 s23, s21  }
0x1e: {  	s26 =	sadd.s32 $0x1AC00, s6;
	s28 =	sadd.s32 $0x69000, s6;
	[dreg:$0x10] =	wrdreg s5  }
0x1f: {  	s6 =	sadd.s32 $0xFFFFFFFD, s2;
	s23 =	simm.s32 $0x6;
	[dreg:$0x11] =	wrdreg s26  }
0x20: {  	[dreg:$0x12] =	wrdreg s28;
	s5 =	sadd.s32 $0xFFFFFFFE, s2;
	s26 =	simm.s32 $0x0  }
.LBB2_9:
0x21: {  	[bflag:$0x0] =	sbarrier.arrive $0xFFFF  }
0x22: {  	s10 =	rddreg [dreg:$0x11]  }
0x23: {  	s11 =	rddreg [dreg:$0x14]  }
0x24: {  	[hbm:s10], [sflag:s25] =	dma.local [spmem:s11], $0x2720  }
0x25: {  	_ =	swait.ge [sflag:s9], $0x2720  }
0x26: {  	s12 =	simm.s32 $0x1;
	[sflag:s9] =	ssyncset.done $0x0;
	s28 =	rddreg [dreg:$0x12]  }
0x27: {  	s22 =	simm.s32 $0x10;
	s29 =	rddreg [dreg:$0x15];
	[sflag:s9] =	ssyncadd.s32 $0xFFFFD8E0  }
0x28: {  	[hbm:s28@s22], [sflag:s25] =	dma.strided [spmem:s29@s12], $0x272, s12, $0x1   }
0x29: {  	_ =	swait.ge [sflag:s9], $0x272  }
0x2a: {  	s26 =	sadd.s32 $0x1, s26;
	s30 =	rddreg [dreg:$0x13]  }
0x2b: {  	p0 =	sne.s32 s26, s30  }
.Ltmp1:
0x2c: {  	_ = 	snop;
	(pc) =	sbr.rel @!p0 .LBB2_10-.Ltmp1, $3  }
0x2d: {  	_ =	sdelay $0x1  }
0x2e: {  	[sflag:s9] =	ssyncset.done $0x0  }
0x2f: {  	[sflag:s9] =	ssyncadd.s32 $0xFFFFFD8E  }
.LBB2_1:
0x30: {  	s10 =	rddreg [dreg:$0xf]  }
0x31: {  	s28 =	rddreg [dreg:$0xd];
	s11 =	sshrl.u32 s10, $0x3  }
0x32: {  	[dreg:$0x14] =	wrdreg s11  }
0x33: {  	[spmem:s11], [sflag:s25] =	dma.local [hbm:s28], $0x2720  }
0x34: {  	_ =	swait.ge [sflag:s9], $0x2720  }
0x35: {  	s29 =	rddreg [dreg:$0x10]  }
0x36: {  	[sflag:s9] =	ssyncset.done $0x0;
	s11 =	sshrl.u32 s29, $0x3  }
0x37: {  	[sflag:s9] =	ssyncadd.s32 $0xFFFFD8E0;
	[dreg:$0x15] =	wrdreg s11  }
0x38: {  	[spmem:s11@s12], [sflag:s25] =	dma.strided [hbm:s28@s22], $0x272, s12, $0x1   }
0x39: {  	_ =	swait.ge [sflag:s9], $0x272  }
0x3a: {  	[sflag:s9] =	ssyncset.done $0x0  }
0x3b: {  	s29 =	simm.s32 $0x8400;
	s28 =	rddreg [dreg:$0xe];
	[sflag:s9] =	ssyncadd.s32 $0xFFFFFD8E  }
0x3c: {  	[tilespmem:s29], [sflag:$0x8] =	stream.linear.gather [hbm4b:s28+s3], $0x400, $0x38;
	[tilespmem:$0x1D490] =	vst v63  }
0x3d: {  	_ =	swait.ge [sflag:s9], $0x400  }
0x3e: {  	[sflag:s9] =	ssyncset.done $0x0  }
0x3f: {  	[sflag:s9] =	ssyncadd.s32 $0xFFFFFC00  }
0x40: {  	[bflag:$0x0] =	sbarrier.arrive $0xFFFF  }
0x41: {  	s12 =	rddreg [dreg:$0x5]  }
0x42: {  	[tilespmem:s3], [sflag:$0x8] =	stream.linear.gather [hbm4b:s12+s3], $0x80, $0x38;
	[tilespmem:$0x1D490] =	vst v63  }
0x43: {  	_ =	swait.ge [sflag:s9], $0x80  }
0x44: {  	[sflag:s9] =	ssyncset.done $0x0  }
0x45: {  	s28 =	simm.s32 $0x200;
	s22 =	rddreg [dreg:$0x6];
	[sflag:s9] =	ssyncadd.s32 $0xFFFFFF80  }
0x46: {  	[tilespmem:s28], [sflag:$0x8] =	stream.linear.gather [hbm4b:s22+s3], $0x80, $0x38;
	[tilespmem:$0x1D490] =	vst v63  }
0x47: {  	_ =	swait.ge [sflag:s9], $0x80  }
0x48: {  	[sflag:s9] =	ssyncset.done $0x0  }
0x49: {  	s11 =	simm.s32 $0x80;
	s29 =	rddreg [dreg:$0x7];
	[sflag:s9] =	ssyncadd.s32 $0xFFFFFF80  }
0x4a: {  	[tilespmem:s11], [sflag:$0x8] =	stream.linear.gather [hbm4b:s29+s3], $0x80, $0x38;
	[tilespmem:$0x1D490] =	vst v63  }
0x4b: {  	_ =	swait.ge [sflag:s9], $0x80  }
0x4c: {  	[sflag:s9] =	ssyncset.done $0x0  }
0x4d: {  	s22 =	simm.s32 $0x280;
	s12 =	rddreg [dreg:$0x8];
	[sflag:s9] =	ssyncadd.s32 $0xFFFFFF80  }
0x4e: {  	[tilespmem:s22], [sflag:$0x8] =	stream.linear.gather [hbm4b:s12+s3], $0x80, $0x38;
	[tilespmem:$0x1D490] =	vst v63  }
0x4f: {  	_ =	swait.ge [sflag:s9], $0x80  }
0x50: {  	[sflag:s9] =	ssyncset.done $0x0  }
0x51: {  	s29 =	simm.s32 $0x100;
	s28 =	rddreg [dreg:$0x9];
	[sflag:s9] =	ssyncadd.s32 $0xFFFFFF80  }
0x52: {  	[tilespmem:s29], [sflag:$0x3] =	stream.linear.gather [hbm4b:s28+s3], $0x80, $0x38;
	[tilespmem:$0x1D490] =	vst v63  }
0x53: {  	s22 =	simm.s32 $0x300;
	s12 =	rddreg [dreg:$0xa]  }
0x54: {  	[tilespmem:s22], [sflag:$0x3] =	stream.linear.gather [hbm4b:s12+s3], $0x80, $0x38;
	[tilespmem:$0x1D490] =	vst v63  }
0x55: {  	s28 =	rddreg [dreg:$0xb];
	s29 =	simm.s32 $0x180  }
0x56: {  	[tilespmem:s29], [sflag:$0x4] =	stream.linear.gather [hbm4b:s28+s3], $0x80, $0x38;
	[tilespmem:$0x1D490] =	vst v63  }
0x57: {  	s12 =	rddreg [dreg:$0xc];
	s22 =	simm.s32 $0x380  }
0x58: {  	[tilespmem:s22], [sflag:$0x4] =	stream.linear.gather [hbm4b:s12+s3], $0x80, $0x38;
	[tilespmem:$0x1D490] =	vst v63  }
.Ltmp2:
0x59: {  	_ = 	snop;
	(pc) =	sbr.rel .LBB2_2-.Ltmp2, $4  }
0x5a: {  	s28 =	simm.s32 $0x400  }
0x5b: {  	[tilespmem:s28], [sflag:$0x5] =	stream.indirect.gather [hbm4b:s1+s11], $0x80, s3, s11, $0xb8;
	[tilespmem:$0x1D490] =	vst v63  }
0x5c: {  	s30 =	simm.s32 $0x0;
	s10 =	simm.s32 $0x0;
	s29 =	simm.s32 $0x4400  }
0x5d: {  	[tilespmem:s29], [sflag:$0x6] =	stream.indirect.gather [hbm4b:s1+s11], $0x80, s11, s11, $0xb8;
	[tilespmem:$0x1D490] =	vst v63  }
.LBB2_8:
0x5e: {  	s10 =	sadd.s32 $0x4, s10  }
0x5f: {  	p0 =	sne.s32 s31, s10  }
.Ltmp3:
0x60: {  	_ = 	snop;
	(pc) =	sbr.rel @!p0 .LBB2_9-.Ltmp3, $2  }
0x61: {  	_ =	sdelay $0x2  }
0x62: {  	s30 =	sadd.s32 $0x40, s30  }
.LBB2_2:
0x63: {  	p0 =	sge.u32 s10, s2  }
0x64: {  	s11 =	simm.s32 @!p0 $0x5  }
0x65: {  	s12 =	sadd.s32 @!p0 s10, s4;
	_ =	swait.ge @!p0 [sflag:s11], $0x4000  }
0x66: {  	p2 =	sgt.u32 @!p0 s12, $0x9C3;
	[sflag:s11] =	ssyncset.done @!p0 $0x0  }
0x67: {  	p1 =	por p2, p0;
	[sflag:s11] =	ssyncadd.s32 @!p0 $0xFFFFC000  }
0x68: {  	s11 =	simm.s32 @!p1 $0x80;
	s22 =	simm.s32 @!p1 $0x200;
	s28 =	simm.s32 @!p1 $0x8400  }
0x69: {  	[spmem:s21] =	stream.indirect.scatter.add.f32 @!p1 [tilespmem:s28], [sflag:$0x7], $0x8, s22, s11, $0xb8;
	[tilespmem:$0x1D490] =	vst v63  }
0x6a: {  	s28 =	simm.s32 @!p1 $0x400  }
0x6b: {  	[spmem:s19] =	stream.indirect.scatter.add.f32 @!p1 [tilespmem:s28], [sflag:$0x8], $0x80, s22, s11, $0xb8;
	[tilespmem:$0x1D490] =	vst v63  }
0x6c: {  	s11 =	sadd.s32 @!p1 $0x4, s10  }
0x6d: {  	p3 =	sge.u32 @!p1 s11, s2  }
0x6e: {  	s11 =	simm.s32 @!p1 $0x8;
	p4 =	por @!p0 p3, p2  }
0x6f: {  	_ =	swait.ge @!p1 [sflag:s11], $0x4000;
	p4 =	por p4, p0  }
0x70: {  	[sflag:s11] =	ssyncset.done @!p1 $0x0;
	p4 =	sgt.u32 @!p4 s12, $0x9BF  }
0x71: {  	[sflag:s11] =	ssyncadd.s32 @!p1 $0xFFFFC000;
	s11 =	simm.s32 @!p1 $0x7;
	p3 =	por @!p1 p4, p3  }
0x72: {  	_ =	swait.ge @!p1 [sflag:s11], $0x400;
	p2 =	por @!p0 p3, p2  }
0x73: {  	[sflag:s11] =	ssyncset.done @!p1 $0x0;
	p2 =	por p2, p0  }
0x74: {  	[sflag:s11] =	ssyncadd.s32 @!p1 $0xFFFFFC00;
	s11 =	sadd.s32 @!p2 s30, s0;
	s22 =	simm.s32 @!p2 $0x0  }
0x75: {  	[tilespmem:s22], [sflag:$0x1] =	stream.linear.gather @!p2 [hbm4b:s11+s22], $0x80, $0x38;
	[tilespmem:$0x1D490] =	vst v63  }
0x76: {  	p1 =	sge.u32 @!p0 s10, s5;
	s28 =	simm.s32 @!p2 $0x200;
	s11 =	sadd.s32 @!p2 s30, s17  }
0x77: {  	[tilespmem:s28], [sflag:$0x1] =	stream.linear.gather @!p2 [hbm4b:s11+s22], $0x80, $0x38;
	[tilespmem:$0x1D490] =	vst v63  }
0x78: {  	p2 =	por p1, p0  }
0x79: {  	p3 =	sgt.u32 @!p2 s12, $0x9C1  }
0x7a: {  	p1 =	por @!p0 p3, p1  }
0x7b: {  	p0 =	por p1, p0  }
0x7c: {  	s11 =	simm.s32 @!p0 $0x3  }
0x7d: {  	_ =	swait.ge @!p0 [sflag:s11], $0x80  }
0x7e: {  	[sflag:s11] =	ssyncset.done @!p0 $0x0  }
0x7f: {  	[sflag:s11] =	ssyncadd.s32 @!p0 $0xFFFFFF80  }
0x80: {  	_ =	swait.ge @!p0 [sflag:s11], $0x80  }
0x81: {  	s29 =	sadd.s32 $0x1, s10;
	[sflag:s11] =	ssyncset.done @!p0 $0x0  }
0x82: {  	[sflag:s11] =	ssyncadd.s32 @!p0 $0xFFFFFF80;
	p0 =	sge.u32 s29, s2  }
.Ltmp4:
0x83: {  	_ = 	snop;
	(pc) =	sbr.rel @p0 .LBB2_4-.Ltmp4, $4  }
0x84: {  	_ = 	snop  }
0x85: {  	s12 =	simm.s32 @!p2 $0x100;
	s22 =	simm.s32 @!p2 $0x400;
	s11 =	simm.s32 @!p2 $0x80  }
0x86: {  	[tilespmem:s22], [sflag:$0x5] =	stream.indirect.gather @!p2 [hbm4b:s1+s11], $0x80, s12, s11, $0xb8;
	[tilespmem:$0x1D490] =	vst v63  }
0x87: {  	s11 =	sadd.s32 s10, s4  }
0x88: {  	_ =	swait.ge [sflag:s23], $0x4000  }
0x89: {  	s12 =	sadd.s32 $0x1, s11;
	[sflag:s23] =	ssyncset.done $0x0  }
0x8a: {  	p0 =	sgt.u32 s12, $0x9C3;
	[sflag:s23] =	ssyncadd.s32 $0xFFFFC000  }
0x8b: {  	s22 =	simm.s32 @!p0 $0x80;
	s28 =	simm.s32 @!p0 $0x280;
	s29 =	simm.s32 @!p0 $0x8400  }
0x8c: {  	[spmem:s21] =	stream.indirect.scatter.add.f32 @!p0 [tilespmem:s29], [sflag:$0x7], $0x8, s28, s22, $0xb8;
	[tilespmem:$0x1D490] =	vst v63  }
0x8d: {  	s29 =	simm.s32 @!p0 $0x4400  }
0x8e: {  	[spmem:s19] =	stream.indirect.scatter.add.f32 @!p0 [tilespmem:s29], [sflag:$0x8], $0x80, s28, s22, $0xb8;
	[tilespmem:$0x1D490] =	vst v63  }
0x8f: {  	s22 =	simm.s32 @!p0 $0x8  }
0x90: {  	s28 =	sadd.s32 @!p0 $0x5, s10;
	_ =	swait.ge @!p0 [sflag:s22], $0x4000  }
0x91: {  	p1 =	sge.u32 @!p0 s28, s2;
	[sflag:s22] =	ssyncset.done @!p0 $0x0  }
0x92: {  	p2 =	por p1, p0;
	[sflag:s22] =	ssyncadd.s32 @!p0 $0xFFFFC000;
	s22 =	simm.s32 @!p0 $0x7  }
0x93: {  	p2 =	sgt.u32 @!p2 s12, $0x9BF;
	_ =	swait.ge @!p0 [sflag:s22], $0x400  }
0x94: {  	p1 =	por @!p0 p2, p1;
	[sflag:s22] =	ssyncset.done @!p0 $0x0  }
0x95: {  	[sflag:s22] =	ssyncadd.s32 @!p0 $0xFFFFFC00;
	p0 =	por p1, p0  }
0x96: {  	s22 =	sadd.s32 @!p0 s30, s13;
	s28 =	simm.s32 @!p0 $0x0;
	s29 =	simm.s32 @!p0 $0x80  }
0x97: {  	[tilespmem:s29], [sflag:$0x2] =	stream.linear.gather @!p0 [hbm4b:s22+s28], $0x80, $0x38;
	[tilespmem:$0x1D490] =	vst v63  }
0x98: {  	s22 =	sadd.s32 @!p0 s30, s14;
	s29 =	simm.s32 @!p0 $0x280  }
0x99: {  	[tilespmem:s29], [sflag:$0x2] =	stream.linear.gather @!p0 [hbm4b:s22+s28], $0x80, $0x38;
	[tilespmem:$0x1D490] =	vst v63  }
0x9a: {  	p0 =	sge.u32 s10, s6  }
0x9b: {  	p1 =	sgt.u32 @!p0 s12, $0x9C1  }
0x9c: {  	p1 =	por p1, p0  }
0x9d: {  	s12 =	simm.s32 @!p1 $0x4  }
0x9e: {  	_ =	swait.ge @!p1 [sflag:s12], $0x80  }
0x9f: {  	[sflag:s12] =	ssyncset.done @!p1 $0x0  }
0xa0: {  	[sflag:s12] =	ssyncadd.s32 @!p1 $0xFFFFFF80  }
0xa1: {  	_ =	swait.ge @!p1 [sflag:s12], $0x80  }
0xa2: {  	s22 =	simm.s32 @!p0 $0x180;
	[sflag:s12] =	ssyncset.done @!p1 $0x0  }
0xa3: {  	s28 =	simm.s32 @!p0 $0x4400;
	[sflag:s12] =	ssyncadd.s32 @!p1 $0xFFFFFF80;
	s12 =	simm.s32 @!p0 $0x80  }
0xa4: {  	[tilespmem:s28], [sflag:$0x6] =	stream.indirect.gather @!p0 [hbm4b:s1+s12], $0x80, s22, s12, $0xb8;
	[tilespmem:$0x1D490] =	vst v63  }
.LBB2_4:
0xa5: {  	s12 =	sadd.s32 $0x2, s10  }
0xa6: {  	p0 =	sge.u32 s12, s2  }
.Ltmp5:
0xa7: {  	_ = 	snop;
	(pc) =	sbr.rel @p0 .LBB2_6-.Ltmp5, $1  }
0xa8: {  	_ =	sdelay $0x3  }
0xa9: {  	_ =	swait.ge [sflag:s24], $0x4000  }
0xaa: {  	s12 =	sadd.s32 $0x2, s11;
	[sflag:s24] =	ssyncset.done $0x0  }
0xab: {  	p0 =	sgt.u32 s12, $0x9C3;
	[sflag:s24] =	ssyncadd.s32 $0xFFFFC000  }
0xac: {  	s22 =	simm.s32 @!p0 $0x80;
	s28 =	simm.s32 @!p0 $0x300;
	s29 =	simm.s32 @!p0 $0x8400  }
0xad: {  	[spmem:s21] =	stream.indirect.scatter.add.f32 @!p0 [tilespmem:s29], [sflag:$0x7], $0x8, s28, s22, $0xb8;
	[tilespmem:$0x1D490] =	vst v63  }
0xae: {  	s29 =	simm.s32 @!p0 $0x400  }
0xaf: {  	[spmem:s19] =	stream.indirect.scatter.add.f32 @!p0 [tilespmem:s29], [sflag:$0x8], $0x80, s28, s22, $0xb8;
	[tilespmem:$0x1D490] =	vst v63  }
0xb0: {  	s22 =	simm.s32 @!p0 $0x8  }
0xb1: {  	s28 =	sadd.s32 @!p0 $0x6, s10;
	_ =	swait.ge @!p0 [sflag:s22], $0x4000  }
0xb2: {  	p1 =	sge.u32 @!p0 s28, s2;
	[sflag:s22] =	ssyncset.done @!p0 $0x0  }
0xb3: {  	p2 =	por p1, p0;
	[sflag:s22] =	ssyncadd.s32 @!p0 $0xFFFFC000;
	s22 =	simm.s32 @!p0 $0x7  }
0xb4: {  	p2 =	sgt.u32 @!p2 s12, $0x9BF;
	_ =	swait.ge @!p0 [sflag:s22], $0x400  }
0xb5: {  	p1 =	por @!p0 p2, p1;
	[sflag:s22] =	ssyncset.done @!p0 $0x0  }
0xb6: {  	[sflag:s22] =	ssyncadd.s32 @!p0 $0xFFFFFC00;
	p0 =	por p1, p0  }
0xb7: {  	s22 =	sadd.s32 @!p0 s30, s15;
	s28 =	simm.s32 @!p0 $0x0;
	s29 =	simm.s32 @!p0 $0x100  }
0xb8: {  	[tilespmem:s29], [sflag:$0x3] =	stream.linear.gather @!p0 [hbm4b:s22+s28], $0x80, $0x38;
	[tilespmem:$0x1D490] =	vst v63  }
0xb9: {  	s22 =	sadd.s32 @!p0 s30, s16;
	s29 =	simm.s32 @!p0 $0x300  }
0xba: {  	[tilespmem:s29], [sflag:$0x3] =	stream.linear.gather @!p0 [hbm4b:s22+s28], $0x80, $0x38;
	[tilespmem:$0x1D490] =	vst v63  }
0xbb: {  	p0 =	sge.u32 s10, s7  }
0xbc: {  	p1 =	sgt.u32 @!p0 s12, $0x9C1  }
0xbd: {  	p1 =	por p1, p0  }
0xbe: {  	s12 =	simm.s32 @!p1 $0x1  }
0xbf: {  	_ =	swait.ge @!p1 [sflag:s12], $0x80  }
0xc0: {  	[sflag:s12] =	ssyncset.done @!p1 $0x0  }
0xc1: {  	[sflag:s12] =	ssyncadd.s32 @!p1 $0xFFFFFF80  }
0xc2: {  	_ =	swait.ge @!p1 [sflag:s12], $0x80  }
0xc3: {  	s22 =	simm.s32 @!p0 $0x0;
	[sflag:s12] =	ssyncset.done @!p1 $0x0  }
0xc4: {  	s28 =	simm.s32 @!p0 $0x400;
	[sflag:s12] =	ssyncadd.s32 @!p1 $0xFFFFFF80;
	s12 =	simm.s32 @!p0 $0x80  }
0xc5: {  	[tilespmem:s28], [sflag:$0x5] =	stream.indirect.gather @!p0 [hbm4b:s1+s12], $0x80, s22, s12, $0xb8;
	[tilespmem:$0x1D490] =	vst v63  }
.LBB2_6:
0xc6: {  	s12 =	sadd.s32 $0x3, s10  }
0xc7: {  	p0 =	sge.u32 s12, s2  }
.Ltmp6:
0xc8: {  	_ = 	snop;
	(pc) =	sbr.rel @p0 .LBB2_8-.Ltmp6, $1  }
0xc9: {  	_ =	sdelay $0x3  }
0xca: {  	_ =	swait.ge [sflag:s23], $0x4000  }
0xcb: {  	s11 =	sadd.s32 $0x3, s11;
	[sflag:s23] =	ssyncset.done $0x0  }
0xcc: {  	p0 =	sgt.u32 s11, $0x9C3;
	[sflag:s23] =	ssyncadd.s32 $0xFFFFC000  }
0xcd: {  	s12 =	simm.s32 @!p0 $0x80;
	s22 =	simm.s32 @!p0 $0x380;
	s28 =	simm.s32 @!p0 $0x8400  }
0xce: {  	[spmem:s21] =	stream.indirect.scatter.add.f32 @!p0 [tilespmem:s28], [sflag:$0x7], $0x8, s22, s12, $0xb8;
	[tilespmem:$0x1D490] =	vst v63  }
0xcf: {  	s28 =	simm.s32 @!p0 $0x4400  }
0xd0: {  	[spmem:s19] =	stream.indirect.scatter.add.f32 @!p0 [tilespmem:s28], [sflag:$0x8], $0x80, s22, s12, $0xb8;
	[tilespmem:$0x1D490] =	vst v63  }
0xd1: {  	s12 =	simm.s32 @!p0 $0x8  }
0xd2: {  	s22 =	sadd.s32 @!p0 $0x7, s10;
	_ =	swait.ge @!p0 [sflag:s12], $0x4000  }
0xd3: {  	p1 =	sge.u32 @!p0 s22, s2;
	[sflag:s12] =	ssyncset.done @!p0 $0x0  }
0xd4: {  	p2 =	por p1, p0;
	[sflag:s12] =	ssyncadd.s32 @!p0 $0xFFFFC000;
	s12 =	simm.s32 @!p0 $0x7  }
0xd5: {  	p2 =	sgt.u32 @!p2 s11, $0x9BF;
	_ =	swait.ge @!p0 [sflag:s12], $0x400  }
0xd6: {  	p1 =	por @!p0 p2, p1;
	[sflag:s12] =	ssyncset.done @!p0 $0x0  }
0xd7: {  	[sflag:s12] =	ssyncadd.s32 @!p0 $0xFFFFFC00;
	p0 =	por p1, p0  }
0xd8: {  	s12 =	sadd.s32 @!p0 s30, s18;
	s22 =	simm.s32 @!p0 $0x0;
	s28 =	simm.s32 @!p0 $0x180  }
0xd9: {  	[tilespmem:s28], [sflag:$0x4] =	stream.linear.gather @!p0 [hbm4b:s12+s22], $0x80, $0x38;
	[tilespmem:$0x1D490] =	vst v63  }
0xda: {  	s12 =	sadd.s32 @!p0 s30, s20;
	s28 =	simm.s32 @!p0 $0x380  }
0xdb: {  	[tilespmem:s28], [sflag:$0x4] =	stream.linear.gather @!p0 [hbm4b:s12+s22], $0x80, $0x38;
	[tilespmem:$0x1D490] =	vst v63  }
0xdc: {  	p0 =	sge.u32 s10, s8  }
0xdd: {  	p1 =	sgt.u32 @!p0 s11, $0x9C1  }
0xde: {  	p1 =	por p1, p0  }
0xdf: {  	s11 =	simm.s32 @!p1 $0x2  }
0xe0: {  	_ =	swait.ge @!p1 [sflag:s11], $0x80  }
0xe1: {  	[sflag:s11] =	ssyncset.done @!p1 $0x0  }
.Ltmp7:
0xe2: {  	[sflag:s11] =	ssyncadd.s32 @!p1 $0xFFFFFF80;
	(pc) =	sbr.rel .LBB2_8-.Ltmp7, $4  }
0xe3: {  	_ =	swait.ge @!p1 [sflag:s11], $0x80  }
0xe4: {  	[sflag:s11] =	ssyncset.done @!p1 $0x0  }
0xe5: {  	s12 =	simm.s32 @!p0 $0x4400;
	[sflag:s11] =	ssyncadd.s32 @!p1 $0xFFFFFF80;
	s11 =	simm.s32 @!p0 $0x80  }
0xe6: {  	[tilespmem:s12], [sflag:$0x6] =	stream.indirect.gather @!p0 [hbm4b:s1+s11], $0x80, s11, s11, $0xb8;
	[tilespmem:$0x1D490] =	vst v63  }
.LBB2_10:
0xe7: {  	_ =	sfence.sel $0x180000  }
0xe8: {  	[bflag:$0x0] =	sbarrier.arrive $0xFFFF  }
0xe9: {  	_ =	strace $0x90000047  }
0xea: {  	s0 =	stileid.u32;
	[bflag:$0x2] =	sbarrier.arrive $0xFFFF  }
0xeb: {  	p0 =	sne.s32 s0, $0x0;
	s0 =	rddreg [dreg:$0x4]  }
0xec: {  	s0 =	sadd.s32 @!p0 $0x100000, s0  }
0xed: {  	[sflag:s0] =	ssyncadd.tile.s32 @!p0 $0x1;
	_ =	shalt  }
.Lfunc_end2:
_tile_overlayer_lowered:
.L_overlay_start_2:
0xee: {  	(tag) =	ssettag $0x2  }
0xef: {  	s0 =	rddreg [dreg:$0x0];
	s2 =	stileid.u32  }
0xf0: {  	s1 =	rddreg [dreg:$0x1];
	p0 =	sne.s32 s2, $0x0  }
0xf1: {  	s3 =	rddreg [dreg:$0x2];
	[bflag:$0x3] =	sbarrier.arrive $0xFFFF;
	s2 =	simm.s32 @!p0 $0x1C08  }
0xf2: {  	[timem:s3], [sflag:s2] =	dma.local @!p0 [hbm:s0], s1  }
0xf3: {  	s0 =	simm.s32 @!p0 $0x8  }
0xf4: {  	_ =	swait.ge @!p0 [sflag:s0], s1  }
0xf5: {  	s1 =	ssub.s32 @!p0 $0x0, s1;
	[sflag:s0] =	ssyncset.done @!p0 $0x0  }
0xf6: {  	[sflag:s0] =	ssyncadd.s32 @!p0 s1  }
0xf7: {  	[bflag:$0x3] =	sbarrier.arrive $0xFFFF  }
0xf8: {  	_ =	shalt  }

</sc_bundles>
